<compile_context>
chip_gen: v7x
topology: tpu7x:2x2x1
jax: 0.10.2.dev20260603
libtpu: 0.0.44.dev20260713+nightly
codegen_flags: <defaults>
</compile_context>

<pallas_src>
import functools
import math

import jax
import jax.numpy as jnp
from jax import lax
from jax.experimental import pallas as pl
from jax.experimental.pallas import tpu as pltpu
from jax.experimental.pallas import tpu_sc as plsc

EMB_D = 32
LANES = 16
NUM_CORES = 2
NUM_SUBCORES = 16
NUM_WORKERS = NUM_CORES * NUM_SUBCORES

B_DIM = 200
A_DIM = 4096
AB_PER = 4
ROWS = AB_PER * 128
UNITS = B_DIM * (A_DIM // 128) // AB_PER
UNITS_PER_W = UNITS // NUM_WORKERS
NBUF = 2
TRANS_WORDS = 4 * AB_PER * 1024
CH_WORDS = AB_PER * 1024


def _rot(v, ridx):
    return v.at[ridx].get(mode="promise_in_bounds", unique_indices=True)


def _transpose16(regs, masks, ridxs):
    a = list(regs)
    for k in range(4):
        s = 1 << k
        m = masks[k]
        ridx = ridxs[k]
        for p in range(16):
            if p & s:
                continue
            q = p | s
            ap, aq = a[p], a[q]
            rp = _rot(ap, ridx)
            rq = _rot(aq, ridx)
            a[p] = jnp.where(m, ap, rq)
            a[q] = jnp.where(m, rp, aq)
    return a


def _transpose_scale(rows_v, trans_v, scale, masks, ridxs):
    def blk_step(t, _):
        ab = t >> 3
        alb = t & 7
        rbase = ab * 128 + alb * 16
        dyn = ab * 1024 + alb * 16
        for j in range(2):
            regs = [rows_v[rbase + i, pl.ds(16 * j, LANES)] for i in range(16)]
            tr = _transpose16(regs, masks, ridxs)
            for m in range(16):
                c = 16 * j + m
                off = (c >> 3) * 4096 + (c & 7) * 128
                trans_v[pl.ds(off + dyn, LANES)] = tr[m] * scale
        return 0

    lax.fori_loop(0, 32, blk_step, 0)


def _body(table_hbm, idx_hbm, out_hbm,
          idx0, idx1, rows0, rows1, trans0, trans1,
          gsem0, gsem1, ssem0, ssem1, isem0, isem1):
    wid = lax.axis_index("s") * NUM_CORES + lax.axis_index("c")
    u0 = wid * UNITS_PER_W
    scale = jnp.float32(math.sqrt(EMB_D))
    iota16 = lax.iota(jnp.int32, LANES)
    masks = tuple((iota16 & (1 << k)) == 0 for k in range(4))
    ridxs = tuple(iota16 ^ (1 << k) for k in range(4))

    slots = (
        (idx0, rows0, trans0, gsem0, ssem0, isem0),
        (idx1, rows1, trans1, gsem1, ssem1, isem1),
    )

    def out_word(u):
        b = u // 8
        q = u % 8
        return (b * 128 + q * AB_PER) * 1024

    for s in range(NBUF):
        idx_v, rows_v, _, gsem, _, _ = slots[s]
        pltpu.sync_copy(idx_hbm.at[pl.ds((u0 + s) * ROWS, ROWS)], idx_v)
        pltpu.async_copy(table_hbm.at[idx_v], rows_v, gsem)

    def outer(i, _):
        for s in range(NBUF):
            idx_v, rows_v, trans_v, gsem, ssem, isem = slots[s]
            u = u0 + i * NBUF + s
            nxt = u + NBUF
            last = u0 + UNITS_PER_W

            pltpu.make_async_copy(table_hbm.at[idx_v], rows_v, gsem).wait()

            @pl.when(nxt < last)
            def _():
                pltpu.async_copy(
                    idx_hbm.at[pl.ds(nxt * ROWS, ROWS)], idx_v, isem)

            @pl.when(u - NBUF >= u0)
            def _():
                pw = out_word(u - NBUF)
                for ch in range(4):
                    pltpu.make_async_copy(
                        trans_v.at[pl.ds(ch * CH_WORDS, CH_WORDS)],
                        out_hbm.at[pl.ds(pw + ch * 32 * 1024, CH_WORDS)],
                        ssem).wait()

            _transpose_scale(rows_v, trans_v, scale, masks, ridxs)

            w0 = out_word(u)
            for ch in range(4):
                pltpu.async_copy(
                    trans_v.at[pl.ds(ch * CH_WORDS, CH_WORDS)],
                    out_hbm.at[pl.ds(w0 + ch * 32 * 1024, CH_WORDS)],
                    ssem)

            @pl.when(nxt < last)
            def _():
                pltpu.make_async_copy(
                    idx_hbm.at[pl.ds(nxt * ROWS, ROWS)], idx_v, isem).wait()
                pltpu.async_copy(table_hbm.at[idx_v], rows_v, gsem)

        return 0

    lax.fori_loop(0, UNITS_PER_W // NBUF, outer, 0)

    for s in range(NBUF):
        _, _, trans_v, _, ssem, _ = slots[s]
        pw = out_word(u0 + UNITS_PER_W - NBUF + s)
        for ch in range(4):
            pltpu.make_async_copy(
                trans_v.at[pl.ds(ch * CH_WORDS, CH_WORDS)],
                out_hbm.at[pl.ds(pw + ch * 32 * 1024, CH_WORDS)],
                ssem).wait()


def _gather_transposed(table, idx_flat):
    mesh = plsc.VectorSubcoreMesh(core_axis_name="c", subcore_axis_name="s")
    k = functools.partial(
        pl.kernel,
        mesh=mesh,
        out_type=jax.ShapeDtypeStruct((A_DIM * B_DIM * EMB_D,), jnp.float32),
        compiler_params=pltpu.CompilerParams(
            use_tc_tiling_on_sc=False, needs_layout_passes=False),
        scratch_types=[
            pltpu.VMEM((ROWS,), jnp.int32),
            pltpu.VMEM((ROWS,), jnp.int32),
            pltpu.VMEM((ROWS, EMB_D), jnp.float32),
            pltpu.VMEM((ROWS, EMB_D), jnp.float32),
            pltpu.VMEM((TRANS_WORDS,), jnp.float32),
            pltpu.VMEM((TRANS_WORDS,), jnp.float32),
            pltpu.SemaphoreType.DMA,
            pltpu.SemaphoreType.DMA,
            pltpu.SemaphoreType.DMA,
            pltpu.SemaphoreType.DMA,
            pltpu.SemaphoreType.DMA,
            pltpu.SemaphoreType.DMA,
        ],
    )(_body)
    return k(table, idx_flat)


def kernel(tokens, table):
    idx_flat = tokens.T.reshape(A_DIM * B_DIM).astype(jnp.int32)
    flat = _gather_transposed(table, idx_flat)
    out5 = flat.reshape(B_DIM, 4, 32, 8, 128)
    return out5.transpose(2, 4, 0, 1, 3).reshape(A_DIM, B_DIM, EMB_D)

# --- scband reference (transcript-rebuilt; emitter-appended) ---
"""Pipeline reference for scband-token-embedding-8632884265142 (READ-ONLY COPY).

The authoritative reference and input builder live on the scoring server;
editing this copy changes nothing except your own understanding.
"""

import jax, jax.numpy as jnp
import numpy as np
import math

VOCAB = 1000000
EMB = 32

def setup_inputs(seed: int = 0) -> dict:
    key = jax.random.key(seed)
    k1, k2 = jax.random.split(key)
    tokens = jax.random.randint(k1, (4096, 200), 0, VOCAB, dtype=jnp.int64) if jax.config.jax_enable_x64 else jax.random.randint(k1, (4096, 200), 0, VOCAB, dtype=jnp.int32)
    table = jax.random.normal(k2, (VOCAB, EMB), dtype=jnp.float32)
    return {"tokens": tokens, "table": table}

def reference(tokens, table):
    # TokenEmbedding.forward: embedding(tokens.long()) * sqrt(emb_size)
    emb = jnp.take(table, tokens, axis=0)
    return emb * math.sqrt(EMB)

if __name__ == "__main__":
    import jax
    _d = setup_inputs()
    print(jax.jit(kernel)(*tuple(_d.values())))

</pallas_src>

<mosaic_0001>
#map = affine_map<(d0, d1) -> (0, 0)>
#map1 = affine_map<(d0, d1) -> (0)>
module attributes {stable_mosaic.version = 14 : i64} {
  func.func @_body(%arg0: i32, %arg1: i32, %arg2: memref<1000000x32xf32, #tpu.memory_space<hbm>>, %arg3: memref<819200xi32, #tpu.memory_space<hbm>>, %arg4: memref<26214400xf32, #tpu.memory_space<hbm>>, %arg5: memref<512xi32, #tpu.memory_space<vmem>>, %arg6: memref<512xi32, #tpu.memory_space<vmem>>, %arg7: memref<512x32xf32, #tpu.memory_space<vmem>>, %arg8: memref<512x32xf32, #tpu.memory_space<vmem>>, %arg9: memref<16384xf32, #tpu.memory_space<vmem>>, %arg10: memref<16384xf32, #tpu.memory_space<vmem>>, %arg11: memref<!tpu.dma_semaphore, #tpu.memory_space<semaphore_mem>>, %arg12: memref<!tpu.dma_semaphore, #tpu.memory_space<semaphore_mem>>, %arg13: memref<!tpu.dma_semaphore, #tpu.memory_space<semaphore_mem>>, %arg14: memref<!tpu.dma_semaphore, #tpu.memory_space<semaphore_mem>>, %arg15: memref<!tpu.dma_semaphore, #tpu.memory_space<semaphore_mem>>, %arg16: memref<!tpu.dma_semaphore, #tpu.memory_space<semaphore_mem>>) attributes {dimension_semantics = [#tpu.dimension_semantics<core_parallel>, #tpu.dimension_semantics<subcore_parallel>], iteration_bounds = array<i64: 2, 16>, scalar_prefetch = 0 : i64, scratch_operands = 12 : i64, tpu.core_type = #tpu.core_type<sc_vector_subcore>, window_params = [{transform_indices = #map}, {transform_indices = #map1}, {transform_indices = #map1}]} {
    %mul3A = arith.constant 2 : i32
    %mul3A_0 = arith.muli %arg1, %mul3A : i32
    %add3A = arith.addi %mul3A_0, %arg0 : i32
    %mul3A_1 = arith.constant 50 : i32
    %mul3A_2 = arith.muli %add3A, %mul3A_1 : i32
    %iota3A = tpu.iota {dimensions = array<i32: 0>} : vector<16xi32>
    %and3A = arith.constant 1 : i32
    %and3A_3 = vector.broadcast %and3A : i32 to vector<16xi32>
    %and3A_4 = arith.andi %iota3A, %and3A_3 : vector<16xi32>
    %eq3A = arith.constant 0 : i32
    %eq3A_5 = vector.broadcast %eq3A : i32 to vector<16xi32>
    %eq3A_6 = arith.cmpi eq, %and3A_4, %eq3A_5 : vector<16xi32>
    %and3A_7 = arith.constant 2 : i32
    %and3A_8 = vector.broadcast %and3A_7 : i32 to vector<16xi32>
    %and3A_9 = arith.andi %iota3A, %and3A_8 : vector<16xi32>
    %eq3A_10 = arith.constant 0 : i32
    %eq3A_11 = vector.broadcast %eq3A_10 : i32 to vector<16xi32>
    %eq3A_12 = arith.cmpi eq, %and3A_9, %eq3A_11 : vector<16xi32>
    %and3A_13 = arith.constant 4 : i32
    %and3A_14 = vector.broadcast %and3A_13 : i32 to vector<16xi32>
    %and3A_15 = arith.andi %iota3A, %and3A_14 : vector<16xi32>
    %eq3A_16 = arith.constant 0 : i32
    %eq3A_17 = vector.broadcast %eq3A_16 : i32 to vector<16xi32>
    %eq3A_18 = arith.cmpi eq, %and3A_15, %eq3A_17 : vector<16xi32>
    %and3A_19 = arith.constant 8 : i32
    %and3A_20 = vector.broadcast %and3A_19 : i32 to vector<16xi32>
    %and3A_21 = arith.andi %iota3A, %and3A_20 : vector<16xi32>
    %eq3A_22 = arith.constant 0 : i32
    %eq3A_23 = vector.broadcast %eq3A_22 : i32 to vector<16xi32>
    %eq3A_24 = arith.cmpi eq, %and3A_21, %eq3A_23 : vector<16xi32>
    %xor3A = arith.constant 1 : i32
    %xor3A_25 = vector.broadcast %xor3A : i32 to vector<16xi32>
    %xor3A_26 = arith.xori %iota3A, %xor3A_25 : vector<16xi32>
    %xor3A_27 = arith.constant 2 : i32
    %xor3A_28 = vector.broadcast %xor3A_27 : i32 to vector<16xi32>
    %xor3A_29 = arith.xori %iota3A, %xor3A_28 : vector<16xi32>
    %xor3A_30 = arith.constant 4 : i32
    %xor3A_31 = vector.broadcast %xor3A_30 : i32 to vector<16xi32>
    %xor3A_32 = arith.xori %iota3A, %xor3A_31 : vector<16xi32>
    %xor3A_33 = arith.constant 8 : i32
    %xor3A_34 = vector.broadcast %xor3A_33 : i32 to vector<16xi32>
    %xor3A_35 = arith.xori %iota3A, %xor3A_34 : vector<16xi32>
    %add3A_36 = arith.constant 0 : i32
    %add3A_37 = arith.addi %mul3A_2, %add3A_36 : i32
    %mul3A_38 = arith.constant 512 : i32
    %mul3A_39 = arith.muli %add3A_37, %mul3A_38 : i32
    "tpu.region"() ({
      %run_scoped3A = tpu.sem_alloc : memref<!tpu.dma_semaphore, #tpu.memory_space<semaphore_mem>>
      %dma_start3A_217 = tpu.memref_slice %arg3[%mul3A_39] : memref<819200xi32, #tpu.memory_space<hbm>> -> memref<512xi32, #tpu.memory_space<hbm>>
      %dma_start3A_218 = tpu.memref_slice %arg3[%mul3A_39] : memref<819200xi32, #tpu.memory_space<hbm>> -> memref<512xi32, #tpu.memory_space<hbm>>
      tpu.enqueue_dma source(%dma_start3A_218 : memref<512xi32, #tpu.memory_space<hbm>>) target(%arg5 : memref<512xi32, #tpu.memory_space<vmem>>) target_semaphore(%run_scoped3A : memref<!tpu.dma_semaphore, #tpu.memory_space<semaphore_mem>>)
      %dma_wait3A_219 = tpu.memref_slice %arg3[%mul3A_39] : memref<819200xi32, #tpu.memory_space<hbm>> -> memref<512xi32, #tpu.memory_space<hbm>>
      %dma_wait3A_220 = tpu.memref_slice %arg3[%mul3A_39] : memref<819200xi32, #tpu.memory_space<hbm>> -> memref<512xi32, #tpu.memory_space<hbm>>
      tpu.wait_dma2 semaphore(%run_scoped3A : memref<!tpu.dma_semaphore, #tpu.memory_space<semaphore_mem>>) src(%dma_wait3A_220 : memref<512xi32, #tpu.memory_space<hbm>>) dst(%arg5 : memref<512xi32, #tpu.memory_space<vmem>>)
      tpu.yield
    }) : () -> ()
    %dma_start3A = arith.constant 0 : i32
    %dma_start3A_40 = arith.constant 0 : i32
    %dma_start3A_41 = tpu.memref_slice %arg2[%dma_start3A, %dma_start3A_40] : memref<1000000x32xf32, #tpu.memory_space<hbm>> -> memref<1000000x32xf32, #tpu.memory_space<hbm>>
    tpu.enqueue_indirect_dma source(%dma_start3A_41 : memref<1000000x32xf32, #tpu.memory_space<hbm>>) target(%arg7 : memref<512x32xf32, #tpu.memory_space<vmem>>) offsets(%arg5 : memref<512xi32, #tpu.memory_space<vmem>>) semaphore(%arg11 : memref<!tpu.dma_semaphore, #tpu.memory_space<semaphore_mem>>)
    %add3A_42 = arith.constant 1 : i32
    %add3A_43 = arith.addi %mul3A_2, %add3A_42 : i32
    %mul3A_44 = arith.constant 512 : i32
    %mul3A_45 = arith.muli %add3A_43, %mul3A_44 : i32
    "tpu.region"() ({
      %run_scoped3A = tpu.sem_alloc : memref<!tpu.dma_semaphore, #tpu.memory_space<semaphore_mem>>
      %dma_start3A_217 = tpu.memref_slice %arg3[%mul3A_45] : memref<819200xi32, #tpu.memory_space<hbm>> -> memref<512xi32, #tpu.memory_space<hbm>>
      %dma_start3A_218 = tpu.memref_slice %arg3[%mul3A_45] : memref<819200xi32, #tpu.memory_space<hbm>> -> memref<512xi32, #tpu.memory_space<hbm>>
      tpu.enqueue_dma source(%dma_start3A_218 : memref<512xi32, #tpu.memory_space<hbm>>) target(%arg6 : memref<512xi32, #tpu.memory_space<vmem>>) target_semaphore(%run_scoped3A : memref<!tpu.dma_semaphore, #tpu.memory_space<semaphore_mem>>)
      %dma_wait3A_219 = tpu.memref_slice %arg3[%mul3A_45] : memref<819200xi32, #tpu.memory_space<hbm>> -> memref<512xi32, #tpu.memory_space<hbm>>
      %dma_wait3A_220 = tpu.memref_slice %arg3[%mul3A_45] : memref<819200xi32, #tpu.memory_space<hbm>> -> memref<512xi32, #tpu.memory_space<hbm>>
      tpu.wait_dma2 semaphore(%run_scoped3A : memref<!tpu.dma_semaphore, #tpu.memory_space<semaphore_mem>>) src(%dma_wait3A_220 : memref<512xi32, #tpu.memory_space<hbm>>) dst(%arg6 : memref<512xi32, #tpu.memory_space<vmem>>)
      tpu.yield
    }) : () -> ()
    %dma_start3A_46 = arith.constant 0 : i32
    %dma_start3A_47 = arith.constant 0 : i32
    %dma_start3A_48 = tpu.memref_slice %arg2[%dma_start3A_46, %dma_start3A_47] : memref<1000000x32xf32, #tpu.memory_space<hbm>> -> memref<1000000x32xf32, #tpu.memory_space<hbm>>
    tpu.enqueue_indirect_dma source(%dma_start3A_48 : memref<1000000x32xf32, #tpu.memory_space<hbm>>) target(%arg8 : memref<512x32xf32, #tpu.memory_space<vmem>>) offsets(%arg6 : memref<512xi32, #tpu.memory_space<vmem>>) semaphore(%arg12 : memref<!tpu.dma_semaphore, #tpu.memory_space<semaphore_mem>>)
    %scan3A = arith.constant 5.65685415 : f32
    %scan3A_49 = arith.constant 0 : i32
    %scan3A_50 = arith.constant 0 : i32
    %scan3A_51 = arith.constant 25 : i32
    %scan3A_52 = arith.addi %scan3A_50, %scan3A_51 : i32
    %scan3A_53 = arith.constant 1 : i32
    %scan3A_54 = scf.for %scan3A_217 = %scan3A_50 to %scan3A_52 step %scan3A_53 iter_args(%scan3A_218 = %scan3A_49) -> (i32)  : i32 {
      %mul3A_219 = arith.constant 2 : i32
      %mul3A_220 = arith.muli %scan3A_217, %mul3A_219 : i32
      %add3A_221 = arith.addi %mul3A_2, %mul3A_220 : i32
      %add3A_222 = arith.constant 0 : i32
      %add3A_223 = arith.addi %add3A_221, %add3A_222 : i32
      %add3A_224 = arith.constant 2 : i32
      %add3A_225 = arith.addi %add3A_223, %add3A_224 : i32
      %add3A_226 = arith.constant 50 : i32
      %add3A_227 = arith.addi %mul3A_2, %add3A_226 : i32
      %dma_wait3A_228 = arith.constant 0 : i32
      %dma_wait3A_229 = arith.constant 0 : i32
      %dma_wait3A_230 = tpu.memref_slice %arg2[%dma_wait3A_228, %dma_wait3A_229] : memref<1000000x32xf32, #tpu.memory_space<hbm>> -> memref<1000000x32xf32, #tpu.memory_space<hbm>>
      tpu.wait_indirect_dma semaphore(%arg11 : memref<!tpu.dma_semaphore, #tpu.memory_space<semaphore_mem>>) src(%dma_wait3A_230 : memref<1000000x32xf32, #tpu.memory_space<hbm>>) dst(%arg7 : memref<512x32xf32, #tpu.memory_space<vmem>>)
      %lt3A_231 = arith.cmpi slt, %add3A_225, %add3A_227 : i32
      %convert_element_type3A = arith.extui %lt3A_231 : i1 to i32
      %cond3A = arith.constant 0 : i32
      %cond3A_232 = arith.cmpi ne, %convert_element_type3A, %cond3A : i32
      scf.if %cond3A_232 {
        %mul3A_441 = arith.constant 512 : i32
        %mul3A_442 = arith.muli %add3A_225, %mul3A_441 : i32
        %dma_start3A_443 = tpu.memref_slice %arg3[%mul3A_442] : memref<819200xi32, #tpu.memory_space<hbm>> -> memref<512xi32, #tpu.memory_space<hbm>>
        %dma_start3A_444 = tpu.memref_slice %arg3[%mul3A_442] : memref<819200xi32, #tpu.memory_space<hbm>> -> memref<512xi32, #tpu.memory_space<hbm>>
        tpu.enqueue_dma source(%dma_start3A_444 : memref<512xi32, #tpu.memory_space<hbm>>) target(%arg5 : memref<512xi32, #tpu.memory_space<vmem>>) target_semaphore(%arg15 : memref<!tpu.dma_semaphore, #tpu.memory_space<semaphore_mem>>)
      } else {
      }
      %sub3A_233 = arith.constant 2 : i32
      %sub3A_234 = arith.subi %add3A_223, %sub3A_233 : i32
      %ge3A = arith.cmpi sge, %sub3A_234, %mul3A_2 : i32
      %convert_element_type3A_235 = arith.extui %ge3A : i1 to i32
      %cond3A_236 = arith.constant 0 : i32
      %cond3A_237 = arith.cmpi ne, %convert_element_type3A_235, %cond3A_236 : i32
      scf.if %cond3A_237 {
        %sub3A_441 = arith.constant 2 : i32
        %sub3A_442 = arith.subi %add3A_223, %sub3A_441 : i32
        %jit3A_443 = arith.constant 8 : i32
        %div3A_444 = arith.divsi %sub3A_442, %jit3A_443 : i32
        %sign3A_445 = arith.constant 0 : i32
        %sign3A_446 = arith.cmpi sgt, %sub3A_442, %sign3A_445 : i32
        %sign3A_447 = arith.extui %sign3A_446 : i1 to i32
        %sign3A_448 = arith.constant 0 : i32
        %sign3A_449 = arith.cmpi slt, %sub3A_442, %sign3A_448 : i32
        %sign3A_450 = arith.extui %sign3A_449 : i1 to i32
        %sign3A_451 = arith.subi %sign3A_447, %sign3A_450 : i32
        %sign3A_452 = arith.constant 0 : i32
        %sign3A_453 = arith.cmpi sgt, %jit3A_443, %sign3A_452 : i32
        %sign3A_454 = arith.extui %sign3A_453 : i1 to i32
        %sign3A_455 = arith.constant 0 : i32
        %sign3A_456 = arith.cmpi slt, %jit3A_443, %sign3A_455 : i32
        %sign3A_457 = arith.extui %sign3A_456 : i1 to i32
        %sign3A_458 = arith.subi %sign3A_454, %sign3A_457 : i32
        %ne3A_459 = arith.cmpi ne, %sign3A_451, %sign3A_458 : i32
        %rem3A_460 = arith.remsi %sub3A_442, %jit3A_443 : i32
        %ne3A_461 = arith.constant 0 : i32
        %ne3A_462 = arith.cmpi ne, %rem3A_460, %ne3A_461 : i32
        %and3A_463 = arith.andi %ne3A_459, %ne3A_462 : i1
        %sub3A_464 = arith.constant 1 : i32
        %sub3A_465 = arith.subi %div3A_444, %sub3A_464 : i32
        %select_n3A_466 = arith.select %and3A_463, %sub3A_465, %div3A_444 : i32
        %jit3A_467 = arith.constant 8 : i32
        %eq3A_468 = arith.constant 0 : i32
        %eq3A_469 = arith.cmpi eq, %jit3A_467, %eq3A_468 : i32
        %jit3A_470 = arith.constant 1 : i32
        %select_n3A_471 = arith.select %eq3A_469, %jit3A_470, %jit3A_467 : i32
        %rem3A_472 = arith.remsi %sub3A_442, %select_n3A_471 : i32
        %ne3A_473 = arith.constant 0 : i32
        %ne3A_474 = arith.cmpi ne, %rem3A_472, %ne3A_473 : i32
        %lt3A_475 = arith.constant 0 : i32
        %lt3A_476 = arith.cmpi slt, %rem3A_472, %lt3A_475 : i32
        %lt3A_477 = arith.constant 0 : i32
        %lt3A_478 = arith.cmpi slt, %select_n3A_471, %lt3A_477 : i32
        %ne3A_479 = arith.xori %lt3A_476, %lt3A_478 : i1
        %and3A_480 = arith.andi %ne3A_479, %ne3A_474 : i1
        %add3A_481 = arith.addi %rem3A_472, %select_n3A_471 : i32
        %select_n3A_482 = arith.select %and3A_480, %add3A_481, %rem3A_472 : i32
        %mul3A_483 = arith.constant 128 : i32
        %mul3A_484 = arith.muli %select_n3A_466, %mul3A_483 : i32
        %mul3A_485 = arith.constant 4 : i32
        %mul3A_486 = arith.muli %select_n3A_482, %mul3A_485 : i32
        %add3A_487 = arith.addi %mul3A_484, %mul3A_486 : i32
        %mul3A_488 = arith.constant 1024 : i32
        %mul3A_489 = arith.muli %add3A_487, %mul3A_488 : i32
        %add3A_490 = arith.constant 0 : i32
        %add3A_491 = arith.addi %mul3A_489, %add3A_490 : i32
        %dma_wait3A_492 = arith.constant 0 : i32
        %dma_wait3A_493 = tpu.memref_slice %arg9[%dma_wait3A_492] : memref<16384xf32, #tpu.memory_space<vmem>> -> memref<4096xf32, #tpu.memory_space<vmem>>
        %dma_wait3A_494 = tpu.memref_slice %arg4[%add3A_491] : memref<26214400xf32, #tpu.memory_space<hbm>> -> memref<4096xf32, #tpu.memory_space<hbm>>
        %dma_wait3A_495 = tpu.memref_slice %arg4[%add3A_491] : memref<26214400xf32, #tpu.memory_space<hbm>> -> memref<4096xf32, #tpu.memory_space<hbm>>
        %dma_wait3A_496 = arith.constant 0 : i32
        %dma_wait3A_497 = tpu.memref_slice %arg9[%dma_wait3A_496] : memref<16384xf32, #tpu.memory_space<vmem>> -> memref<4096xf32, #tpu.memory_space<vmem>>
        tpu.wait_dma2 semaphore(%arg13 : memref<!tpu.dma_semaphore, #tpu.memory_space<semaphore_mem>>) src(%dma_wait3A_497 : memref<4096xf32, #tpu.memory_space<vmem>>) dst(%dma_wait3A_495 : memref<4096xf32, #tpu.memory_space<hbm>>)
        %add3A_498 = arith.constant 32768 : i32
        %add3A_499 = arith.addi %mul3A_489, %add3A_498 : i32
        %dma_wait3A_500 = arith.constant 4096 : i32
        %dma_wait3A_501 = tpu.memref_slice %arg9[%dma_wait3A_500] : memref<16384xf32, #tpu.memory_space<vmem>> -> memref<4096xf32, #tpu.memory_space<vmem>>
        %dma_wait3A_502 = tpu.memref_slice %arg4[%add3A_499] : memref<26214400xf32, #tpu.memory_space<hbm>> -> memref<4096xf32, #tpu.memory_space<hbm>>
        %dma_wait3A_503 = tpu.memref_slice %arg4[%add3A_499] : memref<26214400xf32, #tpu.memory_space<hbm>> -> memref<4096xf32, #tpu.memory_space<hbm>>
        %dma_wait3A_504 = arith.constant 4096 : i32
        %dma_wait3A_505 = tpu.memref_slice %arg9[%dma_wait3A_504] : memref<16384xf32, #tpu.memory_space<vmem>> -> memref<4096xf32, #tpu.memory_space<vmem>>
        tpu.wait_dma2 semaphore(%arg13 : memref<!tpu.dma_semaphore, #tpu.memory_space<semaphore_mem>>) src(%dma_wait3A_505 : memref<4096xf32, #tpu.memory_space<vmem>>) dst(%dma_wait3A_503 : memref<4096xf32, #tpu.memory_space<hbm>>)
        %add3A_506 = arith.constant 65536 : i32
        %add3A_507 = arith.addi %mul3A_489, %add3A_506 : i32
        %dma_wait3A_508 = arith.constant 8192 : i32
        %dma_wait3A_509 = tpu.memref_slice %arg9[%dma_wait3A_508] : memref<16384xf32, #tpu.memory_space<vmem>> -> memref<4096xf32, #tpu.memory_space<vmem>>
        %dma_wait3A_510 = tpu.memref_slice %arg4[%add3A_507] : memref<26214400xf32, #tpu.memory_space<hbm>> -> memref<4096xf32, #tpu.memory_space<hbm>>
        %dma_wait3A_511 = tpu.memref_slice %arg4[%add3A_507] : memref<26214400xf32, #tpu.memory_space<hbm>> -> memref<4096xf32, #tpu.memory_space<hbm>>
        %dma_wait3A_512 = arith.constant 8192 : i32
        %dma_wait3A_513 = tpu.memref_slice %arg9[%dma_wait3A_512] : memref<16384xf32, #tpu.memory_space<vmem>> -> memref<4096xf32, #tpu.memory_space<vmem>>
        tpu.wait_dma2 semaphore(%arg13 : memref<!tpu.dma_semaphore, #tpu.memory_space<semaphore_mem>>) src(%dma_wait3A_513 : memref<4096xf32, #tpu.memory_space<vmem>>) dst(%dma_wait3A_511 : memref<4096xf32, #tpu.memory_space<hbm>>)
        %add3A_514 = arith.constant 98304 : i32
        %add3A_515 = arith.addi %mul3A_489, %add3A_514 : i32
        %dma_wait3A_516 = arith.constant 12288 : i32
        %dma_wait3A_517 = tpu.memref_slice %arg9[%dma_wait3A_516] : memref<16384xf32, #tpu.memory_space<vmem>> -> memref<4096xf32, #tpu.memory_space<vmem>>
        %dma_wait3A_518 = tpu.memref_slice %arg4[%add3A_515] : memref<26214400xf32, #tpu.memory_space<hbm>> -> memref<4096xf32, #tpu.memory_space<hbm>>
        %dma_wait3A_519 = tpu.memref_slice %arg4[%add3A_515] : memref<26214400xf32, #tpu.memory_space<hbm>> -> memref<4096xf32, #tpu.memory_space<hbm>>
        %dma_wait3A_520 = arith.constant 12288 : i32
        %dma_wait3A_521 = tpu.memref_slice %arg9[%dma_wait3A_520] : memref<16384xf32, #tpu.memory_space<vmem>> -> memref<4096xf32, #tpu.memory_space<vmem>>
        tpu.wait_dma2 semaphore(%arg13 : memref<!tpu.dma_semaphore, #tpu.memory_space<semaphore_mem>>) src(%dma_wait3A_521 : memref<4096xf32, #tpu.memory_space<vmem>>) dst(%dma_wait3A_519 : memref<4096xf32, #tpu.memory_space<hbm>>)
      } else {
      }
      %scan3A_238 = arith.constant 0 : i32
      %scan3A_239 = arith.constant 0 : i32
      %scan3A_240 = arith.constant 32 : i32
      %scan3A_241 = arith.addi %scan3A_239, %scan3A_240 : i32
      %scan3A_242 = arith.constant 1 : i32
      %scan3A_243 = scf.for %scan3A_441 = %scan3A_239 to %scan3A_241 step %scan3A_242 iter_args(%scan3A_442 = %scan3A_238) -> (i32)  : i32 {
        %shift_right_arithmetic3A = arith.constant 3 : i32
        %shift_right_arithmetic3A_443 = arith.shrsi %scan3A_441, %shift_right_arithmetic3A : i32
        %and3A_444 = arith.constant 7 : i32
        %and3A_445 = arith.andi %scan3A_441, %and3A_444 : i32
        %mul3A_446 = arith.constant 128 : i32
        %mul3A_447 = arith.muli %shift_right_arithmetic3A_443, %mul3A_446 : i32
        %mul3A_448 = arith.constant 16 : i32
        %mul3A_449 = arith.muli %and3A_445, %mul3A_448 : i32
        %add3A_450 = arith.addi %mul3A_447, %mul3A_449 : i32
        %mul3A_451 = arith.constant 1024 : i32
        %mul3A_452 = arith.muli %shift_right_arithmetic3A_443, %mul3A_451 : i32
        %mul3A_453 = arith.constant 16 : i32
        %mul3A_454 = arith.muli %and3A_445, %mul3A_453 : i32
        %add3A_455 = arith.addi %mul3A_452, %mul3A_454 : i32
        %add3A_456 = arith.constant 0 : i32
        %add3A_457 = arith.addi %add3A_450, %add3A_456 : i32
        %get3A = arith.index_cast %add3A_457 : i32 to index
        %get3A_458 = arith.constant 0 : index
        %get3A_459 = tpu.vector_load %arg7[%get3A, %get3A_458] {strides = array<i32>} : memref<512x32xf32, #tpu.memory_space<vmem>>, vector<16xf32>,
        %add3A_460 = arith.constant 1 : i32
        %add3A_461 = arith.addi %add3A_450, %add3A_460 : i32
        %get3A_462 = arith.index_cast %add3A_461 : i32 to index
        %get3A_463 = arith.constant 0 : index
        %get3A_464 = tpu.vector_load %arg7[%get3A_462, %get3A_463] {strides = array<i32>} : memref<512x32xf32, #tpu.memory_space<vmem>>, vector<16xf32>,
        %add3A_465 = arith.constant 2 : i32
        %add3A_466 = arith.addi %add3A_450, %add3A_465 : i32
        %get3A_467 = arith.index_cast %add3A_466 : i32 to index
        %get3A_468 = arith.constant 0 : index
        %get3A_469 = tpu.vector_load %arg7[%get3A_467, %get3A_468] {strides = array<i32>} : memref<512x32xf32, #tpu.memory_space<vmem>>, vector<16xf32>,
        %add3A_470 = arith.constant 3 : i32
        %add3A_471 = arith.addi %add3A_450, %add3A_470 : i32
        %get3A_472 = arith.index_cast %add3A_471 : i32 to index
        %get3A_473 = arith.constant 0 : index
        %get3A_474 = tpu.vector_load %arg7[%get3A_472, %get3A_473] {strides = array<i32>} : memref<512x32xf32, #tpu.memory_space<vmem>>, vector<16xf32>,
        %add3A_475 = arith.constant 4 : i32
        %add3A_476 = arith.addi %add3A_450, %add3A_475 : i32
        %get3A_477 = arith.index_cast %add3A_476 : i32 to index
        %get3A_478 = arith.constant 0 : index
        %get3A_479 = tpu.vector_load %arg7[%get3A_477, %get3A_478] {strides = array<i32>} : memref<512x32xf32, #tpu.memory_space<vmem>>, vector<16xf32>,
        %add3A_480 = arith.constant 5 : i32
        %add3A_481 = arith.addi %add3A_450, %add3A_480 : i32
        %get3A_482 = arith.index_cast %add3A_481 : i32 to index
        %get3A_483 = arith.constant 0 : index
        %get3A_484 = tpu.vector_load %arg7[%get3A_482, %get3A_483] {strides = array<i32>} : memref<512x32xf32, #tpu.memory_space<vmem>>, vector<16xf32>,
        %add3A_485 = arith.constant 6 : i32
        %add3A_486 = arith.addi %add3A_450, %add3A_485 : i32
        %get3A_487 = arith.index_cast %add3A_486 : i32 to index
        %get3A_488 = arith.constant 0 : index
        %get3A_489 = tpu.vector_load %arg7[%get3A_487, %get3A_488] {strides = array<i32>} : memref<512x32xf32, #tpu.memory_space<vmem>>, vector<16xf32>,
        %add3A_490 = arith.constant 7 : i32
        %add3A_491 = arith.addi %add3A_450, %add3A_490 : i32
        %get3A_492 = arith.index_cast %add3A_491 : i32 to index
        %get3A_493 = arith.constant 0 : index
        %get3A_494 = tpu.vector_load %arg7[%get3A_492, %get3A_493] {strides = array<i32>} : memref<512x32xf32, #tpu.memory_space<vmem>>, vector<16xf32>,
        %add3A_495 = arith.constant 8 : i32
        %add3A_496 = arith.addi %add3A_450, %add3A_495 : i32
        %get3A_497 = arith.index_cast %add3A_496 : i32 to index
        %get3A_498 = arith.constant 0 : index
        %get3A_499 = tpu.vector_load %arg7[%get3A_497, %get3A_498] {strides = array<i32>} : memref<512x32xf32, #tpu.memory_space<vmem>>, vector<16xf32>,
        %add3A_500 = arith.constant 9 : i32
        %add3A_501 = arith.addi %add3A_450, %add3A_500 : i32
        %get3A_502 = arith.index_cast %add3A_501 : i32 to index
        %get3A_503 = arith.constant 0 : index
        %get3A_504 = tpu.vector_load %arg7[%get3A_502, %get3A_503] {strides = array<i32>} : memref<512x32xf32, #tpu.memory_space<vmem>>, vector<16xf32>,
        %add3A_505 = arith.constant 10 : i32
        %add3A_506 = arith.addi %add3A_450, %add3A_505 : i32
        %get3A_507 = arith.index_cast %add3A_506 : i32 to index
        %get3A_508 = arith.constant 0 : index
        %get3A_509 = tpu.vector_load %arg7[%get3A_507, %get3A_508] {strides = array<i32>} : memref<512x32xf32, #tpu.memory_space<vmem>>, vector<16xf32>,
        %add3A_510 = arith.constant 11 : i32
        %add3A_511 = arith.addi %add3A_450, %add3A_510 : i32
        %get3A_512 = arith.index_cast %add3A_511 : i32 to index
        %get3A_513 = arith.constant 0 : index
        %get3A_514 = tpu.vector_load %arg7[%get3A_512, %get3A_513] {strides = array<i32>} : memref<512x32xf32, #tpu.memory_space<vmem>>, vector<16xf32>,
        %add3A_515 = arith.constant 12 : i32
        %add3A_516 = arith.addi %add3A_450, %add3A_515 : i32
        %get3A_517 = arith.index_cast %add3A_516 : i32 to index
        %get3A_518 = arith.constant 0 : index
        %get3A_519 = tpu.vector_load %arg7[%get3A_517, %get3A_518] {strides = array<i32>} : memref<512x32xf32, #tpu.memory_space<vmem>>, vector<16xf32>,
        %add3A_520 = arith.constant 13 : i32
        %add3A_521 = arith.addi %add3A_450, %add3A_520 : i32
        %get3A_522 = arith.index_cast %add3A_521 : i32 to index
        %get3A_523 = arith.constant 0 : index
        %get3A_524 = tpu.vector_load %arg7[%get3A_522, %get3A_523] {strides = array<i32>} : memref<512x32xf32, #tpu.memory_space<vmem>>, vector<16xf32>,
        %add3A_525 = arith.constant 14 : i32
        %add3A_526 = arith.addi %add3A_450, %add3A_525 : i32
        %get3A_527 = arith.index_cast %add3A_526 : i32 to index
        %get3A_528 = arith.constant 0 : index
        %get3A_529 = tpu.vector_load %arg7[%get3A_527, %get3A_528] {strides = array<i32>} : memref<512x32xf32, #tpu.memory_space<vmem>>, vector<16xf32>,
        %add3A_530 = arith.constant 15 : i32
        %add3A_531 = arith.addi %add3A_450, %add3A_530 : i32
        %get3A_532 = arith.index_cast %add3A_531 : i32 to index
        %get3A_533 = arith.constant 0 : index
        %get3A_534 = tpu.vector_load %arg7[%get3A_532, %get3A_533] {strides = array<i32>} : memref<512x32xf32, #tpu.memory_space<vmem>>, vector<16xf32>,
        %lt3A_535 = arith.constant 0 : i32
        %lt3A_536 = vector.broadcast %lt3A_535 : i32 to vector<16xi32>
        %lt3A_537 = arith.cmpi slt, %xor3A_26, %lt3A_536 : vector<16xi32>
        %add3A_538 = arith.constant 16 : i32
        %add3A_539 = vector.broadcast %add3A_538 : i32 to vector<16xi32>
        %add3A_540 = arith.addi %xor3A_26, %add3A_539 : vector<16xi32>
        %select_n3A_541 = arith.select %lt3A_537, %add3A_540, %xor3A_26 : vector<16xi1>, vector<16xi32>
        %broadcast_in_dim3A = vector.shape_cast %select_n3A_541 : vector<16xi32> to vector<16x1xi32>
        %gather3A = vector.shape_cast %broadcast_in_dim3A : vector<16x1xi32> to vector<16xi32>
        %gather3A_542 = tpu.dynamic_gather %get3A_459[%gather3A] in [0] : vector<16xf32>, vector<16xi32> -> vector<16xf32>
        %lt3A_543 = arith.constant 0 : i32
        %lt3A_544 = vector.broadcast %lt3A_543 : i32 to vector<16xi32>
        %lt3A_545 = arith.cmpi slt, %xor3A_26, %lt3A_544 : vector<16xi32>
        %add3A_546 = arith.constant 16 : i32
        %add3A_547 = vector.broadcast %add3A_546 : i32 to vector<16xi32>
        %add3A_548 = arith.addi %xor3A_26, %add3A_547 : vector<16xi32>
        %select_n3A_549 = arith.select %lt3A_545, %add3A_548, %xor3A_26 : vector<16xi1>, vector<16xi32>
        %broadcast_in_dim3A_550 = vector.shape_cast %select_n3A_549 : vector<16xi32> to vector<16x1xi32>
        %gather3A_551 = vector.shape_cast %broadcast_in_dim3A_550 : vector<16x1xi32> to vector<16xi32>
        %gather3A_552 = tpu.dynamic_gather %get3A_464[%gather3A_551] in [0] : vector<16xf32>, vector<16xi32> -> vector<16xf32>
        %select_n3A_553 = arith.select %eq3A_6, %get3A_459, %gather3A_552 : vector<16xi1>, vector<16xf32>
        %select_n3A_554 = arith.select %eq3A_6, %gather3A_542, %get3A_464 : vector<16xi1>, vector<16xf32>
        %lt3A_555 = arith.constant 0 : i32
        %lt3A_556 = vector.broadcast %lt3A_555 : i32 to vector<16xi32>
        %lt3A_557 = arith.cmpi slt, %xor3A_26, %lt3A_556 : vector<16xi32>
        %add3A_558 = arith.constant 16 : i32
        %add3A_559 = vector.broadcast %add3A_558 : i32 to vector<16xi32>
        %add3A_560 = arith.addi %xor3A_26, %add3A_559 : vector<16xi32>
        %select_n3A_561 = arith.select %lt3A_557, %add3A_560, %xor3A_26 : vector<16xi1>, vector<16xi32>
        %broadcast_in_dim3A_562 = vector.shape_cast %select_n3A_561 : vector<16xi32> to vector<16x1xi32>
        %gather3A_563 = vector.shape_cast %broadcast_in_dim3A_562 : vector<16x1xi32> to vector<16xi32>
        %gather3A_564 = tpu.dynamic_gather %get3A_469[%gather3A_563] in [0] : vector<16xf32>, vector<16xi32> -> vector<16xf32>
        %lt3A_565 = arith.constant 0 : i32
        %lt3A_566 = vector.broadcast %lt3A_565 : i32 to vector<16xi32>
        %lt3A_567 = arith.cmpi slt, %xor3A_26, %lt3A_566 : vector<16xi32>
        %add3A_568 = arith.constant 16 : i32
        %add3A_569 = vector.broadcast %add3A_568 : i32 to vector<16xi32>
        %add3A_570 = arith.addi %xor3A_26, %add3A_569 : vector<16xi32>
        %select_n3A_571 = arith.select %lt3A_567, %add3A_570, %xor3A_26 : vector<16xi1>, vector<16xi32>
        %broadcast_in_dim3A_572 = vector.shape_cast %select_n3A_571 : vector<16xi32> to vector<16x1xi32>
        %gather3A_573 = vector.shape_cast %broadcast_in_dim3A_572 : vector<16x1xi32> to vector<16xi32>
        %gather3A_574 = tpu.dynamic_gather %get3A_474[%gather3A_573] in [0] : vector<16xf32>, vector<16xi32> -> vector<16xf32>
        %select_n3A_575 = arith.select %eq3A_6, %get3A_469, %gather3A_574 : vector<16xi1>, vector<16xf32>
        %select_n3A_576 = arith.select %eq3A_6, %gather3A_564, %get3A_474 : vector<16xi1>, vector<16xf32>
        %lt3A_577 = arith.constant 0 : i32
        %lt3A_578 = vector.broadcast %lt3A_577 : i32 to vector<16xi32>
        %lt3A_579 = arith.cmpi slt, %xor3A_26, %lt3A_578 : vector<16xi32>
        %add3A_580 = arith.constant 16 : i32
        %add3A_581 = vector.broadcast %add3A_580 : i32 to vector<16xi32>
        %add3A_582 = arith.addi %xor3A_26, %add3A_581 : vector<16xi32>
        %select_n3A_583 = arith.select %lt3A_579, %add3A_582, %xor3A_26 : vector<16xi1>, vector<16xi32>
        %broadcast_in_dim3A_584 = vector.shape_cast %select_n3A_583 : vector<16xi32> to vector<16x1xi32>
        %gather3A_585 = vector.shape_cast %broadcast_in_dim3A_584 : vector<16x1xi32> to vector<16xi32>
        %gather3A_586 = tpu.dynamic_gather %get3A_479[%gather3A_585] in [0] : vector<16xf32>, vector<16xi32> -> vector<16xf32>
        %lt3A_587 = arith.constant 0 : i32
        %lt3A_588 = vector.broadcast %lt3A_587 : i32 to vector<16xi32>
        %lt3A_589 = arith.cmpi slt, %xor3A_26, %lt3A_588 : vector<16xi32>
        %add3A_590 = arith.constant 16 : i32
        %add3A_591 = vector.broadcast %add3A_590 : i32 to vector<16xi32>
        %add3A_592 = arith.addi %xor3A_26, %add3A_591 : vector<16xi32>
        %select_n3A_593 = arith.select %lt3A_589, %add3A_592, %xor3A_26 : vector<16xi1>, vector<16xi32>
        %broadcast_in_dim3A_594 = vector.shape_cast %select_n3A_593 : vector<16xi32> to vector<16x1xi32>
        %gather3A_595 = vector.shape_cast %broadcast_in_dim3A_594 : vector<16x1xi32> to vector<16xi32>
        %gather3A_596 = tpu.dynamic_gather %get3A_484[%gather3A_595] in [0] : vector<16xf32>, vector<16xi32> -> vector<16xf32>
        %select_n3A_597 = arith.select %eq3A_6, %get3A_479, %gather3A_596 : vector<16xi1>, vector<16xf32>
        %select_n3A_598 = arith.select %eq3A_6, %gather3A_586, %get3A_484 : vector<16xi1>, vector<16xf32>
        %lt3A_599 = arith.constant 0 : i32
        %lt3A_600 = vector.broadcast %lt3A_599 : i32 to vector<16xi32>
        %lt3A_601 = arith.cmpi slt, %xor3A_26, %lt3A_600 : vector<16xi32>
        %add3A_602 = arith.constant 16 : i32
        %add3A_603 = vector.broadcast %add3A_602 : i32 to vector<16xi32>
        %add3A_604 = arith.addi %xor3A_26, %add3A_603 : vector<16xi32>
        %select_n3A_605 = arith.select %lt3A_601, %add3A_604, %xor3A_26 : vector<16xi1>, vector<16xi32>
        %broadcast_in_dim3A_606 = vector.shape_cast %select_n3A_605 : vector<16xi32> to vector<16x1xi32>
        %gather3A_607 = vector.shape_cast %broadcast_in_dim3A_606 : vector<16x1xi32> to vector<16xi32>
        %gather3A_608 = tpu.dynamic_gather %get3A_489[%gather3A_607] in [0] : vector<16xf32>, vector<16xi32> -> vector<16xf32>
        %lt3A_609 = arith.constant 0 : i32
        %lt3A_610 = vector.broadcast %lt3A_609 : i32 to vector<16xi32>
        %lt3A_611 = arith.cmpi slt, %xor3A_26, %lt3A_610 : vector<16xi32>
        %add3A_612 = arith.constant 16 : i32
        %add3A_613 = vector.broadcast %add3A_612 : i32 to vector<16xi32>
        %add3A_614 = arith.addi %xor3A_26, %add3A_613 : vector<16xi32>
        %select_n3A_615 = arith.select %lt3A_611, %add3A_614, %xor3A_26 : vector<16xi1>, vector<16xi32>
        %broadcast_in_dim3A_616 = vector.shape_cast %select_n3A_615 : vector<16xi32> to vector<16x1xi32>
        %gather3A_617 = vector.shape_cast %broadcast_in_dim3A_616 : vector<16x1xi32> to vector<16xi32>
        %gather3A_618 = tpu.dynamic_gather %get3A_494[%gather3A_617] in [0] : vector<16xf32>, vector<16xi32> -> vector<16xf32>
        %select_n3A_619 = arith.select %eq3A_6, %get3A_489, %gather3A_618 : vector<16xi1>, vector<16xf32>
        %select_n3A_620 = arith.select %eq3A_6, %gather3A_608, %get3A_494 : vector<16xi1>, vector<16xf32>
        %lt3A_621 = arith.constant 0 : i32
        %lt3A_622 = vector.broadcast %lt3A_621 : i32 to vector<16xi32>
        %lt3A_623 = arith.cmpi slt, %xor3A_26, %lt3A_622 : vector<16xi32>
        %add3A_624 = arith.constant 16 : i32
        %add3A_625 = vector.broadcast %add3A_624 : i32 to vector<16xi32>
        %add3A_626 = arith.addi %xor3A_26, %add3A_625 : vector<16xi32>
        %select_n3A_627 = arith.select %lt3A_623, %add3A_626, %xor3A_26 : vector<16xi1>, vector<16xi32>
        %broadcast_in_dim3A_628 = vector.shape_cast %select_n3A_627 : vector<16xi32> to vector<16x1xi32>
        %gather3A_629 = vector.shape_cast %broadcast_in_dim3A_628 : vector<16x1xi32> to vector<16xi32>
        %gather3A_630 = tpu.dynamic_gather %get3A_499[%gather3A_629] in [0] : vector<16xf32>, vector<16xi32> -> vector<16xf32>
        %lt3A_631 = arith.constant 0 : i32
        %lt3A_632 = vector.broadcast %lt3A_631 : i32 to vector<16xi32>
        %lt3A_633 = arith.cmpi slt, %xor3A_26, %lt3A_632 : vector<16xi32>
        %add3A_634 = arith.constant 16 : i32
        %add3A_635 = vector.broadcast %add3A_634 : i32 to vector<16xi32>
        %add3A_636 = arith.addi %xor3A_26, %add3A_635 : vector<16xi32>
        %select_n3A_637 = arith.select %lt3A_633, %add3A_636, %xor3A_26 : vector<16xi1>, vector<16xi32>
        %broadcast_in_dim3A_638 = vector.shape_cast %select_n3A_637 : vector<16xi32> to vector<16x1xi32>
        %gather3A_639 = vector.shape_cast %broadcast_in_dim3A_638 : vector<16x1xi32> to vector<16xi32>
        %gather3A_640 = tpu.dynamic_gather %get3A_504[%gather3A_639] in [0] : vector<16xf32>, vector<16xi32> -> vector<16xf32>
        %select_n3A_641 = arith.select %eq3A_6, %get3A_499, %gather3A_640 : vector<16xi1>, vector<16xf32>
        %select_n3A_642 = arith.select %eq3A_6, %gather3A_630, %get3A_504 : vector<16xi1>, vector<16xf32>
        %lt3A_643 = arith.constant 0 : i32
        %lt3A_644 = vector.broadcast %lt3A_643 : i32 to vector<16xi32>
        %lt3A_645 = arith.cmpi slt, %xor3A_26, %lt3A_644 : vector<16xi32>
        %add3A_646 = arith.constant 16 : i32
        %add3A_647 = vector.broadcast %add3A_646 : i32 to vector<16xi32>
        %add3A_648 = arith.addi %xor3A_26, %add3A_647 : vector<16xi32>
        %select_n3A_649 = arith.select %lt3A_645, %add3A_648, %xor3A_26 : vector<16xi1>, vector<16xi32>
        %broadcast_in_dim3A_650 = vector.shape_cast %select_n3A_649 : vector<16xi32> to vector<16x1xi32>
        %gather3A_651 = vector.shape_cast %broadcast_in_dim3A_650 : vector<16x1xi32> to vector<16xi32>
        %gather3A_652 = tpu.dynamic_gather %get3A_509[%gather3A_651] in [0] : vector<16xf32>, vector<16xi32> -> vector<16xf32>
        %lt3A_653 = arith.constant 0 : i32
        %lt3A_654 = vector.broadcast %lt3A_653 : i32 to vector<16xi32>
        %lt3A_655 = arith.cmpi slt, %xor3A_26, %lt3A_654 : vector<16xi32>
        %add3A_656 = arith.constant 16 : i32
        %add3A_657 = vector.broadcast %add3A_656 : i32 to vector<16xi32>
        %add3A_658 = arith.addi %xor3A_26, %add3A_657 : vector<16xi32>
        %select_n3A_659 = arith.select %lt3A_655, %add3A_658, %xor3A_26 : vector<16xi1>, vector<16xi32>
        %broadcast_in_dim3A_660 = vector.shape_cast %select_n3A_659 : vector<16xi32> to vector<16x1xi32>
        %gather3A_661 = vector.shape_cast %broadcast_in_dim3A_660 : vector<16x1xi32> to vector<16xi32>
        %gather3A_662 = tpu.dynamic_gather %get3A_514[%gather3A_661] in [0] : vector<16xf32>, vector<16xi32> -> vector<16xf32>
        %select_n3A_663 = arith.select %eq3A_6, %get3A_509, %gather3A_662 : vector<16xi1>, vector<16xf32>
        %select_n3A_664 = arith.select %eq3A_6, %gather3A_652, %get3A_514 : vector<16xi1>, vector<16xf32>
        %lt3A_665 = arith.constant 0 : i32
        %lt3A_666 = vector.broadcast %lt3A_665 : i32 to vector<16xi32>
        %lt3A_667 = arith.cmpi slt, %xor3A_26, %lt3A_666 : vector<16xi32>
        %add3A_668 = arith.constant 16 : i32
        %add3A_669 = vector.broadcast %add3A_668 : i32 to vector<16xi32>
        %add3A_670 = arith.addi %xor3A_26, %add3A_669 : vector<16xi32>
        %select_n3A_671 = arith.select %lt3A_667, %add3A_670, %xor3A_26 : vector<16xi1>, vector<16xi32>
        %broadcast_in_dim3A_672 = vector.shape_cast %select_n3A_671 : vector<16xi32> to vector<16x1xi32>
        %gather3A_673 = vector.shape_cast %broadcast_in_dim3A_672 : vector<16x1xi32> to vector<16xi32>
        %gather3A_674 = tpu.dynamic_gather %get3A_519[%gather3A_673] in [0] : vector<16xf32>, vector<16xi32> -> vector<16xf32>
        %lt3A_675 = arith.constant 0 : i32
        %lt3A_676 = vector.broadcast %lt3A_675 : i32 to vector<16xi32>
        %lt3A_677 = arith.cmpi slt, %xor3A_26, %lt3A_676 : vector<16xi32>
        %add3A_678 = arith.constant 16 : i32
        %add3A_679 = vector.broadcast %add3A_678 : i32 to vector<16xi32>
        %add3A_680 = arith.addi %xor3A_26, %add3A_679 : vector<16xi32>
        %select_n3A_681 = arith.select %lt3A_677, %add3A_680, %xor3A_26 : vector<16xi1>, vector<16xi32>
        %broadcast_in_dim3A_682 = vector.shape_cast %select_n3A_681 : vector<16xi32> to vector<16x1xi32>
        %gather3A_683 = vector.shape_cast %broadcast_in_dim3A_682 : vector<16x1xi32> to vector<16xi32>
        %gather3A_684 = tpu.dynamic_gather %get3A_524[%gather3A_683] in [0] : vector<16xf32>, vector<16xi32> -> vector<16xf32>
        %select_n3A_685 = arith.select %eq3A_6, %get3A_519, %gather3A_684 : vector<16xi1>, vector<16xf32>
        %select_n3A_686 = arith.select %eq3A_6, %gather3A_674, %get3A_524 : vector<16xi1>, vector<16xf32>
        %lt3A_687 = arith.constant 0 : i32
        %lt3A_688 = vector.broadcast %lt3A_687 : i32 to vector<16xi32>
        %lt3A_689 = arith.cmpi slt, %xor3A_26, %lt3A_688 : vector<16xi32>
        %add3A_690 = arith.constant 16 : i32
        %add3A_691 = vector.broadcast %add3A_690 : i32 to vector<16xi32>
        %add3A_692 = arith.addi %xor3A_26, %add3A_691 : vector<16xi32>
        %select_n3A_693 = arith.select %lt3A_689, %add3A_692, %xor3A_26 : vector<16xi1>, vector<16xi32>
        %broadcast_in_dim3A_694 = vector.shape_cast %select_n3A_693 : vector<16xi32> to vector<16x1xi32>
        %gather3A_695 = vector.shape_cast %broadcast_in_dim3A_694 : vector<16x1xi32> to vector<16xi32>
        %gather3A_696 = tpu.dynamic_gather %get3A_529[%gather3A_695] in [0] : vector<16xf32>, vector<16xi32> -> vector<16xf32>
        %lt3A_697 = arith.constant 0 : i32
        %lt3A_698 = vector.broadcast %lt3A_697 : i32 to vector<16xi32>
        %lt3A_699 = arith.cmpi slt, %xor3A_26, %lt3A_698 : vector<16xi32>
        %add3A_700 = arith.constant 16 : i32
        %add3A_701 = vector.broadcast %add3A_700 : i32 to vector<16xi32>
        %add3A_702 = arith.addi %xor3A_26, %add3A_701 : vector<16xi32>
        %select_n3A_703 = arith.select %lt3A_699, %add3A_702, %xor3A_26 : vector<16xi1>, vector<16xi32>
        %broadcast_in_dim3A_704 = vector.shape_cast %select_n3A_703 : vector<16xi32> to vector<16x1xi32>
        %gather3A_705 = vector.shape_cast %broadcast_in_dim3A_704 : vector<16x1xi32> to vector<16xi32>
        %gather3A_706 = tpu.dynamic_gather %get3A_534[%gather3A_705] in [0] : vector<16xf32>, vector<16xi32> -> vector<16xf32>
        %select_n3A_707 = arith.select %eq3A_6, %get3A_529, %gather3A_706 : vector<16xi1>, vector<16xf32>
        %select_n3A_708 = arith.select %eq3A_6, %gather3A_696, %get3A_534 : vector<16xi1>, vector<16xf32>
        %lt3A_709 = arith.constant 0 : i32
        %lt3A_710 = vector.broadcast %lt3A_709 : i32 to vector<16xi32>
        %lt3A_711 = arith.cmpi slt, %xor3A_29, %lt3A_710 : vector<16xi32>
        %add3A_712 = arith.constant 16 : i32
        %add3A_713 = vector.broadcast %add3A_712 : i32 to vector<16xi32>
        %add3A_714 = arith.addi %xor3A_29, %add3A_713 : vector<16xi32>
        %select_n3A_715 = arith.select %lt3A_711, %add3A_714, %xor3A_29 : vector<16xi1>, vector<16xi32>
        %broadcast_in_dim3A_716 = vector.shape_cast %select_n3A_715 : vector<16xi32> to vector<16x1xi32>
        %gather3A_717 = vector.shape_cast %broadcast_in_dim3A_716 : vector<16x1xi32> to vector<16xi32>
        %gather3A_718 = tpu.dynamic_gather %select_n3A_553[%gather3A_717] in [0] : vector<16xf32>, vector<16xi32> -> vector<16xf32>
        %lt3A_719 = arith.constant 0 : i32
        %lt3A_720 = vector.broadcast %lt3A_719 : i32 to vector<16xi32>
        %lt3A_721 = arith.cmpi slt, %xor3A_29, %lt3A_720 : vector<16xi32>
        %add3A_722 = arith.constant 16 : i32
        %add3A_723 = vector.broadcast %add3A_722 : i32 to vector<16xi32>
        %add3A_724 = arith.addi %xor3A_29, %add3A_723 : vector<16xi32>
        %select_n3A_725 = arith.select %lt3A_721, %add3A_724, %xor3A_29 : vector<16xi1>, vector<16xi32>
        %broadcast_in_dim3A_726 = vector.shape_cast %select_n3A_725 : vector<16xi32> to vector<16x1xi32>
        %gather3A_727 = vector.shape_cast %broadcast_in_dim3A_726 : vector<16x1xi32> to vector<16xi32>
        %gather3A_728 = tpu.dynamic_gather %select_n3A_575[%gather3A_727] in [0] : vector<16xf32>, vector<16xi32> -> vector<16xf32>
        %select_n3A_729 = arith.select %eq3A_12, %select_n3A_553, %gather3A_728 : vector<16xi1>, vector<16xf32>
        %select_n3A_730 = arith.select %eq3A_12, %gather3A_718, %select_n3A_575 : vector<16xi1>, vector<16xf32>
        %lt3A_731 = arith.constant 0 : i32
        %lt3A_732 = vector.broadcast %lt3A_731 : i32 to vector<16xi32>
        %lt3A_733 = arith.cmpi slt, %xor3A_29, %lt3A_732 : vector<16xi32>
        %add3A_734 = arith.constant 16 : i32
        %add3A_735 = vector.broadcast %add3A_734 : i32 to vector<16xi32>
        %add3A_736 = arith.addi %xor3A_29, %add3A_735 : vector<16xi32>
        %select_n3A_737 = arith.select %lt3A_733, %add3A_736, %xor3A_29 : vector<16xi1>, vector<16xi32>
        %broadcast_in_dim3A_738 = vector.shape_cast %select_n3A_737 : vector<16xi32> to vector<16x1xi32>
        %gather3A_739 = vector.shape_cast %broadcast_in_dim3A_738 : vector<16x1xi32> to vector<16xi32>
        %gather3A_740 = tpu.dynamic_gather %select_n3A_554[%gather3A_739] in [0] : vector<16xf32>, vector<16xi32> -> vector<16xf32>
        %lt3A_741 = arith.constant 0 : i32
        %lt3A_742 = vector.broadcast %lt3A_741 : i32 to vector<16xi32>
        %lt3A_743 = arith.cmpi slt, %xor3A_29, %lt3A_742 : vector<16xi32>
        %add3A_744 = arith.constant 16 : i32
        %add3A_745 = vector.broadcast %add3A_744 : i32 to vector<16xi32>
        %add3A_746 = arith.addi %xor3A_29, %add3A_745 : vector<16xi32>
        %select_n3A_747 = arith.select %lt3A_743, %add3A_746, %xor3A_29 : vector<16xi1>, vector<16xi32>
        %broadcast_in_dim3A_748 = vector.shape_cast %select_n3A_747 : vector<16xi32> to vector<16x1xi32>
        %gather3A_749 = vector.shape_cast %broadcast_in_dim3A_748 : vector<16x1xi32> to vector<16xi32>
        %gather3A_750 = tpu.dynamic_gather %select_n3A_576[%gather3A_749] in [0] : vector<16xf32>, vector<16xi32> -> vector<16xf32>
        %select_n3A_751 = arith.select %eq3A_12, %select_n3A_554, %gather3A_750 : vector<16xi1>, vector<16xf32>
        %select_n3A_752 = arith.select %eq3A_12, %gather3A_740, %select_n3A_576 : vector<16xi1>, vector<16xf32>
        %lt3A_753 = arith.constant 0 : i32
        %lt3A_754 = vector.broadcast %lt3A_753 : i32 to vector<16xi32>
        %lt3A_755 = arith.cmpi slt, %xor3A_29, %lt3A_754 : vector<16xi32>
        %add3A_756 = arith.constant 16 : i32
        %add3A_757 = vector.broadcast %add3A_756 : i32 to vector<16xi32>
        %add3A_758 = arith.addi %xor3A_29, %add3A_757 : vector<16xi32>
        %select_n3A_759 = arith.select %lt3A_755, %add3A_758, %xor3A_29 : vector<16xi1>, vector<16xi32>
        %broadcast_in_dim3A_760 = vector.shape_cast %select_n3A_759 : vector<16xi32> to vector<16x1xi32>
        %gather3A_761 = vector.shape_cast %broadcast_in_dim3A_760 : vector<16x1xi32> to vector<16xi32>
        %gather3A_762 = tpu.dynamic_gather %select_n3A_597[%gather3A_761] in [0] : vector<16xf32>, vector<16xi32> -> vector<16xf32>
        %lt3A_763 = arith.constant 0 : i32
        %lt3A_764 = vector.broadcast %lt3A_763 : i32 to vector<16xi32>
        %lt3A_765 = arith.cmpi slt, %xor3A_29, %lt3A_764 : vector<16xi32>
        %add3A_766 = arith.constant 16 : i32
        %add3A_767 = vector.broadcast %add3A_766 : i32 to vector<16xi32>
        %add3A_768 = arith.addi %xor3A_29, %add3A_767 : vector<16xi32>
        %select_n3A_769 = arith.select %lt3A_765, %add3A_768, %xor3A_29 : vector<16xi1>, vector<16xi32>
        %broadcast_in_dim3A_770 = vector.shape_cast %select_n3A_769 : vector<16xi32> to vector<16x1xi32>
        %gather3A_771 = vector.shape_cast %broadcast_in_dim3A_770 : vector<16x1xi32> to vector<16xi32>
        %gather3A_772 = tpu.dynamic_gather %select_n3A_619[%gather3A_771] in [0] : vector<16xf32>, vector<16xi32> -> vector<16xf32>
        %select_n3A_773 = arith.select %eq3A_12, %select_n3A_597, %gather3A_772 : vector<16xi1>, vector<16xf32>
        %select_n3A_774 = arith.select %eq3A_12, %gather3A_762, %select_n3A_619 : vector<16xi1>, vector<16xf32>
        %lt3A_775 = arith.constant 0 : i32
        %lt3A_776 = vector.broadcast %lt3A_775 : i32 to vector<16xi32>
        %lt3A_777 = arith.cmpi slt, %xor3A_29, %lt3A_776 : vector<16xi32>
        %add3A_778 = arith.constant 16 : i32
        %add3A_779 = vector.broadcast %add3A_778 : i32 to vector<16xi32>
        %add3A_780 = arith.addi %xor3A_29, %add3A_779 : vector<16xi32>
        %select_n3A_781 = arith.select %lt3A_777, %add3A_780, %xor3A_29 : vector<16xi1>, vector<16xi32>
        %broadcast_in_dim3A_782 = vector.shape_cast %select_n3A_781 : vector<16xi32> to vector<16x1xi32>
        %gather3A_783 = vector.shape_cast %broadcast_in_dim3A_782 : vector<16x1xi32> to vector<16xi32>
        %gather3A_784 = tpu.dynamic_gather %select_n3A_598[%gather3A_783] in [0] : vector<16xf32>, vector<16xi32> -> vector<16xf32>
        %lt3A_785 = arith.constant 0 : i32
        %lt3A_786 = vector.broadcast %lt3A_785 : i32 to vector<16xi32>
        %lt3A_787 = arith.cmpi slt, %xor3A_29, %lt3A_786 : vector<16xi32>
        %add3A_788 = arith.constant 16 : i32
        %add3A_789 = vector.broadcast %add3A_788 : i32 to vector<16xi32>
        %add3A_790 = arith.addi %xor3A_29, %add3A_789 : vector<16xi32>
        %select_n3A_791 = arith.select %lt3A_787, %add3A_790, %xor3A_29 : vector<16xi1>, vector<16xi32>
        %broadcast_in_dim3A_792 = vector.shape_cast %select_n3A_791 : vector<16xi32> to vector<16x1xi32>
        %gather3A_793 = vector.shape_cast %broadcast_in_dim3A_792 : vector<16x1xi32> to vector<16xi32>
        %gather3A_794 = tpu.dynamic_gather %select_n3A_620[%gather3A_793] in [0] : vector<16xf32>, vector<16xi32> -> vector<16xf32>
        %select_n3A_795 = arith.select %eq3A_12, %select_n3A_598, %gather3A_794 : vector<16xi1>, vector<16xf32>
        %select_n3A_796 = arith.select %eq3A_12, %gather3A_784, %select_n3A_620 : vector<16xi1>, vector<16xf32>
        %lt3A_797 = arith.constant 0 : i32
        %lt3A_798 = vector.broadcast %lt3A_797 : i32 to vector<16xi32>
        %lt3A_799 = arith.cmpi slt, %xor3A_29, %lt3A_798 : vector<16xi32>
        %add3A_800 = arith.constant 16 : i32
        %add3A_801 = vector.broadcast %add3A_800 : i32 to vector<16xi32>
        %add3A_802 = arith.addi %xor3A_29, %add3A_801 : vector<16xi32>
        %select_n3A_803 = arith.select %lt3A_799, %add3A_802, %xor3A_29 : vector<16xi1>, vector<16xi32>
        %broadcast_in_dim3A_804 = vector.shape_cast %select_n3A_803 : vector<16xi32> to vector<16x1xi32>
        %gather3A_805 = vector.shape_cast %broadcast_in_dim3A_804 : vector<16x1xi32> to vector<16xi32>
        %gather3A_806 = tpu.dynamic_gather %select_n3A_641[%gather3A_805] in [0] : vector<16xf32>, vector<16xi32> -> vector<16xf32>
        %lt3A_807 = arith.constant 0 : i32
        %lt3A_808 = vector.broadcast %lt3A_807 : i32 to vector<16xi32>
        %lt3A_809 = arith.cmpi slt, %xor3A_29, %lt3A_808 : vector<16xi32>
        %add3A_810 = arith.constant 16 : i32
        %add3A_811 = vector.broadcast %add3A_810 : i32 to vector<16xi32>
        %add3A_812 = arith.addi %xor3A_29, %add3A_811 : vector<16xi32>
        %select_n3A_813 = arith.select %lt3A_809, %add3A_812, %xor3A_29 : vector<16xi1>, vector<16xi32>
        %broadcast_in_dim3A_814 = vector.shape_cast %select_n3A_813 : vector<16xi32> to vector<16x1xi32>
        %gather3A_815 = vector.shape_cast %broadcast_in_dim3A_814 : vector<16x1xi32> to vector<16xi32>
        %gather3A_816 = tpu.dynamic_gather %select_n3A_663[%gather3A_815] in [0] : vector<16xf32>, vector<16xi32> -> vector<16xf32>
        %select_n3A_817 = arith.select %eq3A_12, %select_n3A_641, %gather3A_816 : vector<16xi1>, vector<16xf32>
        %select_n3A_818 = arith.select %eq3A_12, %gather3A_806, %select_n3A_663 : vector<16xi1>, vector<16xf32>
        %lt3A_819 = arith.constant 0 : i32
        %lt3A_820 = vector.broadcast %lt3A_819 : i32 to vector<16xi32>
        %lt3A_821 = arith.cmpi slt, %xor3A_29, %lt3A_820 : vector<16xi32>
        %add3A_822 = arith.constant 16 : i32
        %add3A_823 = vector.broadcast %add3A_822 : i32 to vector<16xi32>
        %add3A_824 = arith.addi %xor3A_29, %add3A_823 : vector<16xi32>
        %select_n3A_825 = arith.select %lt3A_821, %add3A_824, %xor3A_29 : vector<16xi1>, vector<16xi32>
        %broadcast_in_dim3A_826 = vector.shape_cast %select_n3A_825 : vector<16xi32> to vector<16x1xi32>
        %gather3A_827 = vector.shape_cast %broadcast_in_dim3A_826 : vector<16x1xi32> to vector<16xi32>
        %gather3A_828 = tpu.dynamic_gather %select_n3A_642[%gather3A_827] in [0] : vector<16xf32>, vector<16xi32> -> vector<16xf32>
        %lt3A_829 = arith.constant 0 : i32
        %lt3A_830 = vector.broadcast %lt3A_829 : i32 to vector<16xi32>
        %lt3A_831 = arith.cmpi slt, %xor3A_29, %lt3A_830 : vector<16xi32>
        %add3A_832 = arith.constant 16 : i32
        %add3A_833 = vector.broadcast %add3A_832 : i32 to vector<16xi32>
        %add3A_834 = arith.addi %xor3A_29, %add3A_833 : vector<16xi32>
        %select_n3A_835 = arith.select %lt3A_831, %add3A_834, %xor3A_29 : vector<16xi1>, vector<16xi32>
        %broadcast_in_dim3A_836 = vector.shape_cast %select_n3A_835 : vector<16xi32> to vector<16x1xi32>
        %gather3A_837 = vector.shape_cast %broadcast_in_dim3A_836 : vector<16x1xi32> to vector<16xi32>
        %gather3A_838 = tpu.dynamic_gather %select_n3A_664[%gather3A_837] in [0] : vector<16xf32>, vector<16xi32> -> vector<16xf32>
        %select_n3A_839 = arith.select %eq3A_12, %select_n3A_642, %gather3A_838 : vector<16xi1>, vector<16xf32>
        %select_n3A_840 = arith.select %eq3A_12, %gather3A_828, %select_n3A_664 : vector<16xi1>, vector<16xf32>
        %lt3A_841 = arith.constant 0 : i32
        %lt3A_842 = vector.broadcast %lt3A_841 : i32 to vector<16xi32>
        %lt3A_843 = arith.cmpi slt, %xor3A_29, %lt3A_842 : vector<16xi32>
        %add3A_844 = arith.constant 16 : i32
        %add3A_845 = vector.broadcast %add3A_844 : i32 to vector<16xi32>
        %add3A_846 = arith.addi %xor3A_29, %add3A_845 : vector<16xi32>
        %select_n3A_847 = arith.select %lt3A_843, %add3A_846, %xor3A_29 : vector<16xi1>, vector<16xi32>
        %broadcast_in_dim3A_848 = vector.shape_cast %select_n3A_847 : vector<16xi32> to vector<16x1xi32>
        %gather3A_849 = vector.shape_cast %broadcast_in_dim3A_848 : vector<16x1xi32> to vector<16xi32>
        %gather3A_850 = tpu.dynamic_gather %select_n3A_685[%gather3A_849] in [0] : vector<16xf32>, vector<16xi32> -> vector<16xf32>
        %lt3A_851 = arith.constant 0 : i32
        %lt3A_852 = vector.broadcast %lt3A_851 : i32 to vector<16xi32>
        %lt3A_853 = arith.cmpi slt, %xor3A_29, %lt3A_852 : vector<16xi32>
        %add3A_854 = arith.constant 16 : i32
        %add3A_855 = vector.broadcast %add3A_854 : i32 to vector<16xi32>
        %add3A_856 = arith.addi %xor3A_29, %add3A_855 : vector<16xi32>
        %select_n3A_857 = arith.select %lt3A_853, %add3A_856, %xor3A_29 : vector<16xi1>, vector<16xi32>
        %broadcast_in_dim3A_858 = vector.shape_cast %select_n3A_857 : vector<16xi32> to vector<16x1xi32>
        %gather3A_859 = vector.shape_cast %broadcast_in_dim3A_858 : vector<16x1xi32> to vector<16xi32>
        %gather3A_860 = tpu.dynamic_gather %select_n3A_707[%gather3A_859] in [0] : vector<16xf32>, vector<16xi32> -> vector<16xf32>
        %select_n3A_861 = arith.select %eq3A_12, %select_n3A_685, %gather3A_860 : vector<16xi1>, vector<16xf32>
        %select_n3A_862 = arith.select %eq3A_12, %gather3A_850, %select_n3A_707 : vector<16xi1>, vector<16xf32>
        %lt3A_863 = arith.constant 0 : i32
        %lt3A_864 = vector.broadcast %lt3A_863 : i32 to vector<16xi32>
        %lt3A_865 = arith.cmpi slt, %xor3A_29, %lt3A_864 : vector<16xi32>
        %add3A_866 = arith.constant 16 : i32
        %add3A_867 = vector.broadcast %add3A_866 : i32 to vector<16xi32>
        %add3A_868 = arith.addi %xor3A_29, %add3A_867 : vector<16xi32>
        %select_n3A_869 = arith.select %lt3A_865, %add3A_868, %xor3A_29 : vector<16xi1>, vector<16xi32>
        %broadcast_in_dim3A_870 = vector.shape_cast %select_n3A_869 : vector<16xi32> to vector<16x1xi32>
        %gather3A_871 = vector.shape_cast %broadcast_in_dim3A_870 : vector<16x1xi32> to vector<16xi32>
        %gather3A_872 = tpu.dynamic_gather %select_n3A_686[%gather3A_871] in [0] : vector<16xf32>, vector<16xi32> -> vector<16xf32>
        %lt3A_873 = arith.constant 0 : i32
        %lt3A_874 = vector.broadcast %lt3A_873 : i32 to vector<16xi32>
        %lt3A_875 = arith.cmpi slt, %xor3A_29, %lt3A_874 : vector<16xi32>
        %add3A_876 = arith.constant 16 : i32
        %add3A_877 = vector.broadcast %add3A_876 : i32 to vector<16xi32>
        %add3A_878 = arith.addi %xor3A_29, %add3A_877 : vector<16xi32>
        %select_n3A_879 = arith.select %lt3A_875, %add3A_878, %xor3A_29 : vector<16xi1>, vector<16xi32>
        %broadcast_in_dim3A_880 = vector.shape_cast %select_n3A_879 : vector<16xi32> to vector<16x1xi32>
        %gather3A_881 = vector.shape_cast %broadcast_in_dim3A_880 : vector<16x1xi32> to vector<16xi32>
        %gather3A_882 = tpu.dynamic_gather %select_n3A_708[%gather3A_881] in [0] : vector<16xf32>, vector<16xi32> -> vector<16xf32>
        %select_n3A_883 = arith.select %eq3A_12, %select_n3A_686, %gather3A_882 : vector<16xi1>, vector<16xf32>
        %select_n3A_884 = arith.select %eq3A_12, %gather3A_872, %select_n3A_708 : vector<16xi1>, vector<16xf32>
        %lt3A_885 = arith.constant 0 : i32
        %lt3A_886 = vector.broadcast %lt3A_885 : i32 to vector<16xi32>
        %lt3A_887 = arith.cmpi slt, %xor3A_32, %lt3A_886 : vector<16xi32>
        %add3A_888 = arith.constant 16 : i32
        %add3A_889 = vector.broadcast %add3A_888 : i32 to vector<16xi32>
        %add3A_890 = arith.addi %xor3A_32, %add3A_889 : vector<16xi32>
        %select_n3A_891 = arith.select %lt3A_887, %add3A_890, %xor3A_32 : vector<16xi1>, vector<16xi32>
        %broadcast_in_dim3A_892 = vector.shape_cast %select_n3A_891 : vector<16xi32> to vector<16x1xi32>
        %gather3A_893 = vector.shape_cast %broadcast_in_dim3A_892 : vector<16x1xi32> to vector<16xi32>
        %gather3A_894 = tpu.dynamic_gather %select_n3A_729[%gather3A_893] in [0] : vector<16xf32>, vector<16xi32> -> vector<16xf32>
        %lt3A_895 = arith.constant 0 : i32
        %lt3A_896 = vector.broadcast %lt3A_895 : i32 to vector<16xi32>
        %lt3A_897 = arith.cmpi slt, %xor3A_32, %lt3A_896 : vector<16xi32>
        %add3A_898 = arith.constant 16 : i32
        %add3A_899 = vector.broadcast %add3A_898 : i32 to vector<16xi32>
        %add3A_900 = arith.addi %xor3A_32, %add3A_899 : vector<16xi32>
        %select_n3A_901 = arith.select %lt3A_897, %add3A_900, %xor3A_32 : vector<16xi1>, vector<16xi32>
        %broadcast_in_dim3A_902 = vector.shape_cast %select_n3A_901 : vector<16xi32> to vector<16x1xi32>
        %gather3A_903 = vector.shape_cast %broadcast_in_dim3A_902 : vector<16x1xi32> to vector<16xi32>
        %gather3A_904 = tpu.dynamic_gather %select_n3A_773[%gather3A_903] in [0] : vector<16xf32>, vector<16xi32> -> vector<16xf32>
        %select_n3A_905 = arith.select %eq3A_18, %select_n3A_729, %gather3A_904 : vector<16xi1>, vector<16xf32>
        %select_n3A_906 = arith.select %eq3A_18, %gather3A_894, %select_n3A_773 : vector<16xi1>, vector<16xf32>
        %lt3A_907 = arith.constant 0 : i32
        %lt3A_908 = vector.broadcast %lt3A_907 : i32 to vector<16xi32>
        %lt3A_909 = arith.cmpi slt, %xor3A_32, %lt3A_908 : vector<16xi32>
        %add3A_910 = arith.constant 16 : i32
        %add3A_911 = vector.broadcast %add3A_910 : i32 to vector<16xi32>
        %add3A_912 = arith.addi %xor3A_32, %add3A_911 : vector<16xi32>
        %select_n3A_913 = arith.select %lt3A_909, %add3A_912, %xor3A_32 : vector<16xi1>, vector<16xi32>
        %broadcast_in_dim3A_914 = vector.shape_cast %select_n3A_913 : vector<16xi32> to vector<16x1xi32>
        %gather3A_915 = vector.shape_cast %broadcast_in_dim3A_914 : vector<16x1xi32> to vector<16xi32>
        %gather3A_916 = tpu.dynamic_gather %select_n3A_751[%gather3A_915] in [0] : vector<16xf32>, vector<16xi32> -> vector<16xf32>
        %lt3A_917 = arith.constant 0 : i32
        %lt3A_918 = vector.broadcast %lt3A_917 : i32 to vector<16xi32>
        %lt3A_919 = arith.cmpi slt, %xor3A_32, %lt3A_918 : vector<16xi32>
        %add3A_920 = arith.constant 16 : i32
        %add3A_921 = vector.broadcast %add3A_920 : i32 to vector<16xi32>
        %add3A_922 = arith.addi %xor3A_32, %add3A_921 : vector<16xi32>
        %select_n3A_923 = arith.select %lt3A_919, %add3A_922, %xor3A_32 : vector<16xi1>, vector<16xi32>
        %broadcast_in_dim3A_924 = vector.shape_cast %select_n3A_923 : vector<16xi32> to vector<16x1xi32>
        %gather3A_925 = vector.shape_cast %broadcast_in_dim3A_924 : vector<16x1xi32> to vector<16xi32>
        %gather3A_926 = tpu.dynamic_gather %select_n3A_795[%gather3A_925] in [0] : vector<16xf32>, vector<16xi32> -> vector<16xf32>
        %select_n3A_927 = arith.select %eq3A_18, %select_n3A_751, %gather3A_926 : vector<16xi1>, vector<16xf32>
        %select_n3A_928 = arith.select %eq3A_18, %gather3A_916, %select_n3A_795 : vector<16xi1>, vector<16xf32>
        %lt3A_929 = arith.constant 0 : i32
        %lt3A_930 = vector.broadcast %lt3A_929 : i32 to vector<16xi32>
        %lt3A_931 = arith.cmpi slt, %xor3A_32, %lt3A_930 : vector<16xi32>
        %add3A_932 = arith.constant 16 : i32
        %add3A_933 = vector.broadcast %add3A_932 : i32 to vector<16xi32>
        %add3A_934 = arith.addi %xor3A_32, %add3A_933 : vector<16xi32>
        %select_n3A_935 = arith.select %lt3A_931, %add3A_934, %xor3A_32 : vector<16xi1>, vector<16xi32>
        %broadcast_in_dim3A_936 = vector.shape_cast %select_n3A_935 : vector<16xi32> to vector<16x1xi32>
        %gather3A_937 = vector.shape_cast %broadcast_in_dim3A_936 : vector<16x1xi32> to vector<16xi32>
        %gather3A_938 = tpu.dynamic_gather %select_n3A_730[%gather3A_937] in [0] : vector<16xf32>, vector<16xi32> -> vector<16xf32>
        %lt3A_939 = arith.constant 0 : i32
        %lt3A_940 = vector.broadcast %lt3A_939 : i32 to vector<16xi32>
        %lt3A_941 = arith.cmpi slt, %xor3A_32, %lt3A_940 : vector<16xi32>
        %add3A_942 = arith.constant 16 : i32
        %add3A_943 = vector.broadcast %add3A_942 : i32 to vector<16xi32>
        %add3A_944 = arith.addi %xor3A_32, %add3A_943 : vector<16xi32>
        %select_n3A_945 = arith.select %lt3A_941, %add3A_944, %xor3A_32 : vector<16xi1>, vector<16xi32>
        %broadcast_in_dim3A_946 = vector.shape_cast %select_n3A_945 : vector<16xi32> to vector<16x1xi32>
        %gather3A_947 = vector.shape_cast %broadcast_in_dim3A_946 : vector<16x1xi32> to vector<16xi32>
        %gather3A_948 = tpu.dynamic_gather %select_n3A_774[%gather3A_947] in [0] : vector<16xf32>, vector<16xi32> -> vector<16xf32>
        %select_n3A_949 = arith.select %eq3A_18, %select_n3A_730, %gather3A_948 : vector<16xi1>, vector<16xf32>
        %select_n3A_950 = arith.select %eq3A_18, %gather3A_938, %select_n3A_774 : vector<16xi1>, vector<16xf32>
        %lt3A_951 = arith.constant 0 : i32
        %lt3A_952 = vector.broadcast %lt3A_951 : i32 to vector<16xi32>
        %lt3A_953 = arith.cmpi slt, %xor3A_32, %lt3A_952 : vector<16xi32>
        %add3A_954 = arith.constant 16 : i32
        %add3A_955 = vector.broadcast %add3A_954 : i32 to vector<16xi32>
        %add3A_956 = arith.addi %xor3A_32, %add3A_955 : vector<16xi32>
        %select_n3A_957 = arith.select %lt3A_953, %add3A_956, %xor3A_32 : vector<16xi1>, vector<16xi32>
        %broadcast_in_dim3A_958 = vector.shape_cast %select_n3A_957 : vector<16xi32> to vector<16x1xi32>
        %gather3A_959 = vector.shape_cast %broadcast_in_dim3A_958 : vector<16x1xi32> to vector<16xi32>
        %gather3A_960 = tpu.dynamic_gather %select_n3A_752[%gather3A_959] in [0] : vector<16xf32>, vector<16xi32> -> vector<16xf32>
        %lt3A_961 = arith.constant 0 : i32
        %lt3A_962 = vector.broadcast %lt3A_961 : i32 to vector<16xi32>
        %lt3A_963 = arith.cmpi slt, %xor3A_32, %lt3A_962 : vector<16xi32>
        %add3A_964 = arith.constant 16 : i32
        %add3A_965 = vector.broadcast %add3A_964 : i32 to vector<16xi32>
        %add3A_966 = arith.addi %xor3A_32, %add3A_965 : vector<16xi32>
        %select_n3A_967 = arith.select %lt3A_963, %add3A_966, %xor3A_32 : vector<16xi1>, vector<16xi32>
        %broadcast_in_dim3A_968 = vector.shape_cast %select_n3A_967 : vector<16xi32> to vector<16x1xi32>
        %gather3A_969 = vector.shape_cast %broadcast_in_dim3A_968 : vector<16x1xi32> to vector<16xi32>
        %gather3A_970 = tpu.dynamic_gather %select_n3A_796[%gather3A_969] in [0] : vector<16xf32>, vector<16xi32> -> vector<16xf32>
        %select_n3A_971 = arith.select %eq3A_18, %select_n3A_752, %gather3A_970 : vector<16xi1>, vector<16xf32>
        %select_n3A_972 = arith.select %eq3A_18, %gather3A_960, %select_n3A_796 : vector<16xi1>, vector<16xf32>
        %lt3A_973 = arith.constant 0 : i32
        %lt3A_974 = vector.broadcast %lt3A_973 : i32 to vector<16xi32>
        %lt3A_975 = arith.cmpi slt, %xor3A_32, %lt3A_974 : vector<16xi32>
        %add3A_976 = arith.constant 16 : i32
        %add3A_977 = vector.broadcast %add3A_976 : i32 to vector<16xi32>
        %add3A_978 = arith.addi %xor3A_32, %add3A_977 : vector<16xi32>
        %select_n3A_979 = arith.select %lt3A_975, %add3A_978, %xor3A_32 : vector<16xi1>, vector<16xi32>
        %broadcast_in_dim3A_980 = vector.shape_cast %select_n3A_979 : vector<16xi32> to vector<16x1xi32>
        %gather3A_981 = vector.shape_cast %broadcast_in_dim3A_980 : vector<16x1xi32> to vector<16xi32>
        %gather3A_982 = tpu.dynamic_gather %select_n3A_817[%gather3A_981] in [0] : vector<16xf32>, vector<16xi32> -> vector<16xf32>
        %lt3A_983 = arith.constant 0 : i32
        %lt3A_984 = vector.broadcast %lt3A_983 : i32 to vector<16xi32>
        %lt3A_985 = arith.cmpi slt, %xor3A_32, %lt3A_984 : vector<16xi32>
        %add3A_986 = arith.constant 16 : i32
        %add3A_987 = vector.broadcast %add3A_986 : i32 to vector<16xi32>
        %add3A_988 = arith.addi %xor3A_32, %add3A_987 : vector<16xi32>
        %select_n3A_989 = arith.select %lt3A_985, %add3A_988, %xor3A_32 : vector<16xi1>, vector<16xi32>
        %broadcast_in_dim3A_990 = vector.shape_cast %select_n3A_989 : vector<16xi32> to vector<16x1xi32>
        %gather3A_991 = vector.shape_cast %broadcast_in_dim3A_990 : vector<16x1xi32> to vector<16xi32>
        %gather3A_992 = tpu.dynamic_gather %select_n3A_861[%gather3A_991] in [0] : vector<16xf32>, vector<16xi32> -> vector<16xf32>
        %select_n3A_993 = arith.select %eq3A_18, %select_n3A_817, %gather3A_992 : vector<16xi1>, vector<16xf32>
        %select_n3A_994 = arith.select %eq3A_18, %gather3A_982, %select_n3A_861 : vector<16xi1>, vector<16xf32>
        %lt3A_995 = arith.constant 0 : i32
        %lt3A_996 = vector.broadcast %lt3A_995 : i32 to vector<16xi32>
        %lt3A_997 = arith.cmpi slt, %xor3A_32, %lt3A_996 : vector<16xi32>
        %add3A_998 = arith.constant 16 : i32
        %add3A_999 = vector.broadcast %add3A_998 : i32 to vector<16xi32>
        %add3A_1000 = arith.addi %xor3A_32, %add3A_999 : vector<16xi32>
        %select_n3A_1001 = arith.select %lt3A_997, %add3A_1000, %xor3A_32 : vector<16xi1>, vector<16xi32>
        %broadcast_in_dim3A_1002 = vector.shape_cast %select_n3A_1001 : vector<16xi32> to vector<16x1xi32>
        %gather3A_1003 = vector.shape_cast %broadcast_in_dim3A_1002 : vector<16x1xi32> to vector<16xi32>
        %gather3A_1004 = tpu.dynamic_gather %select_n3A_839[%gather3A_1003] in [0] : vector<16xf32>, vector<16xi32> -> vector<16xf32>
        %lt3A_1005 = arith.constant 0 : i32
        %lt3A_1006 = vector.broadcast %lt3A_1005 : i32 to vector<16xi32>
        %lt3A_1007 = arith.cmpi slt, %xor3A_32, %lt3A_1006 : vector<16xi32>
        %add3A_1008 = arith.constant 16 : i32
        %add3A_1009 = vector.broadcast %add3A_1008 : i32 to vector<16xi32>
        %add3A_1010 = arith.addi %xor3A_32, %add3A_1009 : vector<16xi32>
        %select_n3A_1011 = arith.select %lt3A_1007, %add3A_1010, %xor3A_32 : vector<16xi1>, vector<16xi32>
        %broadcast_in_dim3A_1012 = vector.shape_cast %select_n3A_1011 : vector<16xi32> to vector<16x1xi32>
        %gather3A_1013 = vector.shape_cast %broadcast_in_dim3A_1012 : vector<16x1xi32> to vector<16xi32>
        %gather3A_1014 = tpu.dynamic_gather %select_n3A_883[%gather3A_1013] in [0] : vector<16xf32>, vector<16xi32> -> vector<16xf32>
        %select_n3A_1015 = arith.select %eq3A_18, %select_n3A_839, %gather3A_1014 : vector<16xi1>, vector<16xf32>
        %select_n3A_1016 = arith.select %eq3A_18, %gather3A_1004, %select_n3A_883 : vector<16xi1>, vector<16xf32>
        %lt3A_1017 = arith.constant 0 : i32
        %lt3A_1018 = vector.broadcast %lt3A_1017 : i32 to vector<16xi32>
        %lt3A_1019 = arith.cmpi slt, %xor3A_32, %lt3A_1018 : vector<16xi32>
        %add3A_1020 = arith.constant 16 : i32
        %add3A_1021 = vector.broadcast %add3A_1020 : i32 to vector<16xi32>
        %add3A_1022 = arith.addi %xor3A_32, %add3A_1021 : vector<16xi32>
        %select_n3A_1023 = arith.select %lt3A_1019, %add3A_1022, %xor3A_32 : vector<16xi1>, vector<16xi32>
        %broadcast_in_dim3A_1024 = vector.shape_cast %select_n3A_1023 : vector<16xi32> to vector<16x1xi32>
        %gather3A_1025 = vector.shape_cast %broadcast_in_dim3A_1024 : vector<16x1xi32> to vector<16xi32>
        %gather3A_1026 = tpu.dynamic_gather %select_n3A_818[%gather3A_1025] in [0] : vector<16xf32>, vector<16xi32> -> vector<16xf32>
        %lt3A_1027 = arith.constant 0 : i32
        %lt3A_1028 = vector.broadcast %lt3A_1027 : i32 to vector<16xi32>
        %lt3A_1029 = arith.cmpi slt, %xor3A_32, %lt3A_1028 : vector<16xi32>
        %add3A_1030 = arith.constant 16 : i32
        %add3A_1031 = vector.broadcast %add3A_1030 : i32 to vector<16xi32>
        %add3A_1032 = arith.addi %xor3A_32, %add3A_1031 : vector<16xi32>
        %select_n3A_1033 = arith.select %lt3A_1029, %add3A_1032, %xor3A_32 : vector<16xi1>, vector<16xi32>
        %broadcast_in_dim3A_1034 = vector.shape_cast %select_n3A_1033 : vector<16xi32> to vector<16x1xi32>
        %gather3A_1035 = vector.shape_cast %broadcast_in_dim3A_1034 : vector<16x1xi32> to vector<16xi32>
        %gather3A_1036 = tpu.dynamic_gather %select_n3A_862[%gather3A_1035] in [0] : vector<16xf32>, vector<16xi32> -> vector<16xf32>
        %select_n3A_1037 = arith.select %eq3A_18, %select_n3A_818, %gather3A_1036 : vector<16xi1>, vector<16xf32>
        %select_n3A_1038 = arith.select %eq3A_18, %gather3A_1026, %select_n3A_862 : vector<16xi1>, vector<16xf32>
        %lt3A_1039 = arith.constant 0 : i32
        %lt3A_1040 = vector.broadcast %lt3A_1039 : i32 to vector<16xi32>
        %lt3A_1041 = arith.cmpi slt, %xor3A_32, %lt3A_1040 : vector<16xi32>
        %add3A_1042 = arith.constant 16 : i32
        %add3A_1043 = vector.broadcast %add3A_1042 : i32 to vector<16xi32>
        %add3A_1044 = arith.addi %xor3A_32, %add3A_1043 : vector<16xi32>
        %select_n3A_1045 = arith.select %lt3A_1041, %add3A_1044, %xor3A_32 : vector<16xi1>, vector<16xi32>
        %broadcast_in_dim3A_1046 = vector.shape_cast %select_n3A_1045 : vector<16xi32> to vector<16x1xi32>
        %gather3A_1047 = vector.shape_cast %broadcast_in_dim3A_1046 : vector<16x1xi32> to vector<16xi32>
        %gather3A_1048 = tpu.dynamic_gather %select_n3A_840[%gather3A_1047] in [0] : vector<16xf32>, vector<16xi32> -> vector<16xf32>
        %lt3A_1049 = arith.constant 0 : i32
        %lt3A_1050 = vector.broadcast %lt3A_1049 : i32 to vector<16xi32>
        %lt3A_1051 = arith.cmpi slt, %xor3A_32, %lt3A_1050 : vector<16xi32>
        %add3A_1052 = arith.constant 16 : i32
        %add3A_1053 = vector.broadcast %add3A_1052 : i32 to vector<16xi32>
        %add3A_1054 = arith.addi %xor3A_32, %add3A_1053 : vector<16xi32>
        %select_n3A_1055 = arith.select %lt3A_1051, %add3A_1054, %xor3A_32 : vector<16xi1>, vector<16xi32>
        %broadcast_in_dim3A_1056 = vector.shape_cast %select_n3A_1055 : vector<16xi32> to vector<16x1xi32>
        %gather3A_1057 = vector.shape_cast %broadcast_in_dim3A_1056 : vector<16x1xi32> to vector<16xi32>
        %gather3A_1058 = tpu.dynamic_gather %select_n3A_884[%gather3A_1057] in [0] : vector<16xf32>, vector<16xi32> -> vector<16xf32>
        %select_n3A_1059 = arith.select %eq3A_18, %select_n3A_840, %gather3A_1058 : vector<16xi1>, vector<16xf32>
        %select_n3A_1060 = arith.select %eq3A_18, %gather3A_1048, %select_n3A_884 : vector<16xi1>, vector<16xf32>
        %lt3A_1061 = arith.constant 0 : i32
        %lt3A_1062 = vector.broadcast %lt3A_1061 : i32 to vector<16xi32>
        %lt3A_1063 = arith.cmpi slt, %xor3A_35, %lt3A_1062 : vector<16xi32>
        %add3A_1064 = arith.constant 16 : i32
        %add3A_1065 = vector.broadcast %add3A_1064 : i32 to vector<16xi32>
        %add3A_1066 = arith.addi %xor3A_35, %add3A_1065 : vector<16xi32>
        %select_n3A_1067 = arith.select %lt3A_1063, %add3A_1066, %xor3A_35 : vector<16xi1>, vector<16xi32>
        %broadcast_in_dim3A_1068 = vector.shape_cast %select_n3A_1067 : vector<16xi32> to vector<16x1xi32>
        %gather3A_1069 = vector.shape_cast %broadcast_in_dim3A_1068 : vector<16x1xi32> to vector<16xi32>
        %gather3A_1070 = tpu.dynamic_gather %select_n3A_905[%gather3A_1069] in [0] : vector<16xf32>, vector<16xi32> -> vector<16xf32>
        %lt3A_1071 = arith.constant 0 : i32
        %lt3A_1072 = vector.broadcast %lt3A_1071 : i32 to vector<16xi32>
        %lt3A_1073 = arith.cmpi slt, %xor3A_35, %lt3A_1072 : vector<16xi32>
        %add3A_1074 = arith.constant 16 : i32
        %add3A_1075 = vector.broadcast %add3A_1074 : i32 to vector<16xi32>
        %add3A_1076 = arith.addi %xor3A_35, %add3A_1075 : vector<16xi32>
        %select_n3A_1077 = arith.select %lt3A_1073, %add3A_1076, %xor3A_35 : vector<16xi1>, vector<16xi32>
        %broadcast_in_dim3A_1078 = vector.shape_cast %select_n3A_1077 : vector<16xi32> to vector<16x1xi32>
        %gather3A_1079 = vector.shape_cast %broadcast_in_dim3A_1078 : vector<16x1xi32> to vector<16xi32>
        %gather3A_1080 = tpu.dynamic_gather %select_n3A_993[%gather3A_1079] in [0] : vector<16xf32>, vector<16xi32> -> vector<16xf32>
        %select_n3A_1081 = arith.select %eq3A_24, %select_n3A_905, %gather3A_1080 : vector<16xi1>, vector<16xf32>
        %select_n3A_1082 = arith.select %eq3A_24, %gather3A_1070, %select_n3A_993 : vector<16xi1>, vector<16xf32>
        %lt3A_1083 = arith.constant 0 : i32
        %lt3A_1084 = vector.broadcast %lt3A_1083 : i32 to vector<16xi32>
        %lt3A_1085 = arith.cmpi slt, %xor3A_35, %lt3A_1084 : vector<16xi32>
        %add3A_1086 = arith.constant 16 : i32
        %add3A_1087 = vector.broadcast %add3A_1086 : i32 to vector<16xi32>
        %add3A_1088 = arith.addi %xor3A_35, %add3A_1087 : vector<16xi32>
        %select_n3A_1089 = arith.select %lt3A_1085, %add3A_1088, %xor3A_35 : vector<16xi1>, vector<16xi32>
        %broadcast_in_dim3A_1090 = vector.shape_cast %select_n3A_1089 : vector<16xi32> to vector<16x1xi32>
        %gather3A_1091 = vector.shape_cast %broadcast_in_dim3A_1090 : vector<16x1xi32> to vector<16xi32>
        %gather3A_1092 = tpu.dynamic_gather %select_n3A_927[%gather3A_1091] in [0] : vector<16xf32>, vector<16xi32> -> vector<16xf32>
        %lt3A_1093 = arith.constant 0 : i32
        %lt3A_1094 = vector.broadcast %lt3A_1093 : i32 to vector<16xi32>
        %lt3A_1095 = arith.cmpi slt, %xor3A_35, %lt3A_1094 : vector<16xi32>
        %add3A_1096 = arith.constant 16 : i32
        %add3A_1097 = vector.broadcast %add3A_1096 : i32 to vector<16xi32>
        %add3A_1098 = arith.addi %xor3A_35, %add3A_1097 : vector<16xi32>
        %select_n3A_1099 = arith.select %lt3A_1095, %add3A_1098, %xor3A_35 : vector<16xi1>, vector<16xi32>
        %broadcast_in_dim3A_1100 = vector.shape_cast %select_n3A_1099 : vector<16xi32> to vector<16x1xi32>
        %gather3A_1101 = vector.shape_cast %broadcast_in_dim3A_1100 : vector<16x1xi32> to vector<16xi32>
        %gather3A_1102 = tpu.dynamic_gather %select_n3A_1015[%gather3A_1101] in [0] : vector<16xf32>, vector<16xi32> -> vector<16xf32>
        %select_n3A_1103 = arith.select %eq3A_24, %select_n3A_927, %gather3A_1102 : vector<16xi1>, vector<16xf32>
        %select_n3A_1104 = arith.select %eq3A_24, %gather3A_1092, %select_n3A_1015 : vector<16xi1>, vector<16xf32>
        %lt3A_1105 = arith.constant 0 : i32
        %lt3A_1106 = vector.broadcast %lt3A_1105 : i32 to vector<16xi32>
        %lt3A_1107 = arith.cmpi slt, %xor3A_35, %lt3A_1106 : vector<16xi32>
        %add3A_1108 = arith.constant 16 : i32
        %add3A_1109 = vector.broadcast %add3A_1108 : i32 to vector<16xi32>
        %add3A_1110 = arith.addi %xor3A_35, %add3A_1109 : vector<16xi32>
        %select_n3A_1111 = arith.select %lt3A_1107, %add3A_1110, %xor3A_35 : vector<16xi1>, vector<16xi32>
        %broadcast_in_dim3A_1112 = vector.shape_cast %select_n3A_1111 : vector<16xi32> to vector<16x1xi32>
        %gather3A_1113 = vector.shape_cast %broadcast_in_dim3A_1112 : vector<16x1xi32> to vector<16xi32>
        %gather3A_1114 = tpu.dynamic_gather %select_n3A_949[%gather3A_1113] in [0] : vector<16xf32>, vector<16xi32> -> vector<16xf32>
        %lt3A_1115 = arith.constant 0 : i32
        %lt3A_1116 = vector.broadcast %lt3A_1115 : i32 to vector<16xi32>
        %lt3A_1117 = arith.cmpi slt, %xor3A_35, %lt3A_1116 : vector<16xi32>
        %add3A_1118 = arith.constant 16 : i32
        %add3A_1119 = vector.broadcast %add3A_1118 : i32 to vector<16xi32>
        %add3A_1120 = arith.addi %xor3A_35, %add3A_1119 : vector<16xi32>
        %select_n3A_1121 = arith.select %lt3A_1117, %add3A_1120, %xor3A_35 : vector<16xi1>, vector<16xi32>
        %broadcast_in_dim3A_1122 = vector.shape_cast %select_n3A_1121 : vector<16xi32> to vector<16x1xi32>
        %gather3A_1123 = vector.shape_cast %broadcast_in_dim3A_1122 : vector<16x1xi32> to vector<16xi32>
        %gather3A_1124 = tpu.dynamic_gather %select_n3A_1037[%gather3A_1123] in [0] : vector<16xf32>, vector<16xi32> -> vector<16xf32>
        %select_n3A_1125 = arith.select %eq3A_24, %select_n3A_949, %gather3A_1124 : vector<16xi1>, vector<16xf32>
        %select_n3A_1126 = arith.select %eq3A_24, %gather3A_1114, %select_n3A_1037 : vector<16xi1>, vector<16xf32>
        %lt3A_1127 = arith.constant 0 : i32
        %lt3A_1128 = vector.broadcast %lt3A_1127 : i32 to vector<16xi32>
        %lt3A_1129 = arith.cmpi slt, %xor3A_35, %lt3A_1128 : vector<16xi32>
        %add3A_1130 = arith.constant 16 : i32
        %add3A_1131 = vector.broadcast %add3A_1130 : i32 to vector<16xi32>
        %add3A_1132 = arith.addi %xor3A_35, %add3A_1131 : vector<16xi32>
        %select_n3A_1133 = arith.select %lt3A_1129, %add3A_1132, %xor3A_35 : vector<16xi1>, vector<16xi32>
        %broadcast_in_dim3A_1134 = vector.shape_cast %select_n3A_1133 : vector<16xi32> to vector<16x1xi32>
        %gather3A_1135 = vector.shape_cast %broadcast_in_dim3A_1134 : vector<16x1xi32> to vector<16xi32>
        %gather3A_1136 = tpu.dynamic_gather %select_n3A_971[%gather3A_1135] in [0] : vector<16xf32>, vector<16xi32> -> vector<16xf32>
        %lt3A_1137 = arith.constant 0 : i32
        %lt3A_1138 = vector.broadcast %lt3A_1137 : i32 to vector<16xi32>
        %lt3A_1139 = arith.cmpi slt, %xor3A_35, %lt3A_1138 : vector<16xi32>
        %add3A_1140 = arith.constant 16 : i32
        %add3A_1141 = vector.broadcast %add3A_1140 : i32 to vector<16xi32>
        %add3A_1142 = arith.addi %xor3A_35, %add3A_1141 : vector<16xi32>
        %select_n3A_1143 = arith.select %lt3A_1139, %add3A_1142, %xor3A_35 : vector<16xi1>, vector<16xi32>
        %broadcast_in_dim3A_1144 = vector.shape_cast %select_n3A_1143 : vector<16xi32> to vector<16x1xi32>
        %gather3A_1145 = vector.shape_cast %broadcast_in_dim3A_1144 : vector<16x1xi32> to vector<16xi32>
        %gather3A_1146 = tpu.dynamic_gather %select_n3A_1059[%gather3A_1145] in [0] : vector<16xf32>, vector<16xi32> -> vector<16xf32>
        %select_n3A_1147 = arith.select %eq3A_24, %select_n3A_971, %gather3A_1146 : vector<16xi1>, vector<16xf32>
        %select_n3A_1148 = arith.select %eq3A_24, %gather3A_1136, %select_n3A_1059 : vector<16xi1>, vector<16xf32>
        %lt3A_1149 = arith.constant 0 : i32
        %lt3A_1150 = vector.broadcast %lt3A_1149 : i32 to vector<16xi32>
        %lt3A_1151 = arith.cmpi slt, %xor3A_35, %lt3A_1150 : vector<16xi32>
        %add3A_1152 = arith.constant 16 : i32
        %add3A_1153 = vector.broadcast %add3A_1152 : i32 to vector<16xi32>
        %add3A_1154 = arith.addi %xor3A_35, %add3A_1153 : vector<16xi32>
        %select_n3A_1155 = arith.select %lt3A_1151, %add3A_1154, %xor3A_35 : vector<16xi1>, vector<16xi32>
        %broadcast_in_dim3A_1156 = vector.shape_cast %select_n3A_1155 : vector<16xi32> to vector<16x1xi32>
        %gather3A_1157 = vector.shape_cast %broadcast_in_dim3A_1156 : vector<16x1xi32> to vector<16xi32>
        %gather3A_1158 = tpu.dynamic_gather %select_n3A_906[%gather3A_1157] in [0] : vector<16xf32>, vector<16xi32> -> vector<16xf32>
        %lt3A_1159 = arith.constant 0 : i32
        %lt3A_1160 = vector.broadcast %lt3A_1159 : i32 to vector<16xi32>
        %lt3A_1161 = arith.cmpi slt, %xor3A_35, %lt3A_1160 : vector<16xi32>
        %add3A_1162 = arith.constant 16 : i32
        %add3A_1163 = vector.broadcast %add3A_1162 : i32 to vector<16xi32>
        %add3A_1164 = arith.addi %xor3A_35, %add3A_1163 : vector<16xi32>
        %select_n3A_1165 = arith.select %lt3A_1161, %add3A_1164, %xor3A_35 : vector<16xi1>, vector<16xi32>
        %broadcast_in_dim3A_1166 = vector.shape_cast %select_n3A_1165 : vector<16xi32> to vector<16x1xi32>
        %gather3A_1167 = vector.shape_cast %broadcast_in_dim3A_1166 : vector<16x1xi32> to vector<16xi32>
        %gather3A_1168 = tpu.dynamic_gather %select_n3A_994[%gather3A_1167] in [0] : vector<16xf32>, vector<16xi32> -> vector<16xf32>
        %select_n3A_1169 = arith.select %eq3A_24, %select_n3A_906, %gather3A_1168 : vector<16xi1>, vector<16xf32>
        %select_n3A_1170 = arith.select %eq3A_24, %gather3A_1158, %select_n3A_994 : vector<16xi1>, vector<16xf32>
        %lt3A_1171 = arith.constant 0 : i32
        %lt3A_1172 = vector.broadcast %lt3A_1171 : i32 to vector<16xi32>
        %lt3A_1173 = arith.cmpi slt, %xor3A_35, %lt3A_1172 : vector<16xi32>
        %add3A_1174 = arith.constant 16 : i32
        %add3A_1175 = vector.broadcast %add3A_1174 : i32 to vector<16xi32>
        %add3A_1176 = arith.addi %xor3A_35, %add3A_1175 : vector<16xi32>
        %select_n3A_1177 = arith.select %lt3A_1173, %add3A_1176, %xor3A_35 : vector<16xi1>, vector<16xi32>
        %broadcast_in_dim3A_1178 = vector.shape_cast %select_n3A_1177 : vector<16xi32> to vector<16x1xi32>
        %gather3A_1179 = vector.shape_cast %broadcast_in_dim3A_1178 : vector<16x1xi32> to vector<16xi32>
        %gather3A_1180 = tpu.dynamic_gather %select_n3A_928[%gather3A_1179] in [0] : vector<16xf32>, vector<16xi32> -> vector<16xf32>
        %lt3A_1181 = arith.constant 0 : i32
        %lt3A_1182 = vector.broadcast %lt3A_1181 : i32 to vector<16xi32>
        %lt3A_1183 = arith.cmpi slt, %xor3A_35, %lt3A_1182 : vector<16xi32>
        %add3A_1184 = arith.constant 16 : i32
        %add3A_1185 = vector.broadcast %add3A_1184 : i32 to vector<16xi32>
        %add3A_1186 = arith.addi %xor3A_35, %add3A_1185 : vector<16xi32>
        %select_n3A_1187 = arith.select %lt3A_1183, %add3A_1186, %xor3A_35 : vector<16xi1>, vector<16xi32>
        %broadcast_in_dim3A_1188 = vector.shape_cast %select_n3A_1187 : vector<16xi32> to vector<16x1xi32>
        %gather3A_1189 = vector.shape_cast %broadcast_in_dim3A_1188 : vector<16x1xi32> to vector<16xi32>
        %gather3A_1190 = tpu.dynamic_gather %select_n3A_1016[%gather3A_1189] in [0] : vector<16xf32>, vector<16xi32> -> vector<16xf32>
        %select_n3A_1191 = arith.select %eq3A_24, %select_n3A_928, %gather3A_1190 : vector<16xi1>, vector<16xf32>
        %select_n3A_1192 = arith.select %eq3A_24, %gather3A_1180, %select_n3A_1016 : vector<16xi1>, vector<16xf32>
        %lt3A_1193 = arith.constant 0 : i32
        %lt3A_1194 = vector.broadcast %lt3A_1193 : i32 to vector<16xi32>
        %lt3A_1195 = arith.cmpi slt, %xor3A_35, %lt3A_1194 : vector<16xi32>
        %add3A_1196 = arith.constant 16 : i32
        %add3A_1197 = vector.broadcast %add3A_1196 : i32 to vector<16xi32>
        %add3A_1198 = arith.addi %xor3A_35, %add3A_1197 : vector<16xi32>
        %select_n3A_1199 = arith.select %lt3A_1195, %add3A_1198, %xor3A_35 : vector<16xi1>, vector<16xi32>
        %broadcast_in_dim3A_1200 = vector.shape_cast %select_n3A_1199 : vector<16xi32> to vector<16x1xi32>
        %gather3A_1201 = vector.shape_cast %broadcast_in_dim3A_1200 : vector<16x1xi32> to vector<16xi32>
        %gather3A_1202 = tpu.dynamic_gather %select_n3A_950[%gather3A_1201] in [0] : vector<16xf32>, vector<16xi32> -> vector<16xf32>
        %lt3A_1203 = arith.constant 0 : i32
        %lt3A_1204 = vector.broadcast %lt3A_1203 : i32 to vector<16xi32>
        %lt3A_1205 = arith.cmpi slt, %xor3A_35, %lt3A_1204 : vector<16xi32>
        %add3A_1206 = arith.constant 16 : i32
        %add3A_1207 = vector.broadcast %add3A_1206 : i32 to vector<16xi32>
        %add3A_1208 = arith.addi %xor3A_35, %add3A_1207 : vector<16xi32>
        %select_n3A_1209 = arith.select %lt3A_1205, %add3A_1208, %xor3A_35 : vector<16xi1>, vector<16xi32>
        %broadcast_in_dim3A_1210 = vector.shape_cast %select_n3A_1209 : vector<16xi32> to vector<16x1xi32>
        %gather3A_1211 = vector.shape_cast %broadcast_in_dim3A_1210 : vector<16x1xi32> to vector<16xi32>
        %gather3A_1212 = tpu.dynamic_gather %select_n3A_1038[%gather3A_1211] in [0] : vector<16xf32>, vector<16xi32> -> vector<16xf32>
        %select_n3A_1213 = arith.select %eq3A_24, %select_n3A_950, %gather3A_1212 : vector<16xi1>, vector<16xf32>
        %select_n3A_1214 = arith.select %eq3A_24, %gather3A_1202, %select_n3A_1038 : vector<16xi1>, vector<16xf32>
        %lt3A_1215 = arith.constant 0 : i32
        %lt3A_1216 = vector.broadcast %lt3A_1215 : i32 to vector<16xi32>
        %lt3A_1217 = arith.cmpi slt, %xor3A_35, %lt3A_1216 : vector<16xi32>
        %add3A_1218 = arith.constant 16 : i32
        %add3A_1219 = vector.broadcast %add3A_1218 : i32 to vector<16xi32>
        %add3A_1220 = arith.addi %xor3A_35, %add3A_1219 : vector<16xi32>
        %select_n3A_1221 = arith.select %lt3A_1217, %add3A_1220, %xor3A_35 : vector<16xi1>, vector<16xi32>
        %broadcast_in_dim3A_1222 = vector.shape_cast %select_n3A_1221 : vector<16xi32> to vector<16x1xi32>
        %gather3A_1223 = vector.shape_cast %broadcast_in_dim3A_1222 : vector<16x1xi32> to vector<16xi32>
        %gather3A_1224 = tpu.dynamic_gather %select_n3A_972[%gather3A_1223] in [0] : vector<16xf32>, vector<16xi32> -> vector<16xf32>
        %lt3A_1225 = arith.constant 0 : i32
        %lt3A_1226 = vector.broadcast %lt3A_1225 : i32 to vector<16xi32>
        %lt3A_1227 = arith.cmpi slt, %xor3A_35, %lt3A_1226 : vector<16xi32>
        %add3A_1228 = arith.constant 16 : i32
        %add3A_1229 = vector.broadcast %add3A_1228 : i32 to vector<16xi32>
        %add3A_1230 = arith.addi %xor3A_35, %add3A_1229 : vector<16xi32>
        %select_n3A_1231 = arith.select %lt3A_1227, %add3A_1230, %xor3A_35 : vector<16xi1>, vector<16xi32>
        %broadcast_in_dim3A_1232 = vector.shape_cast %select_n3A_1231 : vector<16xi32> to vector<16x1xi32>
        %gather3A_1233 = vector.shape_cast %broadcast_in_dim3A_1232 : vector<16x1xi32> to vector<16xi32>
        %gather3A_1234 = tpu.dynamic_gather %select_n3A_1060[%gather3A_1233] in [0] : vector<16xf32>, vector<16xi32> -> vector<16xf32>
        %select_n3A_1235 = arith.select %eq3A_24, %select_n3A_972, %gather3A_1234 : vector<16xi1>, vector<16xf32>
        %select_n3A_1236 = arith.select %eq3A_24, %gather3A_1224, %select_n3A_1060 : vector<16xi1>, vector<16xf32>
        %mul3A_1237 = vector.broadcast %scan3A : f32 to vector<16xf32>
        %mul3A_1238 = arith.mulf %select_n3A_1081, %mul3A_1237 : vector<16xf32>
        %add3A_1239 = arith.constant 0 : i32
        %add3A_1240 = arith.addi %add3A_1239, %add3A_455 : i32
        %swap3A = arith.index_cast %add3A_1240 : i32 to index
        %swap3A_1241 = tpu.vector_load %arg9[%swap3A] {strides = array<i32>} : memref<16384xf32, #tpu.memory_space<vmem>>, vector<16xf32>,
        tpu.vector_store %arg9[%swap3A], %mul3A_1238 {strides = array<i32>} : memref<16384xf32, #tpu.memory_space<vmem>>, vector<16xf32>,
        %mul3A_1242 = vector.broadcast %scan3A : f32 to vector<16xf32>
        %mul3A_1243 = arith.mulf %select_n3A_1103, %mul3A_1242 : vector<16xf32>
        %add3A_1244 = arith.constant 128 : i32
        %add3A_1245 = arith.addi %add3A_1244, %add3A_455 : i32
        %swap3A_1246 = arith.index_cast %add3A_1245 : i32 to index
        %swap3A_1247 = tpu.vector_load %arg9[%swap3A_1246] {strides = array<i32>} : memref<16384xf32, #tpu.memory_space<vmem>>, vector<16xf32>,
        tpu.vector_store %arg9[%swap3A_1246], %mul3A_1243 {strides = array<i32>} : memref<16384xf32, #tpu.memory_space<vmem>>, vector<16xf32>,
        %mul3A_1248 = vector.broadcast %scan3A : f32 to vector<16xf32>
        %mul3A_1249 = arith.mulf %select_n3A_1125, %mul3A_1248 : vector<16xf32>
        %add3A_1250 = arith.constant 256 : i32
        %add3A_1251 = arith.addi %add3A_1250, %add3A_455 : i32
        %swap3A_1252 = arith.index_cast %add3A_1251 : i32 to index
        %swap3A_1253 = tpu.vector_load %arg9[%swap3A_1252] {strides = array<i32>} : memref<16384xf32, #tpu.memory_space<vmem>>, vector<16xf32>,
        tpu.vector_store %arg9[%swap3A_1252], %mul3A_1249 {strides = array<i32>} : memref<16384xf32, #tpu.memory_space<vmem>>, vector<16xf32>,
        %mul3A_1254 = vector.broadcast %scan3A : f32 to vector<16xf32>
        %mul3A_1255 = arith.mulf %select_n3A_1147, %mul3A_1254 : vector<16xf32>
        %add3A_1256 = arith.constant 384 : i32
        %add3A_1257 = arith.addi %add3A_1256, %add3A_455 : i32
        %swap3A_1258 = arith.index_cast %add3A_1257 : i32 to index
        %swap3A_1259 = tpu.vector_load %arg9[%swap3A_1258] {strides = array<i32>} : memref<16384xf32, #tpu.memory_space<vmem>>, vector<16xf32>,
        tpu.vector_store %arg9[%swap3A_1258], %mul3A_1255 {strides = array<i32>} : memref<16384xf32, #tpu.memory_space<vmem>>, vector<16xf32>,
        %mul3A_1260 = vector.broadcast %scan3A : f32 to vector<16xf32>
        %mul3A_1261 = arith.mulf %select_n3A_1169, %mul3A_1260 : vector<16xf32>
        %add3A_1262 = arith.constant 512 : i32
        %add3A_1263 = arith.addi %add3A_1262, %add3A_455 : i32
        %swap3A_1264 = arith.index_cast %add3A_1263 : i32 to index
        %swap3A_1265 = tpu.vector_load %arg9[%swap3A_1264] {strides = array<i32>} : memref<16384xf32, #tpu.memory_space<vmem>>, vector<16xf32>,
        tpu.vector_store %arg9[%swap3A_1264], %mul3A_1261 {strides = array<i32>} : memref<16384xf32, #tpu.memory_space<vmem>>, vector<16xf32>,
        %mul3A_1266 = vector.broadcast %scan3A : f32 to vector<16xf32>
        %mul3A_1267 = arith.mulf %select_n3A_1191, %mul3A_1266 : vector<16xf32>
        %add3A_1268 = arith.constant 640 : i32
        %add3A_1269 = arith.addi %add3A_1268, %add3A_455 : i32
        %swap3A_1270 = arith.index_cast %add3A_1269 : i32 to index
        %swap3A_1271 = tpu.vector_load %arg9[%swap3A_1270] {strides = array<i32>} : memref<16384xf32, #tpu.memory_space<vmem>>, vector<16xf32>,
        tpu.vector_store %arg9[%swap3A_1270], %mul3A_1267 {strides = array<i32>} : memref<16384xf32, #tpu.memory_space<vmem>>, vector<16xf32>,
        %mul3A_1272 = vector.broadcast %scan3A : f32 to vector<16xf32>
        %mul3A_1273 = arith.mulf %select_n3A_1213, %mul3A_1272 : vector<16xf32>
        %add3A_1274 = arith.constant 768 : i32
        %add3A_1275 = arith.addi %add3A_1274, %add3A_455 : i32
        %swap3A_1276 = arith.index_cast %add3A_1275 : i32 to index
        %swap3A_1277 = tpu.vector_load %arg9[%swap3A_1276] {strides = array<i32>} : memref<16384xf32, #tpu.memory_space<vmem>>, vector<16xf32>,
        tpu.vector_store %arg9[%swap3A_1276], %mul3A_1273 {strides = array<i32>} : memref<16384xf32, #tpu.memory_space<vmem>>, vector<16xf32>,
        %mul3A_1278 = vector.broadcast %scan3A : f32 to vector<16xf32>
        %mul3A_1279 = arith.mulf %select_n3A_1235, %mul3A_1278 : vector<16xf32>
        %add3A_1280 = arith.constant 896 : i32
        %add3A_1281 = arith.addi %add3A_1280, %add3A_455 : i32
        %swap3A_1282 = arith.index_cast %add3A_1281 : i32 to index
        %swap3A_1283 = tpu.vector_load %arg9[%swap3A_1282] {strides = array<i32>} : memref<16384xf32, #tpu.memory_space<vmem>>, vector<16xf32>,
        tpu.vector_store %arg9[%swap3A_1282], %mul3A_1279 {strides = array<i32>} : memref<16384xf32, #tpu.memory_space<vmem>>, vector<16xf32>,
        %mul3A_1284 = vector.broadcast %scan3A : f32 to vector<16xf32>
        %mul3A_1285 = arith.mulf %select_n3A_1082, %mul3A_1284 : vector<16xf32>
        %add3A_1286 = arith.constant 4096 : i32
        %add3A_1287 = arith.addi %add3A_1286, %add3A_455 : i32
        %swap3A_1288 = arith.index_cast %add3A_1287 : i32 to index
        %swap3A_1289 = tpu.vector_load %arg9[%swap3A_1288] {strides = array<i32>} : memref<16384xf32, #tpu.memory_space<vmem>>, vector<16xf32>,
        tpu.vector_store %arg9[%swap3A_1288], %mul3A_1285 {strides = array<i32>} : memref<16384xf32, #tpu.memory_space<vmem>>, vector<16xf32>,
        %mul3A_1290 = vector.broadcast %scan3A : f32 to vector<16xf32>
        %mul3A_1291 = arith.mulf %select_n3A_1104, %mul3A_1290 : vector<16xf32>
        %add3A_1292 = arith.constant 4224 : i32
        %add3A_1293 = arith.addi %add3A_1292, %add3A_455 : i32
        %swap3A_1294 = arith.index_cast %add3A_1293 : i32 to index
        %swap3A_1295 = tpu.vector_load %arg9[%swap3A_1294] {strides = array<i32>} : memref<16384xf32, #tpu.memory_space<vmem>>, vector<16xf32>,
        tpu.vector_store %arg9[%swap3A_1294], %mul3A_1291 {strides = array<i32>} : memref<16384xf32, #tpu.memory_space<vmem>>, vector<16xf32>,
        %mul3A_1296 = vector.broadcast %scan3A : f32 to vector<16xf32>
        %mul3A_1297 = arith.mulf %select_n3A_1126, %mul3A_1296 : vector<16xf32>
        %add3A_1298 = arith.constant 4352 : i32
        %add3A_1299 = arith.addi %add3A_1298, %add3A_455 : i32
        %swap3A_1300 = arith.index_cast %add3A_1299 : i32 to index
        %swap3A_1301 = tpu.vector_load %arg9[%swap3A_1300] {strides = array<i32>} : memref<16384xf32, #tpu.memory_space<vmem>>, vector<16xf32>,
        tpu.vector_store %arg9[%swap3A_1300], %mul3A_1297 {strides = array<i32>} : memref<16384xf32, #tpu.memory_space<vmem>>, vector<16xf32>,
        %mul3A_1302 = vector.broadcast %scan3A : f32 to vector<16xf32>
        %mul3A_1303 = arith.mulf %select_n3A_1148, %mul3A_1302 : vector<16xf32>
        %add3A_1304 = arith.constant 4480 : i32
        %add3A_1305 = arith.addi %add3A_1304, %add3A_455 : i32
        %swap3A_1306 = arith.index_cast %add3A_1305 : i32 to index
        %swap3A_1307 = tpu.vector_load %arg9[%swap3A_1306] {strides = array<i32>} : memref<16384xf32, #tpu.memory_space<vmem>>, vector<16xf32>,
        tpu.vector_store %arg9[%swap3A_1306], %mul3A_1303 {strides = array<i32>} : memref<16384xf32, #tpu.memory_space<vmem>>, vector<16xf32>,
        %mul3A_1308 = vector.broadcast %scan3A : f32 to vector<16xf32>
        %mul3A_1309 = arith.mulf %select_n3A_1170, %mul3A_1308 : vector<16xf32>
        %add3A_1310 = arith.constant 4608 : i32
        %add3A_1311 = arith.addi %add3A_1310, %add3A_455 : i32
        %swap3A_1312 = arith.index_cast %add3A_1311 : i32 to index
        %swap3A_1313 = tpu.vector_load %arg9[%swap3A_1312] {strides = array<i32>} : memref<16384xf32, #tpu.memory_space<vmem>>, vector<16xf32>,
        tpu.vector_store %arg9[%swap3A_1312], %mul3A_1309 {strides = array<i32>} : memref<16384xf32, #tpu.memory_space<vmem>>, vector<16xf32>,
        %mul3A_1314 = vector.broadcast %scan3A : f32 to vector<16xf32>
        %mul3A_1315 = arith.mulf %select_n3A_1192, %mul3A_1314 : vector<16xf32>
        %add3A_1316 = arith.constant 4736 : i32
        %add3A_1317 = arith.addi %add3A_1316, %add3A_455 : i32
        %swap3A_1318 = arith.index_cast %add3A_1317 : i32 to index
        %swap3A_1319 = tpu.vector_load %arg9[%swap3A_1318] {strides = array<i32>} : memref<16384xf32, #tpu.memory_space<vmem>>, vector<16xf32>,
        tpu.vector_store %arg9[%swap3A_1318], %mul3A_1315 {strides = array<i32>} : memref<16384xf32, #tpu.memory_space<vmem>>, vector<16xf32>,
        %mul3A_1320 = vector.broadcast %scan3A : f32 to vector<16xf32>
        %mul3A_1321 = arith.mulf %select_n3A_1214, %mul3A_1320 : vector<16xf32>
        %add3A_1322 = arith.constant 4864 : i32
        %add3A_1323 = arith.addi %add3A_1322, %add3A_455 : i32
        %swap3A_1324 = arith.index_cast %add3A_1323 : i32 to index
        %swap3A_1325 = tpu.vector_load %arg9[%swap3A_1324] {strides = array<i32>} : memref<16384xf32, #tpu.memory_space<vmem>>, vector<16xf32>,
        tpu.vector_store %arg9[%swap3A_1324], %mul3A_1321 {strides = array<i32>} : memref<16384xf32, #tpu.memory_space<vmem>>, vector<16xf32>,
        %mul3A_1326 = vector.broadcast %scan3A : f32 to vector<16xf32>
        %mul3A_1327 = arith.mulf %select_n3A_1236, %mul3A_1326 : vector<16xf32>
        %add3A_1328 = arith.constant 4992 : i32
        %add3A_1329 = arith.addi %add3A_1328, %add3A_455 : i32
        %swap3A_1330 = arith.index_cast %add3A_1329 : i32 to index
        %swap3A_1331 = tpu.vector_load %arg9[%swap3A_1330] {strides = array<i32>} : memref<16384xf32, #tpu.memory_space<vmem>>, vector<16xf32>,
        tpu.vector_store %arg9[%swap3A_1330], %mul3A_1327 {strides = array<i32>} : memref<16384xf32, #tpu.memory_space<vmem>>, vector<16xf32>,
        %add3A_1332 = arith.constant 0 : i32
        %add3A_1333 = arith.addi %add3A_450, %add3A_1332 : i32
        %get3A_1334 = arith.index_cast %add3A_1333 : i32 to index
        %get3A_1335 = arith.constant 16 : index
        %get3A_1336 = tpu.vector_load %arg7[%get3A_1334, %get3A_1335] {strides = array<i32>} : memref<512x32xf32, #tpu.memory_space<vmem>>, vector<16xf32>,
        %add3A_1337 = arith.constant 1 : i32
        %add3A_1338 = arith.addi %add3A_450, %add3A_1337 : i32
        %get3A_1339 = arith.index_cast %add3A_1338 : i32 to index
        %get3A_1340 = arith.constant 16 : index
        %get3A_1341 = tpu.vector_load %arg7[%get3A_1339, %get3A_1340] {strides = array<i32>} : memref<512x32xf32, #tpu.memory_space<vmem>>, vector<16xf32>,
        %add3A_1342 = arith.constant 2 : i32
        %add3A_1343 = arith.addi %add3A_450, %add3A_1342 : i32
        %get3A_1344 = arith.index_cast %add3A_1343 : i32 to index
        %get3A_1345 = arith.constant 16 : index
        %get3A_1346 = tpu.vector_load %arg7[%get3A_1344, %get3A_1345] {strides = array<i32>} : memref<512x32xf32, #tpu.memory_space<vmem>>, vector<16xf32>,
        %add3A_1347 = arith.constant 3 : i32
        %add3A_1348 = arith.addi %add3A_450, %add3A_1347 : i32
        %get3A_1349 = arith.index_cast %add3A_1348 : i32 to index
        %get3A_1350 = arith.constant 16 : index
        %get3A_1351 = tpu.vector_load %arg7[%get3A_1349, %get3A_1350] {strides = array<i32>} : memref<512x32xf32, #tpu.memory_space<vmem>>, vector<16xf32>,
        %add3A_1352 = arith.constant 4 : i32
        %add3A_1353 = arith.addi %add3A_450, %add3A_1352 : i32
        %get3A_1354 = arith.index_cast %add3A_1353 : i32 to index
        %get3A_1355 = arith.constant 16 : index
        %get3A_1356 = tpu.vector_load %arg7[%get3A_1354, %get3A_1355] {strides = array<i32>} : memref<512x32xf32, #tpu.memory_space<vmem>>, vector<16xf32>,
        %add3A_1357 = arith.constant 5 : i32
        %add3A_1358 = arith.addi %add3A_450, %add3A_1357 : i32
        %get3A_1359 = arith.index_cast %add3A_1358 : i32 to index
        %get3A_1360 = arith.constant 16 : index
        %get3A_1361 = tpu.vector_load %arg7[%get3A_1359, %get3A_1360] {strides = array<i32>} : memref<512x32xf32, #tpu.memory_space<vmem>>, vector<16xf32>,
        %add3A_1362 = arith.constant 6 : i32
        %add3A_1363 = arith.addi %add3A_450, %add3A_1362 : i32
        %get3A_1364 = arith.index_cast %add3A_1363 : i32 to index
        %get3A_1365 = arith.constant 16 : index
        %get3A_1366 = tpu.vector_load %arg7[%get3A_1364, %get3A_1365] {strides = array<i32>} : memref<512x32xf32, #tpu.memory_space<vmem>>, vector<16xf32>,
        %add3A_1367 = arith.constant 7 : i32
        %add3A_1368 = arith.addi %add3A_450, %add3A_1367 : i32
        %get3A_1369 = arith.index_cast %add3A_1368 : i32 to index
        %get3A_1370 = arith.constant 16 : index
        %get3A_1371 = tpu.vector_load %arg7[%get3A_1369, %get3A_1370] {strides = array<i32>} : memref<512x32xf32, #tpu.memory_space<vmem>>, vector<16xf32>,
        %add3A_1372 = arith.constant 8 : i32
        %add3A_1373 = arith.addi %add3A_450, %add3A_1372 : i32
        %get3A_1374 = arith.index_cast %add3A_1373 : i32 to index
        %get3A_1375 = arith.constant 16 : index
        %get3A_1376 = tpu.vector_load %arg7[%get3A_1374, %get3A_1375] {strides = array<i32>} : memref<512x32xf32, #tpu.memory_space<vmem>>, vector<16xf32>,
        %add3A_1377 = arith.constant 9 : i32
        %add3A_1378 = arith.addi %add3A_450, %add3A_1377 : i32
        %get3A_1379 = arith.index_cast %add3A_1378 : i32 to index
        %get3A_1380 = arith.constant 16 : index
        %get3A_1381 = tpu.vector_load %arg7[%get3A_1379, %get3A_1380] {strides = array<i32>} : memref<512x32xf32, #tpu.memory_space<vmem>>, vector<16xf32>,
        %add3A_1382 = arith.constant 10 : i32
        %add3A_1383 = arith.addi %add3A_450, %add3A_1382 : i32
        %get3A_1384 = arith.index_cast %add3A_1383 : i32 to index
        %get3A_1385 = arith.constant 16 : index
        %get3A_1386 = tpu.vector_load %arg7[%get3A_1384, %get3A_1385] {strides = array<i32>} : memref<512x32xf32, #tpu.memory_space<vmem>>, vector<16xf32>,
        %add3A_1387 = arith.constant 11 : i32
        %add3A_1388 = arith.addi %add3A_450, %add3A_1387 : i32
        %get3A_1389 = arith.index_cast %add3A_1388 : i32 to index
        %get3A_1390 = arith.constant 16 : index
        %get3A_1391 = tpu.vector_load %arg7[%get3A_1389, %get3A_1390] {strides = array<i32>} : memref<512x32xf32, #tpu.memory_space<vmem>>, vector<16xf32>,
        %add3A_1392 = arith.constant 12 : i32
        %add3A_1393 = arith.addi %add3A_450, %add3A_1392 : i32
        %get3A_1394 = arith.index_cast %add3A_1393 : i32 to index
        %get3A_1395 = arith.constant 16 : index
        %get3A_1396 = tpu.vector_load %arg7[%get3A_1394, %get3A_1395] {strides = array<i32>} : memref<512x32xf32, #tpu.memory_space<vmem>>, vector<16xf32>,
        %add3A_1397 = arith.constant 13 : i32
        %add3A_1398 = arith.addi %add3A_450, %add3A_1397 : i32
        %get3A_1399 = arith.index_cast %add3A_1398 : i32 to index
        %get3A_1400 = arith.constant 16 : index
        %get3A_1401 = tpu.vector_load %arg7[%get3A_1399, %get3A_1400] {strides = array<i32>} : memref<512x32xf32, #tpu.memory_space<vmem>>, vector<16xf32>,
        %add3A_1402 = arith.constant 14 : i32
        %add3A_1403 = arith.addi %add3A_450, %add3A_1402 : i32
        %get3A_1404 = arith.index_cast %add3A_1403 : i32 to index
        %get3A_1405 = arith.constant 16 : index
        %get3A_1406 = tpu.vector_load %arg7[%get3A_1404, %get3A_1405] {strides = array<i32>} : memref<512x32xf32, #tpu.memory_space<vmem>>, vector<16xf32>,
        %add3A_1407 = arith.constant 15 : i32
        %add3A_1408 = arith.addi %add3A_450, %add3A_1407 : i32
        %get3A_1409 = arith.index_cast %add3A_1408 : i32 to index
        %get3A_1410 = arith.constant 16 : index
        %get3A_1411 = tpu.vector_load %arg7[%get3A_1409, %get3A_1410] {strides = array<i32>} : memref<512x32xf32, #tpu.memory_space<vmem>>, vector<16xf32>,
        %lt3A_1412 = arith.constant 0 : i32
        %lt3A_1413 = vector.broadcast %lt3A_1412 : i32 to vector<16xi32>
        %lt3A_1414 = arith.cmpi slt, %xor3A_26, %lt3A_1413 : vector<16xi32>
        %add3A_1415 = arith.constant 16 : i32
        %add3A_1416 = vector.broadcast %add3A_1415 : i32 to vector<16xi32>
        %add3A_1417 = arith.addi %xor3A_26, %add3A_1416 : vector<16xi32>
        %select_n3A_1418 = arith.select %lt3A_1414, %add3A_1417, %xor3A_26 : vector<16xi1>, vector<16xi32>
        %broadcast_in_dim3A_1419 = vector.shape_cast %select_n3A_1418 : vector<16xi32> to vector<16x1xi32>
        %gather3A_1420 = vector.shape_cast %broadcast_in_dim3A_1419 : vector<16x1xi32> to vector<16xi32>
        %gather3A_1421 = tpu.dynamic_gather %get3A_1336[%gather3A_1420] in [0] : vector<16xf32>, vector<16xi32> -> vector<16xf32>
        %lt3A_1422 = arith.constant 0 : i32
        %lt3A_1423 = vector.broadcast %lt3A_1422 : i32 to vector<16xi32>
        %lt3A_1424 = arith.cmpi slt, %xor3A_26, %lt3A_1423 : vector<16xi32>
        %add3A_1425 = arith.constant 16 : i32
        %add3A_1426 = vector.broadcast %add3A_1425 : i32 to vector<16xi32>
        %add3A_1427 = arith.addi %xor3A_26, %add3A_1426 : vector<16xi32>
        %select_n3A_1428 = arith.select %lt3A_1424, %add3A_1427, %xor3A_26 : vector<16xi1>, vector<16xi32>
        %broadcast_in_dim3A_1429 = vector.shape_cast %select_n3A_1428 : vector<16xi32> to vector<16x1xi32>
        %gather3A_1430 = vector.shape_cast %broadcast_in_dim3A_1429 : vector<16x1xi32> to vector<16xi32>
        %gather3A_1431 = tpu.dynamic_gather %get3A_1341[%gather3A_1430] in [0] : vector<16xf32>, vector<16xi32> -> vector<16xf32>
        %select_n3A_1432 = arith.select %eq3A_6, %get3A_1336, %gather3A_1431 : vector<16xi1>, vector<16xf32>
        %select_n3A_1433 = arith.select %eq3A_6, %gather3A_1421, %get3A_1341 : vector<16xi1>, vector<16xf32>
        %lt3A_1434 = arith.constant 0 : i32
        %lt3A_1435 = vector.broadcast %lt3A_1434 : i32 to vector<16xi32>
        %lt3A_1436 = arith.cmpi slt, %xor3A_26, %lt3A_1435 : vector<16xi32>
        %add3A_1437 = arith.constant 16 : i32
        %add3A_1438 = vector.broadcast %add3A_1437 : i32 to vector<16xi32>
        %add3A_1439 = arith.addi %xor3A_26, %add3A_1438 : vector<16xi32>
        %select_n3A_1440 = arith.select %lt3A_1436, %add3A_1439, %xor3A_26 : vector<16xi1>, vector<16xi32>
        %broadcast_in_dim3A_1441 = vector.shape_cast %select_n3A_1440 : vector<16xi32> to vector<16x1xi32>
        %gather3A_1442 = vector.shape_cast %broadcast_in_dim3A_1441 : vector<16x1xi32> to vector<16xi32>
        %gather3A_1443 = tpu.dynamic_gather %get3A_1346[%gather3A_1442] in [0] : vector<16xf32>, vector<16xi32> -> vector<16xf32>
        %lt3A_1444 = arith.constant 0 : i32
        %lt3A_1445 = vector.broadcast %lt3A_1444 : i32 to vector<16xi32>
        %lt3A_1446 = arith.cmpi slt, %xor3A_26, %lt3A_1445 : vector<16xi32>
        %add3A_1447 = arith.constant 16 : i32
        %add3A_1448 = vector.broadcast %add3A_1447 : i32 to vector<16xi32>
        %add3A_1449 = arith.addi %xor3A_26, %add3A_1448 : vector<16xi32>
        %select_n3A_1450 = arith.select %lt3A_1446, %add3A_1449, %xor3A_26 : vector<16xi1>, vector<16xi32>
        %broadcast_in_dim3A_1451 = vector.shape_cast %select_n3A_1450 : vector<16xi32> to vector<16x1xi32>
        %gather3A_1452 = vector.shape_cast %broadcast_in_dim3A_1451 : vector<16x1xi32> to vector<16xi32>
        %gather3A_1453 = tpu.dynamic_gather %get3A_1351[%gather3A_1452] in [0] : vector<16xf32>, vector<16xi32> -> vector<16xf32>
        %select_n3A_1454 = arith.select %eq3A_6, %get3A_1346, %gather3A_1453 : vector<16xi1>, vector<16xf32>
        %select_n3A_1455 = arith.select %eq3A_6, %gather3A_1443, %get3A_1351 : vector<16xi1>, vector<16xf32>
        %lt3A_1456 = arith.constant 0 : i32
        %lt3A_1457 = vector.broadcast %lt3A_1456 : i32 to vector<16xi32>
        %lt3A_1458 = arith.cmpi slt, %xor3A_26, %lt3A_1457 : vector<16xi32>
        %add3A_1459 = arith.constant 16 : i32
        %add3A_1460 = vector.broadcast %add3A_1459 : i32 to vector<16xi32>
        %add3A_1461 = arith.addi %xor3A_26, %add3A_1460 : vector<16xi32>
        %select_n3A_1462 = arith.select %lt3A_1458, %add3A_1461, %xor3A_26 : vector<16xi1>, vector<16xi32>
        %broadcast_in_dim3A_1463 = vector.shape_cast %select_n3A_1462 : vector<16xi32> to vector<16x1xi32>
        %gather3A_1464 = vector.shape_cast %broadcast_in_dim3A_1463 : vector<16x1xi32> to vector<16xi32>
        %gather3A_1465 = tpu.dynamic_gather %get3A_1356[%gather3A_1464] in [0] : vector<16xf32>, vector<16xi32> -> vector<16xf32>
        %lt3A_1466 = arith.constant 0 : i32
        %lt3A_1467 = vector.broadcast %lt3A_1466 : i32 to vector<16xi32>
        %lt3A_1468 = arith.cmpi slt, %xor3A_26, %lt3A_1467 : vector<16xi32>
        %add3A_1469 = arith.constant 16 : i32
        %add3A_1470 = vector.broadcast %add3A_1469 : i32 to vector<16xi32>
        %add3A_1471 = arith.addi %xor3A_26, %add3A_1470 : vector<16xi32>
        %select_n3A_1472 = arith.select %lt3A_1468, %add3A_1471, %xor3A_26 : vector<16xi1>, vector<16xi32>
        %broadcast_in_dim3A_1473 = vector.shape_cast %select_n3A_1472 : vector<16xi32> to vector<16x1xi32>
        %gather3A_1474 = vector.shape_cast %broadcast_in_dim3A_1473 : vector<16x1xi32> to vector<16xi32>
        %gather3A_1475 = tpu.dynamic_gather %get3A_1361[%gather3A_1474] in [0] : vector<16xf32>, vector<16xi32> -> vector<16xf32>
        %select_n3A_1476 = arith.select %eq3A_6, %get3A_1356, %gather3A_1475 : vector<16xi1>, vector<16xf32>
        %select_n3A_1477 = arith.select %eq3A_6, %gather3A_1465, %get3A_1361 : vector<16xi1>, vector<16xf32>
        %lt3A_1478 = arith.constant 0 : i32
        %lt3A_1479 = vector.broadcast %lt3A_1478 : i32 to vector<16xi32>
        %lt3A_1480 = arith.cmpi slt, %xor3A_26, %lt3A_1479 : vector<16xi32>
        %add3A_1481 = arith.constant 16 : i32
        %add3A_1482 = vector.broadcast %add3A_1481 : i32 to vector<16xi32>
        %add3A_1483 = arith.addi %xor3A_26, %add3A_1482 : vector<16xi32>
        %select_n3A_1484 = arith.select %lt3A_1480, %add3A_1483, %xor3A_26 : vector<16xi1>, vector<16xi32>
        %broadcast_in_dim3A_1485 = vector.shape_cast %select_n3A_1484 : vector<16xi32> to vector<16x1xi32>
        %gather3A_1486 = vector.shape_cast %broadcast_in_dim3A_1485 : vector<16x1xi32> to vector<16xi32>
        %gather3A_1487 = tpu.dynamic_gather %get3A_1366[%gather3A_1486] in [0] : vector<16xf32>, vector<16xi32> -> vector<16xf32>
        %lt3A_1488 = arith.constant 0 : i32
        %lt3A_1489 = vector.broadcast %lt3A_1488 : i32 to vector<16xi32>
        %lt3A_1490 = arith.cmpi slt, %xor3A_26, %lt3A_1489 : vector<16xi32>
        %add3A_1491 = arith.constant 16 : i32
        %add3A_1492 = vector.broadcast %add3A_1491 : i32 to vector<16xi32>
        %add3A_1493 = arith.addi %xor3A_26, %add3A_1492 : vector<16xi32>
        %select_n3A_1494 = arith.select %lt3A_1490, %add3A_1493, %xor3A_26 : vector<16xi1>, vector<16xi32>
        %broadcast_in_dim3A_1495 = vector.shape_cast %select_n3A_1494 : vector<16xi32> to vector<16x1xi32>
        %gather3A_1496 = vector.shape_cast %broadcast_in_dim3A_1495 : vector<16x1xi32> to vector<16xi32>
        %gather3A_1497 = tpu.dynamic_gather %get3A_1371[%gather3A_1496] in [0] : vector<16xf32>, vector<16xi32> -> vector<16xf32>
        %select_n3A_1498 = arith.select %eq3A_6, %get3A_1366, %gather3A_1497 : vector<16xi1>, vector<16xf32>
        %select_n3A_1499 = arith.select %eq3A_6, %gather3A_1487, %get3A_1371 : vector<16xi1>, vector<16xf32>
        %lt3A_1500 = arith.constant 0 : i32
        %lt3A_1501 = vector.broadcast %lt3A_1500 : i32 to vector<16xi32>
        %lt3A_1502 = arith.cmpi slt, %xor3A_26, %lt3A_1501 : vector<16xi32>
        %add3A_1503 = arith.constant 16 : i32
        %add3A_1504 = vector.broadcast %add3A_1503 : i32 to vector<16xi32>
        %add3A_1505 = arith.addi %xor3A_26, %add3A_1504 : vector<16xi32>
        %select_n3A_1506 = arith.select %lt3A_1502, %add3A_1505, %xor3A_26 : vector<16xi1>, vector<16xi32>
        %broadcast_in_dim3A_1507 = vector.shape_cast %select_n3A_1506 : vector<16xi32> to vector<16x1xi32>
        %gather3A_1508 = vector.shape_cast %broadcast_in_dim3A_1507 : vector<16x1xi32> to vector<16xi32>
        %gather3A_1509 = tpu.dynamic_gather %get3A_1376[%gather3A_1508] in [0] : vector<16xf32>, vector<16xi32> -> vector<16xf32>
        %lt3A_1510 = arith.constant 0 : i32
        %lt3A_1511 = vector.broadcast %lt3A_1510 : i32 to vector<16xi32>
        %lt3A_1512 = arith.cmpi slt, %xor3A_26, %lt3A_1511 : vector<16xi32>
        %add3A_1513 = arith.constant 16 : i32
        %add3A_1514 = vector.broadcast %add3A_1513 : i32 to vector<16xi32>
        %add3A_1515 = arith.addi %xor3A_26, %add3A_1514 : vector<16xi32>
        %select_n3A_1516 = arith.select %lt3A_1512, %add3A_1515, %xor3A_26 : vector<16xi1>, vector<16xi32>
        %broadcast_in_dim3A_1517 = vector.shape_cast %select_n3A_1516 : vector<16xi32> to vector<16x1xi32>
        %gather3A_1518 = vector.shape_cast %broadcast_in_dim3A_1517 : vector<16x1xi32> to vector<16xi32>
        %gather3A_1519 = tpu.dynamic_gather %get3A_1381[%gather3A_1518] in [0] : vector<16xf32>, vector<16xi32> -> vector<16xf32>
        %select_n3A_1520 = arith.select %eq3A_6, %get3A_1376, %gather3A_1519 : vector<16xi1>, vector<16xf32>
        %select_n3A_1521 = arith.select %eq3A_6, %gather3A_1509, %get3A_1381 : vector<16xi1>, vector<16xf32>
        %lt3A_1522 = arith.constant 0 : i32
        %lt3A_1523 = vector.broadcast %lt3A_1522 : i32 to vector<16xi32>
        %lt3A_1524 = arith.cmpi slt, %xor3A_26, %lt3A_1523 : vector<16xi32>
        %add3A_1525 = arith.constant 16 : i32
        %add3A_1526 = vector.broadcast %add3A_1525 : i32 to vector<16xi32>
        %add3A_1527 = arith.addi %xor3A_26, %add3A_1526 : vector<16xi32>
        %select_n3A_1528 = arith.select %lt3A_1524, %add3A_1527, %xor3A_26 : vector<16xi1>, vector<16xi32>
        %broadcast_in_dim3A_1529 = vector.shape_cast %select_n3A_1528 : vector<16xi32> to vector<16x1xi32>
        %gather3A_1530 = vector.shape_cast %broadcast_in_dim3A_1529 : vector<16x1xi32> to vector<16xi32>
        %gather3A_1531 = tpu.dynamic_gather %get3A_1386[%gather3A_1530] in [0] : vector<16xf32>, vector<16xi32> -> vector<16xf32>
        %lt3A_1532 = arith.constant 0 : i32
        %lt3A_1533 = vector.broadcast %lt3A_1532 : i32 to vector<16xi32>
        %lt3A_1534 = arith.cmpi slt, %xor3A_26, %lt3A_1533 : vector<16xi32>
        %add3A_1535 = arith.constant 16 : i32
        %add3A_1536 = vector.broadcast %add3A_1535 : i32 to vector<16xi32>
        %add3A_1537 = arith.addi %xor3A_26, %add3A_1536 : vector<16xi32>
        %select_n3A_1538 = arith.select %lt3A_1534, %add3A_1537, %xor3A_26 : vector<16xi1>, vector<16xi32>
        %broadcast_in_dim3A_1539 = vector.shape_cast %select_n3A_1538 : vector<16xi32> to vector<16x1xi32>
        %gather3A_1540 = vector.shape_cast %broadcast_in_dim3A_1539 : vector<16x1xi32> to vector<16xi32>
        %gather3A_1541 = tpu.dynamic_gather %get3A_1391[%gather3A_1540] in [0] : vector<16xf32>, vector<16xi32> -> vector<16xf32>
        %select_n3A_1542 = arith.select %eq3A_6, %get3A_1386, %gather3A_1541 : vector<16xi1>, vector<16xf32>
        %select_n3A_1543 = arith.select %eq3A_6, %gather3A_1531, %get3A_1391 : vector<16xi1>, vector<16xf32>
        %lt3A_1544 = arith.constant 0 : i32
        %lt3A_1545 = vector.broadcast %lt3A_1544 : i32 to vector<16xi32>
        %lt3A_1546 = arith.cmpi slt, %xor3A_26, %lt3A_1545 : vector<16xi32>
        %add3A_1547 = arith.constant 16 : i32
        %add3A_1548 = vector.broadcast %add3A_1547 : i32 to vector<16xi32>
        %add3A_1549 = arith.addi %xor3A_26, %add3A_1548 : vector<16xi32>
        %select_n3A_1550 = arith.select %lt3A_1546, %add3A_1549, %xor3A_26 : vector<16xi1>, vector<16xi32>
        %broadcast_in_dim3A_1551 = vector.shape_cast %select_n3A_1550 : vector<16xi32> to vector<16x1xi32>
        %gather3A_1552 = vector.shape_cast %broadcast_in_dim3A_1551 : vector<16x1xi32> to vector<16xi32>
        %gather3A_1553 = tpu.dynamic_gather %get3A_1396[%gather3A_1552] in [0] : vector<16xf32>, vector<16xi32> -> vector<16xf32>
        %lt3A_1554 = arith.constant 0 : i32
        %lt3A_1555 = vector.broadcast %lt3A_1554 : i32 to vector<16xi32>
        %lt3A_1556 = arith.cmpi slt, %xor3A_26, %lt3A_1555 : vector<16xi32>
        %add3A_1557 = arith.constant 16 : i32
        %add3A_1558 = vector.broadcast %add3A_1557 : i32 to vector<16xi32>
        %add3A_1559 = arith.addi %xor3A_26, %add3A_1558 : vector<16xi32>
        %select_n3A_1560 = arith.select %lt3A_1556, %add3A_1559, %xor3A_26 : vector<16xi1>, vector<16xi32>
        %broadcast_in_dim3A_1561 = vector.shape_cast %select_n3A_1560 : vector<16xi32> to vector<16x1xi32>
        %gather3A_1562 = vector.shape_cast %broadcast_in_dim3A_1561 : vector<16x1xi32> to vector<16xi32>
        %gather3A_1563 = tpu.dynamic_gather %get3A_1401[%gather3A_1562] in [0] : vector<16xf32>, vector<16xi32> -> vector<16xf32>
        %select_n3A_1564 = arith.select %eq3A_6, %get3A_1396, %gather3A_1563 : vector<16xi1>, vector<16xf32>
        %select_n3A_1565 = arith.select %eq3A_6, %gather3A_1553, %get3A_1401 : vector<16xi1>, vector<16xf32>
        %lt3A_1566 = arith.constant 0 : i32
        %lt3A_1567 = vector.broadcast %lt3A_1566 : i32 to vector<16xi32>
        %lt3A_1568 = arith.cmpi slt, %xor3A_26, %lt3A_1567 : vector<16xi32>
        %add3A_1569 = arith.constant 16 : i32
        %add3A_1570 = vector.broadcast %add3A_1569 : i32 to vector<16xi32>
        %add3A_1571 = arith.addi %xor3A_26, %add3A_1570 : vector<16xi32>
        %select_n3A_1572 = arith.select %lt3A_1568, %add3A_1571, %xor3A_26 : vector<16xi1>, vector<16xi32>
        %broadcast_in_dim3A_1573 = vector.shape_cast %select_n3A_1572 : vector<16xi32> to vector<16x1xi32>
        %gather3A_1574 = vector.shape_cast %broadcast_in_dim3A_1573 : vector<16x1xi32> to vector<16xi32>
        %gather3A_1575 = tpu.dynamic_gather %get3A_1406[%gather3A_1574] in [0] : vector<16xf32>, vector<16xi32> -> vector<16xf32>
        %lt3A_1576 = arith.constant 0 : i32
        %lt3A_1577 = vector.broadcast %lt3A_1576 : i32 to vector<16xi32>
        %lt3A_1578 = arith.cmpi slt, %xor3A_26, %lt3A_1577 : vector<16xi32>
        %add3A_1579 = arith.constant 16 : i32
        %add3A_1580 = vector.broadcast %add3A_1579 : i32 to vector<16xi32>
        %add3A_1581 = arith.addi %xor3A_26, %add3A_1580 : vector<16xi32>
        %select_n3A_1582 = arith.select %lt3A_1578, %add3A_1581, %xor3A_26 : vector<16xi1>, vector<16xi32>
        %broadcast_in_dim3A_1583 = vector.shape_cast %select_n3A_1582 : vector<16xi32> to vector<16x1xi32>
        %gather3A_1584 = vector.shape_cast %broadcast_in_dim3A_1583 : vector<16x1xi32> to vector<16xi32>
        %gather3A_1585 = tpu.dynamic_gather %get3A_1411[%gather3A_1584] in [0] : vector<16xf32>, vector<16xi32> -> vector<16xf32>
        %select_n3A_1586 = arith.select %eq3A_6, %get3A_1406, %gather3A_1585 : vector<16xi1>, vector<16xf32>
        %select_n3A_1587 = arith.select %eq3A_6, %gather3A_1575, %get3A_1411 : vector<16xi1>, vector<16xf32>
        %lt3A_1588 = arith.constant 0 : i32
        %lt3A_1589 = vector.broadcast %lt3A_1588 : i32 to vector<16xi32>
        %lt3A_1590 = arith.cmpi slt, %xor3A_29, %lt3A_1589 : vector<16xi32>
        %add3A_1591 = arith.constant 16 : i32
        %add3A_1592 = vector.broadcast %add3A_1591 : i32 to vector<16xi32>
        %add3A_1593 = arith.addi %xor3A_29, %add3A_1592 : vector<16xi32>
        %select_n3A_1594 = arith.select %lt3A_1590, %add3A_1593, %xor3A_29 : vector<16xi1>, vector<16xi32>
        %broadcast_in_dim3A_1595 = vector.shape_cast %select_n3A_1594 : vector<16xi32> to vector<16x1xi32>
        %gather3A_1596 = vector.shape_cast %broadcast_in_dim3A_1595 : vector<16x1xi32> to vector<16xi32>
        %gather3A_1597 = tpu.dynamic_gather %select_n3A_1432[%gather3A_1596] in [0] : vector<16xf32>, vector<16xi32> -> vector<16xf32>
        %lt3A_1598 = arith.constant 0 : i32
        %lt3A_1599 = vector.broadcast %lt3A_1598 : i32 to vector<16xi32>
        %lt3A_1600 = arith.cmpi slt, %xor3A_29, %lt3A_1599 : vector<16xi32>
        %add3A_1601 = arith.constant 16 : i32
        %add3A_1602 = vector.broadcast %add3A_1601 : i32 to vector<16xi32>
        %add3A_1603 = arith.addi %xor3A_29, %add3A_1602 : vector<16xi32>
        %select_n3A_1604 = arith.select %lt3A_1600, %add3A_1603, %xor3A_29 : vector<16xi1>, vector<16xi32>
        %broadcast_in_dim3A_1605 = vector.shape_cast %select_n3A_1604 : vector<16xi32> to vector<16x1xi32>
        %gather3A_1606 = vector.shape_cast %broadcast_in_dim3A_1605 : vector<16x1xi32> to vector<16xi32>
        %gather3A_1607 = tpu.dynamic_gather %select_n3A_1454[%gather3A_1606] in [0] : vector<16xf32>, vector<16xi32> -> vector<16xf32>
        %select_n3A_1608 = arith.select %eq3A_12, %select_n3A_1432, %gather3A_1607 : vector<16xi1>, vector<16xf32>
        %select_n3A_1609 = arith.select %eq3A_12, %gather3A_1597, %select_n3A_1454 : vector<16xi1>, vector<16xf32>
        %lt3A_1610 = arith.constant 0 : i32
        %lt3A_1611 = vector.broadcast %lt3A_1610 : i32 to vector<16xi32>
        %lt3A_1612 = arith.cmpi slt, %xor3A_29, %lt3A_1611 : vector<16xi32>
        %add3A_1613 = arith.constant 16 : i32
        %add3A_1614 = vector.broadcast %add3A_1613 : i32 to vector<16xi32>
        %add3A_1615 = arith.addi %xor3A_29, %add3A_1614 : vector<16xi32>
        %select_n3A_1616 = arith.select %lt3A_1612, %add3A_1615, %xor3A_29 : vector<16xi1>, vector<16xi32>
        %broadcast_in_dim3A_1617 = vector.shape_cast %select_n3A_1616 : vector<16xi32> to vector<16x1xi32>
        %gather3A_1618 = vector.shape_cast %broadcast_in_dim3A_1617 : vector<16x1xi32> to vector<16xi32>
        %gather3A_1619 = tpu.dynamic_gather %select_n3A_1433[%gather3A_1618] in [0] : vector<16xf32>, vector<16xi32> -> vector<16xf32>
        %lt3A_1620 = arith.constant 0 : i32
        %lt3A_1621 = vector.broadcast %lt3A_1620 : i32 to vector<16xi32>
        %lt3A_1622 = arith.cmpi slt, %xor3A_29, %lt3A_1621 : vector<16xi32>
        %add3A_1623 = arith.constant 16 : i32
        %add3A_1624 = vector.broadcast %add3A_1623 : i32 to vector<16xi32>
        %add3A_1625 = arith.addi %xor3A_29, %add3A_1624 : vector<16xi32>
        %select_n3A_1626 = arith.select %lt3A_1622, %add3A_1625, %xor3A_29 : vector<16xi1>, vector<16xi32>
        %broadcast_in_dim3A_1627 = vector.shape_cast %select_n3A_1626 : vector<16xi32> to vector<16x1xi32>
        %gather3A_1628 = vector.shape_cast %broadcast_in_dim3A_1627 : vector<16x1xi32> to vector<16xi32>
        %gather3A_1629 = tpu.dynamic_gather %select_n3A_1455[%gather3A_1628] in [0] : vector<16xf32>, vector<16xi32> -> vector<16xf32>
        %select_n3A_1630 = arith.select %eq3A_12, %select_n3A_1433, %gather3A_1629 : vector<16xi1>, vector<16xf32>
        %select_n3A_1631 = arith.select %eq3A_12, %gather3A_1619, %select_n3A_1455 : vector<16xi1>, vector<16xf32>
        %lt3A_1632 = arith.constant 0 : i32
        %lt3A_1633 = vector.broadcast %lt3A_1632 : i32 to vector<16xi32>
        %lt3A_1634 = arith.cmpi slt, %xor3A_29, %lt3A_1633 : vector<16xi32>
        %add3A_1635 = arith.constant 16 : i32
        %add3A_1636 = vector.broadcast %add3A_1635 : i32 to vector<16xi32>
        %add3A_1637 = arith.addi %xor3A_29, %add3A_1636 : vector<16xi32>
        %select_n3A_1638 = arith.select %lt3A_1634, %add3A_1637, %xor3A_29 : vector<16xi1>, vector<16xi32>
        %broadcast_in_dim3A_1639 = vector.shape_cast %select_n3A_1638 : vector<16xi32> to vector<16x1xi32>
        %gather3A_1640 = vector.shape_cast %broadcast_in_dim3A_1639 : vector<16x1xi32> to vector<16xi32>
        %gather3A_1641 = tpu.dynamic_gather %select_n3A_1476[%gather3A_1640] in [0] : vector<16xf32>, vector<16xi32> -> vector<16xf32>
        %lt3A_1642 = arith.constant 0 : i32
        %lt3A_1643 = vector.broadcast %lt3A_1642 : i32 to vector<16xi32>
        %lt3A_1644 = arith.cmpi slt, %xor3A_29, %lt3A_1643 : vector<16xi32>
        %add3A_1645 = arith.constant 16 : i32
        %add3A_1646 = vector.broadcast %add3A_1645 : i32 to vector<16xi32>
        %add3A_1647 = arith.addi %xor3A_29, %add3A_1646 : vector<16xi32>
        %select_n3A_1648 = arith.select %lt3A_1644, %add3A_1647, %xor3A_29 : vector<16xi1>, vector<16xi32>
        %broadcast_in_dim3A_1649 = vector.shape_cast %select_n3A_1648 : vector<16xi32> to vector<16x1xi32>
        %gather3A_1650 = vector.shape_cast %broadcast_in_dim3A_1649 : vector<16x1xi32> to vector<16xi32>
        %gather3A_1651 = tpu.dynamic_gather %select_n3A_1498[%gather3A_1650] in [0] : vector<16xf32>, vector<16xi32> -> vector<16xf32>
        %select_n3A_1652 = arith.select %eq3A_12, %select_n3A_1476, %gather3A_1651 : vector<16xi1>, vector<16xf32>
        %select_n3A_1653 = arith.select %eq3A_12, %gather3A_1641, %select_n3A_1498 : vector<16xi1>, vector<16xf32>
        %lt3A_1654 = arith.constant 0 : i32
        %lt3A_1655 = vector.broadcast %lt3A_1654 : i32 to vector<16xi32>
        %lt3A_1656 = arith.cmpi slt, %xor3A_29, %lt3A_1655 : vector<16xi32>
        %add3A_1657 = arith.constant 16 : i32
        %add3A_1658 = vector.broadcast %add3A_1657 : i32 to vector<16xi32>
        %add3A_1659 = arith.addi %xor3A_29, %add3A_1658 : vector<16xi32>
        %select_n3A_1660 = arith.select %lt3A_1656, %add3A_1659, %xor3A_29 : vector<16xi1>, vector<16xi32>
        %broadcast_in_dim3A_1661 = vector.shape_cast %select_n3A_1660 : vector<16xi32> to vector<16x1xi32>
        %gather3A_1662 = vector.shape_cast %broadcast_in_dim3A_1661 : vector<16x1xi32> to vector<16xi32>
        %gather3A_1663 = tpu.dynamic_gather %select_n3A_1477[%gather3A_1662] in [0] : vector<16xf32>, vector<16xi32> -> vector<16xf32>
        %lt3A_1664 = arith.constant 0 : i32
        %lt3A_1665 = vector.broadcast %lt3A_1664 : i32 to vector<16xi32>
        %lt3A_1666 = arith.cmpi slt, %xor3A_29, %lt3A_1665 : vector<16xi32>
        %add3A_1667 = arith.constant 16 : i32
        %add3A_1668 = vector.broadcast %add3A_1667 : i32 to vector<16xi32>
        %add3A_1669 = arith.addi %xor3A_29, %add3A_1668 : vector<16xi32>
        %select_n3A_1670 = arith.select %lt3A_1666, %add3A_1669, %xor3A_29 : vector<16xi1>, vector<16xi32>
        %broadcast_in_dim3A_1671 = vector.shape_cast %select_n3A_1670 : vector<16xi32> to vector<16x1xi32>
        %gather3A_1672 = vector.shape_cast %broadcast_in_dim3A_1671 : vector<16x1xi32> to vector<16xi32>
        %gather3A_1673 = tpu.dynamic_gather %select_n3A_1499[%gather3A_1672] in [0] : vector<16xf32>, vector<16xi32> -> vector<16xf32>
        %select_n3A_1674 = arith.select %eq3A_12, %select_n3A_1477, %gather3A_1673 : vector<16xi1>, vector<16xf32>
        %select_n3A_1675 = arith.select %eq3A_12, %gather3A_1663, %select_n3A_1499 : vector<16xi1>, vector<16xf32>
        %lt3A_1676 = arith.constant 0 : i32
        %lt3A_1677 = vector.broadcast %lt3A_1676 : i32 to vector<16xi32>
        %lt3A_1678 = arith.cmpi slt, %xor3A_29, %lt3A_1677 : vector<16xi32>
        %add3A_1679 = arith.constant 16 : i32
        %add3A_1680 = vector.broadcast %add3A_1679 : i32 to vector<16xi32>
        %add3A_1681 = arith.addi %xor3A_29, %add3A_1680 : vector<16xi32>
        %select_n3A_1682 = arith.select %lt3A_1678, %add3A_1681, %xor3A_29 : vector<16xi1>, vector<16xi32>
        %broadcast_in_dim3A_1683 = vector.shape_cast %select_n3A_1682 : vector<16xi32> to vector<16x1xi32>
        %gather3A_1684 = vector.shape_cast %broadcast_in_dim3A_1683 : vector<16x1xi32> to vector<16xi32>
        %gather3A_1685 = tpu.dynamic_gather %select_n3A_1520[%gather3A_1684] in [0] : vector<16xf32>, vector<16xi32> -> vector<16xf32>
        %lt3A_1686 = arith.constant 0 : i32
        %lt3A_1687 = vector.broadcast %lt3A_1686 : i32 to vector<16xi32>
        %lt3A_1688 = arith.cmpi slt, %xor3A_29, %lt3A_1687 : vector<16xi32>
        %add3A_1689 = arith.constant 16 : i32
        %add3A_1690 = vector.broadcast %add3A_1689 : i32 to vector<16xi32>
        %add3A_1691 = arith.addi %xor3A_29, %add3A_1690 : vector<16xi32>
        %select_n3A_1692 = arith.select %lt3A_1688, %add3A_1691, %xor3A_29 : vector<16xi1>, vector<16xi32>
        %broadcast_in_dim3A_1693 = vector.shape_cast %select_n3A_1692 : vector<16xi32> to vector<16x1xi32>
        %gather3A_1694 = vector.shape_cast %broadcast_in_dim3A_1693 : vector<16x1xi32> to vector<16xi32>
        %gather3A_1695 = tpu.dynamic_gather %select_n3A_1542[%gather3A_1694] in [0] : vector<16xf32>, vector<16xi32> -> vector<16xf32>
        %select_n3A_1696 = arith.select %eq3A_12, %select_n3A_1520, %gather3A_1695 : vector<16xi1>, vector<16xf32>
        %select_n3A_1697 = arith.select %eq3A_12, %gather3A_1685, %select_n3A_1542 : vector<16xi1>, vector<16xf32>
        %lt3A_1698 = arith.constant 0 : i32
        %lt3A_1699 = vector.broadcast %lt3A_1698 : i32 to vector<16xi32>
        %lt3A_1700 = arith.cmpi slt, %xor3A_29, %lt3A_1699 : vector<16xi32>
        %add3A_1701 = arith.constant 16 : i32
        %add3A_1702 = vector.broadcast %add3A_1701 : i32 to vector<16xi32>
        %add3A_1703 = arith.addi %xor3A_29, %add3A_1702 : vector<16xi32>
        %select_n3A_1704 = arith.select %lt3A_1700, %add3A_1703, %xor3A_29 : vector<16xi1>, vector<16xi32>
        %broadcast_in_dim3A_1705 = vector.shape_cast %select_n3A_1704 : vector<16xi32> to vector<16x1xi32>
        %gather3A_1706 = vector.shape_cast %broadcast_in_dim3A_1705 : vector<16x1xi32> to vector<16xi32>
        %gather3A_1707 = tpu.dynamic_gather %select_n3A_1521[%gather3A_1706] in [0] : vector<16xf32>, vector<16xi32> -> vector<16xf32>
        %lt3A_1708 = arith.constant 0 : i32
        %lt3A_1709 = vector.broadcast %lt3A_1708 : i32 to vector<16xi32>
        %lt3A_1710 = arith.cmpi slt, %xor3A_29, %lt3A_1709 : vector<16xi32>
        %add3A_1711 = arith.constant 16 : i32
        %add3A_1712 = vector.broadcast %add3A_1711 : i32 to vector<16xi32>
        %add3A_1713 = arith.addi %xor3A_29, %add3A_1712 : vector<16xi32>
        %select_n3A_1714 = arith.select %lt3A_1710, %add3A_1713, %xor3A_29 : vector<16xi1>, vector<16xi32>
        %broadcast_in_dim3A_1715 = vector.shape_cast %select_n3A_1714 : vector<16xi32> to vector<16x1xi32>
        %gather3A_1716 = vector.shape_cast %broadcast_in_dim3A_1715 : vector<16x1xi32> to vector<16xi32>
        %gather3A_1717 = tpu.dynamic_gather %select_n3A_1543[%gather3A_1716] in [0] : vector<16xf32>, vector<16xi32> -> vector<16xf32>
        %select_n3A_1718 = arith.select %eq3A_12, %select_n3A_1521, %gather3A_1717 : vector<16xi1>, vector<16xf32>
        %select_n3A_1719 = arith.select %eq3A_12, %gather3A_1707, %select_n3A_1543 : vector<16xi1>, vector<16xf32>
        %lt3A_1720 = arith.constant 0 : i32
        %lt3A_1721 = vector.broadcast %lt3A_1720 : i32 to vector<16xi32>
        %lt3A_1722 = arith.cmpi slt, %xor3A_29, %lt3A_1721 : vector<16xi32>
        %add3A_1723 = arith.constant 16 : i32
        %add3A_1724 = vector.broadcast %add3A_1723 : i32 to vector<16xi32>
        %add3A_1725 = arith.addi %xor3A_29, %add3A_1724 : vector<16xi32>
        %select_n3A_1726 = arith.select %lt3A_1722, %add3A_1725, %xor3A_29 : vector<16xi1>, vector<16xi32>
        %broadcast_in_dim3A_1727 = vector.shape_cast %select_n3A_1726 : vector<16xi32> to vector<16x1xi32>
        %gather3A_1728 = vector.shape_cast %broadcast_in_dim3A_1727 : vector<16x1xi32> to vector<16xi32>
        %gather3A_1729 = tpu.dynamic_gather %select_n3A_1564[%gather3A_1728] in [0] : vector<16xf32>, vector<16xi32> -> vector<16xf32>
        %lt3A_1730 = arith.constant 0 : i32
        %lt3A_1731 = vector.broadcast %lt3A_1730 : i32 to vector<16xi32>
        %lt3A_1732 = arith.cmpi slt, %xor3A_29, %lt3A_1731 : vector<16xi32>
        %add3A_1733 = arith.constant 16 : i32
        %add3A_1734 = vector.broadcast %add3A_1733 : i32 to vector<16xi32>
        %add3A_1735 = arith.addi %xor3A_29, %add3A_1734 : vector<16xi32>
        %select_n3A_1736 = arith.select %lt3A_1732, %add3A_1735, %xor3A_29 : vector<16xi1>, vector<16xi32>
        %broadcast_in_dim3A_1737 = vector.shape_cast %select_n3A_1736 : vector<16xi32> to vector<16x1xi32>
        %gather3A_1738 = vector.shape_cast %broadcast_in_dim3A_1737 : vector<16x1xi32> to vector<16xi32>
        %gather3A_1739 = tpu.dynamic_gather %select_n3A_1586[%gather3A_1738] in [0] : vector<16xf32>, vector<16xi32> -> vector<16xf32>
        %select_n3A_1740 = arith.select %eq3A_12, %select_n3A_1564, %gather3A_1739 : vector<16xi1>, vector<16xf32>
        %select_n3A_1741 = arith.select %eq3A_12, %gather3A_1729, %select_n3A_1586 : vector<16xi1>, vector<16xf32>
        %lt3A_1742 = arith.constant 0 : i32
        %lt3A_1743 = vector.broadcast %lt3A_1742 : i32 to vector<16xi32>
        %lt3A_1744 = arith.cmpi slt, %xor3A_29, %lt3A_1743 : vector<16xi32>
        %add3A_1745 = arith.constant 16 : i32
        %add3A_1746 = vector.broadcast %add3A_1745 : i32 to vector<16xi32>
        %add3A_1747 = arith.addi %xor3A_29, %add3A_1746 : vector<16xi32>
        %select_n3A_1748 = arith.select %lt3A_1744, %add3A_1747, %xor3A_29 : vector<16xi1>, vector<16xi32>
        %broadcast_in_dim3A_1749 = vector.shape_cast %select_n3A_1748 : vector<16xi32> to vector<16x1xi32>
        %gather3A_1750 = vector.shape_cast %broadcast_in_dim3A_1749 : vector<16x1xi32> to vector<16xi32>
        %gather3A_1751 = tpu.dynamic_gather %select_n3A_1565[%gather3A_1750] in [0] : vector<16xf32>, vector<16xi32> -> vector<16xf32>
        %lt3A_1752 = arith.constant 0 : i32
        %lt3A_1753 = vector.broadcast %lt3A_1752 : i32 to vector<16xi32>
        %lt3A_1754 = arith.cmpi slt, %xor3A_29, %lt3A_1753 : vector<16xi32>
        %add3A_1755 = arith.constant 16 : i32
        %add3A_1756 = vector.broadcast %add3A_1755 : i32 to vector<16xi32>
        %add3A_1757 = arith.addi %xor3A_29, %add3A_1756 : vector<16xi32>
        %select_n3A_1758 = arith.select %lt3A_1754, %add3A_1757, %xor3A_29 : vector<16xi1>, vector<16xi32>
        %broadcast_in_dim3A_1759 = vector.shape_cast %select_n3A_1758 : vector<16xi32> to vector<16x1xi32>
        %gather3A_1760 = vector.shape_cast %broadcast_in_dim3A_1759 : vector<16x1xi32> to vector<16xi32>
        %gather3A_1761 = tpu.dynamic_gather %select_n3A_1587[%gather3A_1760] in [0] : vector<16xf32>, vector<16xi32> -> vector<16xf32>
        %select_n3A_1762 = arith.select %eq3A_12, %select_n3A_1565, %gather3A_1761 : vector<16xi1>, vector<16xf32>
        %select_n3A_1763 = arith.select %eq3A_12, %gather3A_1751, %select_n3A_1587 : vector<16xi1>, vector<16xf32>
        %lt3A_1764 = arith.constant 0 : i32
        %lt3A_1765 = vector.broadcast %lt3A_1764 : i32 to vector<16xi32>
        %lt3A_1766 = arith.cmpi slt, %xor3A_32, %lt3A_1765 : vector<16xi32>
        %add3A_1767 = arith.constant 16 : i32
        %add3A_1768 = vector.broadcast %add3A_1767 : i32 to vector<16xi32>
        %add3A_1769 = arith.addi %xor3A_32, %add3A_1768 : vector<16xi32>
        %select_n3A_1770 = arith.select %lt3A_1766, %add3A_1769, %xor3A_32 : vector<16xi1>, vector<16xi32>
        %broadcast_in_dim3A_1771 = vector.shape_cast %select_n3A_1770 : vector<16xi32> to vector<16x1xi32>
        %gather3A_1772 = vector.shape_cast %broadcast_in_dim3A_1771 : vector<16x1xi32> to vector<16xi32>
        %gather3A_1773 = tpu.dynamic_gather %select_n3A_1608[%gather3A_1772] in [0] : vector<16xf32>, vector<16xi32> -> vector<16xf32>
        %lt3A_1774 = arith.constant 0 : i32
        %lt3A_1775 = vector.broadcast %lt3A_1774 : i32 to vector<16xi32>
        %lt3A_1776 = arith.cmpi slt, %xor3A_32, %lt3A_1775 : vector<16xi32>
        %add3A_1777 = arith.constant 16 : i32
        %add3A_1778 = vector.broadcast %add3A_1777 : i32 to vector<16xi32>
        %add3A_1779 = arith.addi %xor3A_32, %add3A_1778 : vector<16xi32>
        %select_n3A_1780 = arith.select %lt3A_1776, %add3A_1779, %xor3A_32 : vector<16xi1>, vector<16xi32>
        %broadcast_in_dim3A_1781 = vector.shape_cast %select_n3A_1780 : vector<16xi32> to vector<16x1xi32>
        %gather3A_1782 = vector.shape_cast %broadcast_in_dim3A_1781 : vector<16x1xi32> to vector<16xi32>
        %gather3A_1783 = tpu.dynamic_gather %select_n3A_1652[%gather3A_1782] in [0] : vector<16xf32>, vector<16xi32> -> vector<16xf32>
        %select_n3A_1784 = arith.select %eq3A_18, %select_n3A_1608, %gather3A_1783 : vector<16xi1>, vector<16xf32>
        %select_n3A_1785 = arith.select %eq3A_18, %gather3A_1773, %select_n3A_1652 : vector<16xi1>, vector<16xf32>
        %lt3A_1786 = arith.constant 0 : i32
        %lt3A_1787 = vector.broadcast %lt3A_1786 : i32 to vector<16xi32>
        %lt3A_1788 = arith.cmpi slt, %xor3A_32, %lt3A_1787 : vector<16xi32>
        %add3A_1789 = arith.constant 16 : i32
        %add3A_1790 = vector.broadcast %add3A_1789 : i32 to vector<16xi32>
        %add3A_1791 = arith.addi %xor3A_32, %add3A_1790 : vector<16xi32>
        %select_n3A_1792 = arith.select %lt3A_1788, %add3A_1791, %xor3A_32 : vector<16xi1>, vector<16xi32>
        %broadcast_in_dim3A_1793 = vector.shape_cast %select_n3A_1792 : vector<16xi32> to vector<16x1xi32>
        %gather3A_1794 = vector.shape_cast %broadcast_in_dim3A_1793 : vector<16x1xi32> to vector<16xi32>
        %gather3A_1795 = tpu.dynamic_gather %select_n3A_1630[%gather3A_1794] in [0] : vector<16xf32>, vector<16xi32> -> vector<16xf32>
        %lt3A_1796 = arith.constant 0 : i32
        %lt3A_1797 = vector.broadcast %lt3A_1796 : i32 to vector<16xi32>
        %lt3A_1798 = arith.cmpi slt, %xor3A_32, %lt3A_1797 : vector<16xi32>
        %add3A_1799 = arith.constant 16 : i32
        %add3A_1800 = vector.broadcast %add3A_1799 : i32 to vector<16xi32>
        %add3A_1801 = arith.addi %xor3A_32, %add3A_1800 : vector<16xi32>
        %select_n3A_1802 = arith.select %lt3A_1798, %add3A_1801, %xor3A_32 : vector<16xi1>, vector<16xi32>
        %broadcast_in_dim3A_1803 = vector.shape_cast %select_n3A_1802 : vector<16xi32> to vector<16x1xi32>
        %gather3A_1804 = vector.shape_cast %broadcast_in_dim3A_1803 : vector<16x1xi32> to vector<16xi32>
        %gather3A_1805 = tpu.dynamic_gather %select_n3A_1674[%gather3A_1804] in [0] : vector<16xf32>, vector<16xi32> -> vector<16xf32>
        %select_n3A_1806 = arith.select %eq3A_18, %select_n3A_1630, %gather3A_1805 : vector<16xi1>, vector<16xf32>
        %select_n3A_1807 = arith.select %eq3A_18, %gather3A_1795, %select_n3A_1674 : vector<16xi1>, vector<16xf32>
        %lt3A_1808 = arith.constant 0 : i32
        %lt3A_1809 = vector.broadcast %lt3A_1808 : i32 to vector<16xi32>
        %lt3A_1810 = arith.cmpi slt, %xor3A_32, %lt3A_1809 : vector<16xi32>
        %add3A_1811 = arith.constant 16 : i32
        %add3A_1812 = vector.broadcast %add3A_1811 : i32 to vector<16xi32>
        %add3A_1813 = arith.addi %xor3A_32, %add3A_1812 : vector<16xi32>
        %select_n3A_1814 = arith.select %lt3A_1810, %add3A_1813, %xor3A_32 : vector<16xi1>, vector<16xi32>
        %broadcast_in_dim3A_1815 = vector.shape_cast %select_n3A_1814 : vector<16xi32> to vector<16x1xi32>
        %gather3A_1816 = vector.shape_cast %broadcast_in_dim3A_1815 : vector<16x1xi32> to vector<16xi32>
        %gather3A_1817 = tpu.dynamic_gather %select_n3A_1609[%gather3A_1816] in [0] : vector<16xf32>, vector<16xi32> -> vector<16xf32>
        %lt3A_1818 = arith.constant 0 : i32
        %lt3A_1819 = vector.broadcast %lt3A_1818 : i32 to vector<16xi32>
        %lt3A_1820 = arith.cmpi slt, %xor3A_32, %lt3A_1819 : vector<16xi32>
        %add3A_1821 = arith.constant 16 : i32
        %add3A_1822 = vector.broadcast %add3A_1821 : i32 to vector<16xi32>
        %add3A_1823 = arith.addi %xor3A_32, %add3A_1822 : vector<16xi32>
        %select_n3A_1824 = arith.select %lt3A_1820, %add3A_1823, %xor3A_32 : vector<16xi1>, vector<16xi32>
        %broadcast_in_dim3A_1825 = vector.shape_cast %select_n3A_1824 : vector<16xi32> to vector<16x1xi32>
        %gather3A_1826 = vector.shape_cast %broadcast_in_dim3A_1825 : vector<16x1xi32> to vector<16xi32>
        %gather3A_1827 = tpu.dynamic_gather %select_n3A_1653[%gather3A_1826] in [0] : vector<16xf32>, vector<16xi32> -> vector<16xf32>
        %select_n3A_1828 = arith.select %eq3A_18, %select_n3A_1609, %gather3A_1827 : vector<16xi1>, vector<16xf32>
        %select_n3A_1829 = arith.select %eq3A_18, %gather3A_1817, %select_n3A_1653 : vector<16xi1>, vector<16xf32>
        %lt3A_1830 = arith.constant 0 : i32
        %lt3A_1831 = vector.broadcast %lt3A_1830 : i32 to vector<16xi32>
        %lt3A_1832 = arith.cmpi slt, %xor3A_32, %lt3A_1831 : vector<16xi32>
        %add3A_1833 = arith.constant 16 : i32
        %add3A_1834 = vector.broadcast %add3A_1833 : i32 to vector<16xi32>
        %add3A_1835 = arith.addi %xor3A_32, %add3A_1834 : vector<16xi32>
        %select_n3A_1836 = arith.select %lt3A_1832, %add3A_1835, %xor3A_32 : vector<16xi1>, vector<16xi32>
        %broadcast_in_dim3A_1837 = vector.shape_cast %select_n3A_1836 : vector<16xi32> to vector<16x1xi32>
        %gather3A_1838 = vector.shape_cast %broadcast_in_dim3A_1837 : vector<16x1xi32> to vector<16xi32>
        %gather3A_1839 = tpu.dynamic_gather %select_n3A_1631[%gather3A_1838] in [0] : vector<16xf32>, vector<16xi32> -> vector<16xf32>
        %lt3A_1840 = arith.constant 0 : i32
        %lt3A_1841 = vector.broadcast %lt3A_1840 : i32 to vector<16xi32>
        %lt3A_1842 = arith.cmpi slt, %xor3A_32, %lt3A_1841 : vector<16xi32>
        %add3A_1843 = arith.constant 16 : i32
        %add3A_1844 = vector.broadcast %add3A_1843 : i32 to vector<16xi32>
        %add3A_1845 = arith.addi %xor3A_32, %add3A_1844 : vector<16xi32>
        %select_n3A_1846 = arith.select %lt3A_1842, %add3A_1845, %xor3A_32 : vector<16xi1>, vector<16xi32>
        %broadcast_in_dim3A_1847 = vector.shape_cast %select_n3A_1846 : vector<16xi32> to vector<16x1xi32>
        %gather3A_1848 = vector.shape_cast %broadcast_in_dim3A_1847 : vector<16x1xi32> to vector<16xi32>
        %gather3A_1849 = tpu.dynamic_gather %select_n3A_1675[%gather3A_1848] in [0] : vector<16xf32>, vector<16xi32> -> vector<16xf32>
        %select_n3A_1850 = arith.select %eq3A_18, %select_n3A_1631, %gather3A_1849 : vector<16xi1>, vector<16xf32>
        %select_n3A_1851 = arith.select %eq3A_18, %gather3A_1839, %select_n3A_1675 : vector<16xi1>, vector<16xf32>
        %lt3A_1852 = arith.constant 0 : i32
        %lt3A_1853 = vector.broadcast %lt3A_1852 : i32 to vector<16xi32>
        %lt3A_1854 = arith.cmpi slt, %xor3A_32, %lt3A_1853 : vector<16xi32>
        %add3A_1855 = arith.constant 16 : i32
        %add3A_1856 = vector.broadcast %add3A_1855 : i32 to vector<16xi32>
        %add3A_1857 = arith.addi %xor3A_32, %add3A_1856 : vector<16xi32>
        %select_n3A_1858 = arith.select %lt3A_1854, %add3A_1857, %xor3A_32 : vector<16xi1>, vector<16xi32>
        %broadcast_in_dim3A_1859 = vector.shape_cast %select_n3A_1858 : vector<16xi32> to vector<16x1xi32>
        %gather3A_1860 = vector.shape_cast %broadcast_in_dim3A_1859 : vector<16x1xi32> to vector<16xi32>
        %gather3A_1861 = tpu.dynamic_gather %select_n3A_1696[%gather3A_1860] in [0] : vector<16xf32>, vector<16xi32> -> vector<16xf32>
        %lt3A_1862 = arith.constant 0 : i32
        %lt3A_1863 = vector.broadcast %lt3A_1862 : i32 to vector<16xi32>
        %lt3A_1864 = arith.cmpi slt, %xor3A_32, %lt3A_1863 : vector<16xi32>
        %add3A_1865 = arith.constant 16 : i32
        %add3A_1866 = vector.broadcast %add3A_1865 : i32 to vector<16xi32>
        %add3A_1867 = arith.addi %xor3A_32, %add3A_1866 : vector<16xi32>
        %select_n3A_1868 = arith.select %lt3A_1864, %add3A_1867, %xor3A_32 : vector<16xi1>, vector<16xi32>
        %broadcast_in_dim3A_1869 = vector.shape_cast %select_n3A_1868 : vector<16xi32> to vector<16x1xi32>
        %gather3A_1870 = vector.shape_cast %broadcast_in_dim3A_1869 : vector<16x1xi32> to vector<16xi32>
        %gather3A_1871 = tpu.dynamic_gather %select_n3A_1740[%gather3A_1870] in [0] : vector<16xf32>, vector<16xi32> -> vector<16xf32>
        %select_n3A_1872 = arith.select %eq3A_18, %select_n3A_1696, %gather3A_1871 : vector<16xi1>, vector<16xf32>
        %select_n3A_1873 = arith.select %eq3A_18, %gather3A_1861, %select_n3A_1740 : vector<16xi1>, vector<16xf32>
        %lt3A_1874 = arith.constant 0 : i32
        %lt3A_1875 = vector.broadcast %lt3A_1874 : i32 to vector<16xi32>
        %lt3A_1876 = arith.cmpi slt, %xor3A_32, %lt3A_1875 : vector<16xi32>
        %add3A_1877 = arith.constant 16 : i32
        %add3A_1878 = vector.broadcast %add3A_1877 : i32 to vector<16xi32>
        %add3A_1879 = arith.addi %xor3A_32, %add3A_1878 : vector<16xi32>
        %select_n3A_1880 = arith.select %lt3A_1876, %add3A_1879, %xor3A_32 : vector<16xi1>, vector<16xi32>
        %broadcast_in_dim3A_1881 = vector.shape_cast %select_n3A_1880 : vector<16xi32> to vector<16x1xi32>
        %gather3A_1882 = vector.shape_cast %broadcast_in_dim3A_1881 : vector<16x1xi32> to vector<16xi32>
        %gather3A_1883 = tpu.dynamic_gather %select_n3A_1718[%gather3A_1882] in [0] : vector<16xf32>, vector<16xi32> -> vector<16xf32>
        %lt3A_1884 = arith.constant 0 : i32
        %lt3A_1885 = vector.broadcast %lt3A_1884 : i32 to vector<16xi32>
        %lt3A_1886 = arith.cmpi slt, %xor3A_32, %lt3A_1885 : vector<16xi32>
        %add3A_1887 = arith.constant 16 : i32
        %add3A_1888 = vector.broadcast %add3A_1887 : i32 to vector<16xi32>
        %add3A_1889 = arith.addi %xor3A_32, %add3A_1888 : vector<16xi32>
        %select_n3A_1890 = arith.select %lt3A_1886, %add3A_1889, %xor3A_32 : vector<16xi1>, vector<16xi32>
        %broadcast_in_dim3A_1891 = vector.shape_cast %select_n3A_1890 : vector<16xi32> to vector<16x1xi32>
        %gather3A_1892 = vector.shape_cast %broadcast_in_dim3A_1891 : vector<16x1xi32> to vector<16xi32>
        %gather3A_1893 = tpu.dynamic_gather %select_n3A_1762[%gather3A_1892] in [0] : vector<16xf32>, vector<16xi32> -> vector<16xf32>
        %select_n3A_1894 = arith.select %eq3A_18, %select_n3A_1718, %gather3A_1893 : vector<16xi1>, vector<16xf32>
        %select_n3A_1895 = arith.select %eq3A_18, %gather3A_1883, %select_n3A_1762 : vector<16xi1>, vector<16xf32>
        %lt3A_1896 = arith.constant 0 : i32
        %lt3A_1897 = vector.broadcast %lt3A_1896 : i32 to vector<16xi32>
        %lt3A_1898 = arith.cmpi slt, %xor3A_32, %lt3A_1897 : vector<16xi32>
        %add3A_1899 = arith.constant 16 : i32
        %add3A_1900 = vector.broadcast %add3A_1899 : i32 to vector<16xi32>
        %add3A_1901 = arith.addi %xor3A_32, %add3A_1900 : vector<16xi32>
        %select_n3A_1902 = arith.select %lt3A_1898, %add3A_1901, %xor3A_32 : vector<16xi1>, vector<16xi32>
        %broadcast_in_dim3A_1903 = vector.shape_cast %select_n3A_1902 : vector<16xi32> to vector<16x1xi32>
        %gather3A_1904 = vector.shape_cast %broadcast_in_dim3A_1903 : vector<16x1xi32> to vector<16xi32>
        %gather3A_1905 = tpu.dynamic_gather %select_n3A_1697[%gather3A_1904] in [0] : vector<16xf32>, vector<16xi32> -> vector<16xf32>
        %lt3A_1906 = arith.constant 0 : i32
        %lt3A_1907 = vector.broadcast %lt3A_1906 : i32 to vector<16xi32>
        %lt3A_1908 = arith.cmpi slt, %xor3A_32, %lt3A_1907 : vector<16xi32>
        %add3A_1909 = arith.constant 16 : i32
        %add3A_1910 = vector.broadcast %add3A_1909 : i32 to vector<16xi32>
        %add3A_1911 = arith.addi %xor3A_32, %add3A_1910 : vector<16xi32>
        %select_n3A_1912 = arith.select %lt3A_1908, %add3A_1911, %xor3A_32 : vector<16xi1>, vector<16xi32>
        %broadcast_in_dim3A_1913 = vector.shape_cast %select_n3A_1912 : vector<16xi32> to vector<16x1xi32>
        %gather3A_1914 = vector.shape_cast %broadcast_in_dim3A_1913 : vector<16x1xi32> to vector<16xi32>
        %gather3A_1915 = tpu.dynamic_gather %select_n3A_1741[%gather3A_1914] in [0] : vector<16xf32>, vector<16xi32> -> vector<16xf32>
        %select_n3A_1916 = arith.select %eq3A_18, %select_n3A_1697, %gather3A_1915 : vector<16xi1>, vector<16xf32>
        %select_n3A_1917 = arith.select %eq3A_18, %gather3A_1905, %select_n3A_1741 : vector<16xi1>, vector<16xf32>
        %lt3A_1918 = arith.constant 0 : i32
        %lt3A_1919 = vector.broadcast %lt3A_1918 : i32 to vector<16xi32>
        %lt3A_1920 = arith.cmpi slt, %xor3A_32, %lt3A_1919 : vector<16xi32>
        %add3A_1921 = arith.constant 16 : i32
        %add3A_1922 = vector.broadcast %add3A_1921 : i32 to vector<16xi32>
        %add3A_1923 = arith.addi %xor3A_32, %add3A_1922 : vector<16xi32>
        %select_n3A_1924 = arith.select %lt3A_1920, %add3A_1923, %xor3A_32 : vector<16xi1>, vector<16xi32>
        %broadcast_in_dim3A_1925 = vector.shape_cast %select_n3A_1924 : vector<16xi32> to vector<16x1xi32>
        %gather3A_1926 = vector.shape_cast %broadcast_in_dim3A_1925 : vector<16x1xi32> to vector<16xi32>
        %gather3A_1927 = tpu.dynamic_gather %select_n3A_1719[%gather3A_1926] in [0] : vector<16xf32>, vector<16xi32> -> vector<16xf32>
        %lt3A_1928 = arith.constant 0 : i32
        %lt3A_1929 = vector.broadcast %lt3A_1928 : i32 to vector<16xi32>
        %lt3A_1930 = arith.cmpi slt, %xor3A_32, %lt3A_1929 : vector<16xi32>
        %add3A_1931 = arith.constant 16 : i32
        %add3A_1932 = vector.broadcast %add3A_1931 : i32 to vector<16xi32>
        %add3A_1933 = arith.addi %xor3A_32, %add3A_1932 : vector<16xi32>
        %select_n3A_1934 = arith.select %lt3A_1930, %add3A_1933, %xor3A_32 : vector<16xi1>, vector<16xi32>
        %broadcast_in_dim3A_1935 = vector.shape_cast %select_n3A_1934 : vector<16xi32> to vector<16x1xi32>
        %gather3A_1936 = vector.shape_cast %broadcast_in_dim3A_1935 : vector<16x1xi32> to vector<16xi32>
        %gather3A_1937 = tpu.dynamic_gather %select_n3A_1763[%gather3A_1936] in [0] : vector<16xf32>, vector<16xi32> -> vector<16xf32>
        %select_n3A_1938 = arith.select %eq3A_18, %select_n3A_1719, %gather3A_1937 : vector<16xi1>, vector<16xf32>
        %select_n3A_1939 = arith.select %eq3A_18, %gather3A_1927, %select_n3A_1763 : vector<16xi1>, vector<16xf32>
        %lt3A_1940 = arith.constant 0 : i32
        %lt3A_1941 = vector.broadcast %lt3A_1940 : i32 to vector<16xi32>
        %lt3A_1942 = arith.cmpi slt, %xor3A_35, %lt3A_1941 : vector<16xi32>
        %add3A_1943 = arith.constant 16 : i32
        %add3A_1944 = vector.broadcast %add3A_1943 : i32 to vector<16xi32>
        %add3A_1945 = arith.addi %xor3A_35, %add3A_1944 : vector<16xi32>
        %select_n3A_1946 = arith.select %lt3A_1942, %add3A_1945, %xor3A_35 : vector<16xi1>, vector<16xi32>
        %broadcast_in_dim3A_1947 = vector.shape_cast %select_n3A_1946 : vector<16xi32> to vector<16x1xi32>
        %gather3A_1948 = vector.shape_cast %broadcast_in_dim3A_1947 : vector<16x1xi32> to vector<16xi32>
        %gather3A_1949 = tpu.dynamic_gather %select_n3A_1784[%gather3A_1948] in [0] : vector<16xf32>, vector<16xi32> -> vector<16xf32>
        %lt3A_1950 = arith.constant 0 : i32
        %lt3A_1951 = vector.broadcast %lt3A_1950 : i32 to vector<16xi32>
        %lt3A_1952 = arith.cmpi slt, %xor3A_35, %lt3A_1951 : vector<16xi32>
        %add3A_1953 = arith.constant 16 : i32
        %add3A_1954 = vector.broadcast %add3A_1953 : i32 to vector<16xi32>
        %add3A_1955 = arith.addi %xor3A_35, %add3A_1954 : vector<16xi32>
        %select_n3A_1956 = arith.select %lt3A_1952, %add3A_1955, %xor3A_35 : vector<16xi1>, vector<16xi32>
        %broadcast_in_dim3A_1957 = vector.shape_cast %select_n3A_1956 : vector<16xi32> to vector<16x1xi32>
        %gather3A_1958 = vector.shape_cast %broadcast_in_dim3A_1957 : vector<16x1xi32> to vector<16xi32>
        %gather3A_1959 = tpu.dynamic_gather %select_n3A_1872[%gather3A_1958] in [0] : vector<16xf32>, vector<16xi32> -> vector<16xf32>
        %select_n3A_1960 = arith.select %eq3A_24, %select_n3A_1784, %gather3A_1959 : vector<16xi1>, vector<16xf32>
        %select_n3A_1961 = arith.select %eq3A_24, %gather3A_1949, %select_n3A_1872 : vector<16xi1>, vector<16xf32>
        %lt3A_1962 = arith.constant 0 : i32
        %lt3A_1963 = vector.broadcast %lt3A_1962 : i32 to vector<16xi32>
        %lt3A_1964 = arith.cmpi slt, %xor3A_35, %lt3A_1963 : vector<16xi32>
        %add3A_1965 = arith.constant 16 : i32
        %add3A_1966 = vector.broadcast %add3A_1965 : i32 to vector<16xi32>
        %add3A_1967 = arith.addi %xor3A_35, %add3A_1966 : vector<16xi32>
        %select_n3A_1968 = arith.select %lt3A_1964, %add3A_1967, %xor3A_35 : vector<16xi1>, vector<16xi32>
        %broadcast_in_dim3A_1969 = vector.shape_cast %select_n3A_1968 : vector<16xi32> to vector<16x1xi32>
        %gather3A_1970 = vector.shape_cast %broadcast_in_dim3A_1969 : vector<16x1xi32> to vector<16xi32>
        %gather3A_1971 = tpu.dynamic_gather %select_n3A_1806[%gather3A_1970] in [0] : vector<16xf32>, vector<16xi32> -> vector<16xf32>
        %lt3A_1972 = arith.constant 0 : i32
        %lt3A_1973 = vector.broadcast %lt3A_1972 : i32 to vector<16xi32>
        %lt3A_1974 = arith.cmpi slt, %xor3A_35, %lt3A_1973 : vector<16xi32>
        %add3A_1975 = arith.constant 16 : i32
        %add3A_1976 = vector.broadcast %add3A_1975 : i32 to vector<16xi32>
        %add3A_1977 = arith.addi %xor3A_35, %add3A_1976 : vector<16xi32>
        %select_n3A_1978 = arith.select %lt3A_1974, %add3A_1977, %xor3A_35 : vector<16xi1>, vector<16xi32>
        %broadcast_in_dim3A_1979 = vector.shape_cast %select_n3A_1978 : vector<16xi32> to vector<16x1xi32>
        %gather3A_1980 = vector.shape_cast %broadcast_in_dim3A_1979 : vector<16x1xi32> to vector<16xi32>
        %gather3A_1981 = tpu.dynamic_gather %select_n3A_1894[%gather3A_1980] in [0] : vector<16xf32>, vector<16xi32> -> vector<16xf32>
        %select_n3A_1982 = arith.select %eq3A_24, %select_n3A_1806, %gather3A_1981 : vector<16xi1>, vector<16xf32>
        %select_n3A_1983 = arith.select %eq3A_24, %gather3A_1971, %select_n3A_1894 : vector<16xi1>, vector<16xf32>
        %lt3A_1984 = arith.constant 0 : i32
        %lt3A_1985 = vector.broadcast %lt3A_1984 : i32 to vector<16xi32>
        %lt3A_1986 = arith.cmpi slt, %xor3A_35, %lt3A_1985 : vector<16xi32>
        %add3A_1987 = arith.constant 16 : i32
        %add3A_1988 = vector.broadcast %add3A_1987 : i32 to vector<16xi32>
        %add3A_1989 = arith.addi %xor3A_35, %add3A_1988 : vector<16xi32>
        %select_n3A_1990 = arith.select %lt3A_1986, %add3A_1989, %xor3A_35 : vector<16xi1>, vector<16xi32>
        %broadcast_in_dim3A_1991 = vector.shape_cast %select_n3A_1990 : vector<16xi32> to vector<16x1xi32>
        %gather3A_1992 = vector.shape_cast %broadcast_in_dim3A_1991 : vector<16x1xi32> to vector<16xi32>
        %gather3A_1993 = tpu.dynamic_gather %select_n3A_1828[%gather3A_1992] in [0] : vector<16xf32>, vector<16xi32> -> vector<16xf32>
        %lt3A_1994 = arith.constant 0 : i32
        %lt3A_1995 = vector.broadcast %lt3A_1994 : i32 to vector<16xi32>
        %lt3A_1996 = arith.cmpi slt, %xor3A_35, %lt3A_1995 : vector<16xi32>
        %add3A_1997 = arith.constant 16 : i32
        %add3A_1998 = vector.broadcast %add3A_1997 : i32 to vector<16xi32>
        %add3A_1999 = arith.addi %xor3A_35, %add3A_1998 : vector<16xi32>
        %select_n3A_2000 = arith.select %lt3A_1996, %add3A_1999, %xor3A_35 : vector<16xi1>, vector<16xi32>
        %broadcast_in_dim3A_2001 = vector.shape_cast %select_n3A_2000 : vector<16xi32> to vector<16x1xi32>
        %gather3A_2002 = vector.shape_cast %broadcast_in_dim3A_2001 : vector<16x1xi32> to vector<16xi32>
        %gather3A_2003 = tpu.dynamic_gather %select_n3A_1916[%gather3A_2002] in [0] : vector<16xf32>, vector<16xi32> -> vector<16xf32>
        %select_n3A_2004 = arith.select %eq3A_24, %select_n3A_1828, %gather3A_2003 : vector<16xi1>, vector<16xf32>
        %select_n3A_2005 = arith.select %eq3A_24, %gather3A_1993, %select_n3A_1916 : vector<16xi1>, vector<16xf32>
        %lt3A_2006 = arith.constant 0 : i32
        %lt3A_2007 = vector.broadcast %lt3A_2006 : i32 to vector<16xi32>
        %lt3A_2008 = arith.cmpi slt, %xor3A_35, %lt3A_2007 : vector<16xi32>
        %add3A_2009 = arith.constant 16 : i32
        %add3A_2010 = vector.broadcast %add3A_2009 : i32 to vector<16xi32>
        %add3A_2011 = arith.addi %xor3A_35, %add3A_2010 : vector<16xi32>
        %select_n3A_2012 = arith.select %lt3A_2008, %add3A_2011, %xor3A_35 : vector<16xi1>, vector<16xi32>
        %broadcast_in_dim3A_2013 = vector.shape_cast %select_n3A_2012 : vector<16xi32> to vector<16x1xi32>
        %gather3A_2014 = vector.shape_cast %broadcast_in_dim3A_2013 : vector<16x1xi32> to vector<16xi32>
        %gather3A_2015 = tpu.dynamic_gather %select_n3A_1850[%gather3A_2014] in [0] : vector<16xf32>, vector<16xi32> -> vector<16xf32>
        %lt3A_2016 = arith.constant 0 : i32
        %lt3A_2017 = vector.broadcast %lt3A_2016 : i32 to vector<16xi32>
        %lt3A_2018 = arith.cmpi slt, %xor3A_35, %lt3A_2017 : vector<16xi32>
        %add3A_2019 = arith.constant 16 : i32
        %add3A_2020 = vector.broadcast %add3A_2019 : i32 to vector<16xi32>
        %add3A_2021 = arith.addi %xor3A_35, %add3A_2020 : vector<16xi32>
        %select_n3A_2022 = arith.select %lt3A_2018, %add3A_2021, %xor3A_35 : vector<16xi1>, vector<16xi32>
        %broadcast_in_dim3A_2023 = vector.shape_cast %select_n3A_2022 : vector<16xi32> to vector<16x1xi32>
        %gather3A_2024 = vector.shape_cast %broadcast_in_dim3A_2023 : vector<16x1xi32> to vector<16xi32>
        %gather3A_2025 = tpu.dynamic_gather %select_n3A_1938[%gather3A_2024] in [0] : vector<16xf32>, vector<16xi32> -> vector<16xf32>
        %select_n3A_2026 = arith.select %eq3A_24, %select_n3A_1850, %gather3A_2025 : vector<16xi1>, vector<16xf32>
        %select_n3A_2027 = arith.select %eq3A_24, %gather3A_2015, %select_n3A_1938 : vector<16xi1>, vector<16xf32>
        %lt3A_2028 = arith.constant 0 : i32
        %lt3A_2029 = vector.broadcast %lt3A_2028 : i32 to vector<16xi32>
        %lt3A_2030 = arith.cmpi slt, %xor3A_35, %lt3A_2029 : vector<16xi32>
        %add3A_2031 = arith.constant 16 : i32
        %add3A_2032 = vector.broadcast %add3A_2031 : i32 to vector<16xi32>
        %add3A_2033 = arith.addi %xor3A_35, %add3A_2032 : vector<16xi32>
        %select_n3A_2034 = arith.select %lt3A_2030, %add3A_2033, %xor3A_35 : vector<16xi1>, vector<16xi32>
        %broadcast_in_dim3A_2035 = vector.shape_cast %select_n3A_2034 : vector<16xi32> to vector<16x1xi32>
        %gather3A_2036 = vector.shape_cast %broadcast_in_dim3A_2035 : vector<16x1xi32> to vector<16xi32>
        %gather3A_2037 = tpu.dynamic_gather %select_n3A_1785[%gather3A_2036] in [0] : vector<16xf32>, vector<16xi32> -> vector<16xf32>
        %lt3A_2038 = arith.constant 0 : i32
        %lt3A_2039 = vector.broadcast %lt3A_2038 : i32 to vector<16xi32>
        %lt3A_2040 = arith.cmpi slt, %xor3A_35, %lt3A_2039 : vector<16xi32>
        %add3A_2041 = arith.constant 16 : i32
        %add3A_2042 = vector.broadcast %add3A_2041 : i32 to vector<16xi32>
        %add3A_2043 = arith.addi %xor3A_35, %add3A_2042 : vector<16xi32>
        %select_n3A_2044 = arith.select %lt3A_2040, %add3A_2043, %xor3A_35 : vector<16xi1>, vector<16xi32>
        %broadcast_in_dim3A_2045 = vector.shape_cast %select_n3A_2044 : vector<16xi32> to vector<16x1xi32>
        %gather3A_2046 = vector.shape_cast %broadcast_in_dim3A_2045 : vector<16x1xi32> to vector<16xi32>
        %gather3A_2047 = tpu.dynamic_gather %select_n3A_1873[%gather3A_2046] in [0] : vector<16xf32>, vector<16xi32> -> vector<16xf32>
        %select_n3A_2048 = arith.select %eq3A_24, %select_n3A_1785, %gather3A_2047 : vector<16xi1>, vector<16xf32>
        %select_n3A_2049 = arith.select %eq3A_24, %gather3A_2037, %select_n3A_1873 : vector<16xi1>, vector<16xf32>
        %lt3A_2050 = arith.constant 0 : i32
        %lt3A_2051 = vector.broadcast %lt3A_2050 : i32 to vector<16xi32>
        %lt3A_2052 = arith.cmpi slt, %xor3A_35, %lt3A_2051 : vector<16xi32>
        %add3A_2053 = arith.constant 16 : i32
        %add3A_2054 = vector.broadcast %add3A_2053 : i32 to vector<16xi32>
        %add3A_2055 = arith.addi %xor3A_35, %add3A_2054 : vector<16xi32>
        %select_n3A_2056 = arith.select %lt3A_2052, %add3A_2055, %xor3A_35 : vector<16xi1>, vector<16xi32>
        %broadcast_in_dim3A_2057 = vector.shape_cast %select_n3A_2056 : vector<16xi32> to vector<16x1xi32>
        %gather3A_2058 = vector.shape_cast %broadcast_in_dim3A_2057 : vector<16x1xi32> to vector<16xi32>
        %gather3A_2059 = tpu.dynamic_gather %select_n3A_1807[%gather3A_2058] in [0] : vector<16xf32>, vector<16xi32> -> vector<16xf32>
        %lt3A_2060 = arith.constant 0 : i32
        %lt3A_2061 = vector.broadcast %lt3A_2060 : i32 to vector<16xi32>
        %lt3A_2062 = arith.cmpi slt, %xor3A_35, %lt3A_2061 : vector<16xi32>
        %add3A_2063 = arith.constant 16 : i32
        %add3A_2064 = vector.broadcast %add3A_2063 : i32 to vector<16xi32>
        %add3A_2065 = arith.addi %xor3A_35, %add3A_2064 : vector<16xi32>
        %select_n3A_2066 = arith.select %lt3A_2062, %add3A_2065, %xor3A_35 : vector<16xi1>, vector<16xi32>
        %broadcast_in_dim3A_2067 = vector.shape_cast %select_n3A_2066 : vector<16xi32> to vector<16x1xi32>
        %gather3A_2068 = vector.shape_cast %broadcast_in_dim3A_2067 : vector<16x1xi32> to vector<16xi32>
        %gather3A_2069 = tpu.dynamic_gather %select_n3A_1895[%gather3A_2068] in [0] : vector<16xf32>, vector<16xi32> -> vector<16xf32>
        %select_n3A_2070 = arith.select %eq3A_24, %select_n3A_1807, %gather3A_2069 : vector<16xi1>, vector<16xf32>
        %select_n3A_2071 = arith.select %eq3A_24, %gather3A_2059, %select_n3A_1895 : vector<16xi1>, vector<16xf32>
        %lt3A_2072 = arith.constant 0 : i32
        %lt3A_2073 = vector.broadcast %lt3A_2072 : i32 to vector<16xi32>
        %lt3A_2074 = arith.cmpi slt, %xor3A_35, %lt3A_2073 : vector<16xi32>
        %add3A_2075 = arith.constant 16 : i32
        %add3A_2076 = vector.broadcast %add3A_2075 : i32 to vector<16xi32>
        %add3A_2077 = arith.addi %xor3A_35, %add3A_2076 : vector<16xi32>
        %select_n3A_2078 = arith.select %lt3A_2074, %add3A_2077, %xor3A_35 : vector<16xi1>, vector<16xi32>
        %broadcast_in_dim3A_2079 = vector.shape_cast %select_n3A_2078 : vector<16xi32> to vector<16x1xi32>
        %gather3A_2080 = vector.shape_cast %broadcast_in_dim3A_2079 : vector<16x1xi32> to vector<16xi32>
        %gather3A_2081 = tpu.dynamic_gather %select_n3A_1829[%gather3A_2080] in [0] : vector<16xf32>, vector<16xi32> -> vector<16xf32>
        %lt3A_2082 = arith.constant 0 : i32
        %lt3A_2083 = vector.broadcast %lt3A_2082 : i32 to vector<16xi32>
        %lt3A_2084 = arith.cmpi slt, %xor3A_35, %lt3A_2083 : vector<16xi32>
        %add3A_2085 = arith.constant 16 : i32
        %add3A_2086 = vector.broadcast %add3A_2085 : i32 to vector<16xi32>
        %add3A_2087 = arith.addi %xor3A_35, %add3A_2086 : vector<16xi32>
        %select_n3A_2088 = arith.select %lt3A_2084, %add3A_2087, %xor3A_35 : vector<16xi1>, vector<16xi32>
        %broadcast_in_dim3A_2089 = vector.shape_cast %select_n3A_2088 : vector<16xi32> to vector<16x1xi32>
        %gather3A_2090 = vector.shape_cast %broadcast_in_dim3A_2089 : vector<16x1xi32> to vector<16xi32>
        %gather3A_2091 = tpu.dynamic_gather %select_n3A_1917[%gather3A_2090] in [0] : vector<16xf32>, vector<16xi32> -> vector<16xf32>
        %select_n3A_2092 = arith.select %eq3A_24, %select_n3A_1829, %gather3A_2091 : vector<16xi1>, vector<16xf32>
        %select_n3A_2093 = arith.select %eq3A_24, %gather3A_2081, %select_n3A_1917 : vector<16xi1>, vector<16xf32>
        %lt3A_2094 = arith.constant 0 : i32
        %lt3A_2095 = vector.broadcast %lt3A_2094 : i32 to vector<16xi32>
        %lt3A_2096 = arith.cmpi slt, %xor3A_35, %lt3A_2095 : vector<16xi32>
        %add3A_2097 = arith.constant 16 : i32
        %add3A_2098 = vector.broadcast %add3A_2097 : i32 to vector<16xi32>
        %add3A_2099 = arith.addi %xor3A_35, %add3A_2098 : vector<16xi32>
        %select_n3A_2100 = arith.select %lt3A_2096, %add3A_2099, %xor3A_35 : vector<16xi1>, vector<16xi32>
        %broadcast_in_dim3A_2101 = vector.shape_cast %select_n3A_2100 : vector<16xi32> to vector<16x1xi32>
        %gather3A_2102 = vector.shape_cast %broadcast_in_dim3A_2101 : vector<16x1xi32> to vector<16xi32>
        %gather3A_2103 = tpu.dynamic_gather %select_n3A_1851[%gather3A_2102] in [0] : vector<16xf32>, vector<16xi32> -> vector<16xf32>
        %lt3A_2104 = arith.constant 0 : i32
        %lt3A_2105 = vector.broadcast %lt3A_2104 : i32 to vector<16xi32>
        %lt3A_2106 = arith.cmpi slt, %xor3A_35, %lt3A_2105 : vector<16xi32>
        %add3A_2107 = arith.constant 16 : i32
        %add3A_2108 = vector.broadcast %add3A_2107 : i32 to vector<16xi32>
        %add3A_2109 = arith.addi %xor3A_35, %add3A_2108 : vector<16xi32>
        %select_n3A_2110 = arith.select %lt3A_2106, %add3A_2109, %xor3A_35 : vector<16xi1>, vector<16xi32>
        %broadcast_in_dim3A_2111 = vector.shape_cast %select_n3A_2110 : vector<16xi32> to vector<16x1xi32>
        %gather3A_2112 = vector.shape_cast %broadcast_in_dim3A_2111 : vector<16x1xi32> to vector<16xi32>
        %gather3A_2113 = tpu.dynamic_gather %select_n3A_1939[%gather3A_2112] in [0] : vector<16xf32>, vector<16xi32> -> vector<16xf32>
        %select_n3A_2114 = arith.select %eq3A_24, %select_n3A_1851, %gather3A_2113 : vector<16xi1>, vector<16xf32>
        %select_n3A_2115 = arith.select %eq3A_24, %gather3A_2103, %select_n3A_1939 : vector<16xi1>, vector<16xf32>
        %mul3A_2116 = vector.broadcast %scan3A : f32 to vector<16xf32>
        %mul3A_2117 = arith.mulf %select_n3A_1960, %mul3A_2116 : vector<16xf32>
        %add3A_2118 = arith.constant 8192 : i32
        %add3A_2119 = arith.addi %add3A_2118, %add3A_455 : i32
        %swap3A_2120 = arith.index_cast %add3A_2119 : i32 to index
        %swap3A_2121 = tpu.vector_load %arg9[%swap3A_2120] {strides = array<i32>} : memref<16384xf32, #tpu.memory_space<vmem>>, vector<16xf32>,
        tpu.vector_store %arg9[%swap3A_2120], %mul3A_2117 {strides = array<i32>} : memref<16384xf32, #tpu.memory_space<vmem>>, vector<16xf32>,
        %mul3A_2122 = vector.broadcast %scan3A : f32 to vector<16xf32>
        %mul3A_2123 = arith.mulf %select_n3A_1982, %mul3A_2122 : vector<16xf32>
        %add3A_2124 = arith.constant 8320 : i32
        %add3A_2125 = arith.addi %add3A_2124, %add3A_455 : i32
        %swap3A_2126 = arith.index_cast %add3A_2125 : i32 to index
        %swap3A_2127 = tpu.vector_load %arg9[%swap3A_2126] {strides = array<i32>} : memref<16384xf32, #tpu.memory_space<vmem>>, vector<16xf32>,
        tpu.vector_store %arg9[%swap3A_2126], %mul3A_2123 {strides = array<i32>} : memref<16384xf32, #tpu.memory_space<vmem>>, vector<16xf32>,
        %mul3A_2128 = vector.broadcast %scan3A : f32 to vector<16xf32>
        %mul3A_2129 = arith.mulf %select_n3A_2004, %mul3A_2128 : vector<16xf32>
        %add3A_2130 = arith.constant 8448 : i32
        %add3A_2131 = arith.addi %add3A_2130, %add3A_455 : i32
        %swap3A_2132 = arith.index_cast %add3A_2131 : i32 to index
        %swap3A_2133 = tpu.vector_load %arg9[%swap3A_2132] {strides = array<i32>} : memref<16384xf32, #tpu.memory_space<vmem>>, vector<16xf32>,
        tpu.vector_store %arg9[%swap3A_2132], %mul3A_2129 {strides = array<i32>} : memref<16384xf32, #tpu.memory_space<vmem>>, vector<16xf32>,
        %mul3A_2134 = vector.broadcast %scan3A : f32 to vector<16xf32>
        %mul3A_2135 = arith.mulf %select_n3A_2026, %mul3A_2134 : vector<16xf32>
        %add3A_2136 = arith.constant 8576 : i32
        %add3A_2137 = arith.addi %add3A_2136, %add3A_455 : i32
        %swap3A_2138 = arith.index_cast %add3A_2137 : i32 to index
        %swap3A_2139 = tpu.vector_load %arg9[%swap3A_2138] {strides = array<i32>} : memref<16384xf32, #tpu.memory_space<vmem>>, vector<16xf32>,
        tpu.vector_store %arg9[%swap3A_2138], %mul3A_2135 {strides = array<i32>} : memref<16384xf32, #tpu.memory_space<vmem>>, vector<16xf32>,
        %mul3A_2140 = vector.broadcast %scan3A : f32 to vector<16xf32>
        %mul3A_2141 = arith.mulf %select_n3A_2048, %mul3A_2140 : vector<16xf32>
        %add3A_2142 = arith.constant 8704 : i32
        %add3A_2143 = arith.addi %add3A_2142, %add3A_455 : i32
        %swap3A_2144 = arith.index_cast %add3A_2143 : i32 to index
        %swap3A_2145 = tpu.vector_load %arg9[%swap3A_2144] {strides = array<i32>} : memref<16384xf32, #tpu.memory_space<vmem>>, vector<16xf32>,
        tpu.vector_store %arg9[%swap3A_2144], %mul3A_2141 {strides = array<i32>} : memref<16384xf32, #tpu.memory_space<vmem>>, vector<16xf32>,
        %mul3A_2146 = vector.broadcast %scan3A : f32 to vector<16xf32>
        %mul3A_2147 = arith.mulf %select_n3A_2070, %mul3A_2146 : vector<16xf32>
        %add3A_2148 = arith.constant 8832 : i32
        %add3A_2149 = arith.addi %add3A_2148, %add3A_455 : i32
        %swap3A_2150 = arith.index_cast %add3A_2149 : i32 to index
        %swap3A_2151 = tpu.vector_load %arg9[%swap3A_2150] {strides = array<i32>} : memref<16384xf32, #tpu.memory_space<vmem>>, vector<16xf32>,
        tpu.vector_store %arg9[%swap3A_2150], %mul3A_2147 {strides = array<i32>} : memref<16384xf32, #tpu.memory_space<vmem>>, vector<16xf32>,
        %mul3A_2152 = vector.broadcast %scan3A : f32 to vector<16xf32>
        %mul3A_2153 = arith.mulf %select_n3A_2092, %mul3A_2152 : vector<16xf32>
        %add3A_2154 = arith.constant 8960 : i32
        %add3A_2155 = arith.addi %add3A_2154, %add3A_455 : i32
        %swap3A_2156 = arith.index_cast %add3A_2155 : i32 to index
        %swap3A_2157 = tpu.vector_load %arg9[%swap3A_2156] {strides = array<i32>} : memref<16384xf32, #tpu.memory_space<vmem>>, vector<16xf32>,
        tpu.vector_store %arg9[%swap3A_2156], %mul3A_2153 {strides = array<i32>} : memref<16384xf32, #tpu.memory_space<vmem>>, vector<16xf32>,
        %mul3A_2158 = vector.broadcast %scan3A : f32 to vector<16xf32>
        %mul3A_2159 = arith.mulf %select_n3A_2114, %mul3A_2158 : vector<16xf32>
        %add3A_2160 = arith.constant 9088 : i32
        %add3A_2161 = arith.addi %add3A_2160, %add3A_455 : i32
        %swap3A_2162 = arith.index_cast %add3A_2161 : i32 to index
        %swap3A_2163 = tpu.vector_load %arg9[%swap3A_2162] {strides = array<i32>} : memref<16384xf32, #tpu.memory_space<vmem>>, vector<16xf32>,
        tpu.vector_store %arg9[%swap3A_2162], %mul3A_2159 {strides = array<i32>} : memref<16384xf32, #tpu.memory_space<vmem>>, vector<16xf32>,
        %mul3A_2164 = vector.broadcast %scan3A : f32 to vector<16xf32>
        %mul3A_2165 = arith.mulf %select_n3A_1961, %mul3A_2164 : vector<16xf32>
        %add3A_2166 = arith.constant 12288 : i32
        %add3A_2167 = arith.addi %add3A_2166, %add3A_455 : i32
        %swap3A_2168 = arith.index_cast %add3A_2167 : i32 to index
        %swap3A_2169 = tpu.vector_load %arg9[%swap3A_2168] {strides = array<i32>} : memref<16384xf32, #tpu.memory_space<vmem>>, vector<16xf32>,
        tpu.vector_store %arg9[%swap3A_2168], %mul3A_2165 {strides = array<i32>} : memref<16384xf32, #tpu.memory_space<vmem>>, vector<16xf32>,
        %mul3A_2170 = vector.broadcast %scan3A : f32 to vector<16xf32>
        %mul3A_2171 = arith.mulf %select_n3A_1983, %mul3A_2170 : vector<16xf32>
        %add3A_2172 = arith.constant 12416 : i32
        %add3A_2173 = arith.addi %add3A_2172, %add3A_455 : i32
        %swap3A_2174 = arith.index_cast %add3A_2173 : i32 to index
        %swap3A_2175 = tpu.vector_load %arg9[%swap3A_2174] {strides = array<i32>} : memref<16384xf32, #tpu.memory_space<vmem>>, vector<16xf32>,
        tpu.vector_store %arg9[%swap3A_2174], %mul3A_2171 {strides = array<i32>} : memref<16384xf32, #tpu.memory_space<vmem>>, vector<16xf32>,
        %mul3A_2176 = vector.broadcast %scan3A : f32 to vector<16xf32>
        %mul3A_2177 = arith.mulf %select_n3A_2005, %mul3A_2176 : vector<16xf32>
        %add3A_2178 = arith.constant 12544 : i32
        %add3A_2179 = arith.addi %add3A_2178, %add3A_455 : i32
        %swap3A_2180 = arith.index_cast %add3A_2179 : i32 to index
        %swap3A_2181 = tpu.vector_load %arg9[%swap3A_2180] {strides = array<i32>} : memref<16384xf32, #tpu.memory_space<vmem>>, vector<16xf32>,
        tpu.vector_store %arg9[%swap3A_2180], %mul3A_2177 {strides = array<i32>} : memref<16384xf32, #tpu.memory_space<vmem>>, vector<16xf32>,
        %mul3A_2182 = vector.broadcast %scan3A : f32 to vector<16xf32>
        %mul3A_2183 = arith.mulf %select_n3A_2027, %mul3A_2182 : vector<16xf32>
        %add3A_2184 = arith.constant 12672 : i32
        %add3A_2185 = arith.addi %add3A_2184, %add3A_455 : i32
        %swap3A_2186 = arith.index_cast %add3A_2185 : i32 to index
        %swap3A_2187 = tpu.vector_load %arg9[%swap3A_2186] {strides = array<i32>} : memref<16384xf32, #tpu.memory_space<vmem>>, vector<16xf32>,
        tpu.vector_store %arg9[%swap3A_2186], %mul3A_2183 {strides = array<i32>} : memref<16384xf32, #tpu.memory_space<vmem>>, vector<16xf32>,
        %mul3A_2188 = vector.broadcast %scan3A : f32 to vector<16xf32>
        %mul3A_2189 = arith.mulf %select_n3A_2049, %mul3A_2188 : vector<16xf32>
        %add3A_2190 = arith.constant 12800 : i32
        %add3A_2191 = arith.addi %add3A_2190, %add3A_455 : i32
        %swap3A_2192 = arith.index_cast %add3A_2191 : i32 to index
        %swap3A_2193 = tpu.vector_load %arg9[%swap3A_2192] {strides = array<i32>} : memref<16384xf32, #tpu.memory_space<vmem>>, vector<16xf32>,
        tpu.vector_store %arg9[%swap3A_2192], %mul3A_2189 {strides = array<i32>} : memref<16384xf32, #tpu.memory_space<vmem>>, vector<16xf32>,
        %mul3A_2194 = vector.broadcast %scan3A : f32 to vector<16xf32>
        %mul3A_2195 = arith.mulf %select_n3A_2071, %mul3A_2194 : vector<16xf32>
        %add3A_2196 = arith.constant 12928 : i32
        %add3A_2197 = arith.addi %add3A_2196, %add3A_455 : i32
        %swap3A_2198 = arith.index_cast %add3A_2197 : i32 to index
        %swap3A_2199 = tpu.vector_load %arg9[%swap3A_2198] {strides = array<i32>} : memref<16384xf32, #tpu.memory_space<vmem>>, vector<16xf32>,
        tpu.vector_store %arg9[%swap3A_2198], %mul3A_2195 {strides = array<i32>} : memref<16384xf32, #tpu.memory_space<vmem>>, vector<16xf32>,
        %mul3A_2200 = vector.broadcast %scan3A : f32 to vector<16xf32>
        %mul3A_2201 = arith.mulf %select_n3A_2093, %mul3A_2200 : vector<16xf32>
        %add3A_2202 = arith.constant 13056 : i32
        %add3A_2203 = arith.addi %add3A_2202, %add3A_455 : i32
        %swap3A_2204 = arith.index_cast %add3A_2203 : i32 to index
        %swap3A_2205 = tpu.vector_load %arg9[%swap3A_2204] {strides = array<i32>} : memref<16384xf32, #tpu.memory_space<vmem>>, vector<16xf32>,
        tpu.vector_store %arg9[%swap3A_2204], %mul3A_2201 {strides = array<i32>} : memref<16384xf32, #tpu.memory_space<vmem>>, vector<16xf32>,
        %mul3A_2206 = vector.broadcast %scan3A : f32 to vector<16xf32>
        %mul3A_2207 = arith.mulf %select_n3A_2115, %mul3A_2206 : vector<16xf32>
        %add3A_2208 = arith.constant 13184 : i32
        %add3A_2209 = arith.addi %add3A_2208, %add3A_455 : i32
        %swap3A_2210 = arith.index_cast %add3A_2209 : i32 to index
        %swap3A_2211 = tpu.vector_load %arg9[%swap3A_2210] {strides = array<i32>} : memref<16384xf32, #tpu.memory_space<vmem>>, vector<16xf32>,
        tpu.vector_store %arg9[%swap3A_2210], %mul3A_2207 {strides = array<i32>} : memref<16384xf32, #tpu.memory_space<vmem>>, vector<16xf32>,
        %scan3A_2212 = arith.constant 0 : i32
        scf.yield %scan3A_2212 : i32
      }
      %scan3A_244 = arith.constant 32 : i32
      %jit3A_245 = arith.constant 8 : i32
      %div3A_246 = arith.divsi %add3A_223, %jit3A_245 : i32
      %sign3A_247 = arith.constant 0 : i32
      %sign3A_248 = arith.cmpi sgt, %add3A_223, %sign3A_247 : i32
      %sign3A_249 = arith.extui %sign3A_248 : i1 to i32
      %sign3A_250 = arith.constant 0 : i32
      %sign3A_251 = arith.cmpi slt, %add3A_223, %sign3A_250 : i32
      %sign3A_252 = arith.extui %sign3A_251 : i1 to i32
      %sign3A_253 = arith.subi %sign3A_249, %sign3A_252 : i32
      %sign3A_254 = arith.constant 0 : i32
      %sign3A_255 = arith.cmpi sgt, %jit3A_245, %sign3A_254 : i32
      %sign3A_256 = arith.extui %sign3A_255 : i1 to i32
      %sign3A_257 = arith.constant 0 : i32
      %sign3A_258 = arith.cmpi slt, %jit3A_245, %sign3A_257 : i32
      %sign3A_259 = arith.extui %sign3A_258 : i1 to i32
      %sign3A_260 = arith.subi %sign3A_256, %sign3A_259 : i32
      %ne3A_261 = arith.cmpi ne, %sign3A_253, %sign3A_260 : i32
      %rem3A_262 = arith.remsi %add3A_223, %jit3A_245 : i32
      %ne3A_263 = arith.constant 0 : i32
      %ne3A_264 = arith.cmpi ne, %rem3A_262, %ne3A_263 : i32
      %and3A_265 = arith.andi %ne3A_261, %ne3A_264 : i1
      %sub3A_266 = arith.constant 1 : i32
      %sub3A_267 = arith.subi %div3A_246, %sub3A_266 : i32
      %select_n3A_268 = arith.select %and3A_265, %sub3A_267, %div3A_246 : i32
      %jit3A_269 = arith.constant 8 : i32
      %eq3A_270 = arith.constant 0 : i32
      %eq3A_271 = arith.cmpi eq, %jit3A_269, %eq3A_270 : i32
      %jit3A_272 = arith.constant 1 : i32
      %select_n3A_273 = arith.select %eq3A_271, %jit3A_272, %jit3A_269 : i32
      %rem3A_274 = arith.remsi %add3A_223, %select_n3A_273 : i32
      %ne3A_275 = arith.constant 0 : i32
      %ne3A_276 = arith.cmpi ne, %rem3A_274, %ne3A_275 : i32
      %lt3A_277 = arith.constant 0 : i32
      %lt3A_278 = arith.cmpi slt, %rem3A_274, %lt3A_277 : i32
      %lt3A_279 = arith.constant 0 : i32
      %lt3A_280 = arith.cmpi slt, %select_n3A_273, %lt3A_279 : i32
      %ne3A_281 = arith.xori %lt3A_278, %lt3A_280 : i1
      %and3A_282 = arith.andi %ne3A_281, %ne3A_276 : i1
      %add3A_283 = arith.addi %rem3A_274, %select_n3A_273 : i32
      %select_n3A_284 = arith.select %and3A_282, %add3A_283, %rem3A_274 : i32
      %mul3A_285 = arith.constant 128 : i32
      %mul3A_286 = arith.muli %select_n3A_268, %mul3A_285 : i32
      %mul3A_287 = arith.constant 4 : i32
      %mul3A_288 = arith.muli %select_n3A_284, %mul3A_287 : i32
      %add3A_289 = arith.addi %mul3A_286, %mul3A_288 : i32
      %mul3A_290 = arith.constant 1024 : i32
      %mul3A_291 = arith.muli %add3A_289, %mul3A_290 : i32
      %add3A_292 = arith.constant 0 : i32
      %add3A_293 = arith.addi %mul3A_291, %add3A_292 : i32
      %dma_start3A_294 = arith.constant 0 : i32
      %dma_start3A_295 = tpu.memref_slice %arg9[%dma_start3A_294] : memref<16384xf32, #tpu.memory_space<vmem>> -> memref<4096xf32, #tpu.memory_space<vmem>>
      %dma_start3A_296 = tpu.memref_slice %arg4[%add3A_293] : memref<26214400xf32, #tpu.memory_space<hbm>> -> memref<4096xf32, #tpu.memory_space<hbm>>
      %dma_start3A_297 = tpu.memref_slice %arg4[%add3A_293] : memref<26214400xf32, #tpu.memory_space<hbm>> -> memref<4096xf32, #tpu.memory_space<hbm>>
      %dma_start3A_298 = arith.constant 0 : i32
      %dma_start3A_299 = tpu.memref_slice %arg9[%dma_start3A_298] : memref<16384xf32, #tpu.memory_space<vmem>> -> memref<4096xf32, #tpu.memory_space<vmem>>
      tpu.enqueue_dma source(%dma_start3A_299 : memref<4096xf32, #tpu.memory_space<vmem>>) target(%dma_start3A_297 : memref<4096xf32, #tpu.memory_space<hbm>>) target_semaphore(%arg13 : memref<!tpu.dma_semaphore, #tpu.memory_space<semaphore_mem>>)
      %add3A_300 = arith.constant 32768 : i32
      %add3A_301 = arith.addi %mul3A_291, %add3A_300 : i32
      %dma_start3A_302 = arith.constant 4096 : i32
      %dma_start3A_303 = tpu.memref_slice %arg9[%dma_start3A_302] : memref<16384xf32, #tpu.memory_space<vmem>> -> memref<4096xf32, #tpu.memory_space<vmem>>
      %dma_start3A_304 = tpu.memref_slice %arg4[%add3A_301] : memref<26214400xf32, #tpu.memory_space<hbm>> -> memref<4096xf32, #tpu.memory_space<hbm>>
      %dma_start3A_305 = tpu.memref_slice %arg4[%add3A_301] : memref<26214400xf32, #tpu.memory_space<hbm>> -> memref<4096xf32, #tpu.memory_space<hbm>>
      %dma_start3A_306 = arith.constant 4096 : i32
      %dma_start3A_307 = tpu.memref_slice %arg9[%dma_start3A_306] : memref<16384xf32, #tpu.memory_space<vmem>> -> memref<4096xf32, #tpu.memory_space<vmem>>
      tpu.enqueue_dma source(%dma_start3A_307 : memref<4096xf32, #tpu.memory_space<vmem>>) target(%dma_start3A_305 : memref<4096xf32, #tpu.memory_space<hbm>>) target_semaphore(%arg13 : memref<!tpu.dma_semaphore, #tpu.memory_space<semaphore_mem>>)
      %add3A_308 = arith.constant 65536 : i32
      %add3A_309 = arith.addi %mul3A_291, %add3A_308 : i32
      %dma_start3A_310 = arith.constant 8192 : i32
      %dma_start3A_311 = tpu.memref_slice %arg9[%dma_start3A_310] : memref<16384xf32, #tpu.memory_space<vmem>> -> memref<4096xf32, #tpu.memory_space<vmem>>
      %dma_start3A_312 = tpu.memref_slice %arg4[%add3A_309] : memref<26214400xf32, #tpu.memory_space<hbm>> -> memref<4096xf32, #tpu.memory_space<hbm>>
      %dma_start3A_313 = tpu.memref_slice %arg4[%add3A_309] : memref<26214400xf32, #tpu.memory_space<hbm>> -> memref<4096xf32, #tpu.memory_space<hbm>>
      %dma_start3A_314 = arith.constant 8192 : i32
      %dma_start3A_315 = tpu.memref_slice %arg9[%dma_start3A_314] : memref<16384xf32, #tpu.memory_space<vmem>> -> memref<4096xf32, #tpu.memory_space<vmem>>
      tpu.enqueue_dma source(%dma_start3A_315 : memref<4096xf32, #tpu.memory_space<vmem>>) target(%dma_start3A_313 : memref<4096xf32, #tpu.memory_space<hbm>>) target_semaphore(%arg13 : memref<!tpu.dma_semaphore, #tpu.memory_space<semaphore_mem>>)
      %add3A_316 = arith.constant 98304 : i32
      %add3A_317 = arith.addi %mul3A_291, %add3A_316 : i32
      %dma_start3A_318 = arith.constant 12288 : i32
      %dma_start3A_319 = tpu.memref_slice %arg9[%dma_start3A_318] : memref<16384xf32, #tpu.memory_space<vmem>> -> memref<4096xf32, #tpu.memory_space<vmem>>
      %dma_start3A_320 = tpu.memref_slice %arg4[%add3A_317] : memref<26214400xf32, #tpu.memory_space<hbm>> -> memref<4096xf32, #tpu.memory_space<hbm>>
      %dma_start3A_321 = tpu.memref_slice %arg4[%add3A_317] : memref<26214400xf32, #tpu.memory_space<hbm>> -> memref<4096xf32, #tpu.memory_space<hbm>>
      %dma_start3A_322 = arith.constant 12288 : i32
      %dma_start3A_323 = tpu.memref_slice %arg9[%dma_start3A_322] : memref<16384xf32, #tpu.memory_space<vmem>> -> memref<4096xf32, #tpu.memory_space<vmem>>
      tpu.enqueue_dma source(%dma_start3A_323 : memref<4096xf32, #tpu.memory_space<vmem>>) target(%dma_start3A_321 : memref<4096xf32, #tpu.memory_space<hbm>>) target_semaphore(%arg13 : memref<!tpu.dma_semaphore, #tpu.memory_space<semaphore_mem>>)
      %lt3A_324 = arith.cmpi slt, %add3A_225, %add3A_227 : i32
      %convert_element_type3A_325 = arith.extui %lt3A_324 : i1 to i32
      %cond3A_326 = arith.constant 0 : i32
      %cond3A_327 = arith.cmpi ne, %convert_element_type3A_325, %cond3A_326 : i32
      scf.if %cond3A_327 {
        %mul3A_441 = arith.constant 512 : i32
        %mul3A_442 = arith.muli %add3A_225, %mul3A_441 : i32
        %dma_wait3A_443 = tpu.memref_slice %arg3[%mul3A_442] : memref<819200xi32, #tpu.memory_space<hbm>> -> memref<512xi32, #tpu.memory_space<hbm>>
        %dma_wait3A_444 = tpu.memref_slice %arg3[%mul3A_442] : memref<819200xi32, #tpu.memory_space<hbm>> -> memref<512xi32, #tpu.memory_space<hbm>>
        tpu.wait_dma2 semaphore(%arg15 : memref<!tpu.dma_semaphore, #tpu.memory_space<semaphore_mem>>) src(%dma_wait3A_444 : memref<512xi32, #tpu.memory_space<hbm>>) dst(%arg5 : memref<512xi32, #tpu.memory_space<vmem>>)
        %dma_start3A_445 = arith.constant 0 : i32
        %dma_start3A_446 = arith.constant 0 : i32
        %dma_start3A_447 = tpu.memref_slice %arg2[%dma_start3A_445, %dma_start3A_446] : memref<1000000x32xf32, #tpu.memory_space<hbm>> -> memref<1000000x32xf32, #tpu.memory_space<hbm>>
        tpu.enqueue_indirect_dma source(%dma_start3A_447 : memref<1000000x32xf32, #tpu.memory_space<hbm>>) target(%arg7 : memref<512x32xf32, #tpu.memory_space<vmem>>) offsets(%arg5 : memref<512xi32, #tpu.memory_space<vmem>>) semaphore(%arg11 : memref<!tpu.dma_semaphore, #tpu.memory_space<semaphore_mem>>)
      } else {
      }
      %mul3A_328 = arith.constant 2 : i32
      %mul3A_329 = arith.muli %scan3A_217, %mul3A_328 : i32
      %add3A_330 = arith.addi %mul3A_2, %mul3A_329 : i32
      %add3A_331 = arith.constant 1 : i32
      %add3A_332 = arith.addi %add3A_330, %add3A_331 : i32
      %add3A_333 = arith.constant 2 : i32
      %add3A_334 = arith.addi %add3A_332, %add3A_333 : i32
      %add3A_335 = arith.constant 50 : i32
      %add3A_336 = arith.addi %mul3A_2, %add3A_335 : i32
      %dma_wait3A_337 = arith.constant 0 : i32
      %dma_wait3A_338 = arith.constant 0 : i32
      %dma_wait3A_339 = tpu.memref_slice %arg2[%dma_wait3A_337, %dma_wait3A_338] : memref<1000000x32xf32, #tpu.memory_space<hbm>> -> memref<1000000x32xf32, #tpu.memory_space<hbm>>
      tpu.wait_indirect_dma semaphore(%arg12 : memref<!tpu.dma_semaphore, #tpu.memory_space<semaphore_mem>>) src(%dma_wait3A_339 : memref<1000000x32xf32, #tpu.memory_space<hbm>>) dst(%arg8 : memref<512x32xf32, #tpu.memory_space<vmem>>)
      %lt3A_340 = arith.cmpi slt, %add3A_334, %add3A_336 : i32
      %convert_element_type3A_341 = arith.extui %lt3A_340 : i1 to i32
      %cond3A_342 = arith.constant 0 : i32
      %cond3A_343 = arith.cmpi ne, %convert_element_type3A_341, %cond3A_342 : i32
      scf.if %cond3A_343 {
        %mul3A_441 = arith.constant 512 : i32
        %mul3A_442 = arith.muli %add3A_334, %mul3A_441 : i32
        %dma_start3A_443 = tpu.memref_slice %arg3[%mul3A_442] : memref<819200xi32, #tpu.memory_space<hbm>> -> memref<512xi32, #tpu.memory_space<hbm>>
        %dma_start3A_444 = tpu.memref_slice %arg3[%mul3A_442] : memref<819200xi32, #tpu.memory_space<hbm>> -> memref<512xi32, #tpu.memory_space<hbm>>
        tpu.enqueue_dma source(%dma_start3A_444 : memref<512xi32, #tpu.memory_space<hbm>>) target(%arg6 : memref<512xi32, #tpu.memory_space<vmem>>) target_semaphore(%arg16 : memref<!tpu.dma_semaphore, #tpu.memory_space<semaphore_mem>>)
      } else {
      }
      %sub3A_344 = arith.constant 2 : i32
      %sub3A_345 = arith.subi %add3A_332, %sub3A_344 : i32
      %ge3A_346 = arith.cmpi sge, %sub3A_345, %mul3A_2 : i32
      %convert_element_type3A_347 = arith.extui %ge3A_346 : i1 to i32
      %cond3A_348 = arith.constant 0 : i32
      %cond3A_349 = arith.cmpi ne, %convert_element_type3A_347, %cond3A_348 : i32
      scf.if %cond3A_349 {
        %sub3A_441 = arith.constant 2 : i32
        %sub3A_442 = arith.subi %add3A_332, %sub3A_441 : i32
        %jit3A_443 = arith.constant 8 : i32
        %div3A_444 = arith.divsi %sub3A_442, %jit3A_443 : i32
        %sign3A_445 = arith.constant 0 : i32
        %sign3A_446 = arith.cmpi sgt, %sub3A_442, %sign3A_445 : i32
        %sign3A_447 = arith.extui %sign3A_446 : i1 to i32
        %sign3A_448 = arith.constant 0 : i32
        %sign3A_449 = arith.cmpi slt, %sub3A_442, %sign3A_448 : i32
        %sign3A_450 = arith.extui %sign3A_449 : i1 to i32
        %sign3A_451 = arith.subi %sign3A_447, %sign3A_450 : i32
        %sign3A_452 = arith.constant 0 : i32
        %sign3A_453 = arith.cmpi sgt, %jit3A_443, %sign3A_452 : i32
        %sign3A_454 = arith.extui %sign3A_453 : i1 to i32
        %sign3A_455 = arith.constant 0 : i32
        %sign3A_456 = arith.cmpi slt, %jit3A_443, %sign3A_455 : i32
        %sign3A_457 = arith.extui %sign3A_456 : i1 to i32
        %sign3A_458 = arith.subi %sign3A_454, %sign3A_457 : i32
        %ne3A_459 = arith.cmpi ne, %sign3A_451, %sign3A_458 : i32
        %rem3A_460 = arith.remsi %sub3A_442, %jit3A_443 : i32
        %ne3A_461 = arith.constant 0 : i32
        %ne3A_462 = arith.cmpi ne, %rem3A_460, %ne3A_461 : i32
        %and3A_463 = arith.andi %ne3A_459, %ne3A_462 : i1
        %sub3A_464 = arith.constant 1 : i32
        %sub3A_465 = arith.subi %div3A_444, %sub3A_464 : i32
        %select_n3A_466 = arith.select %and3A_463, %sub3A_465, %div3A_444 : i32
        %jit3A_467 = arith.constant 8 : i32
        %eq3A_468 = arith.constant 0 : i32
        %eq3A_469 = arith.cmpi eq, %jit3A_467, %eq3A_468 : i32
        %jit3A_470 = arith.constant 1 : i32
        %select_n3A_471 = arith.select %eq3A_469, %jit3A_470, %jit3A_467 : i32
        %rem3A_472 = arith.remsi %sub3A_442, %select_n3A_471 : i32
        %ne3A_473 = arith.constant 0 : i32
        %ne3A_474 = arith.cmpi ne, %rem3A_472, %ne3A_473 : i32
        %lt3A_475 = arith.constant 0 : i32
        %lt3A_476 = arith.cmpi slt, %rem3A_472, %lt3A_475 : i32
        %lt3A_477 = arith.constant 0 : i32
        %lt3A_478 = arith.cmpi slt, %select_n3A_471, %lt3A_477 : i32
        %ne3A_479 = arith.xori %lt3A_476, %lt3A_478 : i1
        %and3A_480 = arith.andi %ne3A_479, %ne3A_474 : i1
        %add3A_481 = arith.addi %rem3A_472, %select_n3A_471 : i32
        %select_n3A_482 = arith.select %and3A_480, %add3A_481, %rem3A_472 : i32
        %mul3A_483 = arith.constant 128 : i32
        %mul3A_484 = arith.muli %select_n3A_466, %mul3A_483 : i32
        %mul3A_485 = arith.constant 4 : i32
        %mul3A_486 = arith.muli %select_n3A_482, %mul3A_485 : i32
        %add3A_487 = arith.addi %mul3A_484, %mul3A_486 : i32
        %mul3A_488 = arith.constant 1024 : i32
        %mul3A_489 = arith.muli %add3A_487, %mul3A_488 : i32
        %add3A_490 = arith.constant 0 : i32
        %add3A_491 = arith.addi %mul3A_489, %add3A_490 : i32
        %dma_wait3A_492 = arith.constant 0 : i32
        %dma_wait3A_493 = tpu.memref_slice %arg10[%dma_wait3A_492] : memref<16384xf32, #tpu.memory_space<vmem>> -> memref<4096xf32, #tpu.memory_space<vmem>>
        %dma_wait3A_494 = tpu.memref_slice %arg4[%add3A_491] : memref<26214400xf32, #tpu.memory_space<hbm>> -> memref<4096xf32, #tpu.memory_space<hbm>>
        %dma_wait3A_495 = tpu.memref_slice %arg4[%add3A_491] : memref<26214400xf32, #tpu.memory_space<hbm>> -> memref<4096xf32, #tpu.memory_space<hbm>>
        %dma_wait3A_496 = arith.constant 0 : i32
        %dma_wait3A_497 = tpu.memref_slice %arg10[%dma_wait3A_496] : memref<16384xf32, #tpu.memory_space<vmem>> -> memref<4096xf32, #tpu.memory_space<vmem>>
        tpu.wait_dma2 semaphore(%arg14 : memref<!tpu.dma_semaphore, #tpu.memory_space<semaphore_mem>>) src(%dma_wait3A_497 : memref<4096xf32, #tpu.memory_space<vmem>>) dst(%dma_wait3A_495 : memref<4096xf32, #tpu.memory_space<hbm>>)
        %add3A_498 = arith.constant 32768 : i32
        %add3A_499 = arith.addi %mul3A_489, %add3A_498 : i32
        %dma_wait3A_500 = arith.constant 4096 : i32
        %dma_wait3A_501 = tpu.memref_slice %arg10[%dma_wait3A_500] : memref<16384xf32, #tpu.memory_space<vmem>> -> memref<4096xf32, #tpu.memory_space<vmem>>
        %dma_wait3A_502 = tpu.memref_slice %arg4[%add3A_499] : memref<26214400xf32, #tpu.memory_space<hbm>> -> memref<4096xf32, #tpu.memory_space<hbm>>
        %dma_wait3A_503 = tpu.memref_slice %arg4[%add3A_499] : memref<26214400xf32, #tpu.memory_space<hbm>> -> memref<4096xf32, #tpu.memory_space<hbm>>
        %dma_wait3A_504 = arith.constant 4096 : i32
        %dma_wait3A_505 = tpu.memref_slice %arg10[%dma_wait3A_504] : memref<16384xf32, #tpu.memory_space<vmem>> -> memref<4096xf32, #tpu.memory_space<vmem>>
        tpu.wait_dma2 semaphore(%arg14 : memref<!tpu.dma_semaphore, #tpu.memory_space<semaphore_mem>>) src(%dma_wait3A_505 : memref<4096xf32, #tpu.memory_space<vmem>>) dst(%dma_wait3A_503 : memref<4096xf32, #tpu.memory_space<hbm>>)
        %add3A_506 = arith.constant 65536 : i32
        %add3A_507 = arith.addi %mul3A_489, %add3A_506 : i32
        %dma_wait3A_508 = arith.constant 8192 : i32
        %dma_wait3A_509 = tpu.memref_slice %arg10[%dma_wait3A_508] : memref<16384xf32, #tpu.memory_space<vmem>> -> memref<4096xf32, #tpu.memory_space<vmem>>
        %dma_wait3A_510 = tpu.memref_slice %arg4[%add3A_507] : memref<26214400xf32, #tpu.memory_space<hbm>> -> memref<4096xf32, #tpu.memory_space<hbm>>
        %dma_wait3A_511 = tpu.memref_slice %arg4[%add3A_507] : memref<26214400xf32, #tpu.memory_space<hbm>> -> memref<4096xf32, #tpu.memory_space<hbm>>
        %dma_wait3A_512 = arith.constant 8192 : i32
        %dma_wait3A_513 = tpu.memref_slice %arg10[%dma_wait3A_512] : memref<16384xf32, #tpu.memory_space<vmem>> -> memref<4096xf32, #tpu.memory_space<vmem>>
        tpu.wait_dma2 semaphore(%arg14 : memref<!tpu.dma_semaphore, #tpu.memory_space<semaphore_mem>>) src(%dma_wait3A_513 : memref<4096xf32, #tpu.memory_space<vmem>>) dst(%dma_wait3A_511 : memref<4096xf32, #tpu.memory_space<hbm>>)
        %add3A_514 = arith.constant 98304 : i32
        %add3A_515 = arith.addi %mul3A_489, %add3A_514 : i32
        %dma_wait3A_516 = arith.constant 12288 : i32
        %dma_wait3A_517 = tpu.memref_slice %arg10[%dma_wait3A_516] : memref<16384xf32, #tpu.memory_space<vmem>> -> memref<4096xf32, #tpu.memory_space<vmem>>
        %dma_wait3A_518 = tpu.memref_slice %arg4[%add3A_515] : memref<26214400xf32, #tpu.memory_space<hbm>> -> memref<4096xf32, #tpu.memory_space<hbm>>
        %dma_wait3A_519 = tpu.memref_slice %arg4[%add3A_515] : memref<26214400xf32, #tpu.memory_space<hbm>> -> memref<4096xf32, #tpu.memory_space<hbm>>
        %dma_wait3A_520 = arith.constant 12288 : i32
        %dma_wait3A_521 = tpu.memref_slice %arg10[%dma_wait3A_520] : memref<16384xf32, #tpu.memory_space<vmem>> -> memref<4096xf32, #tpu.memory_space<vmem>>
        tpu.wait_dma2 semaphore(%arg14 : memref<!tpu.dma_semaphore, #tpu.memory_space<semaphore_mem>>) src(%dma_wait3A_521 : memref<4096xf32, #tpu.memory_space<vmem>>) dst(%dma_wait3A_519 : memref<4096xf32, #tpu.memory_space<hbm>>)
      } else {
      }
      %scan3A_350 = arith.constant 0 : i32
      %scan3A_351 = arith.constant 0 : i32
      %scan3A_352 = arith.constant 32 : i32
      %scan3A_353 = arith.addi %scan3A_351, %scan3A_352 : i32
      %scan3A_354 = arith.constant 1 : i32
      %scan3A_355 = scf.for %scan3A_441 = %scan3A_351 to %scan3A_353 step %scan3A_354 iter_args(%scan3A_442 = %scan3A_350) -> (i32)  : i32 {
        %shift_right_arithmetic3A = arith.constant 3 : i32
        %shift_right_arithmetic3A_443 = arith.shrsi %scan3A_441, %shift_right_arithmetic3A : i32
        %and3A_444 = arith.constant 7 : i32
        %and3A_445 = arith.andi %scan3A_441, %and3A_444 : i32
        %mul3A_446 = arith.constant 128 : i32
        %mul3A_447 = arith.muli %shift_right_arithmetic3A_443, %mul3A_446 : i32
        %mul3A_448 = arith.constant 16 : i32
        %mul3A_449 = arith.muli %and3A_445, %mul3A_448 : i32
        %add3A_450 = arith.addi %mul3A_447, %mul3A_449 : i32
        %mul3A_451 = arith.constant 1024 : i32
        %mul3A_452 = arith.muli %shift_right_arithmetic3A_443, %mul3A_451 : i32
        %mul3A_453 = arith.constant 16 : i32
        %mul3A_454 = arith.muli %and3A_445, %mul3A_453 : i32
        %add3A_455 = arith.addi %mul3A_452, %mul3A_454 : i32
        %add3A_456 = arith.constant 0 : i32
        %add3A_457 = arith.addi %add3A_450, %add3A_456 : i32
        %get3A = arith.index_cast %add3A_457 : i32 to index
        %get3A_458 = arith.constant 0 : index
        %get3A_459 = tpu.vector_load %arg8[%get3A, %get3A_458] {strides = array<i32>} : memref<512x32xf32, #tpu.memory_space<vmem>>, vector<16xf32>,
        %add3A_460 = arith.constant 1 : i32
        %add3A_461 = arith.addi %add3A_450, %add3A_460 : i32
        %get3A_462 = arith.index_cast %add3A_461 : i32 to index
        %get3A_463 = arith.constant 0 : index
        %get3A_464 = tpu.vector_load %arg8[%get3A_462, %get3A_463] {strides = array<i32>} : memref<512x32xf32, #tpu.memory_space<vmem>>, vector<16xf32>,
        %add3A_465 = arith.constant 2 : i32
        %add3A_466 = arith.addi %add3A_450, %add3A_465 : i32
        %get3A_467 = arith.index_cast %add3A_466 : i32 to index
        %get3A_468 = arith.constant 0 : index
        %get3A_469 = tpu.vector_load %arg8[%get3A_467, %get3A_468] {strides = array<i32>} : memref<512x32xf32, #tpu.memory_space<vmem>>, vector<16xf32>,
        %add3A_470 = arith.constant 3 : i32
        %add3A_471 = arith.addi %add3A_450, %add3A_470 : i32
        %get3A_472 = arith.index_cast %add3A_471 : i32 to index
        %get3A_473 = arith.constant 0 : index
        %get3A_474 = tpu.vector_load %arg8[%get3A_472, %get3A_473] {strides = array<i32>} : memref<512x32xf32, #tpu.memory_space<vmem>>, vector<16xf32>,
        %add3A_475 = arith.constant 4 : i32
        %add3A_476 = arith.addi %add3A_450, %add3A_475 : i32
        %get3A_477 = arith.index_cast %add3A_476 : i32 to index
        %get3A_478 = arith.constant 0 : index
        %get3A_479 = tpu.vector_load %arg8[%get3A_477, %get3A_478] {strides = array<i32>} : memref<512x32xf32, #tpu.memory_space<vmem>>, vector<16xf32>,
        %add3A_480 = arith.constant 5 : i32
        %add3A_481 = arith.addi %add3A_450, %add3A_480 : i32
        %get3A_482 = arith.index_cast %add3A_481 : i32 to index
        %get3A_483 = arith.constant 0 : index
        %get3A_484 = tpu.vector_load %arg8[%get3A_482, %get3A_483] {strides = array<i32>} : memref<512x32xf32, #tpu.memory_space<vmem>>, vector<16xf32>,
        %add3A_485 = arith.constant 6 : i32
        %add3A_486 = arith.addi %add3A_450, %add3A_485 : i32
        %get3A_487 = arith.index_cast %add3A_486 : i32 to index
        %get3A_488 = arith.constant 0 : index
        %get3A_489 = tpu.vector_load %arg8[%get3A_487, %get3A_488] {strides = array<i32>} : memref<512x32xf32, #tpu.memory_space<vmem>>, vector<16xf32>,
        %add3A_490 = arith.constant 7 : i32
        %add3A_491 = arith.addi %add3A_450, %add3A_490 : i32
        %get3A_492 = arith.index_cast %add3A_491 : i32 to index
        %get3A_493 = arith.constant 0 : index
        %get3A_494 = tpu.vector_load %arg8[%get3A_492, %get3A_493] {strides = array<i32>} : memref<512x32xf32, #tpu.memory_space<vmem>>, vector<16xf32>,
        %add3A_495 = arith.constant 8 : i32
        %add3A_496 = arith.addi %add3A_450, %add3A_495 : i32
        %get3A_497 = arith.index_cast %add3A_496 : i32 to index
        %get3A_498 = arith.constant 0 : index
        %get3A_499 = tpu.vector_load %arg8[%get3A_497, %get3A_498] {strides = array<i32>} : memref<512x32xf32, #tpu.memory_space<vmem>>, vector<16xf32>,
        %add3A_500 = arith.constant 9 : i32
        %add3A_501 = arith.addi %add3A_450, %add3A_500 : i32
        %get3A_502 = arith.index_cast %add3A_501 : i32 to index
        %get3A_503 = arith.constant 0 : index
        %get3A_504 = tpu.vector_load %arg8[%get3A_502, %get3A_503] {strides = array<i32>} : memref<512x32xf32, #tpu.memory_space<vmem>>, vector<16xf32>,
        %add3A_505 = arith.constant 10 : i32
        %add3A_506 = arith.addi %add3A_450, %add3A_505 : i32
        %get3A_507 = arith.index_cast %add3A_506 : i32 to index
        %get3A_508 = arith.constant 0 : index
        %get3A_509 = tpu.vector_load %arg8[%get3A_507, %get3A_508] {strides = array<i32>} : memref<512x32xf32, #tpu.memory_space<vmem>>, vector<16xf32>,
        %add3A_510 = arith.constant 11 : i32
        %add3A_511 = arith.addi %add3A_450, %add3A_510 : i32
        %get3A_512 = arith.index_cast %add3A_511 : i32 to index
        %get3A_513 = arith.constant 0 : index
        %get3A_514 = tpu.vector_load %arg8[%get3A_512, %get3A_513] {strides = array<i32>} : memref<512x32xf32, #tpu.memory_space<vmem>>, vector<16xf32>,
        %add3A_515 = arith.constant 12 : i32
        %add3A_516 = arith.addi %add3A_450, %add3A_515 : i32
        %get3A_517 = arith.index_cast %add3A_516 : i32 to index
        %get3A_518 = arith.constant 0 : index
        %get3A_519 = tpu.vector_load %arg8[%get3A_517, %get3A_518] {strides = array<i32>} : memref<512x32xf32, #tpu.memory_space<vmem>>, vector<16xf32>,
        %add3A_520 = arith.constant 13 : i32
        %add3A_521 = arith.addi %add3A_450, %add3A_520 : i32
        %get3A_522 = arith.index_cast %add3A_521 : i32 to index
        %get3A_523 = arith.constant 0 : index
        %get3A_524 = tpu.vector_load %arg8[%get3A_522, %get3A_523] {strides = array<i32>} : memref<512x32xf32, #tpu.memory_space<vmem>>, vector<16xf32>,
        %add3A_525 = arith.constant 14 : i32
        %add3A_526 = arith.addi %add3A_450, %add3A_525 : i32
        %get3A_527 = arith.index_cast %add3A_526 : i32 to index
        %get3A_528 = arith.constant 0 : index
        %get3A_529 = tpu.vector_load %arg8[%get3A_527, %get3A_528] {strides = array<i32>} : memref<512x32xf32, #tpu.memory_space<vmem>>, vector<16xf32>,
        %add3A_530 = arith.constant 15 : i32
        %add3A_531 = arith.addi %add3A_450, %add3A_530 : i32
        %get3A_532 = arith.index_cast %add3A_531 : i32 to index
        %get3A_533 = arith.constant 0 : index
        %get3A_534 = tpu.vector_load %arg8[%get3A_532, %get3A_533] {strides = array<i32>} : memref<512x32xf32, #tpu.memory_space<vmem>>, vector<16xf32>,
        %lt3A_535 = arith.constant 0 : i32
        %lt3A_536 = vector.broadcast %lt3A_535 : i32 to vector<16xi32>
        %lt3A_537 = arith.cmpi slt, %xor3A_26, %lt3A_536 : vector<16xi32>
        %add3A_538 = arith.constant 16 : i32
        %add3A_539 = vector.broadcast %add3A_538 : i32 to vector<16xi32>
        %add3A_540 = arith.addi %xor3A_26, %add3A_539 : vector<16xi32>
        %select_n3A_541 = arith.select %lt3A_537, %add3A_540, %xor3A_26 : vector<16xi1>, vector<16xi32>
        %broadcast_in_dim3A = vector.shape_cast %select_n3A_541 : vector<16xi32> to vector<16x1xi32>
        %gather3A = vector.shape_cast %broadcast_in_dim3A : vector<16x1xi32> to vector<16xi32>
        %gather3A_542 = tpu.dynamic_gather %get3A_459[%gather3A] in [0] : vector<16xf32>, vector<16xi32> -> vector<16xf32>
        %lt3A_543 = arith.constant 0 : i32
        %lt3A_544 = vector.broadcast %lt3A_543 : i32 to vector<16xi32>
        %lt3A_545 = arith.cmpi slt, %xor3A_26, %lt3A_544 : vector<16xi32>
        %add3A_546 = arith.constant 16 : i32
        %add3A_547 = vector.broadcast %add3A_546 : i32 to vector<16xi32>
        %add3A_548 = arith.addi %xor3A_26, %add3A_547 : vector<16xi32>
        %select_n3A_549 = arith.select %lt3A_545, %add3A_548, %xor3A_26 : vector<16xi1>, vector<16xi32>
        %broadcast_in_dim3A_550 = vector.shape_cast %select_n3A_549 : vector<16xi32> to vector<16x1xi32>
        %gather3A_551 = vector.shape_cast %broadcast_in_dim3A_550 : vector<16x1xi32> to vector<16xi32>
        %gather3A_552 = tpu.dynamic_gather %get3A_464[%gather3A_551] in [0] : vector<16xf32>, vector<16xi32> -> vector<16xf32>
        %select_n3A_553 = arith.select %eq3A_6, %get3A_459, %gather3A_552 : vector<16xi1>, vector<16xf32>
        %select_n3A_554 = arith.select %eq3A_6, %gather3A_542, %get3A_464 : vector<16xi1>, vector<16xf32>
        %lt3A_555 = arith.constant 0 : i32
        %lt3A_556 = vector.broadcast %lt3A_555 : i32 to vector<16xi32>
        %lt3A_557 = arith.cmpi slt, %xor3A_26, %lt3A_556 : vector<16xi32>
        %add3A_558 = arith.constant 16 : i32
        %add3A_559 = vector.broadcast %add3A_558 : i32 to vector<16xi32>
        %add3A_560 = arith.addi %xor3A_26, %add3A_559 : vector<16xi32>
        %select_n3A_561 = arith.select %lt3A_557, %add3A_560, %xor3A_26 : vector<16xi1>, vector<16xi32>
        %broadcast_in_dim3A_562 = vector.shape_cast %select_n3A_561 : vector<16xi32> to vector<16x1xi32>
        %gather3A_563 = vector.shape_cast %broadcast_in_dim3A_562 : vector<16x1xi32> to vector<16xi32>
        %gather3A_564 = tpu.dynamic_gather %get3A_469[%gather3A_563] in [0] : vector<16xf32>, vector<16xi32> -> vector<16xf32>
        %lt3A_565 = arith.constant 0 : i32
        %lt3A_566 = vector.broadcast %lt3A_565 : i32 to vector<16xi32>
        %lt3A_567 = arith.cmpi slt, %xor3A_26, %lt3A_566 : vector<16xi32>
        %add3A_568 = arith.constant 16 : i32
        %add3A_569 = vector.broadcast %add3A_568 : i32 to vector<16xi32>
        %add3A_570 = arith.addi %xor3A_26, %add3A_569 : vector<16xi32>
        %select_n3A_571 = arith.select %lt3A_567, %add3A_570, %xor3A_26 : vector<16xi1>, vector<16xi32>
        %broadcast_in_dim3A_572 = vector.shape_cast %select_n3A_571 : vector<16xi32> to vector<16x1xi32>
        %gather3A_573 = vector.shape_cast %broadcast_in_dim3A_572 : vector<16x1xi32> to vector<16xi32>
        %gather3A_574 = tpu.dynamic_gather %get3A_474[%gather3A_573] in [0] : vector<16xf32>, vector<16xi32> -> vector<16xf32>
        %select_n3A_575 = arith.select %eq3A_6, %get3A_469, %gather3A_574 : vector<16xi1>, vector<16xf32>
        %select_n3A_576 = arith.select %eq3A_6, %gather3A_564, %get3A_474 : vector<16xi1>, vector<16xf32>
        %lt3A_577 = arith.constant 0 : i32
        %lt3A_578 = vector.broadcast %lt3A_577 : i32 to vector<16xi32>
        %lt3A_579 = arith.cmpi slt, %xor3A_26, %lt3A_578 : vector<16xi32>
        %add3A_580 = arith.constant 16 : i32
        %add3A_581 = vector.broadcast %add3A_580 : i32 to vector<16xi32>
        %add3A_582 = arith.addi %xor3A_26, %add3A_581 : vector<16xi32>
        %select_n3A_583 = arith.select %lt3A_579, %add3A_582, %xor3A_26 : vector<16xi1>, vector<16xi32>
        %broadcast_in_dim3A_584 = vector.shape_cast %select_n3A_583 : vector<16xi32> to vector<16x1xi32>
        %gather3A_585 = vector.shape_cast %broadcast_in_dim3A_584 : vector<16x1xi32> to vector<16xi32>
        %gather3A_586 = tpu.dynamic_gather %get3A_479[%gather3A_585] in [0] : vector<16xf32>, vector<16xi32> -> vector<16xf32>
        %lt3A_587 = arith.constant 0 : i32
        %lt3A_588 = vector.broadcast %lt3A_587 : i32 to vector<16xi32>
        %lt3A_589 = arith.cmpi slt, %xor3A_26, %lt3A_588 : vector<16xi32>
        %add3A_590 = arith.constant 16 : i32
        %add3A_591 = vector.broadcast %add3A_590 : i32 to vector<16xi32>
        %add3A_592 = arith.addi %xor3A_26, %add3A_591 : vector<16xi32>
        %select_n3A_593 = arith.select %lt3A_589, %add3A_592, %xor3A_26 : vector<16xi1>, vector<16xi32>
        %broadcast_in_dim3A_594 = vector.shape_cast %select_n3A_593 : vector<16xi32> to vector<16x1xi32>
        %gather3A_595 = vector.shape_cast %broadcast_in_dim3A_594 : vector<16x1xi32> to vector<16xi32>
        %gather3A_596 = tpu.dynamic_gather %get3A_484[%gather3A_595] in [0] : vector<16xf32>, vector<16xi32> -> vector<16xf32>
        %select_n3A_597 = arith.select %eq3A_6, %get3A_479, %gather3A_596 : vector<16xi1>, vector<16xf32>
        %select_n3A_598 = arith.select %eq3A_6, %gather3A_586, %get3A_484 : vector<16xi1>, vector<16xf32>
        %lt3A_599 = arith.constant 0 : i32
        %lt3A_600 = vector.broadcast %lt3A_599 : i32 to vector<16xi32>
        %lt3A_601 = arith.cmpi slt, %xor3A_26, %lt3A_600 : vector<16xi32>
        %add3A_602 = arith.constant 16 : i32
        %add3A_603 = vector.broadcast %add3A_602 : i32 to vector<16xi32>
        %add3A_604 = arith.addi %xor3A_26, %add3A_603 : vector<16xi32>
        %select_n3A_605 = arith.select %lt3A_601, %add3A_604, %xor3A_26 : vector<16xi1>, vector<16xi32>
        %broadcast_in_dim3A_606 = vector.shape_cast %select_n3A_605 : vector<16xi32> to vector<16x1xi32>
        %gather3A_607 = vector.shape_cast %broadcast_in_dim3A_606 : vector<16x1xi32> to vector<16xi32>
        %gather3A_608 = tpu.dynamic_gather %get3A_489[%gather3A_607] in [0] : vector<16xf32>, vector<16xi32> -> vector<16xf32>
        %lt3A_609 = arith.constant 0 : i32
        %lt3A_610 = vector.broadcast %lt3A_609 : i32 to vector<16xi32>
        %lt3A_611 = arith.cmpi slt, %xor3A_26, %lt3A_610 : vector<16xi32>
        %add3A_612 = arith.constant 16 : i32
        %add3A_613 = vector.broadcast %add3A_612 : i32 to vector<16xi32>
        %add3A_614 = arith.addi %xor3A_26, %add3A_613 : vector<16xi32>
        %select_n3A_615 = arith.select %lt3A_611, %add3A_614, %xor3A_26 : vector<16xi1>, vector<16xi32>
        %broadcast_in_dim3A_616 = vector.shape_cast %select_n3A_615 : vector<16xi32> to vector<16x1xi32>
        %gather3A_617 = vector.shape_cast %broadcast_in_dim3A_616 : vector<16x1xi32> to vector<16xi32>
        %gather3A_618 = tpu.dynamic_gather %get3A_494[%gather3A_617] in [0] : vector<16xf32>, vector<16xi32> -> vector<16xf32>
        %select_n3A_619 = arith.select %eq3A_6, %get3A_489, %gather3A_618 : vector<16xi1>, vector<16xf32>
        %select_n3A_620 = arith.select %eq3A_6, %gather3A_608, %get3A_494 : vector<16xi1>, vector<16xf32>
        %lt3A_621 = arith.constant 0 : i32
        %lt3A_622 = vector.broadcast %lt3A_621 : i32 to vector<16xi32>
        %lt3A_623 = arith.cmpi slt, %xor3A_26, %lt3A_622 : vector<16xi32>
        %add3A_624 = arith.constant 16 : i32
        %add3A_625 = vector.broadcast %add3A_624 : i32 to vector<16xi32>
        %add3A_626 = arith.addi %xor3A_26, %add3A_625 : vector<16xi32>
        %select_n3A_627 = arith.select %lt3A_623, %add3A_626, %xor3A_26 : vector<16xi1>, vector<16xi32>
        %broadcast_in_dim3A_628 = vector.shape_cast %select_n3A_627 : vector<16xi32> to vector<16x1xi32>
        %gather3A_629 = vector.shape_cast %broadcast_in_dim3A_628 : vector<16x1xi32> to vector<16xi32>
        %gather3A_630 = tpu.dynamic_gather %get3A_499[%gather3A_629] in [0] : vector<16xf32>, vector<16xi32> -> vector<16xf32>
        %lt3A_631 = arith.constant 0 : i32
        %lt3A_632 = vector.broadcast %lt3A_631 : i32 to vector<16xi32>
        %lt3A_633 = arith.cmpi slt, %xor3A_26, %lt3A_632 : vector<16xi32>
        %add3A_634 = arith.constant 16 : i32
        %add3A_635 = vector.broadcast %add3A_634 : i32 to vector<16xi32>
        %add3A_636 = arith.addi %xor3A_26, %add3A_635 : vector<16xi32>
        %select_n3A_637 = arith.select %lt3A_633, %add3A_636, %xor3A_26 : vector<16xi1>, vector<16xi32>
        %broadcast_in_dim3A_638 = vector.shape_cast %select_n3A_637 : vector<16xi32> to vector<16x1xi32>
        %gather3A_639 = vector.shape_cast %broadcast_in_dim3A_638 : vector<16x1xi32> to vector<16xi32>
        %gather3A_640 = tpu.dynamic_gather %get3A_504[%gather3A_639] in [0] : vector<16xf32>, vector<16xi32> -> vector<16xf32>
        %select_n3A_641 = arith.select %eq3A_6, %get3A_499, %gather3A_640 : vector<16xi1>, vector<16xf32>
        %select_n3A_642 = arith.select %eq3A_6, %gather3A_630, %get3A_504 : vector<16xi1>, vector<16xf32>
        %lt3A_643 = arith.constant 0 : i32
        %lt3A_644 = vector.broadcast %lt3A_643 : i32 to vector<16xi32>
        %lt3A_645 = arith.cmpi slt, %xor3A_26, %lt3A_644 : vector<16xi32>
        %add3A_646 = arith.constant 16 : i32
        %add3A_647 = vector.broadcast %add3A_646 : i32 to vector<16xi32>
        %add3A_648 = arith.addi %xor3A_26, %add3A_647 : vector<16xi32>
        %select_n3A_649 = arith.select %lt3A_645, %add3A_648, %xor3A_26 : vector<16xi1>, vector<16xi32>
        %broadcast_in_dim3A_650 = vector.shape_cast %select_n3A_649 : vector<16xi32> to vector<16x1xi32>
        %gather3A_651 = vector.shape_cast %broadcast_in_dim3A_650 : vector<16x1xi32> to vector<16xi32>
        %gather3A_652 = tpu.dynamic_gather %get3A_509[%gather3A_651] in [0] : vector<16xf32>, vector<16xi32> -> vector<16xf32>
        %lt3A_653 = arith.constant 0 : i32
        %lt3A_654 = vector.broadcast %lt3A_653 : i32 to vector<16xi32>
        %lt3A_655 = arith.cmpi slt, %xor3A_26, %lt3A_654 : vector<16xi32>
        %add3A_656 = arith.constant 16 : i32
        %add3A_657 = vector.broadcast %add3A_656 : i32 to vector<16xi32>
        %add3A_658 = arith.addi %xor3A_26, %add3A_657 : vector<16xi32>
        %select_n3A_659 = arith.select %lt3A_655, %add3A_658, %xor3A_26 : vector<16xi1>, vector<16xi32>
        %broadcast_in_dim3A_660 = vector.shape_cast %select_n3A_659 : vector<16xi32> to vector<16x1xi32>
        %gather3A_661 = vector.shape_cast %broadcast_in_dim3A_660 : vector<16x1xi32> to vector<16xi32>
        %gather3A_662 = tpu.dynamic_gather %get3A_514[%gather3A_661] in [0] : vector<16xf32>, vector<16xi32> -> vector<16xf32>
        %select_n3A_663 = arith.select %eq3A_6, %get3A_509, %gather3A_662 : vector<16xi1>, vector<16xf32>
        %select_n3A_664 = arith.select %eq3A_6, %gather3A_652, %get3A_514 : vector<16xi1>, vector<16xf32>
        %lt3A_665 = arith.constant 0 : i32
        %lt3A_666 = vector.broadcast %lt3A_665 : i32 to vector<16xi32>
        %lt3A_667 = arith.cmpi slt, %xor3A_26, %lt3A_666 : vector<16xi32>
        %add3A_668 = arith.constant 16 : i32
        %add3A_669 = vector.broadcast %add3A_668 : i32 to vector<16xi32>
        %add3A_670 = arith.addi %xor3A_26, %add3A_669 : vector<16xi32>
        %select_n3A_671 = arith.select %lt3A_667, %add3A_670, %xor3A_26 : vector<16xi1>, vector<16xi32>
        %broadcast_in_dim3A_672 = vector.shape_cast %select_n3A_671 : vector<16xi32> to vector<16x1xi32>
        %gather3A_673 = vector.shape_cast %broadcast_in_dim3A_672 : vector<16x1xi32> to vector<16xi32>
        %gather3A_674 = tpu.dynamic_gather %get3A_519[%gather3A_673] in [0] : vector<16xf32>, vector<16xi32> -> vector<16xf32>
        %lt3A_675 = arith.constant 0 : i32
        %lt3A_676 = vector.broadcast %lt3A_675 : i32 to vector<16xi32>
        %lt3A_677 = arith.cmpi slt, %xor3A_26, %lt3A_676 : vector<16xi32>
        %add3A_678 = arith.constant 16 : i32
        %add3A_679 = vector.broadcast %add3A_678 : i32 to vector<16xi32>
        %add3A_680 = arith.addi %xor3A_26, %add3A_679 : vector<16xi32>
        %select_n3A_681 = arith.select %lt3A_677, %add3A_680, %xor3A_26 : vector<16xi1>, vector<16xi32>
        %broadcast_in_dim3A_682 = vector.shape_cast %select_n3A_681 : vector<16xi32> to vector<16x1xi32>
        %gather3A_683 = vector.shape_cast %broadcast_in_dim3A_682 : vector<16x1xi32> to vector<16xi32>
        %gather3A_684 = tpu.dynamic_gather %get3A_524[%gather3A_683] in [0] : vector<16xf32>, vector<16xi32> -> vector<16xf32>
        %select_n3A_685 = arith.select %eq3A_6, %get3A_519, %gather3A_684 : vector<16xi1>, vector<16xf32>
        %select_n3A_686 = arith.select %eq3A_6, %gather3A_674, %get3A_524 : vector<16xi1>, vector<16xf32>
        %lt3A_687 = arith.constant 0 : i32
        %lt3A_688 = vector.broadcast %lt3A_687 : i32 to vector<16xi32>
        %lt3A_689 = arith.cmpi slt, %xor3A_26, %lt3A_688 : vector<16xi32>
        %add3A_690 = arith.constant 16 : i32
        %add3A_691 = vector.broadcast %add3A_690 : i32 to vector<16xi32>
        %add3A_692 = arith.addi %xor3A_26, %add3A_691 : vector<16xi32>
        %select_n3A_693 = arith.select %lt3A_689, %add3A_692, %xor3A_26 : vector<16xi1>, vector<16xi32>
        %broadcast_in_dim3A_694 = vector.shape_cast %select_n3A_693 : vector<16xi32> to vector<16x1xi32>
        %gather3A_695 = vector.shape_cast %broadcast_in_dim3A_694 : vector<16x1xi32> to vector<16xi32>
        %gather3A_696 = tpu.dynamic_gather %get3A_529[%gather3A_695] in [0] : vector<16xf32>, vector<16xi32> -> vector<16xf32>
        %lt3A_697 = arith.constant 0 : i32
        %lt3A_698 = vector.broadcast %lt3A_697 : i32 to vector<16xi32>
        %lt3A_699 = arith.cmpi slt, %xor3A_26, %lt3A_698 : vector<16xi32>
        %add3A_700 = arith.constant 16 : i32
        %add3A_701 = vector.broadcast %add3A_700 : i32 to vector<16xi32>
        %add3A_702 = arith.addi %xor3A_26, %add3A_701 : vector<16xi32>
        %select_n3A_703 = arith.select %lt3A_699, %add3A_702, %xor3A_26 : vector<16xi1>, vector<16xi32>
        %broadcast_in_dim3A_704 = vector.shape_cast %select_n3A_703 : vector<16xi32> to vector<16x1xi32>
        %gather3A_705 = vector.shape_cast %broadcast_in_dim3A_704 : vector<16x1xi32> to vector<16xi32>
        %gather3A_706 = tpu.dynamic_gather %get3A_534[%gather3A_705] in [0] : vector<16xf32>, vector<16xi32> -> vector<16xf32>
        %select_n3A_707 = arith.select %eq3A_6, %get3A_529, %gather3A_706 : vector<16xi1>, vector<16xf32>
        %select_n3A_708 = arith.select %eq3A_6, %gather3A_696, %get3A_534 : vector<16xi1>, vector<16xf32>
        %lt3A_709 = arith.constant 0 : i32
        %lt3A_710 = vector.broadcast %lt3A_709 : i32 to vector<16xi32>
        %lt3A_711 = arith.cmpi slt, %xor3A_29, %lt3A_710 : vector<16xi32>
        %add3A_712 = arith.constant 16 : i32
        %add3A_713 = vector.broadcast %add3A_712 : i32 to vector<16xi32>
        %add3A_714 = arith.addi %xor3A_29, %add3A_713 : vector<16xi32>
        %select_n3A_715 = arith.select %lt3A_711, %add3A_714, %xor3A_29 : vector<16xi1>, vector<16xi32>
        %broadcast_in_dim3A_716 = vector.shape_cast %select_n3A_715 : vector<16xi32> to vector<16x1xi32>
        %gather3A_717 = vector.shape_cast %broadcast_in_dim3A_716 : vector<16x1xi32> to vector<16xi32>
        %gather3A_718 = tpu.dynamic_gather %select_n3A_553[%gather3A_717] in [0] : vector<16xf32>, vector<16xi32> -> vector<16xf32>
        %lt3A_719 = arith.constant 0 : i32
        %lt3A_720 = vector.broadcast %lt3A_719 : i32 to vector<16xi32>
        %lt3A_721 = arith.cmpi slt, %xor3A_29, %lt3A_720 : vector<16xi32>
        %add3A_722 = arith.constant 16 : i32
        %add3A_723 = vector.broadcast %add3A_722 : i32 to vector<16xi32>
        %add3A_724 = arith.addi %xor3A_29, %add3A_723 : vector<16xi32>
        %select_n3A_725 = arith.select %lt3A_721, %add3A_724, %xor3A_29 : vector<16xi1>, vector<16xi32>
        %broadcast_in_dim3A_726 = vector.shape_cast %select_n3A_725 : vector<16xi32> to vector<16x1xi32>
        %gather3A_727 = vector.shape_cast %broadcast_in_dim3A_726 : vector<16x1xi32> to vector<16xi32>
        %gather3A_728 = tpu.dynamic_gather %select_n3A_575[%gather3A_727] in [0] : vector<16xf32>, vector<16xi32> -> vector<16xf32>
        %select_n3A_729 = arith.select %eq3A_12, %select_n3A_553, %gather3A_728 : vector<16xi1>, vector<16xf32>
        %select_n3A_730 = arith.select %eq3A_12, %gather3A_718, %select_n3A_575 : vector<16xi1>, vector<16xf32>
        %lt3A_731 = arith.constant 0 : i32
        %lt3A_732 = vector.broadcast %lt3A_731 : i32 to vector<16xi32>
        %lt3A_733 = arith.cmpi slt, %xor3A_29, %lt3A_732 : vector<16xi32>
        %add3A_734 = arith.constant 16 : i32
        %add3A_735 = vector.broadcast %add3A_734 : i32 to vector<16xi32>
        %add3A_736 = arith.addi %xor3A_29, %add3A_735 : vector<16xi32>
        %select_n3A_737 = arith.select %lt3A_733, %add3A_736, %xor3A_29 : vector<16xi1>, vector<16xi32>
        %broadcast_in_dim3A_738 = vector.shape_cast %select_n3A_737 : vector<16xi32> to vector<16x1xi32>
        %gather3A_739 = vector.shape_cast %broadcast_in_dim3A_738 : vector<16x1xi32> to vector<16xi32>
        %gather3A_740 = tpu.dynamic_gather %select_n3A_554[%gather3A_739] in [0] : vector<16xf32>, vector<16xi32> -> vector<16xf32>
        %lt3A_741 = arith.constant 0 : i32
        %lt3A_742 = vector.broadcast %lt3A_741 : i32 to vector<16xi32>
        %lt3A_743 = arith.cmpi slt, %xor3A_29, %lt3A_742 : vector<16xi32>
        %add3A_744 = arith.constant 16 : i32
        %add3A_745 = vector.broadcast %add3A_744 : i32 to vector<16xi32>
        %add3A_746 = arith.addi %xor3A_29, %add3A_745 : vector<16xi32>
        %select_n3A_747 = arith.select %lt3A_743, %add3A_746, %xor3A_29 : vector<16xi1>, vector<16xi32>
        %broadcast_in_dim3A_748 = vector.shape_cast %select_n3A_747 : vector<16xi32> to vector<16x1xi32>
        %gather3A_749 = vector.shape_cast %broadcast_in_dim3A_748 : vector<16x1xi32> to vector<16xi32>
        %gather3A_750 = tpu.dynamic_gather %select_n3A_576[%gather3A_749] in [0] : vector<16xf32>, vector<16xi32> -> vector<16xf32>
        %select_n3A_751 = arith.select %eq3A_12, %select_n3A_554, %gather3A_750 : vector<16xi1>, vector<16xf32>
        %select_n3A_752 = arith.select %eq3A_12, %gather3A_740, %select_n3A_576 : vector<16xi1>, vector<16xf32>
        %lt3A_753 = arith.constant 0 : i32
        %lt3A_754 = vector.broadcast %lt3A_753 : i32 to vector<16xi32>
        %lt3A_755 = arith.cmpi slt, %xor3A_29, %lt3A_754 : vector<16xi32>
        %add3A_756 = arith.constant 16 : i32
        %add3A_757 = vector.broadcast %add3A_756 : i32 to vector<16xi32>
        %add3A_758 = arith.addi %xor3A_29, %add3A_757 : vector<16xi32>
        %select_n3A_759 = arith.select %lt3A_755, %add3A_758, %xor3A_29 : vector<16xi1>, vector<16xi32>
        %broadcast_in_dim3A_760 = vector.shape_cast %select_n3A_759 : vector<16xi32> to vector<16x1xi32>
        %gather3A_761 = vector.shape_cast %broadcast_in_dim3A_760 : vector<16x1xi32> to vector<16xi32>
        %gather3A_762 = tpu.dynamic_gather %select_n3A_597[%gather3A_761] in [0] : vector<16xf32>, vector<16xi32> -> vector<16xf32>
        %lt3A_763 = arith.constant 0 : i32
        %lt3A_764 = vector.broadcast %lt3A_763 : i32 to vector<16xi32>
        %lt3A_765 = arith.cmpi slt, %xor3A_29, %lt3A_764 : vector<16xi32>
        %add3A_766 = arith.constant 16 : i32
        %add3A_767 = vector.broadcast %add3A_766 : i32 to vector<16xi32>
        %add3A_768 = arith.addi %xor3A_29, %add3A_767 : vector<16xi32>
        %select_n3A_769 = arith.select %lt3A_765, %add3A_768, %xor3A_29 : vector<16xi1>, vector<16xi32>
        %broadcast_in_dim3A_770 = vector.shape_cast %select_n3A_769 : vector<16xi32> to vector<16x1xi32>
        %gather3A_771 = vector.shape_cast %broadcast_in_dim3A_770 : vector<16x1xi32> to vector<16xi32>
        %gather3A_772 = tpu.dynamic_gather %select_n3A_619[%gather3A_771] in [0] : vector<16xf32>, vector<16xi32> -> vector<16xf32>
        %select_n3A_773 = arith.select %eq3A_12, %select_n3A_597, %gather3A_772 : vector<16xi1>, vector<16xf32>
        %select_n3A_774 = arith.select %eq3A_12, %gather3A_762, %select_n3A_619 : vector<16xi1>, vector<16xf32>
        %lt3A_775 = arith.constant 0 : i32
        %lt3A_776 = vector.broadcast %lt3A_775 : i32 to vector<16xi32>
        %lt3A_777 = arith.cmpi slt, %xor3A_29, %lt3A_776 : vector<16xi32>
        %add3A_778 = arith.constant 16 : i32
        %add3A_779 = vector.broadcast %add3A_778 : i32 to vector<16xi32>
        %add3A_780 = arith.addi %xor3A_29, %add3A_779 : vector<16xi32>
        %select_n3A_781 = arith.select %lt3A_777, %add3A_780, %xor3A_29 : vector<16xi1>, vector<16xi32>
        %broadcast_in_dim3A_782 = vector.shape_cast %select_n3A_781 : vector<16xi32> to vector<16x1xi32>
        %gather3A_783 = vector.shape_cast %broadcast_in_dim3A_782 : vector<16x1xi32> to vector<16xi32>
        %gather3A_784 = tpu.dynamic_gather %select_n3A_598[%gather3A_783] in [0] : vector<16xf32>, vector<16xi32> -> vector<16xf32>
        %lt3A_785 = arith.constant 0 : i32
        %lt3A_786 = vector.broadcast %lt3A_785 : i32 to vector<16xi32>
        %lt3A_787 = arith.cmpi slt, %xor3A_29, %lt3A_786 : vector<16xi32>
        %add3A_788 = arith.constant 16 : i32
        %add3A_789 = vector.broadcast %add3A_788 : i32 to vector<16xi32>
        %add3A_790 = arith.addi %xor3A_29, %add3A_789 : vector<16xi32>
        %select_n3A_791 = arith.select %lt3A_787, %add3A_790, %xor3A_29 : vector<16xi1>, vector<16xi32>
        %broadcast_in_dim3A_792 = vector.shape_cast %select_n3A_791 : vector<16xi32> to vector<16x1xi32>
        %gather3A_793 = vector.shape_cast %broadcast_in_dim3A_792 : vector<16x1xi32> to vector<16xi32>
        %gather3A_794 = tpu.dynamic_gather %select_n3A_620[%gather3A_793] in [0] : vector<16xf32>, vector<16xi32> -> vector<16xf32>
        %select_n3A_795 = arith.select %eq3A_12, %select_n3A_598, %gather3A_794 : vector<16xi1>, vector<16xf32>
        %select_n3A_796 = arith.select %eq3A_12, %gather3A_784, %select_n3A_620 : vector<16xi1>, vector<16xf32>
        %lt3A_797 = arith.constant 0 : i32
        %lt3A_798 = vector.broadcast %lt3A_797 : i32 to vector<16xi32>
        %lt3A_799 = arith.cmpi slt, %xor3A_29, %lt3A_798 : vector<16xi32>
        %add3A_800 = arith.constant 16 : i32
        %add3A_801 = vector.broadcast %add3A_800 : i32 to vector<16xi32>
        %add3A_802 = arith.addi %xor3A_29, %add3A_801 : vector<16xi32>
        %select_n3A_803 = arith.select %lt3A_799, %add3A_802, %xor3A_29 : vector<16xi1>, vector<16xi32>
        %broadcast_in_dim3A_804 = vector.shape_cast %select_n3A_803 : vector<16xi32> to vector<16x1xi32>
        %gather3A_805 = vector.shape_cast %broadcast_in_dim3A_804 : vector<16x1xi32> to vector<16xi32>
        %gather3A_806 = tpu.dynamic_gather %select_n3A_641[%gather3A_805] in [0] : vector<16xf32>, vector<16xi32> -> vector<16xf32>
        %lt3A_807 = arith.constant 0 : i32
        %lt3A_808 = vector.broadcast %lt3A_807 : i32 to vector<16xi32>
        %lt3A_809 = arith.cmpi slt, %xor3A_29, %lt3A_808 : vector<16xi32>
        %add3A_810 = arith.constant 16 : i32
        %add3A_811 = vector.broadcast %add3A_810 : i32 to vector<16xi32>
        %add3A_812 = arith.addi %xor3A_29, %add3A_811 : vector<16xi32>
        %select_n3A_813 = arith.select %lt3A_809, %add3A_812, %xor3A_29 : vector<16xi1>, vector<16xi32>
        %broadcast_in_dim3A_814 = vector.shape_cast %select_n3A_813 : vector<16xi32> to vector<16x1xi32>
        %gather3A_815 = vector.shape_cast %broadcast_in_dim3A_814 : vector<16x1xi32> to vector<16xi32>
        %gather3A_816 = tpu.dynamic_gather %select_n3A_663[%gather3A_815] in [0] : vector<16xf32>, vector<16xi32> -> vector<16xf32>
        %select_n3A_817 = arith.select %eq3A_12, %select_n3A_641, %gather3A_816 : vector<16xi1>, vector<16xf32>
        %select_n3A_818 = arith.select %eq3A_12, %gather3A_806, %select_n3A_663 : vector<16xi1>, vector<16xf32>
        %lt3A_819 = arith.constant 0 : i32
        %lt3A_820 = vector.broadcast %lt3A_819 : i32 to vector<16xi32>
        %lt3A_821 = arith.cmpi slt, %xor3A_29, %lt3A_820 : vector<16xi32>
        %add3A_822 = arith.constant 16 : i32
        %add3A_823 = vector.broadcast %add3A_822 : i32 to vector<16xi32>
        %add3A_824 = arith.addi %xor3A_29, %add3A_823 : vector<16xi32>
        %select_n3A_825 = arith.select %lt3A_821, %add3A_824, %xor3A_29 : vector<16xi1>, vector<16xi32>
        %broadcast_in_dim3A_826 = vector.shape_cast %select_n3A_825 : vector<16xi32> to vector<16x1xi32>
        %gather3A_827 = vector.shape_cast %broadcast_in_dim3A_826 : vector<16x1xi32> to vector<16xi32>
        %gather3A_828 = tpu.dynamic_gather %select_n3A_642[%gather3A_827] in [0] : vector<16xf32>, vector<16xi32> -> vector<16xf32>
        %lt3A_829 = arith.constant 0 : i32
        %lt3A_830 = vector.broadcast %lt3A_829 : i32 to vector<16xi32>
        %lt3A_831 = arith.cmpi slt, %xor3A_29, %lt3A_830 : vector<16xi32>
        %add3A_832 = arith.constant 16 : i32
        %add3A_833 = vector.broadcast %add3A_832 : i32 to vector<16xi32>
        %add3A_834 = arith.addi %xor3A_29, %add3A_833 : vector<16xi32>
        %select_n3A_835 = arith.select %lt3A_831, %add3A_834, %xor3A_29 : vector<16xi1>, vector<16xi32>
        %broadcast_in_dim3A_836 = vector.shape_cast %select_n3A_835 : vector<16xi32> to vector<16x1xi32>
        %gather3A_837 = vector.shape_cast %broadcast_in_dim3A_836 : vector<16x1xi32> to vector<16xi32>
        %gather3A_838 = tpu.dynamic_gather %select_n3A_664[%gather3A_837] in [0] : vector<16xf32>, vector<16xi32> -> vector<16xf32>
        %select_n3A_839 = arith.select %eq3A_12, %select_n3A_642, %gather3A_838 : vector<16xi1>, vector<16xf32>
        %select_n3A_840 = arith.select %eq3A_12, %gather3A_828, %select_n3A_664 : vector<16xi1>, vector<16xf32>
        %lt3A_841 = arith.constant 0 : i32
        %lt3A_842 = vector.broadcast %lt3A_841 : i32 to vector<16xi32>
        %lt3A_843 = arith.cmpi slt, %xor3A_29, %lt3A_842 : vector<16xi32>
        %add3A_844 = arith.constant 16 : i32
        %add3A_845 = vector.broadcast %add3A_844 : i32 to vector<16xi32>
        %add3A_846 = arith.addi %xor3A_29, %add3A_845 : vector<16xi32>
        %select_n3A_847 = arith.select %lt3A_843, %add3A_846, %xor3A_29 : vector<16xi1>, vector<16xi32>
        %broadcast_in_dim3A_848 = vector.shape_cast %select_n3A_847 : vector<16xi32> to vector<16x1xi32>
        %gather3A_849 = vector.shape_cast %broadcast_in_dim3A_848 : vector<16x1xi32> to vector<16xi32>
        %gather3A_850 = tpu.dynamic_gather %select_n3A_685[%gather3A_849] in [0] : vector<16xf32>, vector<16xi32> -> vector<16xf32>
        %lt3A_851 = arith.constant 0 : i32
        %lt3A_852 = vector.broadcast %lt3A_851 : i32 to vector<16xi32>
        %lt3A_853 = arith.cmpi slt, %xor3A_29, %lt3A_852 : vector<16xi32>
        %add3A_854 = arith.constant 16 : i32
        %add3A_855 = vector.broadcast %add3A_854 : i32 to vector<16xi32>
        %add3A_856 = arith.addi %xor3A_29, %add3A_855 : vector<16xi32>
        %select_n3A_857 = arith.select %lt3A_853, %add3A_856, %xor3A_29 : vector<16xi1>, vector<16xi32>
        %broadcast_in_dim3A_858 = vector.shape_cast %select_n3A_857 : vector<16xi32> to vector<16x1xi32>
        %gather3A_859 = vector.shape_cast %broadcast_in_dim3A_858 : vector<16x1xi32> to vector<16xi32>
        %gather3A_860 = tpu.dynamic_gather %select_n3A_707[%gather3A_859] in [0] : vector<16xf32>, vector<16xi32> -> vector<16xf32>
        %select_n3A_861 = arith.select %eq3A_12, %select_n3A_685, %gather3A_860 : vector<16xi1>, vector<16xf32>
        %select_n3A_862 = arith.select %eq3A_12, %gather3A_850, %select_n3A_707 : vector<16xi1>, vector<16xf32>
        %lt3A_863 = arith.constant 0 : i32
        %lt3A_864 = vector.broadcast %lt3A_863 : i32 to vector<16xi32>
        %lt3A_865 = arith.cmpi slt, %xor3A_29, %lt3A_864 : vector<16xi32>
        %add3A_866 = arith.constant 16 : i32
        %add3A_867 = vector.broadcast %add3A_866 : i32 to vector<16xi32>
        %add3A_868 = arith.addi %xor3A_29, %add3A_867 : vector<16xi32>
        %select_n3A_869 = arith.select %lt3A_865, %add3A_868, %xor3A_29 : vector<16xi1>, vector<16xi32>
        %broadcast_in_dim3A_870 = vector.shape_cast %select_n3A_869 : vector<16xi32> to vector<16x1xi32>
        %gather3A_871 = vector.shape_cast %broadcast_in_dim3A_870 : vector<16x1xi32> to vector<16xi32>
        %gather3A_872 = tpu.dynamic_gather %select_n3A_686[%gather3A_871] in [0] : vector<16xf32>, vector<16xi32> -> vector<16xf32>
        %lt3A_873 = arith.constant 0 : i32
        %lt3A_874 = vector.broadcast %lt3A_873 : i32 to vector<16xi32>
        %lt3A_875 = arith.cmpi slt, %xor3A_29, %lt3A_874 : vector<16xi32>
        %add3A_876 = arith.constant 16 : i32
        %add3A_877 = vector.broadcast %add3A_876 : i32 to vector<16xi32>
        %add3A_878 = arith.addi %xor3A_29, %add3A_877 : vector<16xi32>
        %select_n3A_879 = arith.select %lt3A_875, %add3A_878, %xor3A_29 : vector<16xi1>, vector<16xi32>
        %broadcast_in_dim3A_880 = vector.shape_cast %select_n3A_879 : vector<16xi32> to vector<16x1xi32>
        %gather3A_881 = vector.shape_cast %broadcast_in_dim3A_880 : vector<16x1xi32> to vector<16xi32>
        %gather3A_882 = tpu.dynamic_gather %select_n3A_708[%gather3A_881] in [0] : vector<16xf32>, vector<16xi32> -> vector<16xf32>
        %select_n3A_883 = arith.select %eq3A_12, %select_n3A_686, %gather3A_882 : vector<16xi1>, vector<16xf32>
        %select_n3A_884 = arith.select %eq3A_12, %gather3A_872, %select_n3A_708 : vector<16xi1>, vector<16xf32>
        %lt3A_885 = arith.constant 0 : i32
        %lt3A_886 = vector.broadcast %lt3A_885 : i32 to vector<16xi32>
        %lt3A_887 = arith.cmpi slt, %xor3A_32, %lt3A_886 : vector<16xi32>
        %add3A_888 = arith.constant 16 : i32
        %add3A_889 = vector.broadcast %add3A_888 : i32 to vector<16xi32>
        %add3A_890 = arith.addi %xor3A_32, %add3A_889 : vector<16xi32>
        %select_n3A_891 = arith.select %lt3A_887, %add3A_890, %xor3A_32 : vector<16xi1>, vector<16xi32>
        %broadcast_in_dim3A_892 = vector.shape_cast %select_n3A_891 : vector<16xi32> to vector<16x1xi32>
        %gather3A_893 = vector.shape_cast %broadcast_in_dim3A_892 : vector<16x1xi32> to vector<16xi32>
        %gather3A_894 = tpu.dynamic_gather %select_n3A_729[%gather3A_893] in [0] : vector<16xf32>, vector<16xi32> -> vector<16xf32>
        %lt3A_895 = arith.constant 0 : i32
        %lt3A_896 = vector.broadcast %lt3A_895 : i32 to vector<16xi32>
        %lt3A_897 = arith.cmpi slt, %xor3A_32, %lt3A_896 : vector<16xi32>
        %add3A_898 = arith.constant 16 : i32
        %add3A_899 = vector.broadcast %add3A_898 : i32 to vector<16xi32>
        %add3A_900 = arith.addi %xor3A_32, %add3A_899 : vector<16xi32>
        %select_n3A_901 = arith.select %lt3A_897, %add3A_900, %xor3A_32 : vector<16xi1>, vector<16xi32>
        %broadcast_in_dim3A_902 = vector.shape_cast %select_n3A_901 : vector<16xi32> to vector<16x1xi32>
        %gather3A_903 = vector.shape_cast %broadcast_in_dim3A_902 : vector<16x1xi32> to vector<16xi32>
        %gather3A_904 = tpu.dynamic_gather %select_n3A_773[%gather3A_903] in [0] : vector<16xf32>, vector<16xi32> -> vector<16xf32>
        %select_n3A_905 = arith.select %eq3A_18, %select_n3A_729, %gather3A_904 : vector<16xi1>, vector<16xf32>
        %select_n3A_906 = arith.select %eq3A_18, %gather3A_894, %select_n3A_773 : vector<16xi1>, vector<16xf32>
        %lt3A_907 = arith.constant 0 : i32
        %lt3A_908 = vector.broadcast %lt3A_907 : i32 to vector<16xi32>
        %lt3A_909 = arith.cmpi slt, %xor3A_32, %lt3A_908 : vector<16xi32>
        %add3A_910 = arith.constant 16 : i32
        %add3A_911 = vector.broadcast %add3A_910 : i32 to vector<16xi32>
        %add3A_912 = arith.addi %xor3A_32, %add3A_911 : vector<16xi32>
        %select_n3A_913 = arith.select %lt3A_909, %add3A_912, %xor3A_32 : vector<16xi1>, vector<16xi32>
        %broadcast_in_dim3A_914 = vector.shape_cast %select_n3A_913 : vector<16xi32> to vector<16x1xi32>
        %gather3A_915 = vector.shape_cast %broadcast_in_dim3A_914 : vector<16x1xi32> to vector<16xi32>
        %gather3A_916 = tpu.dynamic_gather %select_n3A_751[%gather3A_915] in [0] : vector<16xf32>, vector<16xi32> -> vector<16xf32>
        %lt3A_917 = arith.constant 0 : i32
        %lt3A_918 = vector.broadcast %lt3A_917 : i32 to vector<16xi32>
        %lt3A_919 = arith.cmpi slt, %xor3A_32, %lt3A_918 : vector<16xi32>
        %add3A_920 = arith.constant 16 : i32
        %add3A_921 = vector.broadcast %add3A_920 : i32 to vector<16xi32>
        %add3A_922 = arith.addi %xor3A_32, %add3A_921 : vector<16xi32>
        %select_n3A_923 = arith.select %lt3A_919, %add3A_922, %xor3A_32 : vector<16xi1>, vector<16xi32>
        %broadcast_in_dim3A_924 = vector.shape_cast %select_n3A_923 : vector<16xi32> to vector<16x1xi32>
        %gather3A_925 = vector.shape_cast %broadcast_in_dim3A_924 : vector<16x1xi32> to vector<16xi32>
        %gather3A_926 = tpu.dynamic_gather %select_n3A_795[%gather3A_925] in [0] : vector<16xf32>, vector<16xi32> -> vector<16xf32>
        %select_n3A_927 = arith.select %eq3A_18, %select_n3A_751, %gather3A_926 : vector<16xi1>, vector<16xf32>
        %select_n3A_928 = arith.select %eq3A_18, %gather3A_916, %select_n3A_795 : vector<16xi1>, vector<16xf32>
        %lt3A_929 = arith.constant 0 : i32
        %lt3A_930 = vector.broadcast %lt3A_929 : i32 to vector<16xi32>
        %lt3A_931 = arith.cmpi slt, %xor3A_32, %lt3A_930 : vector<16xi32>
        %add3A_932 = arith.constant 16 : i32
        %add3A_933 = vector.broadcast %add3A_932 : i32 to vector<16xi32>
        %add3A_934 = arith.addi %xor3A_32, %add3A_933 : vector<16xi32>
        %select_n3A_935 = arith.select %lt3A_931, %add3A_934, %xor3A_32 : vector<16xi1>, vector<16xi32>
        %broadcast_in_dim3A_936 = vector.shape_cast %select_n3A_935 : vector<16xi32> to vector<16x1xi32>
        %gather3A_937 = vector.shape_cast %broadcast_in_dim3A_936 : vector<16x1xi32> to vector<16xi32>
        %gather3A_938 = tpu.dynamic_gather %select_n3A_730[%gather3A_937] in [0] : vector<16xf32>, vector<16xi32> -> vector<16xf32>
        %lt3A_939 = arith.constant 0 : i32
        %lt3A_940 = vector.broadcast %lt3A_939 : i32 to vector<16xi32>
        %lt3A_941 = arith.cmpi slt, %xor3A_32, %lt3A_940 : vector<16xi32>
        %add3A_942 = arith.constant 16 : i32
        %add3A_943 = vector.broadcast %add3A_942 : i32 to vector<16xi32>
        %add3A_944 = arith.addi %xor3A_32, %add3A_943 : vector<16xi32>
        %select_n3A_945 = arith.select %lt3A_941, %add3A_944, %xor3A_32 : vector<16xi1>, vector<16xi32>
        %broadcast_in_dim3A_946 = vector.shape_cast %select_n3A_945 : vector<16xi32> to vector<16x1xi32>
        %gather3A_947 = vector.shape_cast %broadcast_in_dim3A_946 : vector<16x1xi32> to vector<16xi32>
        %gather3A_948 = tpu.dynamic_gather %select_n3A_774[%gather3A_947] in [0] : vector<16xf32>, vector<16xi32> -> vector<16xf32>
        %select_n3A_949 = arith.select %eq3A_18, %select_n3A_730, %gather3A_948 : vector<16xi1>, vector<16xf32>
        %select_n3A_950 = arith.select %eq3A_18, %gather3A_938, %select_n3A_774 : vector<16xi1>, vector<16xf32>
        %lt3A_951 = arith.constant 0 : i32
        %lt3A_952 = vector.broadcast %lt3A_951 : i32 to vector<16xi32>
        %lt3A_953 = arith.cmpi slt, %xor3A_32, %lt3A_952 : vector<16xi32>
        %add3A_954 = arith.constant 16 : i32
        %add3A_955 = vector.broadcast %add3A_954 : i32 to vector<16xi32>
        %add3A_956 = arith.addi %xor3A_32, %add3A_955 : vector<16xi32>
        %select_n3A_957 = arith.select %lt3A_953, %add3A_956, %xor3A_32 : vector<16xi1>, vector<16xi32>
        %broadcast_in_dim3A_958 = vector.shape_cast %select_n3A_957 : vector<16xi32> to vector<16x1xi32>
        %gather3A_959 = vector.shape_cast %broadcast_in_dim3A_958 : vector<16x1xi32> to vector<16xi32>
        %gather3A_960 = tpu.dynamic_gather %select_n3A_752[%gather3A_959] in [0] : vector<16xf32>, vector<16xi32> -> vector<16xf32>
        %lt3A_961 = arith.constant 0 : i32
        %lt3A_962 = vector.broadcast %lt3A_961 : i32 to vector<16xi32>
        %lt3A_963 = arith.cmpi slt, %xor3A_32, %lt3A_962 : vector<16xi32>
        %add3A_964 = arith.constant 16 : i32
        %add3A_965 = vector.broadcast %add3A_964 : i32 to vector<16xi32>
        %add3A_966 = arith.addi %xor3A_32, %add3A_965 : vector<16xi32>
        %select_n3A_967 = arith.select %lt3A_963, %add3A_966, %xor3A_32 : vector<16xi1>, vector<16xi32>
        %broadcast_in_dim3A_968 = vector.shape_cast %select_n3A_967 : vector<16xi32> to vector<16x1xi32>
        %gather3A_969 = vector.shape_cast %broadcast_in_dim3A_968 : vector<16x1xi32> to vector<16xi32>
        %gather3A_970 = tpu.dynamic_gather %select_n3A_796[%gather3A_969] in [0] : vector<16xf32>, vector<16xi32> -> vector<16xf32>
        %select_n3A_971 = arith.select %eq3A_18, %select_n3A_752, %gather3A_970 : vector<16xi1>, vector<16xf32>
        %select_n3A_972 = arith.select %eq3A_18, %gather3A_960, %select_n3A_796 : vector<16xi1>, vector<16xf32>
        %lt3A_973 = arith.constant 0 : i32
        %lt3A_974 = vector.broadcast %lt3A_973 : i32 to vector<16xi32>
        %lt3A_975 = arith.cmpi slt, %xor3A_32, %lt3A_974 : vector<16xi32>
        %add3A_976 = arith.constant 16 : i32
        %add3A_977 = vector.broadcast %add3A_976 : i32 to vector<16xi32>
        %add3A_978 = arith.addi %xor3A_32, %add3A_977 : vector<16xi32>
        %select_n3A_979 = arith.select %lt3A_975, %add3A_978, %xor3A_32 : vector<16xi1>, vector<16xi32>
        %broadcast_in_dim3A_980 = vector.shape_cast %select_n3A_979 : vector<16xi32> to vector<16x1xi32>
        %gather3A_981 = vector.shape_cast %broadcast_in_dim3A_980 : vector<16x1xi32> to vector<16xi32>
        %gather3A_982 = tpu.dynamic_gather %select_n3A_817[%gather3A_981] in [0] : vector<16xf32>, vector<16xi32> -> vector<16xf32>
        %lt3A_983 = arith.constant 0 : i32
        %lt3A_984 = vector.broadcast %lt3A_983 : i32 to vector<16xi32>
        %lt3A_985 = arith.cmpi slt, %xor3A_32, %lt3A_984 : vector<16xi32>
        %add3A_986 = arith.constant 16 : i32
        %add3A_987 = vector.broadcast %add3A_986 : i32 to vector<16xi32>
        %add3A_988 = arith.addi %xor3A_32, %add3A_987 : vector<16xi32>
        %select_n3A_989 = arith.select %lt3A_985, %add3A_988, %xor3A_32 : vector<16xi1>, vector<16xi32>
        %broadcast_in_dim3A_990 = vector.shape_cast %select_n3A_989 : vector<16xi32> to vector<16x1xi32>
        %gather3A_991 = vector.shape_cast %broadcast_in_dim3A_990 : vector<16x1xi32> to vector<16xi32>
        %gather3A_992 = tpu.dynamic_gather %select_n3A_861[%gather3A_991] in [0] : vector<16xf32>, vector<16xi32> -> vector<16xf32>
        %select_n3A_993 = arith.select %eq3A_18, %select_n3A_817, %gather3A_992 : vector<16xi1>, vector<16xf32>
        %select_n3A_994 = arith.select %eq3A_18, %gather3A_982, %select_n3A_861 : vector<16xi1>, vector<16xf32>
        %lt3A_995 = arith.constant 0 : i32
        %lt3A_996 = vector.broadcast %lt3A_995 : i32 to vector<16xi32>
        %lt3A_997 = arith.cmpi slt, %xor3A_32, %lt3A_996 : vector<16xi32>
        %add3A_998 = arith.constant 16 : i32
        %add3A_999 = vector.broadcast %add3A_998 : i32 to vector<16xi32>
        %add3A_1000 = arith.addi %xor3A_32, %add3A_999 : vector<16xi32>
        %select_n3A_1001 = arith.select %lt3A_997, %add3A_1000, %xor3A_32 : vector<16xi1>, vector<16xi32>
        %broadcast_in_dim3A_1002 = vector.shape_cast %select_n3A_1001 : vector<16xi32> to vector<16x1xi32>
        %gather3A_1003 = vector.shape_cast %broadcast_in_dim3A_1002 : vector<16x1xi32> to vector<16xi32>
        %gather3A_1004 = tpu.dynamic_gather %select_n3A_839[%gather3A_1003] in [0] : vector<16xf32>, vector<16xi32> -> vector<16xf32>
        %lt3A_1005 = arith.constant 0 : i32
        %lt3A_1006 = vector.broadcast %lt3A_1005 : i32 to vector<16xi32>
        %lt3A_1007 = arith.cmpi slt, %xor3A_32, %lt3A_1006 : vector<16xi32>
        %add3A_1008 = arith.constant 16 : i32
        %add3A_1009 = vector.broadcast %add3A_1008 : i32 to vector<16xi32>
        %add3A_1010 = arith.addi %xor3A_32, %add3A_1009 : vector<16xi32>
        %select_n3A_1011 = arith.select %lt3A_1007, %add3A_1010, %xor3A_32 : vector<16xi1>, vector<16xi32>
        %broadcast_in_dim3A_1012 = vector.shape_cast %select_n3A_1011 : vector<16xi32> to vector<16x1xi32>
        %gather3A_1013 = vector.shape_cast %broadcast_in_dim3A_1012 : vector<16x1xi32> to vector<16xi32>
        %gather3A_1014 = tpu.dynamic_gather %select_n3A_883[%gather3A_1013] in [0] : vector<16xf32>, vector<16xi32> -> vector<16xf32>
        %select_n3A_1015 = arith.select %eq3A_18, %select_n3A_839, %gather3A_1014 : vector<16xi1>, vector<16xf32>
        %select_n3A_1016 = arith.select %eq3A_18, %gather3A_1004, %select_n3A_883 : vector<16xi1>, vector<16xf32>
        %lt3A_1017 = arith.constant 0 : i32
        %lt3A_1018 = vector.broadcast %lt3A_1017 : i32 to vector<16xi32>
        %lt3A_1019 = arith.cmpi slt, %xor3A_32, %lt3A_1018 : vector<16xi32>
        %add3A_1020 = arith.constant 16 : i32
        %add3A_1021 = vector.broadcast %add3A_1020 : i32 to vector<16xi32>
        %add3A_1022 = arith.addi %xor3A_32, %add3A_1021 : vector<16xi32>
        %select_n3A_1023 = arith.select %lt3A_1019, %add3A_1022, %xor3A_32 : vector<16xi1>, vector<16xi32>
        %broadcast_in_dim3A_1024 = vector.shape_cast %select_n3A_1023 : vector<16xi32> to vector<16x1xi32>
        %gather3A_1025 = vector.shape_cast %broadcast_in_dim3A_1024 : vector<16x1xi32> to vector<16xi32>
        %gather3A_1026 = tpu.dynamic_gather %select_n3A_818[%gather3A_1025] in [0] : vector<16xf32>, vector<16xi32> -> vector<16xf32>
        %lt3A_1027 = arith.constant 0 : i32
        %lt3A_1028 = vector.broadcast %lt3A_1027 : i32 to vector<16xi32>
        %lt3A_1029 = arith.cmpi slt, %xor3A_32, %lt3A_1028 : vector<16xi32>
        %add3A_1030 = arith.constant 16 : i32
        %add3A_1031 = vector.broadcast %add3A_1030 : i32 to vector<16xi32>
        %add3A_1032 = arith.addi %xor3A_32, %add3A_1031 : vector<16xi32>
        %select_n3A_1033 = arith.select %lt3A_1029, %add3A_1032, %xor3A_32 : vector<16xi1>, vector<16xi32>
        %broadcast_in_dim3A_1034 = vector.shape_cast %select_n3A_1033 : vector<16xi32> to vector<16x1xi32>
        %gather3A_1035 = vector.shape_cast %broadcast_in_dim3A_1034 : vector<16x1xi32> to vector<16xi32>
        %gather3A_1036 = tpu.dynamic_gather %select_n3A_862[%gather3A_1035] in [0] : vector<16xf32>, vector<16xi32> -> vector<16xf32>
        %select_n3A_1037 = arith.select %eq3A_18, %select_n3A_818, %gather3A_1036 : vector<16xi1>, vector<16xf32>
        %select_n3A_1038 = arith.select %eq3A_18, %gather3A_1026, %select_n3A_862 : vector<16xi1>, vector<16xf32>
        %lt3A_1039 = arith.constant 0 : i32
        %lt3A_1040 = vector.broadcast %lt3A_1039 : i32 to vector<16xi32>
        %lt3A_1041 = arith.cmpi slt, %xor3A_32, %lt3A_1040 : vector<16xi32>
        %add3A_1042 = arith.constant 16 : i32
        %add3A_1043 = vector.broadcast %add3A_1042 : i32 to vector<16xi32>
        %add3A_1044 = arith.addi %xor3A_32, %add3A_1043 : vector<16xi32>
        %select_n3A_1045 = arith.select %lt3A_1041, %add3A_1044, %xor3A_32 : vector<16xi1>, vector<16xi32>
        %broadcast_in_dim3A_1046 = vector.shape_cast %select_n3A_1045 : vector<16xi32> to vector<16x1xi32>
        %gather3A_1047 = vector.shape_cast %broadcast_in_dim3A_1046 : vector<16x1xi32> to vector<16xi32>
        %gather3A_1048 = tpu.dynamic_gather %select_n3A_840[%gather3A_1047] in [0] : vector<16xf32>, vector<16xi32> -> vector<16xf32>
        %lt3A_1049 = arith.constant 0 : i32
        %lt3A_1050 = vector.broadcast %lt3A_1049 : i32 to vector<16xi32>
        %lt3A_1051 = arith.cmpi slt, %xor3A_32, %lt3A_1050 : vector<16xi32>
        %add3A_1052 = arith.constant 16 : i32
        %add3A_1053 = vector.broadcast %add3A_1052 : i32 to vector<16xi32>
        %add3A_1054 = arith.addi %xor3A_32, %add3A_1053 : vector<16xi32>
        %select_n3A_1055 = arith.select %lt3A_1051, %add3A_1054, %xor3A_32 : vector<16xi1>, vector<16xi32>
        %broadcast_in_dim3A_1056 = vector.shape_cast %select_n3A_1055 : vector<16xi32> to vector<16x1xi32>
        %gather3A_1057 = vector.shape_cast %broadcast_in_dim3A_1056 : vector<16x1xi32> to vector<16xi32>
        %gather3A_1058 = tpu.dynamic_gather %select_n3A_884[%gather3A_1057] in [0] : vector<16xf32>, vector<16xi32> -> vector<16xf32>
        %select_n3A_1059 = arith.select %eq3A_18, %select_n3A_840, %gather3A_1058 : vector<16xi1>, vector<16xf32>
        %select_n3A_1060 = arith.select %eq3A_18, %gather3A_1048, %select_n3A_884 : vector<16xi1>, vector<16xf32>
        %lt3A_1061 = arith.constant 0 : i32
        %lt3A_1062 = vector.broadcast %lt3A_1061 : i32 to vector<16xi32>
        %lt3A_1063 = arith.cmpi slt, %xor3A_35, %lt3A_1062 : vector<16xi32>
        %add3A_1064 = arith.constant 16 : i32
        %add3A_1065 = vector.broadcast %add3A_1064 : i32 to vector<16xi32>
        %add3A_1066 = arith.addi %xor3A_35, %add3A_1065 : vector<16xi32>
        %select_n3A_1067 = arith.select %lt3A_1063, %add3A_1066, %xor3A_35 : vector<16xi1>, vector<16xi32>
        %broadcast_in_dim3A_1068 = vector.shape_cast %select_n3A_1067 : vector<16xi32> to vector<16x1xi32>
        %gather3A_1069 = vector.shape_cast %broadcast_in_dim3A_1068 : vector<16x1xi32> to vector<16xi32>
        %gather3A_1070 = tpu.dynamic_gather %select_n3A_905[%gather3A_1069] in [0] : vector<16xf32>, vector<16xi32> -> vector<16xf32>
        %lt3A_1071 = arith.constant 0 : i32
        %lt3A_1072 = vector.broadcast %lt3A_1071 : i32 to vector<16xi32>
        %lt3A_1073 = arith.cmpi slt, %xor3A_35, %lt3A_1072 : vector<16xi32>
        %add3A_1074 = arith.constant 16 : i32
        %add3A_1075 = vector.broadcast %add3A_1074 : i32 to vector<16xi32>
        %add3A_1076 = arith.addi %xor3A_35, %add3A_1075 : vector<16xi32>
        %select_n3A_1077 = arith.select %lt3A_1073, %add3A_1076, %xor3A_35 : vector<16xi1>, vector<16xi32>
        %broadcast_in_dim3A_1078 = vector.shape_cast %select_n3A_1077 : vector<16xi32> to vector<16x1xi32>
        %gather3A_1079 = vector.shape_cast %broadcast_in_dim3A_1078 : vector<16x1xi32> to vector<16xi32>
        %gather3A_1080 = tpu.dynamic_gather %select_n3A_993[%gather3A_1079] in [0] : vector<16xf32>, vector<16xi32> -> vector<16xf32>
        %select_n3A_1081 = arith.select %eq3A_24, %select_n3A_905, %gather3A_1080 : vector<16xi1>, vector<16xf32>
        %select_n3A_1082 = arith.select %eq3A_24, %gather3A_1070, %select_n3A_993 : vector<16xi1>, vector<16xf32>
        %lt3A_1083 = arith.constant 0 : i32
        %lt3A_1084 = vector.broadcast %lt3A_1083 : i32 to vector<16xi32>
        %lt3A_1085 = arith.cmpi slt, %xor3A_35, %lt3A_1084 : vector<16xi32>
        %add3A_1086 = arith.constant 16 : i32
        %add3A_1087 = vector.broadcast %add3A_1086 : i32 to vector<16xi32>
        %add3A_1088 = arith.addi %xor3A_35, %add3A_1087 : vector<16xi32>
        %select_n3A_1089 = arith.select %lt3A_1085, %add3A_1088, %xor3A_35 : vector<16xi1>, vector<16xi32>
        %broadcast_in_dim3A_1090 = vector.shape_cast %select_n3A_1089 : vector<16xi32> to vector<16x1xi32>
        %gather3A_1091 = vector.shape_cast %broadcast_in_dim3A_1090 : vector<16x1xi32> to vector<16xi32>
        %gather3A_1092 = tpu.dynamic_gather %select_n3A_927[%gather3A_1091] in [0] : vector<16xf32>, vector<16xi32> -> vector<16xf32>
        %lt3A_1093 = arith.constant 0 : i32
        %lt3A_1094 = vector.broadcast %lt3A_1093 : i32 to vector<16xi32>
        %lt3A_1095 = arith.cmpi slt, %xor3A_35, %lt3A_1094 : vector<16xi32>
        %add3A_1096 = arith.constant 16 : i32
        %add3A_1097 = vector.broadcast %add3A_1096 : i32 to vector<16xi32>
        %add3A_1098 = arith.addi %xor3A_35, %add3A_1097 : vector<16xi32>
        %select_n3A_1099 = arith.select %lt3A_1095, %add3A_1098, %xor3A_35 : vector<16xi1>, vector<16xi32>
        %broadcast_in_dim3A_1100 = vector.shape_cast %select_n3A_1099 : vector<16xi32> to vector<16x1xi32>
        %gather3A_1101 = vector.shape_cast %broadcast_in_dim3A_1100 : vector<16x1xi32> to vector<16xi32>
        %gather3A_1102 = tpu.dynamic_gather %select_n3A_1015[%gather3A_1101] in [0] : vector<16xf32>, vector<16xi32> -> vector<16xf32>
        %select_n3A_1103 = arith.select %eq3A_24, %select_n3A_927, %gather3A_1102 : vector<16xi1>, vector<16xf32>
        %select_n3A_1104 = arith.select %eq3A_24, %gather3A_1092, %select_n3A_1015 : vector<16xi1>, vector<16xf32>
        %lt3A_1105 = arith.constant 0 : i32
        %lt3A_1106 = vector.broadcast %lt3A_1105 : i32 to vector<16xi32>
        %lt3A_1107 = arith.cmpi slt, %xor3A_35, %lt3A_1106 : vector<16xi32>
        %add3A_1108 = arith.constant 16 : i32
        %add3A_1109 = vector.broadcast %add3A_1108 : i32 to vector<16xi32>
        %add3A_1110 = arith.addi %xor3A_35, %add3A_1109 : vector<16xi32>
        %select_n3A_1111 = arith.select %lt3A_1107, %add3A_1110, %xor3A_35 : vector<16xi1>, vector<16xi32>
        %broadcast_in_dim3A_1112 = vector.shape_cast %select_n3A_1111 : vector<16xi32> to vector<16x1xi32>
        %gather3A_1113 = vector.shape_cast %broadcast_in_dim3A_1112 : vector<16x1xi32> to vector<16xi32>
        %gather3A_1114 = tpu.dynamic_gather %select_n3A_949[%gather3A_1113] in [0] : vector<16xf32>, vector<16xi32> -> vector<16xf32>
        %lt3A_1115 = arith.constant 0 : i32
        %lt3A_1116 = vector.broadcast %lt3A_1115 : i32 to vector<16xi32>
        %lt3A_1117 = arith.cmpi slt, %xor3A_35, %lt3A_1116 : vector<16xi32>
        %add3A_1118 = arith.constant 16 : i32
        %add3A_1119 = vector.broadcast %add3A_1118 : i32 to vector<16xi32>
        %add3A_1120 = arith.addi %xor3A_35, %add3A_1119 : vector<16xi32>
        %select_n3A_1121 = arith.select %lt3A_1117, %add3A_1120, %xor3A_35 : vector<16xi1>, vector<16xi32>
        %broadcast_in_dim3A_1122 = vector.shape_cast %select_n3A_1121 : vector<16xi32> to vector<16x1xi32>
        %gather3A_1123 = vector.shape_cast %broadcast_in_dim3A_1122 : vector<16x1xi32> to vector<16xi32>
        %gather3A_1124 = tpu.dynamic_gather %select_n3A_1037[%gather3A_1123] in [0] : vector<16xf32>, vector<16xi32> -> vector<16xf32>
        %select_n3A_1125 = arith.select %eq3A_24, %select_n3A_949, %gather3A_1124 : vector<16xi1>, vector<16xf32>
        %select_n3A_1126 = arith.select %eq3A_24, %gather3A_1114, %select_n3A_1037 : vector<16xi1>, vector<16xf32>
        %lt3A_1127 = arith.constant 0 : i32
        %lt3A_1128 = vector.broadcast %lt3A_1127 : i32 to vector<16xi32>
        %lt3A_1129 = arith.cmpi slt, %xor3A_35, %lt3A_1128 : vector<16xi32>
        %add3A_1130 = arith.constant 16 : i32
        %add3A_1131 = vector.broadcast %add3A_1130 : i32 to vector<16xi32>
        %add3A_1132 = arith.addi %xor3A_35, %add3A_1131 : vector<16xi32>
        %select_n3A_1133 = arith.select %lt3A_1129, %add3A_1132, %xor3A_35 : vector<16xi1>, vector<16xi32>
        %broadcast_in_dim3A_1134 = vector.shape_cast %select_n3A_1133 : vector<16xi32> to vector<16x1xi32>
        %gather3A_1135 = vector.shape_cast %broadcast_in_dim3A_1134 : vector<16x1xi32> to vector<16xi32>
        %gather3A_1136 = tpu.dynamic_gather %select_n3A_971[%gather3A_1135] in [0] : vector<16xf32>, vector<16xi32> -> vector<16xf32>
        %lt3A_1137 = arith.constant 0 : i32
        %lt3A_1138 = vector.broadcast %lt3A_1137 : i32 to vector<16xi32>
        %lt3A_1139 = arith.cmpi slt, %xor3A_35, %lt3A_1138 : vector<16xi32>
        %add3A_1140 = arith.constant 16 : i32
        %add3A_1141 = vector.broadcast %add3A_1140 : i32 to vector<16xi32>
        %add3A_1142 = arith.addi %xor3A_35, %add3A_1141 : vector<16xi32>
        %select_n3A_1143 = arith.select %lt3A_1139, %add3A_1142, %xor3A_35 : vector<16xi1>, vector<16xi32>
        %broadcast_in_dim3A_1144 = vector.shape_cast %select_n3A_1143 : vector<16xi32> to vector<16x1xi32>
        %gather3A_1145 = vector.shape_cast %broadcast_in_dim3A_1144 : vector<16x1xi32> to vector<16xi32>
        %gather3A_1146 = tpu.dynamic_gather %select_n3A_1059[%gather3A_1145] in [0] : vector<16xf32>, vector<16xi32> -> vector<16xf32>
        %select_n3A_1147 = arith.select %eq3A_24, %select_n3A_971, %gather3A_1146 : vector<16xi1>, vector<16xf32>
        %select_n3A_1148 = arith.select %eq3A_24, %gather3A_1136, %select_n3A_1059 : vector<16xi1>, vector<16xf32>
        %lt3A_1149 = arith.constant 0 : i32
        %lt3A_1150 = vector.broadcast %lt3A_1149 : i32 to vector<16xi32>
        %lt3A_1151 = arith.cmpi slt, %xor3A_35, %lt3A_1150 : vector<16xi32>
        %add3A_1152 = arith.constant 16 : i32
        %add3A_1153 = vector.broadcast %add3A_1152 : i32 to vector<16xi32>
        %add3A_1154 = arith.addi %xor3A_35, %add3A_1153 : vector<16xi32>
        %select_n3A_1155 = arith.select %lt3A_1151, %add3A_1154, %xor3A_35 : vector<16xi1>, vector<16xi32>
        %broadcast_in_dim3A_1156 = vector.shape_cast %select_n3A_1155 : vector<16xi32> to vector<16x1xi32>
        %gather3A_1157 = vector.shape_cast %broadcast_in_dim3A_1156 : vector<16x1xi32> to vector<16xi32>
        %gather3A_1158 = tpu.dynamic_gather %select_n3A_906[%gather3A_1157] in [0] : vector<16xf32>, vector<16xi32> -> vector<16xf32>
        %lt3A_1159 = arith.constant 0 : i32
        %lt3A_1160 = vector.broadcast %lt3A_1159 : i32 to vector<16xi32>
        %lt3A_1161 = arith.cmpi slt, %xor3A_35, %lt3A_1160 : vector<16xi32>
        %add3A_1162 = arith.constant 16 : i32
        %add3A_1163 = vector.broadcast %add3A_1162 : i32 to vector<16xi32>
        %add3A_1164 = arith.addi %xor3A_35, %add3A_1163 : vector<16xi32>
        %select_n3A_1165 = arith.select %lt3A_1161, %add3A_1164, %xor3A_35 : vector<16xi1>, vector<16xi32>
        %broadcast_in_dim3A_1166 = vector.shape_cast %select_n3A_1165 : vector<16xi32> to vector<16x1xi32>
        %gather3A_1167 = vector.shape_cast %broadcast_in_dim3A_1166 : vector<16x1xi32> to vector<16xi32>
        %gather3A_1168 = tpu.dynamic_gather %select_n3A_994[%gather3A_1167] in [0] : vector<16xf32>, vector<16xi32> -> vector<16xf32>
        %select_n3A_1169 = arith.select %eq3A_24, %select_n3A_906, %gather3A_1168 : vector<16xi1>, vector<16xf32>
        %select_n3A_1170 = arith.select %eq3A_24, %gather3A_1158, %select_n3A_994 : vector<16xi1>, vector<16xf32>
        %lt3A_1171 = arith.constant 0 : i32
        %lt3A_1172 = vector.broadcast %lt3A_1171 : i32 to vector<16xi32>
        %lt3A_1173 = arith.cmpi slt, %xor3A_35, %lt3A_1172 : vector<16xi32>
        %add3A_1174 = arith.constant 16 : i32
        %add3A_1175 = vector.broadcast %add3A_1174 : i32 to vector<16xi32>
        %add3A_1176 = arith.addi %xor3A_35, %add3A_1175 : vector<16xi32>
        %select_n3A_1177 = arith.select %lt3A_1173, %add3A_1176, %xor3A_35 : vector<16xi1>, vector<16xi32>
        %broadcast_in_dim3A_1178 = vector.shape_cast %select_n3A_1177 : vector<16xi32> to vector<16x1xi32>
        %gather3A_1179 = vector.shape_cast %broadcast_in_dim3A_1178 : vector<16x1xi32> to vector<16xi32>
        %gather3A_1180 = tpu.dynamic_gather %select_n3A_928[%gather3A_1179] in [0] : vector<16xf32>, vector<16xi32> -> vector<16xf32>
        %lt3A_1181 = arith.constant 0 : i32
        %lt3A_1182 = vector.broadcast %lt3A_1181 : i32 to vector<16xi32>
        %lt3A_1183 = arith.cmpi slt, %xor3A_35, %lt3A_1182 : vector<16xi32>
        %add3A_1184 = arith.constant 16 : i32
        %add3A_1185 = vector.broadcast %add3A_1184 : i32 to vector<16xi32>
        %add3A_1186 = arith.addi %xor3A_35, %add3A_1185 : vector<16xi32>
        %select_n3A_1187 = arith.select %lt3A_1183, %add3A_1186, %xor3A_35 : vector<16xi1>, vector<16xi32>
        %broadcast_in_dim3A_1188 = vector.shape_cast %select_n3A_1187 : vector<16xi32> to vector<16x1xi32>
        %gather3A_1189 = vector.shape_cast %broadcast_in_dim3A_1188 : vector<16x1xi32> to vector<16xi32>
        %gather3A_1190 = tpu.dynamic_gather %select_n3A_1016[%gather3A_1189] in [0] : vector<16xf32>, vector<16xi32> -> vector<16xf32>
        %select_n3A_1191 = arith.select %eq3A_24, %select_n3A_928, %gather3A_1190 : vector<16xi1>, vector<16xf32>
        %select_n3A_1192 = arith.select %eq3A_24, %gather3A_1180, %select_n3A_1016 : vector<16xi1>, vector<16xf32>
        %lt3A_1193 = arith.constant 0 : i32
        %lt3A_1194 = vector.broadcast %lt3A_1193 : i32 to vector<16xi32>
        %lt3A_1195 = arith.cmpi slt, %xor3A_35, %lt3A_1194 : vector<16xi32>
        %add3A_1196 = arith.constant 16 : i32
        %add3A_1197 = vector.broadcast %add3A_1196 : i32 to vector<16xi32>
        %add3A_1198 = arith.addi %xor3A_35, %add3A_1197 : vector<16xi32>
        %select_n3A_1199 = arith.select %lt3A_1195, %add3A_1198, %xor3A_35 : vector<16xi1>, vector<16xi32>
        %broadcast_in_dim3A_1200 = vector.shape_cast %select_n3A_1199 : vector<16xi32> to vector<16x1xi32>
        %gather3A_1201 = vector.shape_cast %broadcast_in_dim3A_1200 : vector<16x1xi32> to vector<16xi32>
        %gather3A_1202 = tpu.dynamic_gather %select_n3A_950[%gather3A_1201] in [0] : vector<16xf32>, vector<16xi32> -> vector<16xf32>
        %lt3A_1203 = arith.constant 0 : i32
        %lt3A_1204 = vector.broadcast %lt3A_1203 : i32 to vector<16xi32>
        %lt3A_1205 = arith.cmpi slt, %xor3A_35, %lt3A_1204 : vector<16xi32>
        %add3A_1206 = arith.constant 16 : i32
        %add3A_1207 = vector.broadcast %add3A_1206 : i32 to vector<16xi32>
        %add3A_1208 = arith.addi %xor3A_35, %add3A_1207 : vector<16xi32>
        %select_n3A_1209 = arith.select %lt3A_1205, %add3A_1208, %xor3A_35 : vector<16xi1>, vector<16xi32>
        %broadcast_in_dim3A_1210 = vector.shape_cast %select_n3A_1209 : vector<16xi32> to vector<16x1xi32>
        %gather3A_1211 = vector.shape_cast %broadcast_in_dim3A_1210 : vector<16x1xi32> to vector<16xi32>
        %gather3A_1212 = tpu.dynamic_gather %select_n3A_1038[%gather3A_1211] in [0] : vector<16xf32>, vector<16xi32> -> vector<16xf32>
        %select_n3A_1213 = arith.select %eq3A_24, %select_n3A_950, %gather3A_1212 : vector<16xi1>, vector<16xf32>
        %select_n3A_1214 = arith.select %eq3A_24, %gather3A_1202, %select_n3A_1038 : vector<16xi1>, vector<16xf32>
        %lt3A_1215 = arith.constant 0 : i32
        %lt3A_1216 = vector.broadcast %lt3A_1215 : i32 to vector<16xi32>
        %lt3A_1217 = arith.cmpi slt, %xor3A_35, %lt3A_1216 : vector<16xi32>
        %add3A_1218 = arith.constant 16 : i32
        %add3A_1219 = vector.broadcast %add3A_1218 : i32 to vector<16xi32>
        %add3A_1220 = arith.addi %xor3A_35, %add3A_1219 : vector<16xi32>
        %select_n3A_1221 = arith.select %lt3A_1217, %add3A_1220, %xor3A_35 : vector<16xi1>, vector<16xi32>
        %broadcast_in_dim3A_1222 = vector.shape_cast %select_n3A_1221 : vector<16xi32> to vector<16x1xi32>
        %gather3A_1223 = vector.shape_cast %broadcast_in_dim3A_1222 : vector<16x1xi32> to vector<16xi32>
        %gather3A_1224 = tpu.dynamic_gather %select_n3A_972[%gather3A_1223] in [0] : vector<16xf32>, vector<16xi32> -> vector<16xf32>
        %lt3A_1225 = arith.constant 0 : i32
        %lt3A_1226 = vector.broadcast %lt3A_1225 : i32 to vector<16xi32>
        %lt3A_1227 = arith.cmpi slt, %xor3A_35, %lt3A_1226 : vector<16xi32>
        %add3A_1228 = arith.constant 16 : i32
        %add3A_1229 = vector.broadcast %add3A_1228 : i32 to vector<16xi32>
        %add3A_1230 = arith.addi %xor3A_35, %add3A_1229 : vector<16xi32>
        %select_n3A_1231 = arith.select %lt3A_1227, %add3A_1230, %xor3A_35 : vector<16xi1>, vector<16xi32>
        %broadcast_in_dim3A_1232 = vector.shape_cast %select_n3A_1231 : vector<16xi32> to vector<16x1xi32>
        %gather3A_1233 = vector.shape_cast %broadcast_in_dim3A_1232 : vector<16x1xi32> to vector<16xi32>
        %gather3A_1234 = tpu.dynamic_gather %select_n3A_1060[%gather3A_1233] in [0] : vector<16xf32>, vector<16xi32> -> vector<16xf32>
        %select_n3A_1235 = arith.select %eq3A_24, %select_n3A_972, %gather3A_1234 : vector<16xi1>, vector<16xf32>
        %select_n3A_1236 = arith.select %eq3A_24, %gather3A_1224, %select_n3A_1060 : vector<16xi1>, vector<16xf32>
        %mul3A_1237 = vector.broadcast %scan3A : f32 to vector<16xf32>
        %mul3A_1238 = arith.mulf %select_n3A_1081, %mul3A_1237 : vector<16xf32>
        %add3A_1239 = arith.constant 0 : i32
        %add3A_1240 = arith.addi %add3A_1239, %add3A_455 : i32
        %swap3A = arith.index_cast %add3A_1240 : i32 to index
        %swap3A_1241 = tpu.vector_load %arg10[%swap3A] {strides = array<i32>} : memref<16384xf32, #tpu.memory_space<vmem>>, vector<16xf32>,
        tpu.vector_store %arg10[%swap3A], %mul3A_1238 {strides = array<i32>} : memref<16384xf32, #tpu.memory_space<vmem>>, vector<16xf32>,
        %mul3A_1242 = vector.broadcast %scan3A : f32 to vector<16xf32>
        %mul3A_1243 = arith.mulf %select_n3A_1103, %mul3A_1242 : vector<16xf32>
        %add3A_1244 = arith.constant 128 : i32
        %add3A_1245 = arith.addi %add3A_1244, %add3A_455 : i32
        %swap3A_1246 = arith.index_cast %add3A_1245 : i32 to index
        %swap3A_1247 = tpu.vector_load %arg10[%swap3A_1246] {strides = array<i32>} : memref<16384xf32, #tpu.memory_space<vmem>>, vector<16xf32>,
        tpu.vector_store %arg10[%swap3A_1246], %mul3A_1243 {strides = array<i32>} : memref<16384xf32, #tpu.memory_space<vmem>>, vector<16xf32>,
        %mul3A_1248 = vector.broadcast %scan3A : f32 to vector<16xf32>
        %mul3A_1249 = arith.mulf %select_n3A_1125, %mul3A_1248 : vector<16xf32>
        %add3A_1250 = arith.constant 256 : i32
        %add3A_1251 = arith.addi %add3A_1250, %add3A_455 : i32
        %swap3A_1252 = arith.index_cast %add3A_1251 : i32 to index
        %swap3A_1253 = tpu.vector_load %arg10[%swap3A_1252] {strides = array<i32>} : memref<16384xf32, #tpu.memory_space<vmem>>, vector<16xf32>,
        tpu.vector_store %arg10[%swap3A_1252], %mul3A_1249 {strides = array<i32>} : memref<16384xf32, #tpu.memory_space<vmem>>, vector<16xf32>,
        %mul3A_1254 = vector.broadcast %scan3A : f32 to vector<16xf32>
        %mul3A_1255 = arith.mulf %select_n3A_1147, %mul3A_1254 : vector<16xf32>
        %add3A_1256 = arith.constant 384 : i32
        %add3A_1257 = arith.addi %add3A_1256, %add3A_455 : i32
        %swap3A_1258 = arith.index_cast %add3A_1257 : i32 to index
        %swap3A_1259 = tpu.vector_load %arg10[%swap3A_1258] {strides = array<i32>} : memref<16384xf32, #tpu.memory_space<vmem>>, vector<16xf32>,
        tpu.vector_store %arg10[%swap3A_1258], %mul3A_1255 {strides = array<i32>} : memref<16384xf32, #tpu.memory_space<vmem>>, vector<16xf32>,
        %mul3A_1260 = vector.broadcast %scan3A : f32 to vector<16xf32>
        %mul3A_1261 = arith.mulf %select_n3A_1169, %mul3A_1260 : vector<16xf32>
        %add3A_1262 = arith.constant 512 : i32
        %add3A_1263 = arith.addi %add3A_1262, %add3A_455 : i32
        %swap3A_1264 = arith.index_cast %add3A_1263 : i32 to index
        %swap3A_1265 = tpu.vector_load %arg10[%swap3A_1264] {strides = array<i32>} : memref<16384xf32, #tpu.memory_space<vmem>>, vector<16xf32>,
        tpu.vector_store %arg10[%swap3A_1264], %mul3A_1261 {strides = array<i32>} : memref<16384xf32, #tpu.memory_space<vmem>>, vector<16xf32>,
        %mul3A_1266 = vector.broadcast %scan3A : f32 to vector<16xf32>
        %mul3A_1267 = arith.mulf %select_n3A_1191, %mul3A_1266 : vector<16xf32>
        %add3A_1268 = arith.constant 640 : i32
        %add3A_1269 = arith.addi %add3A_1268, %add3A_455 : i32
        %swap3A_1270 = arith.index_cast %add3A_1269 : i32 to index
        %swap3A_1271 = tpu.vector_load %arg10[%swap3A_1270] {strides = array<i32>} : memref<16384xf32, #tpu.memory_space<vmem>>, vector<16xf32>,
        tpu.vector_store %arg10[%swap3A_1270], %mul3A_1267 {strides = array<i32>} : memref<16384xf32, #tpu.memory_space<vmem>>, vector<16xf32>,
        %mul3A_1272 = vector.broadcast %scan3A : f32 to vector<16xf32>
        %mul3A_1273 = arith.mulf %select_n3A_1213, %mul3A_1272 : vector<16xf32>
        %add3A_1274 = arith.constant 768 : i32
        %add3A_1275 = arith.addi %add3A_1274, %add3A_455 : i32
        %swap3A_1276 = arith.index_cast %add3A_1275 : i32 to index
        %swap3A_1277 = tpu.vector_load %arg10[%swap3A_1276] {strides = array<i32>} : memref<16384xf32, #tpu.memory_space<vmem>>, vector<16xf32>,
        tpu.vector_store %arg10[%swap3A_1276], %mul3A_1273 {strides = array<i32>} : memref<16384xf32, #tpu.memory_space<vmem>>, vector<16xf32>,
        %mul3A_1278 = vector.broadcast %scan3A : f32 to vector<16xf32>
        %mul3A_1279 = arith.mulf %select_n3A_1235, %mul3A_1278 : vector<16xf32>
        %add3A_1280 = arith.constant 896 : i32
        %add3A_1281 = arith.addi %add3A_1280, %add3A_455 : i32
        %swap3A_1282 = arith.index_cast %add3A_1281 : i32 to index
        %swap3A_1283 = tpu.vector_load %arg10[%swap3A_1282] {strides = array<i32>} : memref<16384xf32, #tpu.memory_space<vmem>>, vector<16xf32>,
        tpu.vector_store %arg10[%swap3A_1282], %mul3A_1279 {strides = array<i32>} : memref<16384xf32, #tpu.memory_space<vmem>>, vector<16xf32>,
        %mul3A_1284 = vector.broadcast %scan3A : f32 to vector<16xf32>
        %mul3A_1285 = arith.mulf %select_n3A_1082, %mul3A_1284 : vector<16xf32>
        %add3A_1286 = arith.constant 4096 : i32
        %add3A_1287 = arith.addi %add3A_1286, %add3A_455 : i32
        %swap3A_1288 = arith.index_cast %add3A_1287 : i32 to index
        %swap3A_1289 = tpu.vector_load %arg10[%swap3A_1288] {strides = array<i32>} : memref<16384xf32, #tpu.memory_space<vmem>>, vector<16xf32>,
        tpu.vector_store %arg10[%swap3A_1288], %mul3A_1285 {strides = array<i32>} : memref<16384xf32, #tpu.memory_space<vmem>>, vector<16xf32>,
        %mul3A_1290 = vector.broadcast %scan3A : f32 to vector<16xf32>
        %mul3A_1291 = arith.mulf %select_n3A_1104, %mul3A_1290 : vector<16xf32>
        %add3A_1292 = arith.constant 4224 : i32
        %add3A_1293 = arith.addi %add3A_1292, %add3A_455 : i32
        %swap3A_1294 = arith.index_cast %add3A_1293 : i32 to index
        %swap3A_1295 = tpu.vector_load %arg10[%swap3A_1294] {strides = array<i32>} : memref<16384xf32, #tpu.memory_space<vmem>>, vector<16xf32>,
        tpu.vector_store %arg10[%swap3A_1294], %mul3A_1291 {strides = array<i32>} : memref<16384xf32, #tpu.memory_space<vmem>>, vector<16xf32>,
        %mul3A_1296 = vector.broadcast %scan3A : f32 to vector<16xf32>
        %mul3A_1297 = arith.mulf %select_n3A_1126, %mul3A_1296 : vector<16xf32>
        %add3A_1298 = arith.constant 4352 : i32
        %add3A_1299 = arith.addi %add3A_1298, %add3A_455 : i32
        %swap3A_1300 = arith.index_cast %add3A_1299 : i32 to index
        %swap3A_1301 = tpu.vector_load %arg10[%swap3A_1300] {strides = array<i32>} : memref<16384xf32, #tpu.memory_space<vmem>>, vector<16xf32>,
        tpu.vector_store %arg10[%swap3A_1300], %mul3A_1297 {strides = array<i32>} : memref<16384xf32, #tpu.memory_space<vmem>>, vector<16xf32>,
        %mul3A_1302 = vector.broadcast %scan3A : f32 to vector<16xf32>
        %mul3A_1303 = arith.mulf %select_n3A_1148, %mul3A_1302 : vector<16xf32>
        %add3A_1304 = arith.constant 4480 : i32
        %add3A_1305 = arith.addi %add3A_1304, %add3A_455 : i32
        %swap3A_1306 = arith.index_cast %add3A_1305 : i32 to index
        %swap3A_1307 = tpu.vector_load %arg10[%swap3A_1306] {strides = array<i32>} : memref<16384xf32, #tpu.memory_space<vmem>>, vector<16xf32>,
        tpu.vector_store %arg10[%swap3A_1306], %mul3A_1303 {strides = array<i32>} : memref<16384xf32, #tpu.memory_space<vmem>>, vector<16xf32>,
        %mul3A_1308 = vector.broadcast %scan3A : f32 to vector<16xf32>
        %mul3A_1309 = arith.mulf %select_n3A_1170, %mul3A_1308 : vector<16xf32>
        %add3A_1310 = arith.constant 4608 : i32
        %add3A_1311 = arith.addi %add3A_1310, %add3A_455 : i32
        %swap3A_1312 = arith.index_cast %add3A_1311 : i32 to index
        %swap3A_1313 = tpu.vector_load %arg10[%swap3A_1312] {strides = array<i32>} : memref<16384xf32, #tpu.memory_space<vmem>>, vector<16xf32>,
        tpu.vector_store %arg10[%swap3A_1312], %mul3A_1309 {strides = array<i32>} : memref<16384xf32, #tpu.memory_space<vmem>>, vector<16xf32>,
        %mul3A_1314 = vector.broadcast %scan3A : f32 to vector<16xf32>
        %mul3A_1315 = arith.mulf %select_n3A_1192, %mul3A_1314 : vector<16xf32>
        %add3A_1316 = arith.constant 4736 : i32
        %add3A_1317 = arith.addi %add3A_1316, %add3A_455 : i32
        %swap3A_1318 = arith.index_cast %add3A_1317 : i32 to index
        %swap3A_1319 = tpu.vector_load %arg10[%swap3A_1318] {strides = array<i32>} : memref<16384xf32, #tpu.memory_space<vmem>>, vector<16xf32>,
        tpu.vector_store %arg10[%swap3A_1318], %mul3A_1315 {strides = array<i32>} : memref<16384xf32, #tpu.memory_space<vmem>>, vector<16xf32>,
        %mul3A_1320 = vector.broadcast %scan3A : f32 to vector<16xf32>
        %mul3A_1321 = arith.mulf %select_n3A_1214, %mul3A_1320 : vector<16xf32>
        %add3A_1322 = arith.constant 4864 : i32
        %add3A_1323 = arith.addi %add3A_1322, %add3A_455 : i32
        %swap3A_1324 = arith.index_cast %add3A_1323 : i32 to index
        %swap3A_1325 = tpu.vector_load %arg10[%swap3A_1324] {strides = array<i32>} : memref<16384xf32, #tpu.memory_space<vmem>>, vector<16xf32>,
        tpu.vector_store %arg10[%swap3A_1324], %mul3A_1321 {strides = array<i32>} : memref<16384xf32, #tpu.memory_space<vmem>>, vector<16xf32>,
        %mul3A_1326 = vector.broadcast %scan3A : f32 to vector<16xf32>
        %mul3A_1327 = arith.mulf %select_n3A_1236, %mul3A_1326 : vector<16xf32>
        %add3A_1328 = arith.constant 4992 : i32
        %add3A_1329 = arith.addi %add3A_1328, %add3A_455 : i32
        %swap3A_1330 = arith.index_cast %add3A_1329 : i32 to index
        %swap3A_1331 = tpu.vector_load %arg10[%swap3A_1330] {strides = array<i32>} : memref<16384xf32, #tpu.memory_space<vmem>>, vector<16xf32>,
        tpu.vector_store %arg10[%swap3A_1330], %mul3A_1327 {strides = array<i32>} : memref<16384xf32, #tpu.memory_space<vmem>>, vector<16xf32>,
        %add3A_1332 = arith.constant 0 : i32
        %add3A_1333 = arith.addi %add3A_450, %add3A_1332 : i32
        %get3A_1334 = arith.index_cast %add3A_1333 : i32 to index
        %get3A_1335 = arith.constant 16 : index
        %get3A_1336 = tpu.vector_load %arg8[%get3A_1334, %get3A_1335] {strides = array<i32>} : memref<512x32xf32, #tpu.memory_space<vmem>>, vector<16xf32>,
        %add3A_1337 = arith.constant 1 : i32
        %add3A_1338 = arith.addi %add3A_450, %add3A_1337 : i32
        %get3A_1339 = arith.index_cast %add3A_1338 : i32 to index
        %get3A_1340 = arith.constant 16 : index
        %get3A_1341 = tpu.vector_load %arg8[%get3A_1339, %get3A_1340] {strides = array<i32>} : memref<512x32xf32, #tpu.memory_space<vmem>>, vector<16xf32>,
        %add3A_1342 = arith.constant 2 : i32
        %add3A_1343 = arith.addi %add3A_450, %add3A_1342 : i32
        %get3A_1344 = arith.index_cast %add3A_1343 : i32 to index
        %get3A_1345 = arith.constant 16 : index
        %get3A_1346 = tpu.vector_load %arg8[%get3A_1344, %get3A_1345] {strides = array<i32>} : memref<512x32xf32, #tpu.memory_space<vmem>>, vector<16xf32>,
        %add3A_1347 = arith.constant 3 : i32
        %add3A_1348 = arith.addi %add3A_450, %add3A_1347 : i32
        %get3A_1349 = arith.index_cast %add3A_1348 : i32 to index
        %get3A_1350 = arith.constant 16 : index
        %get3A_1351 = tpu.vector_load %arg8[%get3A_1349, %get3A_1350] {strides = array<i32>} : memref<512x32xf32, #tpu.memory_space<vmem>>, vector<16xf32>,
        %add3A_1352 = arith.constant 4 : i32
        %add3A_1353 = arith.addi %add3A_450, %add3A_1352 : i32
        %get3A_1354 = arith.index_cast %add3A_1353 : i32 to index
        %get3A_1355 = arith.constant 16 : index
        %get3A_1356 = tpu.vector_load %arg8[%get3A_1354, %get3A_1355] {strides = array<i32>} : memref<512x32xf32, #tpu.memory_space<vmem>>, vector<16xf32>,
        %add3A_1357 = arith.constant 5 : i32
        %add3A_1358 = arith.addi %add3A_450, %add3A_1357 : i32
        %get3A_1359 = arith.index_cast %add3A_1358 : i32 to index
        %get3A_1360 = arith.constant 16 : index
        %get3A_1361 = tpu.vector_load %arg8[%get3A_1359, %get3A_1360] {strides = array<i32>} : memref<512x32xf32, #tpu.memory_space<vmem>>, vector<16xf32>,
        %add3A_1362 = arith.constant 6 : i32
        %add3A_1363 = arith.addi %add3A_450, %add3A_1362 : i32
        %get3A_1364 = arith.index_cast %add3A_1363 : i32 to index
        %get3A_1365 = arith.constant 16 : index
        %get3A_1366 = tpu.vector_load %arg8[%get3A_1364, %get3A_1365] {strides = array<i32>} : memref<512x32xf32, #tpu.memory_space<vmem>>, vector<16xf32>,
        %add3A_1367 = arith.constant 7 : i32
        %add3A_1368 = arith.addi %add3A_450, %add3A_1367 : i32
        %get3A_1369 = arith.index_cast %add3A_1368 : i32 to index
        %get3A_1370 = arith.constant 16 : index
        %get3A_1371 = tpu.vector_load %arg8[%get3A_1369, %get3A_1370] {strides = array<i32>} : memref<512x32xf32, #tpu.memory_space<vmem>>, vector<16xf32>,
        %add3A_1372 = arith.constant 8 : i32
        %add3A_1373 = arith.addi %add3A_450, %add3A_1372 : i32
        %get3A_1374 = arith.index_cast %add3A_1373 : i32 to index
        %get3A_1375 = arith.constant 16 : index
        %get3A_1376 = tpu.vector_load %arg8[%get3A_1374, %get3A_1375] {strides = array<i32>} : memref<512x32xf32, #tpu.memory_space<vmem>>, vector<16xf32>,
        %add3A_1377 = arith.constant 9 : i32
        %add3A_1378 = arith.addi %add3A_450, %add3A_1377 : i32
        %get3A_1379 = arith.index_cast %add3A_1378 : i32 to index
        %get3A_1380 = arith.constant 16 : index
        %get3A_1381 = tpu.vector_load %arg8[%get3A_1379, %get3A_1380] {strides = array<i32>} : memref<512x32xf32, #tpu.memory_space<vmem>>, vector<16xf32>,
        %add3A_1382 = arith.constant 10 : i32
        %add3A_1383 = arith.addi %add3A_450, %add3A_1382 : i32
        %get3A_1384 = arith.index_cast %add3A_1383 : i32 to index
        %get3A_1385 = arith.constant 16 : index
        %get3A_1386 = tpu.vector_load %arg8[%get3A_1384, %get3A_1385] {strides = array<i32>} : memref<512x32xf32, #tpu.memory_space<vmem>>, vector<16xf32>,
        %add3A_1387 = arith.constant 11 : i32
        %add3A_1388 = arith.addi %add3A_450, %add3A_1387 : i32
        %get3A_1389 = arith.index_cast %add3A_1388 : i32 to index
        %get3A_1390 = arith.constant 16 : index
        %get3A_1391 = tpu.vector_load %arg8[%get3A_1389, %get3A_1390] {strides = array<i32>} : memref<512x32xf32, #tpu.memory_space<vmem>>, vector<16xf32>,
        %add3A_1392 = arith.constant 12 : i32
        %add3A_1393 = arith.addi %add3A_450, %add3A_1392 : i32
        %get3A_1394 = arith.index_cast %add3A_1393 : i32 to index
        %get3A_1395 = arith.constant 16 : index
        %get3A_1396 = tpu.vector_load %arg8[%get3A_1394, %get3A_1395] {strides = array<i32>} : memref<512x32xf32, #tpu.memory_space<vmem>>, vector<16xf32>,
        %add3A_1397 = arith.constant 13 : i32
        %add3A_1398 = arith.addi %add3A_450, %add3A_1397 : i32
        %get3A_1399 = arith.index_cast %add3A_1398 : i32 to index
        %get3A_1400 = arith.constant 16 : index
        %get3A_1401 = tpu.vector_load %arg8[%get3A_1399, %get3A_1400] {strides = array<i32>} : memref<512x32xf32, #tpu.memory_space<vmem>>, vector<16xf32>,
        %add3A_1402 = arith.constant 14 : i32
        %add3A_1403 = arith.addi %add3A_450, %add3A_1402 : i32
        %get3A_1404 = arith.index_cast %add3A_1403 : i32 to index
        %get3A_1405 = arith.constant 16 : index
        %get3A_1406 = tpu.vector_load %arg8[%get3A_1404, %get3A_1405] {strides = array<i32>} : memref<512x32xf32, #tpu.memory_space<vmem>>, vector<16xf32>,
        %add3A_1407 = arith.constant 15 : i32
        %add3A_1408 = arith.addi %add3A_450, %add3A_1407 : i32
        %get3A_1409 = arith.index_cast %add3A_1408 : i32 to index
        %get3A_1410 = arith.constant 16 : index
        %get3A_1411 = tpu.vector_load %arg8[%get3A_1409, %get3A_1410] {strides = array<i32>} : memref<512x32xf32, #tpu.memory_space<vmem>>, vector<16xf32>,
        %lt3A_1412 = arith.constant 0 : i32
        %lt3A_1413 = vector.broadcast %lt3A_1412 : i32 to vector<16xi32>
        %lt3A_1414 = arith.cmpi slt, %xor3A_26, %lt3A_1413 : vector<16xi32>
        %add3A_1415 = arith.constant 16 : i32
        %add3A_1416 = vector.broadcast %add3A_1415 : i32 to vector<16xi32>
        %add3A_1417 = arith.addi %xor3A_26, %add3A_1416 : vector<16xi32>
        %select_n3A_1418 = arith.select %lt3A_1414, %add3A_1417, %xor3A_26 : vector<16xi1>, vector<16xi32>
        %broadcast_in_dim3A_1419 = vector.shape_cast %select_n3A_1418 : vector<16xi32> to vector<16x1xi32>
        %gather3A_1420 = vector.shape_cast %broadcast_in_dim3A_1419 : vector<16x1xi32> to vector<16xi32>
        %gather3A_1421 = tpu.dynamic_gather %get3A_1336[%gather3A_1420] in [0] : vector<16xf32>, vector<16xi32> -> vector<16xf32>
        %lt3A_1422 = arith.constant 0 : i32
        %lt3A_1423 = vector.broadcast %lt3A_1422 : i32 to vector<16xi32>
        %lt3A_1424 = arith.cmpi slt, %xor3A_26, %lt3A_1423 : vector<16xi32>
        %add3A_1425 = arith.constant 16 : i32
        %add3A_1426 = vector.broadcast %add3A_1425 : i32 to vector<16xi32>
        %add3A_1427 = arith.addi %xor3A_26, %add3A_1426 : vector<16xi32>
        %select_n3A_1428 = arith.select %lt3A_1424, %add3A_1427, %xor3A_26 : vector<16xi1>, vector<16xi32>
        %broadcast_in_dim3A_1429 = vector.shape_cast %select_n3A_1428 : vector<16xi32> to vector<16x1xi32>
        %gather3A_1430 = vector.shape_cast %broadcast_in_dim3A_1429 : vector<16x1xi32> to vector<16xi32>
        %gather3A_1431 = tpu.dynamic_gather %get3A_1341[%gather3A_1430] in [0] : vector<16xf32>, vector<16xi32> -> vector<16xf32>
        %select_n3A_1432 = arith.select %eq3A_6, %get3A_1336, %gather3A_1431 : vector<16xi1>, vector<16xf32>
        %select_n3A_1433 = arith.select %eq3A_6, %gather3A_1421, %get3A_1341 : vector<16xi1>, vector<16xf32>
        %lt3A_1434 = arith.constant 0 : i32
        %lt3A_1435 = vector.broadcast %lt3A_1434 : i32 to vector<16xi32>
        %lt3A_1436 = arith.cmpi slt, %xor3A_26, %lt3A_1435 : vector<16xi32>
        %add3A_1437 = arith.constant 16 : i32
        %add3A_1438 = vector.broadcast %add3A_1437 : i32 to vector<16xi32>
        %add3A_1439 = arith.addi %xor3A_26, %add3A_1438 : vector<16xi32>
        %select_n3A_1440 = arith.select %lt3A_1436, %add3A_1439, %xor3A_26 : vector<16xi1>, vector<16xi32>
        %broadcast_in_dim3A_1441 = vector.shape_cast %select_n3A_1440 : vector<16xi32> to vector<16x1xi32>
        %gather3A_1442 = vector.shape_cast %broadcast_in_dim3A_1441 : vector<16x1xi32> to vector<16xi32>
        %gather3A_1443 = tpu.dynamic_gather %get3A_1346[%gather3A_1442] in [0] : vector<16xf32>, vector<16xi32> -> vector<16xf32>
        %lt3A_1444 = arith.constant 0 : i32
        %lt3A_1445 = vector.broadcast %lt3A_1444 : i32 to vector<16xi32>
        %lt3A_1446 = arith.cmpi slt, %xor3A_26, %lt3A_1445 : vector<16xi32>
        %add3A_1447 = arith.constant 16 : i32
        %add3A_1448 = vector.broadcast %add3A_1447 : i32 to vector<16xi32>
        %add3A_1449 = arith.addi %xor3A_26, %add3A_1448 : vector<16xi32>
        %select_n3A_1450 = arith.select %lt3A_1446, %add3A_1449, %xor3A_26 : vector<16xi1>, vector<16xi32>
        %broadcast_in_dim3A_1451 = vector.shape_cast %select_n3A_1450 : vector<16xi32> to vector<16x1xi32>
        %gather3A_1452 = vector.shape_cast %broadcast_in_dim3A_1451 : vector<16x1xi32> to vector<16xi32>
        %gather3A_1453 = tpu.dynamic_gather %get3A_1351[%gather3A_1452] in [0] : vector<16xf32>, vector<16xi32> -> vector<16xf32>
        %select_n3A_1454 = arith.select %eq3A_6, %get3A_1346, %gather3A_1453 : vector<16xi1>, vector<16xf32>
        %select_n3A_1455 = arith.select %eq3A_6, %gather3A_1443, %get3A_1351 : vector<16xi1>, vector<16xf32>
        %lt3A_1456 = arith.constant 0 : i32
        %lt3A_1457 = vector.broadcast %lt3A_1456 : i32 to vector<16xi32>
        %lt3A_1458 = arith.cmpi slt, %xor3A_26, %lt3A_1457 : vector<16xi32>
        %add3A_1459 = arith.constant 16 : i32
        %add3A_1460 = vector.broadcast %add3A_1459 : i32 to vector<16xi32>
        %add3A_1461 = arith.addi %xor3A_26, %add3A_1460 : vector<16xi32>
        %select_n3A_1462 = arith.select %lt3A_1458, %add3A_1461, %xor3A_26 : vector<16xi1>, vector<16xi32>
        %broadcast_in_dim3A_1463 = vector.shape_cast %select_n3A_1462 : vector<16xi32> to vector<16x1xi32>
        %gather3A_1464 = vector.shape_cast %broadcast_in_dim3A_1463 : vector<16x1xi32> to vector<16xi32>
        %gather3A_1465 = tpu.dynamic_gather %get3A_1356[%gather3A_1464] in [0] : vector<16xf32>, vector<16xi32> -> vector<16xf32>
        %lt3A_1466 = arith.constant 0 : i32
        %lt3A_1467 = vector.broadcast %lt3A_1466 : i32 to vector<16xi32>
        %lt3A_1468 = arith.cmpi slt, %xor3A_26, %lt3A_1467 : vector<16xi32>
        %add3A_1469 = arith.constant 16 : i32
        %add3A_1470 = vector.broadcast %add3A_1469 : i32 to vector<16xi32>
        %add3A_1471 = arith.addi %xor3A_26, %add3A_1470 : vector<16xi32>
        %select_n3A_1472 = arith.select %lt3A_1468, %add3A_1471, %xor3A_26 : vector<16xi1>, vector<16xi32>
        %broadcast_in_dim3A_1473 = vector.shape_cast %select_n3A_1472 : vector<16xi32> to vector<16x1xi32>
        %gather3A_1474 = vector.shape_cast %broadcast_in_dim3A_1473 : vector<16x1xi32> to vector<16xi32>
        %gather3A_1475 = tpu.dynamic_gather %get3A_1361[%gather3A_1474] in [0] : vector<16xf32>, vector<16xi32> -> vector<16xf32>
        %select_n3A_1476 = arith.select %eq3A_6, %get3A_1356, %gather3A_1475 : vector<16xi1>, vector<16xf32>
        %select_n3A_1477 = arith.select %eq3A_6, %gather3A_1465, %get3A_1361 : vector<16xi1>, vector<16xf32>
        %lt3A_1478 = arith.constant 0 : i32
        %lt3A_1479 = vector.broadcast %lt3A_1478 : i32 to vector<16xi32>
        %lt3A_1480 = arith.cmpi slt, %xor3A_26, %lt3A_1479 : vector<16xi32>
        %add3A_1481 = arith.constant 16 : i32
        %add3A_1482 = vector.broadcast %add3A_1481 : i32 to vector<16xi32>
        %add3A_1483 = arith.addi %xor3A_26, %add3A_1482 : vector<16xi32>
        %select_n3A_1484 = arith.select %lt3A_1480, %add3A_1483, %xor3A_26 : vector<16xi1>, vector<16xi32>
        %broadcast_in_dim3A_1485 = vector.shape_cast %select_n3A_1484 : vector<16xi32> to vector<16x1xi32>
        %gather3A_1486 = vector.shape_cast %broadcast_in_dim3A_1485 : vector<16x1xi32> to vector<16xi32>
        %gather3A_1487 = tpu.dynamic_gather %get3A_1366[%gather3A_1486] in [0] : vector<16xf32>, vector<16xi32> -> vector<16xf32>
        %lt3A_1488 = arith.constant 0 : i32
        %lt3A_1489 = vector.broadcast %lt3A_1488 : i32 to vector<16xi32>
        %lt3A_1490 = arith.cmpi slt, %xor3A_26, %lt3A_1489 : vector<16xi32>
        %add3A_1491 = arith.constant 16 : i32
        %add3A_1492 = vector.broadcast %add3A_1491 : i32 to vector<16xi32>
        %add3A_1493 = arith.addi %xor3A_26, %add3A_1492 : vector<16xi32>
        %select_n3A_1494 = arith.select %lt3A_1490, %add3A_1493, %xor3A_26 : vector<16xi1>, vector<16xi32>
        %broadcast_in_dim3A_1495 = vector.shape_cast %select_n3A_1494 : vector<16xi32> to vector<16x1xi32>
        %gather3A_1496 = vector.shape_cast %broadcast_in_dim3A_1495 : vector<16x1xi32> to vector<16xi32>
        %gather3A_1497 = tpu.dynamic_gather %get3A_1371[%gather3A_1496] in [0] : vector<16xf32>, vector<16xi32> -> vector<16xf32>
        %select_n3A_1498 = arith.select %eq3A_6, %get3A_1366, %gather3A_1497 : vector<16xi1>, vector<16xf32>
        %select_n3A_1499 = arith.select %eq3A_6, %gather3A_1487, %get3A_1371 : vector<16xi1>, vector<16xf32>
        %lt3A_1500 = arith.constant 0 : i32
        %lt3A_1501 = vector.broadcast %lt3A_1500 : i32 to vector<16xi32>
        %lt3A_1502 = arith.cmpi slt, %xor3A_26, %lt3A_1501 : vector<16xi32>
        %add3A_1503 = arith.constant 16 : i32
        %add3A_1504 = vector.broadcast %add3A_1503 : i32 to vector<16xi32>
        %add3A_1505 = arith.addi %xor3A_26, %add3A_1504 : vector<16xi32>
        %select_n3A_1506 = arith.select %lt3A_1502, %add3A_1505, %xor3A_26 : vector<16xi1>, vector<16xi32>
        %broadcast_in_dim3A_1507 = vector.shape_cast %select_n3A_1506 : vector<16xi32> to vector<16x1xi32>
        %gather3A_1508 = vector.shape_cast %broadcast_in_dim3A_1507 : vector<16x1xi32> to vector<16xi32>
        %gather3A_1509 = tpu.dynamic_gather %get3A_1376[%gather3A_1508] in [0] : vector<16xf32>, vector<16xi32> -> vector<16xf32>
        %lt3A_1510 = arith.constant 0 : i32
        %lt3A_1511 = vector.broadcast %lt3A_1510 : i32 to vector<16xi32>
        %lt3A_1512 = arith.cmpi slt, %xor3A_26, %lt3A_1511 : vector<16xi32>
        %add3A_1513 = arith.constant 16 : i32
        %add3A_1514 = vector.broadcast %add3A_1513 : i32 to vector<16xi32>
        %add3A_1515 = arith.addi %xor3A_26, %add3A_1514 : vector<16xi32>
        %select_n3A_1516 = arith.select %lt3A_1512, %add3A_1515, %xor3A_26 : vector<16xi1>, vector<16xi32>
        %broadcast_in_dim3A_1517 = vector.shape_cast %select_n3A_1516 : vector<16xi32> to vector<16x1xi32>
        %gather3A_1518 = vector.shape_cast %broadcast_in_dim3A_1517 : vector<16x1xi32> to vector<16xi32>
        %gather3A_1519 = tpu.dynamic_gather %get3A_1381[%gather3A_1518] in [0] : vector<16xf32>, vector<16xi32> -> vector<16xf32>
        %select_n3A_1520 = arith.select %eq3A_6, %get3A_1376, %gather3A_1519 : vector<16xi1>, vector<16xf32>
        %select_n3A_1521 = arith.select %eq3A_6, %gather3A_1509, %get3A_1381 : vector<16xi1>, vector<16xf32>
        %lt3A_1522 = arith.constant 0 : i32
        %lt3A_1523 = vector.broadcast %lt3A_1522 : i32 to vector<16xi32>
        %lt3A_1524 = arith.cmpi slt, %xor3A_26, %lt3A_1523 : vector<16xi32>
        %add3A_1525 = arith.constant 16 : i32
        %add3A_1526 = vector.broadcast %add3A_1525 : i32 to vector<16xi32>
        %add3A_1527 = arith.addi %xor3A_26, %add3A_1526 : vector<16xi32>
        %select_n3A_1528 = arith.select %lt3A_1524, %add3A_1527, %xor3A_26 : vector<16xi1>, vector<16xi32>
        %broadcast_in_dim3A_1529 = vector.shape_cast %select_n3A_1528 : vector<16xi32> to vector<16x1xi32>
        %gather3A_1530 = vector.shape_cast %broadcast_in_dim3A_1529 : vector<16x1xi32> to vector<16xi32>
        %gather3A_1531 = tpu.dynamic_gather %get3A_1386[%gather3A_1530] in [0] : vector<16xf32>, vector<16xi32> -> vector<16xf32>
        %lt3A_1532 = arith.constant 0 : i32
        %lt3A_1533 = vector.broadcast %lt3A_1532 : i32 to vector<16xi32>
        %lt3A_1534 = arith.cmpi slt, %xor3A_26, %lt3A_1533 : vector<16xi32>
        %add3A_1535 = arith.constant 16 : i32
        %add3A_1536 = vector.broadcast %add3A_1535 : i32 to vector<16xi32>
        %add3A_1537 = arith.addi %xor3A_26, %add3A_1536 : vector<16xi32>
        %select_n3A_1538 = arith.select %lt3A_1534, %add3A_1537, %xor3A_26 : vector<16xi1>, vector<16xi32>
        %broadcast_in_dim3A_1539 = vector.shape_cast %select_n3A_1538 : vector<16xi32> to vector<16x1xi32>
        %gather3A_1540 = vector.shape_cast %broadcast_in_dim3A_1539 : vector<16x1xi32> to vector<16xi32>
        %gather3A_1541 = tpu.dynamic_gather %get3A_1391[%gather3A_1540] in [0] : vector<16xf32>, vector<16xi32> -> vector<16xf32>
        %select_n3A_1542 = arith.select %eq3A_6, %get3A_1386, %gather3A_1541 : vector<16xi1>, vector<16xf32>
        %select_n3A_1543 = arith.select %eq3A_6, %gather3A_1531, %get3A_1391 : vector<16xi1>, vector<16xf32>
        %lt3A_1544 = arith.constant 0 : i32
        %lt3A_1545 = vector.broadcast %lt3A_1544 : i32 to vector<16xi32>
        %lt3A_1546 = arith.cmpi slt, %xor3A_26, %lt3A_1545 : vector<16xi32>
        %add3A_1547 = arith.constant 16 : i32
        %add3A_1548 = vector.broadcast %add3A_1547 : i32 to vector<16xi32>
        %add3A_1549 = arith.addi %xor3A_26, %add3A_1548 : vector<16xi32>
        %select_n3A_1550 = arith.select %lt3A_1546, %add3A_1549, %xor3A_26 : vector<16xi1>, vector<16xi32>
        %broadcast_in_dim3A_1551 = vector.shape_cast %select_n3A_1550 : vector<16xi32> to vector<16x1xi32>
        %gather3A_1552 = vector.shape_cast %broadcast_in_dim3A_1551 : vector<16x1xi32> to vector<16xi32>
        %gather3A_1553 = tpu.dynamic_gather %get3A_1396[%gather3A_1552] in [0] : vector<16xf32>, vector<16xi32> -> vector<16xf32>
        %lt3A_1554 = arith.constant 0 : i32
        %lt3A_1555 = vector.broadcast %lt3A_1554 : i32 to vector<16xi32>
        %lt3A_1556 = arith.cmpi slt, %xor3A_26, %lt3A_1555 : vector<16xi32>
        %add3A_1557 = arith.constant 16 : i32
        %add3A_1558 = vector.broadcast %add3A_1557 : i32 to vector<16xi32>
        %add3A_1559 = arith.addi %xor3A_26, %add3A_1558 : vector<16xi32>
        %select_n3A_1560 = arith.select %lt3A_1556, %add3A_1559, %xor3A_26 : vector<16xi1>, vector<16xi32>
        %broadcast_in_dim3A_1561 = vector.shape_cast %select_n3A_1560 : vector<16xi32> to vector<16x1xi32>
        %gather3A_1562 = vector.shape_cast %broadcast_in_dim3A_1561 : vector<16x1xi32> to vector<16xi32>
        %gather3A_1563 = tpu.dynamic_gather %get3A_1401[%gather3A_1562] in [0] : vector<16xf32>, vector<16xi32> -> vector<16xf32>
        %select_n3A_1564 = arith.select %eq3A_6, %get3A_1396, %gather3A_1563 : vector<16xi1>, vector<16xf32>
        %select_n3A_1565 = arith.select %eq3A_6, %gather3A_1553, %get3A_1401 : vector<16xi1>, vector<16xf32>
        %lt3A_1566 = arith.constant 0 : i32
        %lt3A_1567 = vector.broadcast %lt3A_1566 : i32 to vector<16xi32>
        %lt3A_1568 = arith.cmpi slt, %xor3A_26, %lt3A_1567 : vector<16xi32>
        %add3A_1569 = arith.constant 16 : i32
        %add3A_1570 = vector.broadcast %add3A_1569 : i32 to vector<16xi32>
        %add3A_1571 = arith.addi %xor3A_26, %add3A_1570 : vector<16xi32>
        %select_n3A_1572 = arith.select %lt3A_1568, %add3A_1571, %xor3A_26 : vector<16xi1>, vector<16xi32>
        %broadcast_in_dim3A_1573 = vector.shape_cast %select_n3A_1572 : vector<16xi32> to vector<16x1xi32>
        %gather3A_1574 = vector.shape_cast %broadcast_in_dim3A_1573 : vector<16x1xi32> to vector<16xi32>
        %gather3A_1575 = tpu.dynamic_gather %get3A_1406[%gather3A_1574] in [0] : vector<16xf32>, vector<16xi32> -> vector<16xf32>
        %lt3A_1576 = arith.constant 0 : i32
        %lt3A_1577 = vector.broadcast %lt3A_1576 : i32 to vector<16xi32>
        %lt3A_1578 = arith.cmpi slt, %xor3A_26, %lt3A_1577 : vector<16xi32>
        %add3A_1579 = arith.constant 16 : i32
        %add3A_1580 = vector.broadcast %add3A_1579 : i32 to vector<16xi32>
        %add3A_1581 = arith.addi %xor3A_26, %add3A_1580 : vector<16xi32>
        %select_n3A_1582 = arith.select %lt3A_1578, %add3A_1581, %xor3A_26 : vector<16xi1>, vector<16xi32>
        %broadcast_in_dim3A_1583 = vector.shape_cast %select_n3A_1582 : vector<16xi32> to vector<16x1xi32>
        %gather3A_1584 = vector.shape_cast %broadcast_in_dim3A_1583 : vector<16x1xi32> to vector<16xi32>
        %gather3A_1585 = tpu.dynamic_gather %get3A_1411[%gather3A_1584] in [0] : vector<16xf32>, vector<16xi32> -> vector<16xf32>
        %select_n3A_1586 = arith.select %eq3A_6, %get3A_1406, %gather3A_1585 : vector<16xi1>, vector<16xf32>
        %select_n3A_1587 = arith.select %eq3A_6, %gather3A_1575, %get3A_1411 : vector<16xi1>, vector<16xf32>
        %lt3A_1588 = arith.constant 0 : i32
        %lt3A_1589 = vector.broadcast %lt3A_1588 : i32 to vector<16xi32>
        %lt3A_1590 = arith.cmpi slt, %xor3A_29, %lt3A_1589 : vector<16xi32>
        %add3A_1591 = arith.constant 16 : i32
        %add3A_1592 = vector.broadcast %add3A_1591 : i32 to vector<16xi32>
        %add3A_1593 = arith.addi %xor3A_29, %add3A_1592 : vector<16xi32>
        %select_n3A_1594 = arith.select %lt3A_1590, %add3A_1593, %xor3A_29 : vector<16xi1>, vector<16xi32>
        %broadcast_in_dim3A_1595 = vector.shape_cast %select_n3A_1594 : vector<16xi32> to vector<16x1xi32>
        %gather3A_1596 = vector.shape_cast %broadcast_in_dim3A_1595 : vector<16x1xi32> to vector<16xi32>
        %gather3A_1597 = tpu.dynamic_gather %select_n3A_1432[%gather3A_1596] in [0] : vector<16xf32>, vector<16xi32> -> vector<16xf32>
        %lt3A_1598 = arith.constant 0 : i32
        %lt3A_1599 = vector.broadcast %lt3A_1598 : i32 to vector<16xi32>
        %lt3A_1600 = arith.cmpi slt, %xor3A_29, %lt3A_1599 : vector<16xi32>
        %add3A_1601 = arith.constant 16 : i32
        %add3A_1602 = vector.broadcast %add3A_1601 : i32 to vector<16xi32>
        %add3A_1603 = arith.addi %xor3A_29, %add3A_1602 : vector<16xi32>
        %select_n3A_1604 = arith.select %lt3A_1600, %add3A_1603, %xor3A_29 : vector<16xi1>, vector<16xi32>
        %broadcast_in_dim3A_1605 = vector.shape_cast %select_n3A_1604 : vector<16xi32> to vector<16x1xi32>
        %gather3A_1606 = vector.shape_cast %broadcast_in_dim3A_1605 : vector<16x1xi32> to vector<16xi32>
        %gather3A_1607 = tpu.dynamic_gather %select_n3A_1454[%gather3A_1606] in [0] : vector<16xf32>, vector<16xi32> -> vector<16xf32>
        %select_n3A_1608 = arith.select %eq3A_12, %select_n3A_1432, %gather3A_1607 : vector<16xi1>, vector<16xf32>
        %select_n3A_1609 = arith.select %eq3A_12, %gather3A_1597, %select_n3A_1454 : vector<16xi1>, vector<16xf32>
        %lt3A_1610 = arith.constant 0 : i32
        %lt3A_1611 = vector.broadcast %lt3A_1610 : i32 to vector<16xi32>
        %lt3A_1612 = arith.cmpi slt, %xor3A_29, %lt3A_1611 : vector<16xi32>
        %add3A_1613 = arith.constant 16 : i32
        %add3A_1614 = vector.broadcast %add3A_1613 : i32 to vector<16xi32>
        %add3A_1615 = arith.addi %xor3A_29, %add3A_1614 : vector<16xi32>
        %select_n3A_1616 = arith.select %lt3A_1612, %add3A_1615, %xor3A_29 : vector<16xi1>, vector<16xi32>
        %broadcast_in_dim3A_1617 = vector.shape_cast %select_n3A_1616 : vector<16xi32> to vector<16x1xi32>
        %gather3A_1618 = vector.shape_cast %broadcast_in_dim3A_1617 : vector<16x1xi32> to vector<16xi32>
        %gather3A_1619 = tpu.dynamic_gather %select_n3A_1433[%gather3A_1618] in [0] : vector<16xf32>, vector<16xi32> -> vector<16xf32>
        %lt3A_1620 = arith.constant 0 : i32
        %lt3A_1621 = vector.broadcast %lt3A_1620 : i32 to vector<16xi32>
        %lt3A_1622 = arith.cmpi slt, %xor3A_29, %lt3A_1621 : vector<16xi32>
        %add3A_1623 = arith.constant 16 : i32
        %add3A_1624 = vector.broadcast %add3A_1623 : i32 to vector<16xi32>
        %add3A_1625 = arith.addi %xor3A_29, %add3A_1624 : vector<16xi32>
        %select_n3A_1626 = arith.select %lt3A_1622, %add3A_1625, %xor3A_29 : vector<16xi1>, vector<16xi32>
        %broadcast_in_dim3A_1627 = vector.shape_cast %select_n3A_1626 : vector<16xi32> to vector<16x1xi32>
        %gather3A_1628 = vector.shape_cast %broadcast_in_dim3A_1627 : vector<16x1xi32> to vector<16xi32>
        %gather3A_1629 = tpu.dynamic_gather %select_n3A_1455[%gather3A_1628] in [0] : vector<16xf32>, vector<16xi32> -> vector<16xf32>
        %select_n3A_1630 = arith.select %eq3A_12, %select_n3A_1433, %gather3A_1629 : vector<16xi1>, vector<16xf32>
        %select_n3A_1631 = arith.select %eq3A_12, %gather3A_1619, %select_n3A_1455 : vector<16xi1>, vector<16xf32>
        %lt3A_1632 = arith.constant 0 : i32
        %lt3A_1633 = vector.broadcast %lt3A_1632 : i32 to vector<16xi32>
        %lt3A_1634 = arith.cmpi slt, %xor3A_29, %lt3A_1633 : vector<16xi32>
        %add3A_1635 = arith.constant 16 : i32
        %add3A_1636 = vector.broadcast %add3A_1635 : i32 to vector<16xi32>
        %add3A_1637 = arith.addi %xor3A_29, %add3A_1636 : vector<16xi32>
        %select_n3A_1638 = arith.select %lt3A_1634, %add3A_1637, %xor3A_29 : vector<16xi1>, vector<16xi32>
        %broadcast_in_dim3A_1639 = vector.shape_cast %select_n3A_1638 : vector<16xi32> to vector<16x1xi32>
        %gather3A_1640 = vector.shape_cast %broadcast_in_dim3A_1639 : vector<16x1xi32> to vector<16xi32>
        %gather3A_1641 = tpu.dynamic_gather %select_n3A_1476[%gather3A_1640] in [0] : vector<16xf32>, vector<16xi32> -> vector<16xf32>
        %lt3A_1642 = arith.constant 0 : i32
        %lt3A_1643 = vector.broadcast %lt3A_1642 : i32 to vector<16xi32>
        %lt3A_1644 = arith.cmpi slt, %xor3A_29, %lt3A_1643 : vector<16xi32>
        %add3A_1645 = arith.constant 16 : i32
        %add3A_1646 = vector.broadcast %add3A_1645 : i32 to vector<16xi32>
        %add3A_1647 = arith.addi %xor3A_29, %add3A_1646 : vector<16xi32>
        %select_n3A_1648 = arith.select %lt3A_1644, %add3A_1647, %xor3A_29 : vector<16xi1>, vector<16xi32>
        %broadcast_in_dim3A_1649 = vector.shape_cast %select_n3A_1648 : vector<16xi32> to vector<16x1xi32>
        %gather3A_1650 = vector.shape_cast %broadcast_in_dim3A_1649 : vector<16x1xi32> to vector<16xi32>
        %gather3A_1651 = tpu.dynamic_gather %select_n3A_1498[%gather3A_1650] in [0] : vector<16xf32>, vector<16xi32> -> vector<16xf32>
        %select_n3A_1652 = arith.select %eq3A_12, %select_n3A_1476, %gather3A_1651 : vector<16xi1>, vector<16xf32>
        %select_n3A_1653 = arith.select %eq3A_12, %gather3A_1641, %select_n3A_1498 : vector<16xi1>, vector<16xf32>
        %lt3A_1654 = arith.constant 0 : i32
        %lt3A_1655 = vector.broadcast %lt3A_1654 : i32 to vector<16xi32>
        %lt3A_1656 = arith.cmpi slt, %xor3A_29, %lt3A_1655 : vector<16xi32>
        %add3A_1657 = arith.constant 16 : i32
        %add3A_1658 = vector.broadcast %add3A_1657 : i32 to vector<16xi32>
        %add3A_1659 = arith.addi %xor3A_29, %add3A_1658 : vector<16xi32>
        %select_n3A_1660 = arith.select %lt3A_1656, %add3A_1659, %xor3A_29 : vector<16xi1>, vector<16xi32>
        %broadcast_in_dim3A_1661 = vector.shape_cast %select_n3A_1660 : vector<16xi32> to vector<16x1xi32>
        %gather3A_1662 = vector.shape_cast %broadcast_in_dim3A_1661 : vector<16x1xi32> to vector<16xi32>
        %gather3A_1663 = tpu.dynamic_gather %select_n3A_1477[%gather3A_1662] in [0] : vector<16xf32>, vector<16xi32> -> vector<16xf32>
        %lt3A_1664 = arith.constant 0 : i32
        %lt3A_1665 = vector.broadcast %lt3A_1664 : i32 to vector<16xi32>
        %lt3A_1666 = arith.cmpi slt, %xor3A_29, %lt3A_1665 : vector<16xi32>
        %add3A_1667 = arith.constant 16 : i32
        %add3A_1668 = vector.broadcast %add3A_1667 : i32 to vector<16xi32>
        %add3A_1669 = arith.addi %xor3A_29, %add3A_1668 : vector<16xi32>
        %select_n3A_1670 = arith.select %lt3A_1666, %add3A_1669, %xor3A_29 : vector<16xi1>, vector<16xi32>
        %broadcast_in_dim3A_1671 = vector.shape_cast %select_n3A_1670 : vector<16xi32> to vector<16x1xi32>
        %gather3A_1672 = vector.shape_cast %broadcast_in_dim3A_1671 : vector<16x1xi32> to vector<16xi32>
        %gather3A_1673 = tpu.dynamic_gather %select_n3A_1499[%gather3A_1672] in [0] : vector<16xf32>, vector<16xi32> -> vector<16xf32>
        %select_n3A_1674 = arith.select %eq3A_12, %select_n3A_1477, %gather3A_1673 : vector<16xi1>, vector<16xf32>
        %select_n3A_1675 = arith.select %eq3A_12, %gather3A_1663, %select_n3A_1499 : vector<16xi1>, vector<16xf32>
        %lt3A_1676 = arith.constant 0 : i32
        %lt3A_1677 = vector.broadcast %lt3A_1676 : i32 to vector<16xi32>
        %lt3A_1678 = arith.cmpi slt, %xor3A_29, %lt3A_1677 : vector<16xi32>
        %add3A_1679 = arith.constant 16 : i32
        %add3A_1680 = vector.broadcast %add3A_1679 : i32 to vector<16xi32>
        %add3A_1681 = arith.addi %xor3A_29, %add3A_1680 : vector<16xi32>
        %select_n3A_1682 = arith.select %lt3A_1678, %add3A_1681, %xor3A_29 : vector<16xi1>, vector<16xi32>
        %broadcast_in_dim3A_1683 = vector.shape_cast %select_n3A_1682 : vector<16xi32> to vector<16x1xi32>
        %gather3A_1684 = vector.shape_cast %broadcast_in_dim3A_1683 : vector<16x1xi32> to vector<16xi32>
        %gather3A_1685 = tpu.dynamic_gather %select_n3A_1520[%gather3A_1684] in [0] : vector<16xf32>, vector<16xi32> -> vector<16xf32>
        %lt3A_1686 = arith.constant 0 : i32
        %lt3A_1687 = vector.broadcast %lt3A_1686 : i32 to vector<16xi32>
        %lt3A_1688 = arith.cmpi slt, %xor3A_29, %lt3A_1687 : vector<16xi32>
        %add3A_1689 = arith.constant 16 : i32
        %add3A_1690 = vector.broadcast %add3A_1689 : i32 to vector<16xi32>
        %add3A_1691 = arith.addi %xor3A_29, %add3A_1690 : vector<16xi32>
        %select_n3A_1692 = arith.select %lt3A_1688, %add3A_1691, %xor3A_29 : vector<16xi1>, vector<16xi32>
        %broadcast_in_dim3A_1693 = vector.shape_cast %select_n3A_1692 : vector<16xi32> to vector<16x1xi32>
        %gather3A_1694 = vector.shape_cast %broadcast_in_dim3A_1693 : vector<16x1xi32> to vector<16xi32>
        %gather3A_1695 = tpu.dynamic_gather %select_n3A_1542[%gather3A_1694] in [0] : vector<16xf32>, vector<16xi32> -> vector<16xf32>
        %select_n3A_1696 = arith.select %eq3A_12, %select_n3A_1520, %gather3A_1695 : vector<16xi1>, vector<16xf32>
        %select_n3A_1697 = arith.select %eq3A_12, %gather3A_1685, %select_n3A_1542 : vector<16xi1>, vector<16xf32>
        %lt3A_1698 = arith.constant 0 : i32
        %lt3A_1699 = vector.broadcast %lt3A_1698 : i32 to vector<16xi32>
        %lt3A_1700 = arith.cmpi slt, %xor3A_29, %lt3A_1699 : vector<16xi32>
        %add3A_1701 = arith.constant 16 : i32
        %add3A_1702 = vector.broadcast %add3A_1701 : i32 to vector<16xi32>
        %add3A_1703 = arith.addi %xor3A_29, %add3A_1702 : vector<16xi32>
        %select_n3A_1704 = arith.select %lt3A_1700, %add3A_1703, %xor3A_29 : vector<16xi1>, vector<16xi32>
        %broadcast_in_dim3A_1705 = vector.shape_cast %select_n3A_1704 : vector<16xi32> to vector<16x1xi32>
        %gather3A_1706 = vector.shape_cast %broadcast_in_dim3A_1705 : vector<16x1xi32> to vector<16xi32>
        %gather3A_1707 = tpu.dynamic_gather %select_n3A_1521[%gather3A_1706] in [0] : vector<16xf32>, vector<16xi32> -> vector<16xf32>
        %lt3A_1708 = arith.constant 0 : i32
        %lt3A_1709 = vector.broadcast %lt3A_1708 : i32 to vector<16xi32>
        %lt3A_1710 = arith.cmpi slt, %xor3A_29, %lt3A_1709 : vector<16xi32>
        %add3A_1711 = arith.constant 16 : i32
        %add3A_1712 = vector.broadcast %add3A_1711 : i32 to vector<16xi32>
        %add3A_1713 = arith.addi %xor3A_29, %add3A_1712 : vector<16xi32>
        %select_n3A_1714 = arith.select %lt3A_1710, %add3A_1713, %xor3A_29 : vector<16xi1>, vector<16xi32>
        %broadcast_in_dim3A_1715 = vector.shape_cast %select_n3A_1714 : vector<16xi32> to vector<16x1xi32>
        %gather3A_1716 = vector.shape_cast %broadcast_in_dim3A_1715 : vector<16x1xi32> to vector<16xi32>
        %gather3A_1717 = tpu.dynamic_gather %select_n3A_1543[%gather3A_1716] in [0] : vector<16xf32>, vector<16xi32> -> vector<16xf32>
        %select_n3A_1718 = arith.select %eq3A_12, %select_n3A_1521, %gather3A_1717 : vector<16xi1>, vector<16xf32>
        %select_n3A_1719 = arith.select %eq3A_12, %gather3A_1707, %select_n3A_1543 : vector<16xi1>, vector<16xf32>
        %lt3A_1720 = arith.constant 0 : i32
        %lt3A_1721 = vector.broadcast %lt3A_1720 : i32 to vector<16xi32>
        %lt3A_1722 = arith.cmpi slt, %xor3A_29, %lt3A_1721 : vector<16xi32>
        %add3A_1723 = arith.constant 16 : i32
        %add3A_1724 = vector.broadcast %add3A_1723 : i32 to vector<16xi32>
        %add3A_1725 = arith.addi %xor3A_29, %add3A_1724 : vector<16xi32>
        %select_n3A_1726 = arith.select %lt3A_1722, %add3A_1725, %xor3A_29 : vector<16xi1>, vector<16xi32>
        %broadcast_in_dim3A_1727 = vector.shape_cast %select_n3A_1726 : vector<16xi32> to vector<16x1xi32>
        %gather3A_1728 = vector.shape_cast %broadcast_in_dim3A_1727 : vector<16x1xi32> to vector<16xi32>
        %gather3A_1729 = tpu.dynamic_gather %select_n3A_1564[%gather3A_1728] in [0] : vector<16xf32>, vector<16xi32> -> vector<16xf32>
        %lt3A_1730 = arith.constant 0 : i32
        %lt3A_1731 = vector.broadcast %lt3A_1730 : i32 to vector<16xi32>
        %lt3A_1732 = arith.cmpi slt, %xor3A_29, %lt3A_1731 : vector<16xi32>
        %add3A_1733 = arith.constant 16 : i32
        %add3A_1734 = vector.broadcast %add3A_1733 : i32 to vector<16xi32>
        %add3A_1735 = arith.addi %xor3A_29, %add3A_1734 : vector<16xi32>
        %select_n3A_1736 = arith.select %lt3A_1732, %add3A_1735, %xor3A_29 : vector<16xi1>, vector<16xi32>
        %broadcast_in_dim3A_1737 = vector.shape_cast %select_n3A_1736 : vector<16xi32> to vector<16x1xi32>
        %gather3A_1738 = vector.shape_cast %broadcast_in_dim3A_1737 : vector<16x1xi32> to vector<16xi32>
        %gather3A_1739 = tpu.dynamic_gather %select_n3A_1586[%gather3A_1738] in [0] : vector<16xf32>, vector<16xi32> -> vector<16xf32>
        %select_n3A_1740 = arith.select %eq3A_12, %select_n3A_1564, %gather3A_1739 : vector<16xi1>, vector<16xf32>
        %select_n3A_1741 = arith.select %eq3A_12, %gather3A_1729, %select_n3A_1586 : vector<16xi1>, vector<16xf32>
        %lt3A_1742 = arith.constant 0 : i32
        %lt3A_1743 = vector.broadcast %lt3A_1742 : i32 to vector<16xi32>
        %lt3A_1744 = arith.cmpi slt, %xor3A_29, %lt3A_1743 : vector<16xi32>
        %add3A_1745 = arith.constant 16 : i32
        %add3A_1746 = vector.broadcast %add3A_1745 : i32 to vector<16xi32>
        %add3A_1747 = arith.addi %xor3A_29, %add3A_1746 : vector<16xi32>
        %select_n3A_1748 = arith.select %lt3A_1744, %add3A_1747, %xor3A_29 : vector<16xi1>, vector<16xi32>
        %broadcast_in_dim3A_1749 = vector.shape_cast %select_n3A_1748 : vector<16xi32> to vector<16x1xi32>
        %gather3A_1750 = vector.shape_cast %broadcast_in_dim3A_1749 : vector<16x1xi32> to vector<16xi32>
        %gather3A_1751 = tpu.dynamic_gather %select_n3A_1565[%gather3A_1750] in [0] : vector<16xf32>, vector<16xi32> -> vector<16xf32>
        %lt3A_1752 = arith.constant 0 : i32
        %lt3A_1753 = vector.broadcast %lt3A_1752 : i32 to vector<16xi32>
        %lt3A_1754 = arith.cmpi slt, %xor3A_29, %lt3A_1753 : vector<16xi32>
        %add3A_1755 = arith.constant 16 : i32
        %add3A_1756 = vector.broadcast %add3A_1755 : i32 to vector<16xi32>
        %add3A_1757 = arith.addi %xor3A_29, %add3A_1756 : vector<16xi32>
        %select_n3A_1758 = arith.select %lt3A_1754, %add3A_1757, %xor3A_29 : vector<16xi1>, vector<16xi32>
        %broadcast_in_dim3A_1759 = vector.shape_cast %select_n3A_1758 : vector<16xi32> to vector<16x1xi32>
        %gather3A_1760 = vector.shape_cast %broadcast_in_dim3A_1759 : vector<16x1xi32> to vector<16xi32>
        %gather3A_1761 = tpu.dynamic_gather %select_n3A_1587[%gather3A_1760] in [0] : vector<16xf32>, vector<16xi32> -> vector<16xf32>
        %select_n3A_1762 = arith.select %eq3A_12, %select_n3A_1565, %gather3A_1761 : vector<16xi1>, vector<16xf32>
        %select_n3A_1763 = arith.select %eq3A_12, %gather3A_1751, %select_n3A_1587 : vector<16xi1>, vector<16xf32>
        %lt3A_1764 = arith.constant 0 : i32
        %lt3A_1765 = vector.broadcast %lt3A_1764 : i32 to vector<16xi32>
        %lt3A_1766 = arith.cmpi slt, %xor3A_32, %lt3A_1765 : vector<16xi32>
        %add3A_1767 = arith.constant 16 : i32
        %add3A_1768 = vector.broadcast %add3A_1767 : i32 to vector<16xi32>
        %add3A_1769 = arith.addi %xor3A_32, %add3A_1768 : vector<16xi32>
        %select_n3A_1770 = arith.select %lt3A_1766, %add3A_1769, %xor3A_32 : vector<16xi1>, vector<16xi32>
        %broadcast_in_dim3A_1771 = vector.shape_cast %select_n3A_1770 : vector<16xi32> to vector<16x1xi32>
        %gather3A_1772 = vector.shape_cast %broadcast_in_dim3A_1771 : vector<16x1xi32> to vector<16xi32>
        %gather3A_1773 = tpu.dynamic_gather %select_n3A_1608[%gather3A_1772] in [0] : vector<16xf32>, vector<16xi32> -> vector<16xf32>
        %lt3A_1774 = arith.constant 0 : i32
        %lt3A_1775 = vector.broadcast %lt3A_1774 : i32 to vector<16xi32>
        %lt3A_1776 = arith.cmpi slt, %xor3A_32, %lt3A_1775 : vector<16xi32>
        %add3A_1777 = arith.constant 16 : i32
        %add3A_1778 = vector.broadcast %add3A_1777 : i32 to vector<16xi32>
        %add3A_1779 = arith.addi %xor3A_32, %add3A_1778 : vector<16xi32>
        %select_n3A_1780 = arith.select %lt3A_1776, %add3A_1779, %xor3A_32 : vector<16xi1>, vector<16xi32>
        %broadcast_in_dim3A_1781 = vector.shape_cast %select_n3A_1780 : vector<16xi32> to vector<16x1xi32>
        %gather3A_1782 = vector.shape_cast %broadcast_in_dim3A_1781 : vector<16x1xi32> to vector<16xi32>
        %gather3A_1783 = tpu.dynamic_gather %select_n3A_1652[%gather3A_1782] in [0] : vector<16xf32>, vector<16xi32> -> vector<16xf32>
        %select_n3A_1784 = arith.select %eq3A_18, %select_n3A_1608, %gather3A_1783 : vector<16xi1>, vector<16xf32>
        %select_n3A_1785 = arith.select %eq3A_18, %gather3A_1773, %select_n3A_1652 : vector<16xi1>, vector<16xf32>
        %lt3A_1786 = arith.constant 0 : i32
        %lt3A_1787 = vector.broadcast %lt3A_1786 : i32 to vector<16xi32>
        %lt3A_1788 = arith.cmpi slt, %xor3A_32, %lt3A_1787 : vector<16xi32>
        %add3A_1789 = arith.constant 16 : i32
        %add3A_1790 = vector.broadcast %add3A_1789 : i32 to vector<16xi32>
        %add3A_1791 = arith.addi %xor3A_32, %add3A_1790 : vector<16xi32>
        %select_n3A_1792 = arith.select %lt3A_1788, %add3A_1791, %xor3A_32 : vector<16xi1>, vector<16xi32>
        %broadcast_in_dim3A_1793 = vector.shape_cast %select_n3A_1792 : vector<16xi32> to vector<16x1xi32>
        %gather3A_1794 = vector.shape_cast %broadcast_in_dim3A_1793 : vector<16x1xi32> to vector<16xi32>
        %gather3A_1795 = tpu.dynamic_gather %select_n3A_1630[%gather3A_1794] in [0] : vector<16xf32>, vector<16xi32> -> vector<16xf32>
        %lt3A_1796 = arith.constant 0 : i32
        %lt3A_1797 = vector.broadcast %lt3A_1796 : i32 to vector<16xi32>
        %lt3A_1798 = arith.cmpi slt, %xor3A_32, %lt3A_1797 : vector<16xi32>
        %add3A_1799 = arith.constant 16 : i32
        %add3A_1800 = vector.broadcast %add3A_1799 : i32 to vector<16xi32>
        %add3A_1801 = arith.addi %xor3A_32, %add3A_1800 : vector<16xi32>
        %select_n3A_1802 = arith.select %lt3A_1798, %add3A_1801, %xor3A_32 : vector<16xi1>, vector<16xi32>
        %broadcast_in_dim3A_1803 = vector.shape_cast %select_n3A_1802 : vector<16xi32> to vector<16x1xi32>
        %gather3A_1804 = vector.shape_cast %broadcast_in_dim3A_1803 : vector<16x1xi32> to vector<16xi32>
        %gather3A_1805 = tpu.dynamic_gather %select_n3A_1674[%gather3A_1804] in [0] : vector<16xf32>, vector<16xi32> -> vector<16xf32>
        %select_n3A_1806 = arith.select %eq3A_18, %select_n3A_1630, %gather3A_1805 : vector<16xi1>, vector<16xf32>
        %select_n3A_1807 = arith.select %eq3A_18, %gather3A_1795, %select_n3A_1674 : vector<16xi1>, vector<16xf32>
        %lt3A_1808 = arith.constant 0 : i32
        %lt3A_1809 = vector.broadcast %lt3A_1808 : i32 to vector<16xi32>
        %lt3A_1810 = arith.cmpi slt, %xor3A_32, %lt3A_1809 : vector<16xi32>
        %add3A_1811 = arith.constant 16 : i32
        %add3A_1812 = vector.broadcast %add3A_1811 : i32 to vector<16xi32>
        %add3A_1813 = arith.addi %xor3A_32, %add3A_1812 : vector<16xi32>
        %select_n3A_1814 = arith.select %lt3A_1810, %add3A_1813, %xor3A_32 : vector<16xi1>, vector<16xi32>
        %broadcast_in_dim3A_1815 = vector.shape_cast %select_n3A_1814 : vector<16xi32> to vector<16x1xi32>
        %gather3A_1816 = vector.shape_cast %broadcast_in_dim3A_1815 : vector<16x1xi32> to vector<16xi32>
        %gather3A_1817 = tpu.dynamic_gather %select_n3A_1609[%gather3A_1816] in [0] : vector<16xf32>, vector<16xi32> -> vector<16xf32>
        %lt3A_1818 = arith.constant 0 : i32
        %lt3A_1819 = vector.broadcast %lt3A_1818 : i32 to vector<16xi32>
        %lt3A_1820 = arith.cmpi slt, %xor3A_32, %lt3A_1819 : vector<16xi32>
        %add3A_1821 = arith.constant 16 : i32
        %add3A_1822 = vector.broadcast %add3A_1821 : i32 to vector<16xi32>
        %add3A_1823 = arith.addi %xor3A_32, %add3A_1822 : vector<16xi32>
        %select_n3A_1824 = arith.select %lt3A_1820, %add3A_1823, %xor3A_32 : vector<16xi1>, vector<16xi32>
        %broadcast_in_dim3A_1825 = vector.shape_cast %select_n3A_1824 : vector<16xi32> to vector<16x1xi32>
        %gather3A_1826 = vector.shape_cast %broadcast_in_dim3A_1825 : vector<16x1xi32> to vector<16xi32>
        %gather3A_1827 = tpu.dynamic_gather %select_n3A_1653[%gather3A_1826] in [0] : vector<16xf32>, vector<16xi32> -> vector<16xf32>
        %select_n3A_1828 = arith.select %eq3A_18, %select_n3A_1609, %gather3A_1827 : vector<16xi1>, vector<16xf32>
        %select_n3A_1829 = arith.select %eq3A_18, %gather3A_1817, %select_n3A_1653 : vector<16xi1>, vector<16xf32>
        %lt3A_1830 = arith.constant 0 : i32
        %lt3A_1831 = vector.broadcast %lt3A_1830 : i32 to vector<16xi32>
        %lt3A_1832 = arith.cmpi slt, %xor3A_32, %lt3A_1831 : vector<16xi32>
        %add3A_1833 = arith.constant 16 : i32
        %add3A_1834 = vector.broadcast %add3A_1833 : i32 to vector<16xi32>
        %add3A_1835 = arith.addi %xor3A_32, %add3A_1834 : vector<16xi32>
        %select_n3A_1836 = arith.select %lt3A_1832, %add3A_1835, %xor3A_32 : vector<16xi1>, vector<16xi32>
        %broadcast_in_dim3A_1837 = vector.shape_cast %select_n3A_1836 : vector<16xi32> to vector<16x1xi32>
        %gather3A_1838 = vector.shape_cast %broadcast_in_dim3A_1837 : vector<16x1xi32> to vector<16xi32>
        %gather3A_1839 = tpu.dynamic_gather %select_n3A_1631[%gather3A_1838] in [0] : vector<16xf32>, vector<16xi32> -> vector<16xf32>
        %lt3A_1840 = arith.constant 0 : i32
        %lt3A_1841 = vector.broadcast %lt3A_1840 : i32 to vector<16xi32>
        %lt3A_1842 = arith.cmpi slt, %xor3A_32, %lt3A_1841 : vector<16xi32>
        %add3A_1843 = arith.constant 16 : i32
        %add3A_1844 = vector.broadcast %add3A_1843 : i32 to vector<16xi32>
        %add3A_1845 = arith.addi %xor3A_32, %add3A_1844 : vector<16xi32>
        %select_n3A_1846 = arith.select %lt3A_1842, %add3A_1845, %xor3A_32 : vector<16xi1>, vector<16xi32>
        %broadcast_in_dim3A_1847 = vector.shape_cast %select_n3A_1846 : vector<16xi32> to vector<16x1xi32>
        %gather3A_1848 = vector.shape_cast %broadcast_in_dim3A_1847 : vector<16x1xi32> to vector<16xi32>
        %gather3A_1849 = tpu.dynamic_gather %select_n3A_1675[%gather3A_1848] in [0] : vector<16xf32>, vector<16xi32> -> vector<16xf32>
        %select_n3A_1850 = arith.select %eq3A_18, %select_n3A_1631, %gather3A_1849 : vector<16xi1>, vector<16xf32>
        %select_n3A_1851 = arith.select %eq3A_18, %gather3A_1839, %select_n3A_1675 : vector<16xi1>, vector<16xf32>
        %lt3A_1852 = arith.constant 0 : i32
        %lt3A_1853 = vector.broadcast %lt3A_1852 : i32 to vector<16xi32>
        %lt3A_1854 = arith.cmpi slt, %xor3A_32, %lt3A_1853 : vector<16xi32>
        %add3A_1855 = arith.constant 16 : i32
        %add3A_1856 = vector.broadcast %add3A_1855 : i32 to vector<16xi32>
        %add3A_1857 = arith.addi %xor3A_32, %add3A_1856 : vector<16xi32>
        %select_n3A_1858 = arith.select %lt3A_1854, %add3A_1857, %xor3A_32 : vector<16xi1>, vector<16xi32>
        %broadcast_in_dim3A_1859 = vector.shape_cast %select_n3A_1858 : vector<16xi32> to vector<16x1xi32>
        %gather3A_1860 = vector.shape_cast %broadcast_in_dim3A_1859 : vector<16x1xi32> to vector<16xi32>
        %gather3A_1861 = tpu.dynamic_gather %select_n3A_1696[%gather3A_1860] in [0] : vector<16xf32>, vector<16xi32> -> vector<16xf32>
        %lt3A_1862 = arith.constant 0 : i32
        %lt3A_1863 = vector.broadcast %lt3A_1862 : i32 to vector<16xi32>
        %lt3A_1864 = arith.cmpi slt, %xor3A_32, %lt3A_1863 : vector<16xi32>
        %add3A_1865 = arith.constant 16 : i32
        %add3A_1866 = vector.broadcast %add3A_1865 : i32 to vector<16xi32>
        %add3A_1867 = arith.addi %xor3A_32, %add3A_1866 : vector<16xi32>
        %select_n3A_1868 = arith.select %lt3A_1864, %add3A_1867, %xor3A_32 : vector<16xi1>, vector<16xi32>
        %broadcast_in_dim3A_1869 = vector.shape_cast %select_n3A_1868 : vector<16xi32> to vector<16x1xi32>
        %gather3A_1870 = vector.shape_cast %broadcast_in_dim3A_1869 : vector<16x1xi32> to vector<16xi32>
        %gather3A_1871 = tpu.dynamic_gather %select_n3A_1740[%gather3A_1870] in [0] : vector<16xf32>, vector<16xi32> -> vector<16xf32>
        %select_n3A_1872 = arith.select %eq3A_18, %select_n3A_1696, %gather3A_1871 : vector<16xi1>, vector<16xf32>
        %select_n3A_1873 = arith.select %eq3A_18, %gather3A_1861, %select_n3A_1740 : vector<16xi1>, vector<16xf32>
        %lt3A_1874 = arith.constant 0 : i32
        %lt3A_1875 = vector.broadcast %lt3A_1874 : i32 to vector<16xi32>
        %lt3A_1876 = arith.cmpi slt, %xor3A_32, %lt3A_1875 : vector<16xi32>
        %add3A_1877 = arith.constant 16 : i32
        %add3A_1878 = vector.broadcast %add3A_1877 : i32 to vector<16xi32>
        %add3A_1879 = arith.addi %xor3A_32, %add3A_1878 : vector<16xi32>
        %select_n3A_1880 = arith.select %lt3A_1876, %add3A_1879, %xor3A_32 : vector<16xi1>, vector<16xi32>
        %broadcast_in_dim3A_1881 = vector.shape_cast %select_n3A_1880 : vector<16xi32> to vector<16x1xi32>
        %gather3A_1882 = vector.shape_cast %broadcast_in_dim3A_1881 : vector<16x1xi32> to vector<16xi32>
        %gather3A_1883 = tpu.dynamic_gather %select_n3A_1718[%gather3A_1882] in [0] : vector<16xf32>, vector<16xi32> -> vector<16xf32>
        %lt3A_1884 = arith.constant 0 : i32
        %lt3A_1885 = vector.broadcast %lt3A_1884 : i32 to vector<16xi32>
        %lt3A_1886 = arith.cmpi slt, %xor3A_32, %lt3A_1885 : vector<16xi32>
        %add3A_1887 = arith.constant 16 : i32
        %add3A_1888 = vector.broadcast %add3A_1887 : i32 to vector<16xi32>
        %add3A_1889 = arith.addi %xor3A_32, %add3A_1888 : vector<16xi32>
        %select_n3A_1890 = arith.select %lt3A_1886, %add3A_1889, %xor3A_32 : vector<16xi1>, vector<16xi32>
        %broadcast_in_dim3A_1891 = vector.shape_cast %select_n3A_1890 : vector<16xi32> to vector<16x1xi32>
        %gather3A_1892 = vector.shape_cast %broadcast_in_dim3A_1891 : vector<16x1xi32> to vector<16xi32>
        %gather3A_1893 = tpu.dynamic_gather %select_n3A_1762[%gather3A_1892] in [0] : vector<16xf32>, vector<16xi32> -> vector<16xf32>
        %select_n3A_1894 = arith.select %eq3A_18, %select_n3A_1718, %gather3A_1893 : vector<16xi1>, vector<16xf32>
        %select_n3A_1895 = arith.select %eq3A_18, %gather3A_1883, %select_n3A_1762 : vector<16xi1>, vector<16xf32>
        %lt3A_1896 = arith.constant 0 : i32
        %lt3A_1897 = vector.broadcast %lt3A_1896 : i32 to vector<16xi32>
        %lt3A_1898 = arith.cmpi slt, %xor3A_32, %lt3A_1897 : vector<16xi32>
        %add3A_1899 = arith.constant 16 : i32
        %add3A_1900 = vector.broadcast %add3A_1899 : i32 to vector<16xi32>
        %add3A_1901 = arith.addi %xor3A_32, %add3A_1900 : vector<16xi32>
        %select_n3A_1902 = arith.select %lt3A_1898, %add3A_1901, %xor3A_32 : vector<16xi1>, vector<16xi32>
        %broadcast_in_dim3A_1903 = vector.shape_cast %select_n3A_1902 : vector<16xi32> to vector<16x1xi32>
        %gather3A_1904 = vector.shape_cast %broadcast_in_dim3A_1903 : vector<16x1xi32> to vector<16xi32>
        %gather3A_1905 = tpu.dynamic_gather %select_n3A_1697[%gather3A_1904] in [0] : vector<16xf32>, vector<16xi32> -> vector<16xf32>
        %lt3A_1906 = arith.constant 0 : i32
        %lt3A_1907 = vector.broadcast %lt3A_1906 : i32 to vector<16xi32>
        %lt3A_1908 = arith.cmpi slt, %xor3A_32, %lt3A_1907 : vector<16xi32>
        %add3A_1909 = arith.constant 16 : i32
        %add3A_1910 = vector.broadcast %add3A_1909 : i32 to vector<16xi32>
        %add3A_1911 = arith.addi %xor3A_32, %add3A_1910 : vector<16xi32>
        %select_n3A_1912 = arith.select %lt3A_1908, %add3A_1911, %xor3A_32 : vector<16xi1>, vector<16xi32>
        %broadcast_in_dim3A_1913 = vector.shape_cast %select_n3A_1912 : vector<16xi32> to vector<16x1xi32>
        %gather3A_1914 = vector.shape_cast %broadcast_in_dim3A_1913 : vector<16x1xi32> to vector<16xi32>
        %gather3A_1915 = tpu.dynamic_gather %select_n3A_1741[%gather3A_1914] in [0] : vector<16xf32>, vector<16xi32> -> vector<16xf32>
        %select_n3A_1916 = arith.select %eq3A_18, %select_n3A_1697, %gather3A_1915 : vector<16xi1>, vector<16xf32>
        %select_n3A_1917 = arith.select %eq3A_18, %gather3A_1905, %select_n3A_1741 : vector<16xi1>, vector<16xf32>
        %lt3A_1918 = arith.constant 0 : i32
        %lt3A_1919 = vector.broadcast %lt3A_1918 : i32 to vector<16xi32>
        %lt3A_1920 = arith.cmpi slt, %xor3A_32, %lt3A_1919 : vector<16xi32>
        %add3A_1921 = arith.constant 16 : i32
        %add3A_1922 = vector.broadcast %add3A_1921 : i32 to vector<16xi32>
        %add3A_1923 = arith.addi %xor3A_32, %add3A_1922 : vector<16xi32>
        %select_n3A_1924 = arith.select %lt3A_1920, %add3A_1923, %xor3A_32 : vector<16xi1>, vector<16xi32>
        %broadcast_in_dim3A_1925 = vector.shape_cast %select_n3A_1924 : vector<16xi32> to vector<16x1xi32>
        %gather3A_1926 = vector.shape_cast %broadcast_in_dim3A_1925 : vector<16x1xi32> to vector<16xi32>
        %gather3A_1927 = tpu.dynamic_gather %select_n3A_1719[%gather3A_1926] in [0] : vector<16xf32>, vector<16xi32> -> vector<16xf32>
        %lt3A_1928 = arith.constant 0 : i32
        %lt3A_1929 = vector.broadcast %lt3A_1928 : i32 to vector<16xi32>
        %lt3A_1930 = arith.cmpi slt, %xor3A_32, %lt3A_1929 : vector<16xi32>
        %add3A_1931 = arith.constant 16 : i32
        %add3A_1932 = vector.broadcast %add3A_1931 : i32 to vector<16xi32>
        %add3A_1933 = arith.addi %xor3A_32, %add3A_1932 : vector<16xi32>
        %select_n3A_1934 = arith.select %lt3A_1930, %add3A_1933, %xor3A_32 : vector<16xi1>, vector<16xi32>
        %broadcast_in_dim3A_1935 = vector.shape_cast %select_n3A_1934 : vector<16xi32> to vector<16x1xi32>
        %gather3A_1936 = vector.shape_cast %broadcast_in_dim3A_1935 : vector<16x1xi32> to vector<16xi32>
        %gather3A_1937 = tpu.dynamic_gather %select_n3A_1763[%gather3A_1936] in [0] : vector<16xf32>, vector<16xi32> -> vector<16xf32>
        %select_n3A_1938 = arith.select %eq3A_18, %select_n3A_1719, %gather3A_1937 : vector<16xi1>, vector<16xf32>
        %select_n3A_1939 = arith.select %eq3A_18, %gather3A_1927, %select_n3A_1763 : vector<16xi1>, vector<16xf32>
        %lt3A_1940 = arith.constant 0 : i32
        %lt3A_1941 = vector.broadcast %lt3A_1940 : i32 to vector<16xi32>
        %lt3A_1942 = arith.cmpi slt, %xor3A_35, %lt3A_1941 : vector<16xi32>
        %add3A_1943 = arith.constant 16 : i32
        %add3A_1944 = vector.broadcast %add3A_1943 : i32 to vector<16xi32>
        %add3A_1945 = arith.addi %xor3A_35, %add3A_1944 : vector<16xi32>
        %select_n3A_1946 = arith.select %lt3A_1942, %add3A_1945, %xor3A_35 : vector<16xi1>, vector<16xi32>
        %broadcast_in_dim3A_1947 = vector.shape_cast %select_n3A_1946 : vector<16xi32> to vector<16x1xi32>
        %gather3A_1948 = vector.shape_cast %broadcast_in_dim3A_1947 : vector<16x1xi32> to vector<16xi32>
        %gather3A_1949 = tpu.dynamic_gather %select_n3A_1784[%gather3A_1948] in [0] : vector<16xf32>, vector<16xi32> -> vector<16xf32>
        %lt3A_1950 = arith.constant 0 : i32
        %lt3A_1951 = vector.broadcast %lt3A_1950 : i32 to vector<16xi32>
        %lt3A_1952 = arith.cmpi slt, %xor3A_35, %lt3A_1951 : vector<16xi32>
        %add3A_1953 = arith.constant 16 : i32
        %add3A_1954 = vector.broadcast %add3A_1953 : i32 to vector<16xi32>
        %add3A_1955 = arith.addi %xor3A_35, %add3A_1954 : vector<16xi32>
        %select_n3A_1956 = arith.select %lt3A_1952, %add3A_1955, %xor3A_35 : vector<16xi1>, vector<16xi32>
        %broadcast_in_dim3A_1957 = vector.shape_cast %select_n3A_1956 : vector<16xi32> to vector<16x1xi32>
        %gather3A_1958 = vector.shape_cast %broadcast_in_dim3A_1957 : vector<16x1xi32> to vector<16xi32>
        %gather3A_1959 = tpu.dynamic_gather %select_n3A_1872[%gather3A_1958] in [0] : vector<16xf32>, vector<16xi32> -> vector<16xf32>
        %select_n3A_1960 = arith.select %eq3A_24, %select_n3A_1784, %gather3A_1959 : vector<16xi1>, vector<16xf32>
        %select_n3A_1961 = arith.select %eq3A_24, %gather3A_1949, %select_n3A_1872 : vector<16xi1>, vector<16xf32>
        %lt3A_1962 = arith.constant 0 : i32
        %lt3A_1963 = vector.broadcast %lt3A_1962 : i32 to vector<16xi32>
        %lt3A_1964 = arith.cmpi slt, %xor3A_35, %lt3A_1963 : vector<16xi32>
        %add3A_1965 = arith.constant 16 : i32
        %add3A_1966 = vector.broadcast %add3A_1965 : i32 to vector<16xi32>
        %add3A_1967 = arith.addi %xor3A_35, %add3A_1966 : vector<16xi32>
        %select_n3A_1968 = arith.select %lt3A_1964, %add3A_1967, %xor3A_35 : vector<16xi1>, vector<16xi32>
        %broadcast_in_dim3A_1969 = vector.shape_cast %select_n3A_1968 : vector<16xi32> to vector<16x1xi32>
        %gather3A_1970 = vector.shape_cast %broadcast_in_dim3A_1969 : vector<16x1xi32> to vector<16xi32>
        %gather3A_1971 = tpu.dynamic_gather %select_n3A_1806[%gather3A_1970] in [0] : vector<16xf32>, vector<16xi32> -> vector<16xf32>
        %lt3A_1972 = arith.constant 0 : i32
        %lt3A_1973 = vector.broadcast %lt3A_1972 : i32 to vector<16xi32>
        %lt3A_1974 = arith.cmpi slt, %xor3A_35, %lt3A_1973 : vector<16xi32>
        %add3A_1975 = arith.constant 16 : i32
        %add3A_1976 = vector.broadcast %add3A_1975 : i32 to vector<16xi32>
        %add3A_1977 = arith.addi %xor3A_35, %add3A_1976 : vector<16xi32>
        %select_n3A_1978 = arith.select %lt3A_1974, %add3A_1977, %xor3A_35 : vector<16xi1>, vector<16xi32>
        %broadcast_in_dim3A_1979 = vector.shape_cast %select_n3A_1978 : vector<16xi32> to vector<16x1xi32>
        %gather3A_1980 = vector.shape_cast %broadcast_in_dim3A_1979 : vector<16x1xi32> to vector<16xi32>
        %gather3A_1981 = tpu.dynamic_gather %select_n3A_1894[%gather3A_1980] in [0] : vector<16xf32>, vector<16xi32> -> vector<16xf32>
        %select_n3A_1982 = arith.select %eq3A_24, %select_n3A_1806, %gather3A_1981 : vector<16xi1>, vector<16xf32>
        %select_n3A_1983 = arith.select %eq3A_24, %gather3A_1971, %select_n3A_1894 : vector<16xi1>, vector<16xf32>
        %lt3A_1984 = arith.constant 0 : i32
        %lt3A_1985 = vector.broadcast %lt3A_1984 : i32 to vector<16xi32>
        %lt3A_1986 = arith.cmpi slt, %xor3A_35, %lt3A_1985 : vector<16xi32>
        %add3A_1987 = arith.constant 16 : i32
        %add3A_1988 = vector.broadcast %add3A_1987 : i32 to vector<16xi32>
        %add3A_1989 = arith.addi %xor3A_35, %add3A_1988 : vector<16xi32>
        %select_n3A_1990 = arith.select %lt3A_1986, %add3A_1989, %xor3A_35 : vector<16xi1>, vector<16xi32>
        %broadcast_in_dim3A_1991 = vector.shape_cast %select_n3A_1990 : vector<16xi32> to vector<16x1xi32>
        %gather3A_1992 = vector.shape_cast %broadcast_in_dim3A_1991 : vector<16x1xi32> to vector<16xi32>
        %gather3A_1993 = tpu.dynamic_gather %select_n3A_1828[%gather3A_1992] in [0] : vector<16xf32>, vector<16xi32> -> vector<16xf32>
        %lt3A_1994 = arith.constant 0 : i32
        %lt3A_1995 = vector.broadcast %lt3A_1994 : i32 to vector<16xi32>
        %lt3A_1996 = arith.cmpi slt, %xor3A_35, %lt3A_1995 : vector<16xi32>
        %add3A_1997 = arith.constant 16 : i32
        %add3A_1998 = vector.broadcast %add3A_1997 : i32 to vector<16xi32>
        %add3A_1999 = arith.addi %xor3A_35, %add3A_1998 : vector<16xi32>
        %select_n3A_2000 = arith.select %lt3A_1996, %add3A_1999, %xor3A_35 : vector<16xi1>, vector<16xi32>
        %broadcast_in_dim3A_2001 = vector.shape_cast %select_n3A_2000 : vector<16xi32> to vector<16x1xi32>
        %gather3A_2002 = vector.shape_cast %broadcast_in_dim3A_2001 : vector<16x1xi32> to vector<16xi32>
        %gather3A_2003 = tpu.dynamic_gather %select_n3A_1916[%gather3A_2002] in [0] : vector<16xf32>, vector<16xi32> -> vector<16xf32>
        %select_n3A_2004 = arith.select %eq3A_24, %select_n3A_1828, %gather3A_2003 : vector<16xi1>, vector<16xf32>
        %select_n3A_2005 = arith.select %eq3A_24, %gather3A_1993, %select_n3A_1916 : vector<16xi1>, vector<16xf32>
        %lt3A_2006 = arith.constant 0 : i32
        %lt3A_2007 = vector.broadcast %lt3A_2006 : i32 to vector<16xi32>
        %lt3A_2008 = arith.cmpi slt, %xor3A_35, %lt3A_2007 : vector<16xi32>
        %add3A_2009 = arith.constant 16 : i32
        %add3A_2010 = vector.broadcast %add3A_2009 : i32 to vector<16xi32>
        %add3A_2011 = arith.addi %xor3A_35, %add3A_2010 : vector<16xi32>
        %select_n3A_2012 = arith.select %lt3A_2008, %add3A_2011, %xor3A_35 : vector<16xi1>, vector<16xi32>
        %broadcast_in_dim3A_2013 = vector.shape_cast %select_n3A_2012 : vector<16xi32> to vector<16x1xi32>
        %gather3A_2014 = vector.shape_cast %broadcast_in_dim3A_2013 : vector<16x1xi32> to vector<16xi32>
        %gather3A_2015 = tpu.dynamic_gather %select_n3A_1850[%gather3A_2014] in [0] : vector<16xf32>, vector<16xi32> -> vector<16xf32>
        %lt3A_2016 = arith.constant 0 : i32
        %lt3A_2017 = vector.broadcast %lt3A_2016 : i32 to vector<16xi32>
        %lt3A_2018 = arith.cmpi slt, %xor3A_35, %lt3A_2017 : vector<16xi32>
        %add3A_2019 = arith.constant 16 : i32
        %add3A_2020 = vector.broadcast %add3A_2019 : i32 to vector<16xi32>
        %add3A_2021 = arith.addi %xor3A_35, %add3A_2020 : vector<16xi32>
        %select_n3A_2022 = arith.select %lt3A_2018, %add3A_2021, %xor3A_35 : vector<16xi1>, vector<16xi32>
        %broadcast_in_dim3A_2023 = vector.shape_cast %select_n3A_2022 : vector<16xi32> to vector<16x1xi32>
        %gather3A_2024 = vector.shape_cast %broadcast_in_dim3A_2023 : vector<16x1xi32> to vector<16xi32>
        %gather3A_2025 = tpu.dynamic_gather %select_n3A_1938[%gather3A_2024] in [0] : vector<16xf32>, vector<16xi32> -> vector<16xf32>
        %select_n3A_2026 = arith.select %eq3A_24, %select_n3A_1850, %gather3A_2025 : vector<16xi1>, vector<16xf32>
        %select_n3A_2027 = arith.select %eq3A_24, %gather3A_2015, %select_n3A_1938 : vector<16xi1>, vector<16xf32>
        %lt3A_2028 = arith.constant 0 : i32
        %lt3A_2029 = vector.broadcast %lt3A_2028 : i32 to vector<16xi32>
        %lt3A_2030 = arith.cmpi slt, %xor3A_35, %lt3A_2029 : vector<16xi32>
        %add3A_2031 = arith.constant 16 : i32
        %add3A_2032 = vector.broadcast %add3A_2031 : i32 to vector<16xi32>
        %add3A_2033 = arith.addi %xor3A_35, %add3A_2032 : vector<16xi32>
        %select_n3A_2034 = arith.select %lt3A_2030, %add3A_2033, %xor3A_35 : vector<16xi1>, vector<16xi32>
        %broadcast_in_dim3A_2035 = vector.shape_cast %select_n3A_2034 : vector<16xi32> to vector<16x1xi32>
        %gather3A_2036 = vector.shape_cast %broadcast_in_dim3A_2035 : vector<16x1xi32> to vector<16xi32>
        %gather3A_2037 = tpu.dynamic_gather %select_n3A_1785[%gather3A_2036] in [0] : vector<16xf32>, vector<16xi32> -> vector<16xf32>
        %lt3A_2038 = arith.constant 0 : i32
        %lt3A_2039 = vector.broadcast %lt3A_2038 : i32 to vector<16xi32>
        %lt3A_2040 = arith.cmpi slt, %xor3A_35, %lt3A_2039 : vector<16xi32>
        %add3A_2041 = arith.constant 16 : i32
        %add3A_2042 = vector.broadcast %add3A_2041 : i32 to vector<16xi32>
        %add3A_2043 = arith.addi %xor3A_35, %add3A_2042 : vector<16xi32>
        %select_n3A_2044 = arith.select %lt3A_2040, %add3A_2043, %xor3A_35 : vector<16xi1>, vector<16xi32>
        %broadcast_in_dim3A_2045 = vector.shape_cast %select_n3A_2044 : vector<16xi32> to vector<16x1xi32>
        %gather3A_2046 = vector.shape_cast %broadcast_in_dim3A_2045 : vector<16x1xi32> to vector<16xi32>
        %gather3A_2047 = tpu.dynamic_gather %select_n3A_1873[%gather3A_2046] in [0] : vector<16xf32>, vector<16xi32> -> vector<16xf32>
        %select_n3A_2048 = arith.select %eq3A_24, %select_n3A_1785, %gather3A_2047 : vector<16xi1>, vector<16xf32>
        %select_n3A_2049 = arith.select %eq3A_24, %gather3A_2037, %select_n3A_1873 : vector<16xi1>, vector<16xf32>
        %lt3A_2050 = arith.constant 0 : i32
        %lt3A_2051 = vector.broadcast %lt3A_2050 : i32 to vector<16xi32>
        %lt3A_2052 = arith.cmpi slt, %xor3A_35, %lt3A_2051 : vector<16xi32>
        %add3A_2053 = arith.constant 16 : i32
        %add3A_2054 = vector.broadcast %add3A_2053 : i32 to vector<16xi32>
        %add3A_2055 = arith.addi %xor3A_35, %add3A_2054 : vector<16xi32>
        %select_n3A_2056 = arith.select %lt3A_2052, %add3A_2055, %xor3A_35 : vector<16xi1>, vector<16xi32>
        %broadcast_in_dim3A_2057 = vector.shape_cast %select_n3A_2056 : vector<16xi32> to vector<16x1xi32>
        %gather3A_2058 = vector.shape_cast %broadcast_in_dim3A_2057 : vector<16x1xi32> to vector<16xi32>
        %gather3A_2059 = tpu.dynamic_gather %select_n3A_1807[%gather3A_2058] in [0] : vector<16xf32>, vector<16xi32> -> vector<16xf32>
        %lt3A_2060 = arith.constant 0 : i32
        %lt3A_2061 = vector.broadcast %lt3A_2060 : i32 to vector<16xi32>
        %lt3A_2062 = arith.cmpi slt, %xor3A_35, %lt3A_2061 : vector<16xi32>
        %add3A_2063 = arith.constant 16 : i32
        %add3A_2064 = vector.broadcast %add3A_2063 : i32 to vector<16xi32>
        %add3A_2065 = arith.addi %xor3A_35, %add3A_2064 : vector<16xi32>
        %select_n3A_2066 = arith.select %lt3A_2062, %add3A_2065, %xor3A_35 : vector<16xi1>, vector<16xi32>
        %broadcast_in_dim3A_2067 = vector.shape_cast %select_n3A_2066 : vector<16xi32> to vector<16x1xi32>
        %gather3A_2068 = vector.shape_cast %broadcast_in_dim3A_2067 : vector<16x1xi32> to vector<16xi32>
        %gather3A_2069 = tpu.dynamic_gather %select_n3A_1895[%gather3A_2068] in [0] : vector<16xf32>, vector<16xi32> -> vector<16xf32>
        %select_n3A_2070 = arith.select %eq3A_24, %select_n3A_1807, %gather3A_2069 : vector<16xi1>, vector<16xf32>
        %select_n3A_2071 = arith.select %eq3A_24, %gather3A_2059, %select_n3A_1895 : vector<16xi1>, vector<16xf32>
        %lt3A_2072 = arith.constant 0 : i32
        %lt3A_2073 = vector.broadcast %lt3A_2072 : i32 to vector<16xi32>
        %lt3A_2074 = arith.cmpi slt, %xor3A_35, %lt3A_2073 : vector<16xi32>
        %add3A_2075 = arith.constant 16 : i32
        %add3A_2076 = vector.broadcast %add3A_2075 : i32 to vector<16xi32>
        %add3A_2077 = arith.addi %xor3A_35, %add3A_2076 : vector<16xi32>
        %select_n3A_2078 = arith.select %lt3A_2074, %add3A_2077, %xor3A_35 : vector<16xi1>, vector<16xi32>
        %broadcast_in_dim3A_2079 = vector.shape_cast %select_n3A_2078 : vector<16xi32> to vector<16x1xi32>
        %gather3A_2080 = vector.shape_cast %broadcast_in_dim3A_2079 : vector<16x1xi32> to vector<16xi32>
        %gather3A_2081 = tpu.dynamic_gather %select_n3A_1829[%gather3A_2080] in [0] : vector<16xf32>, vector<16xi32> -> vector<16xf32>
        %lt3A_2082 = arith.constant 0 : i32
        %lt3A_2083 = vector.broadcast %lt3A_2082 : i32 to vector<16xi32>
        %lt3A_2084 = arith.cmpi slt, %xor3A_35, %lt3A_2083 : vector<16xi32>
        %add3A_2085 = arith.constant 16 : i32
        %add3A_2086 = vector.broadcast %add3A_2085 : i32 to vector<16xi32>
        %add3A_2087 = arith.addi %xor3A_35, %add3A_2086 : vector<16xi32>
        %select_n3A_2088 = arith.select %lt3A_2084, %add3A_2087, %xor3A_35 : vector<16xi1>, vector<16xi32>
        %broadcast_in_dim3A_2089 = vector.shape_cast %select_n3A_2088 : vector<16xi32> to vector<16x1xi32>
        %gather3A_2090 = vector.shape_cast %broadcast_in_dim3A_2089 : vector<16x1xi32> to vector<16xi32>
        %gather3A_2091 = tpu.dynamic_gather %select_n3A_1917[%gather3A_2090] in [0] : vector<16xf32>, vector<16xi32> -> vector<16xf32>
        %select_n3A_2092 = arith.select %eq3A_24, %select_n3A_1829, %gather3A_2091 : vector<16xi1>, vector<16xf32>
        %select_n3A_2093 = arith.select %eq3A_24, %gather3A_2081, %select_n3A_1917 : vector<16xi1>, vector<16xf32>
        %lt3A_2094 = arith.constant 0 : i32
        %lt3A_2095 = vector.broadcast %lt3A_2094 : i32 to vector<16xi32>
        %lt3A_2096 = arith.cmpi slt, %xor3A_35, %lt3A_2095 : vector<16xi32>
        %add3A_2097 = arith.constant 16 : i32
        %add3A_2098 = vector.broadcast %add3A_2097 : i32 to vector<16xi32>
        %add3A_2099 = arith.addi %xor3A_35, %add3A_2098 : vector<16xi32>
        %select_n3A_2100 = arith.select %lt3A_2096, %add3A_2099, %xor3A_35 : vector<16xi1>, vector<16xi32>
        %broadcast_in_dim3A_2101 = vector.shape_cast %select_n3A_2100 : vector<16xi32> to vector<16x1xi32>
        %gather3A_2102 = vector.shape_cast %broadcast_in_dim3A_2101 : vector<16x1xi32> to vector<16xi32>
        %gather3A_2103 = tpu.dynamic_gather %select_n3A_1851[%gather3A_2102] in [0] : vector<16xf32>, vector<16xi32> -> vector<16xf32>
        %lt3A_2104 = arith.constant 0 : i32
        %lt3A_2105 = vector.broadcast %lt3A_2104 : i32 to vector<16xi32>
        %lt3A_2106 = arith.cmpi slt, %xor3A_35, %lt3A_2105 : vector<16xi32>
        %add3A_2107 = arith.constant 16 : i32
        %add3A_2108 = vector.broadcast %add3A_2107 : i32 to vector<16xi32>
        %add3A_2109 = arith.addi %xor3A_35, %add3A_2108 : vector<16xi32>
        %select_n3A_2110 = arith.select %lt3A_2106, %add3A_2109, %xor3A_35 : vector<16xi1>, vector<16xi32>
        %broadcast_in_dim3A_2111 = vector.shape_cast %select_n3A_2110 : vector<16xi32> to vector<16x1xi32>
        %gather3A_2112 = vector.shape_cast %broadcast_in_dim3A_2111 : vector<16x1xi32> to vector<16xi32>
        %gather3A_2113 = tpu.dynamic_gather %select_n3A_1939[%gather3A_2112] in [0] : vector<16xf32>, vector<16xi32> -> vector<16xf32>
        %select_n3A_2114 = arith.select %eq3A_24, %select_n3A_1851, %gather3A_2113 : vector<16xi1>, vector<16xf32>
        %select_n3A_2115 = arith.select %eq3A_24, %gather3A_2103, %select_n3A_1939 : vector<16xi1>, vector<16xf32>
        %mul3A_2116 = vector.broadcast %scan3A : f32 to vector<16xf32>
        %mul3A_2117 = arith.mulf %select_n3A_1960, %mul3A_2116 : vector<16xf32>
        %add3A_2118 = arith.constant 8192 : i32
        %add3A_2119 = arith.addi %add3A_2118, %add3A_455 : i32
        %swap3A_2120 = arith.index_cast %add3A_2119 : i32 to index
        %swap3A_2121 = tpu.vector_load %arg10[%swap3A_2120] {strides = array<i32>} : memref<16384xf32, #tpu.memory_space<vmem>>, vector<16xf32>,
        tpu.vector_store %arg10[%swap3A_2120], %mul3A_2117 {strides = array<i32>} : memref<16384xf32, #tpu.memory_space<vmem>>, vector<16xf32>,
        %mul3A_2122 = vector.broadcast %scan3A : f32 to vector<16xf32>
        %mul3A_2123 = arith.mulf %select_n3A_1982, %mul3A_2122 : vector<16xf32>
        %add3A_2124 = arith.constant 8320 : i32
        %add3A_2125 = arith.addi %add3A_2124, %add3A_455 : i32
        %swap3A_2126 = arith.index_cast %add3A_2125 : i32 to index
        %swap3A_2127 = tpu.vector_load %arg10[%swap3A_2126] {strides = array<i32>} : memref<16384xf32, #tpu.memory_space<vmem>>, vector<16xf32>,
        tpu.vector_store %arg10[%swap3A_2126], %mul3A_2123 {strides = array<i32>} : memref<16384xf32, #tpu.memory_space<vmem>>, vector<16xf32>,
        %mul3A_2128 = vector.broadcast %scan3A : f32 to vector<16xf32>
        %mul3A_2129 = arith.mulf %select_n3A_2004, %mul3A_2128 : vector<16xf32>
        %add3A_2130 = arith.constant 8448 : i32
        %add3A_2131 = arith.addi %add3A_2130, %add3A_455 : i32
        %swap3A_2132 = arith.index_cast %add3A_2131 : i32 to index
        %swap3A_2133 = tpu.vector_load %arg10[%swap3A_2132] {strides = array<i32>} : memref<16384xf32, #tpu.memory_space<vmem>>, vector<16xf32>,
        tpu.vector_store %arg10[%swap3A_2132], %mul3A_2129 {strides = array<i32>} : memref<16384xf32, #tpu.memory_space<vmem>>, vector<16xf32>,
        %mul3A_2134 = vector.broadcast %scan3A : f32 to vector<16xf32>
        %mul3A_2135 = arith.mulf %select_n3A_2026, %mul3A_2134 : vector<16xf32>
        %add3A_2136 = arith.constant 8576 : i32
        %add3A_2137 = arith.addi %add3A_2136, %add3A_455 : i32
        %swap3A_2138 = arith.index_cast %add3A_2137 : i32 to index
        %swap3A_2139 = tpu.vector_load %arg10[%swap3A_2138] {strides = array<i32>} : memref<16384xf32, #tpu.memory_space<vmem>>, vector<16xf32>,
        tpu.vector_store %arg10[%swap3A_2138], %mul3A_2135 {strides = array<i32>} : memref<16384xf32, #tpu.memory_space<vmem>>, vector<16xf32>,
        %mul3A_2140 = vector.broadcast %scan3A : f32 to vector<16xf32>
        %mul3A_2141 = arith.mulf %select_n3A_2048, %mul3A_2140 : vector<16xf32>
        %add3A_2142 = arith.constant 8704 : i32
        %add3A_2143 = arith.addi %add3A_2142, %add3A_455 : i32
        %swap3A_2144 = arith.index_cast %add3A_2143 : i32 to index
        %swap3A_2145 = tpu.vector_load %arg10[%swap3A_2144] {strides = array<i32>} : memref<16384xf32, #tpu.memory_space<vmem>>, vector<16xf32>,
        tpu.vector_store %arg10[%swap3A_2144], %mul3A_2141 {strides = array<i32>} : memref<16384xf32, #tpu.memory_space<vmem>>, vector<16xf32>,
        %mul3A_2146 = vector.broadcast %scan3A : f32 to vector<16xf32>
        %mul3A_2147 = arith.mulf %select_n3A_2070, %mul3A_2146 : vector<16xf32>
        %add3A_2148 = arith.constant 8832 : i32
        %add3A_2149 = arith.addi %add3A_2148, %add3A_455 : i32
        %swap3A_2150 = arith.index_cast %add3A_2149 : i32 to index
        %swap3A_2151 = tpu.vector_load %arg10[%swap3A_2150] {strides = array<i32>} : memref<16384xf32, #tpu.memory_space<vmem>>, vector<16xf32>,
        tpu.vector_store %arg10[%swap3A_2150], %mul3A_2147 {strides = array<i32>} : memref<16384xf32, #tpu.memory_space<vmem>>, vector<16xf32>,
        %mul3A_2152 = vector.broadcast %scan3A : f32 to vector<16xf32>
        %mul3A_2153 = arith.mulf %select_n3A_2092, %mul3A_2152 : vector<16xf32>
        %add3A_2154 = arith.constant 8960 : i32
        %add3A_2155 = arith.addi %add3A_2154, %add3A_455 : i32
        %swap3A_2156 = arith.index_cast %add3A_2155 : i32 to index
        %swap3A_2157 = tpu.vector_load %arg10[%swap3A_2156] {strides = array<i32>} : memref<16384xf32, #tpu.memory_space<vmem>>, vector<16xf32>,
        tpu.vector_store %arg10[%swap3A_2156], %mul3A_2153 {strides = array<i32>} : memref<16384xf32, #tpu.memory_space<vmem>>, vector<16xf32>,
        %mul3A_2158 = vector.broadcast %scan3A : f32 to vector<16xf32>
        %mul3A_2159 = arith.mulf %select_n3A_2114, %mul3A_2158 : vector<16xf32>
        %add3A_2160 = arith.constant 9088 : i32
        %add3A_2161 = arith.addi %add3A_2160, %add3A_455 : i32
        %swap3A_2162 = arith.index_cast %add3A_2161 : i32 to index
        %swap3A_2163 = tpu.vector_load %arg10[%swap3A_2162] {strides = array<i32>} : memref<16384xf32, #tpu.memory_space<vmem>>, vector<16xf32>,
        tpu.vector_store %arg10[%swap3A_2162], %mul3A_2159 {strides = array<i32>} : memref<16384xf32, #tpu.memory_space<vmem>>, vector<16xf32>,
        %mul3A_2164 = vector.broadcast %scan3A : f32 to vector<16xf32>
        %mul3A_2165 = arith.mulf %select_n3A_1961, %mul3A_2164 : vector<16xf32>
        %add3A_2166 = arith.constant 12288 : i32
        %add3A_2167 = arith.addi %add3A_2166, %add3A_455 : i32
        %swap3A_2168 = arith.index_cast %add3A_2167 : i32 to index
        %swap3A_2169 = tpu.vector_load %arg10[%swap3A_2168] {strides = array<i32>} : memref<16384xf32, #tpu.memory_space<vmem>>, vector<16xf32>,
        tpu.vector_store %arg10[%swap3A_2168], %mul3A_2165 {strides = array<i32>} : memref<16384xf32, #tpu.memory_space<vmem>>, vector<16xf32>,
        %mul3A_2170 = vector.broadcast %scan3A : f32 to vector<16xf32>
        %mul3A_2171 = arith.mulf %select_n3A_1983, %mul3A_2170 : vector<16xf32>
        %add3A_2172 = arith.constant 12416 : i32
        %add3A_2173 = arith.addi %add3A_2172, %add3A_455 : i32
        %swap3A_2174 = arith.index_cast %add3A_2173 : i32 to index
        %swap3A_2175 = tpu.vector_load %arg10[%swap3A_2174] {strides = array<i32>} : memref<16384xf32, #tpu.memory_space<vmem>>, vector<16xf32>,
        tpu.vector_store %arg10[%swap3A_2174], %mul3A_2171 {strides = array<i32>} : memref<16384xf32, #tpu.memory_space<vmem>>, vector<16xf32>,
        %mul3A_2176 = vector.broadcast %scan3A : f32 to vector<16xf32>
        %mul3A_2177 = arith.mulf %select_n3A_2005, %mul3A_2176 : vector<16xf32>
        %add3A_2178 = arith.constant 12544 : i32
        %add3A_2179 = arith.addi %add3A_2178, %add3A_455 : i32
        %swap3A_2180 = arith.index_cast %add3A_2179 : i32 to index
        %swap3A_2181 = tpu.vector_load %arg10[%swap3A_2180] {strides = array<i32>} : memref<16384xf32, #tpu.memory_space<vmem>>, vector<16xf32>,
        tpu.vector_store %arg10[%swap3A_2180], %mul3A_2177 {strides = array<i32>} : memref<16384xf32, #tpu.memory_space<vmem>>, vector<16xf32>,
        %mul3A_2182 = vector.broadcast %scan3A : f32 to vector<16xf32>
        %mul3A_2183 = arith.mulf %select_n3A_2027, %mul3A_2182 : vector<16xf32>
        %add3A_2184 = arith.constant 12672 : i32
        %add3A_2185 = arith.addi %add3A_2184, %add3A_455 : i32
        %swap3A_2186 = arith.index_cast %add3A_2185 : i32 to index
        %swap3A_2187 = tpu.vector_load %arg10[%swap3A_2186] {strides = array<i32>} : memref<16384xf32, #tpu.memory_space<vmem>>, vector<16xf32>,
        tpu.vector_store %arg10[%swap3A_2186], %mul3A_2183 {strides = array<i32>} : memref<16384xf32, #tpu.memory_space<vmem>>, vector<16xf32>,
        %mul3A_2188 = vector.broadcast %scan3A : f32 to vector<16xf32>
        %mul3A_2189 = arith.mulf %select_n3A_2049, %mul3A_2188 : vector<16xf32>
        %add3A_2190 = arith.constant 12800 : i32
        %add3A_2191 = arith.addi %add3A_2190, %add3A_455 : i32
        %swap3A_2192 = arith.index_cast %add3A_2191 : i32 to index
        %swap3A_2193 = tpu.vector_load %arg10[%swap3A_2192] {strides = array<i32>} : memref<16384xf32, #tpu.memory_space<vmem>>, vector<16xf32>,
        tpu.vector_store %arg10[%swap3A_2192], %mul3A_2189 {strides = array<i32>} : memref<16384xf32, #tpu.memory_space<vmem>>, vector<16xf32>,
        %mul3A_2194 = vector.broadcast %scan3A : f32 to vector<16xf32>
        %mul3A_2195 = arith.mulf %select_n3A_2071, %mul3A_2194 : vector<16xf32>
        %add3A_2196 = arith.constant 12928 : i32
        %add3A_2197 = arith.addi %add3A_2196, %add3A_455 : i32
        %swap3A_2198 = arith.index_cast %add3A_2197 : i32 to index
        %swap3A_2199 = tpu.vector_load %arg10[%swap3A_2198] {strides = array<i32>} : memref<16384xf32, #tpu.memory_space<vmem>>, vector<16xf32>,
        tpu.vector_store %arg10[%swap3A_2198], %mul3A_2195 {strides = array<i32>} : memref<16384xf32, #tpu.memory_space<vmem>>, vector<16xf32>,
        %mul3A_2200 = vector.broadcast %scan3A : f32 to vector<16xf32>
        %mul3A_2201 = arith.mulf %select_n3A_2093, %mul3A_2200 : vector<16xf32>
        %add3A_2202 = arith.constant 13056 : i32
        %add3A_2203 = arith.addi %add3A_2202, %add3A_455 : i32
        %swap3A_2204 = arith.index_cast %add3A_2203 : i32 to index
        %swap3A_2205 = tpu.vector_load %arg10[%swap3A_2204] {strides = array<i32>} : memref<16384xf32, #tpu.memory_space<vmem>>, vector<16xf32>,
        tpu.vector_store %arg10[%swap3A_2204], %mul3A_2201 {strides = array<i32>} : memref<16384xf32, #tpu.memory_space<vmem>>, vector<16xf32>,
        %mul3A_2206 = vector.broadcast %scan3A : f32 to vector<16xf32>
        %mul3A_2207 = arith.mulf %select_n3A_2115, %mul3A_2206 : vector<16xf32>
        %add3A_2208 = arith.constant 13184 : i32
        %add3A_2209 = arith.addi %add3A_2208, %add3A_455 : i32
        %swap3A_2210 = arith.index_cast %add3A_2209 : i32 to index
        %swap3A_2211 = tpu.vector_load %arg10[%swap3A_2210] {strides = array<i32>} : memref<16384xf32, #tpu.memory_space<vmem>>, vector<16xf32>,
        tpu.vector_store %arg10[%swap3A_2210], %mul3A_2207 {strides = array<i32>} : memref<16384xf32, #tpu.memory_space<vmem>>, vector<16xf32>,
        %scan3A_2212 = arith.constant 0 : i32
        scf.yield %scan3A_2212 : i32
      }
      %scan3A_356 = arith.constant 32 : i32
      %jit3A_357 = arith.constant 8 : i32
      %div3A_358 = arith.divsi %add3A_332, %jit3A_357 : i32
      %sign3A_359 = arith.constant 0 : i32
      %sign3A_360 = arith.cmpi sgt, %add3A_332, %sign3A_359 : i32
      %sign3A_361 = arith.extui %sign3A_360 : i1 to i32
      %sign3A_362 = arith.constant 0 : i32
      %sign3A_363 = arith.cmpi slt, %add3A_332, %sign3A_362 : i32
      %sign3A_364 = arith.extui %sign3A_363 : i1 to i32
      %sign3A_365 = arith.subi %sign3A_361, %sign3A_364 : i32
      %sign3A_366 = arith.constant 0 : i32
      %sign3A_367 = arith.cmpi sgt, %jit3A_357, %sign3A_366 : i32
      %sign3A_368 = arith.extui %sign3A_367 : i1 to i32
      %sign3A_369 = arith.constant 0 : i32
      %sign3A_370 = arith.cmpi slt, %jit3A_357, %sign3A_369 : i32
      %sign3A_371 = arith.extui %sign3A_370 : i1 to i32
      %sign3A_372 = arith.subi %sign3A_368, %sign3A_371 : i32
      %ne3A_373 = arith.cmpi ne, %sign3A_365, %sign3A_372 : i32
      %rem3A_374 = arith.remsi %add3A_332, %jit3A_357 : i32
      %ne3A_375 = arith.constant 0 : i32
      %ne3A_376 = arith.cmpi ne, %rem3A_374, %ne3A_375 : i32
      %and3A_377 = arith.andi %ne3A_373, %ne3A_376 : i1
      %sub3A_378 = arith.constant 1 : i32
      %sub3A_379 = arith.subi %div3A_358, %sub3A_378 : i32
      %select_n3A_380 = arith.select %and3A_377, %sub3A_379, %div3A_358 : i32
      %jit3A_381 = arith.constant 8 : i32
      %eq3A_382 = arith.constant 0 : i32
      %eq3A_383 = arith.cmpi eq, %jit3A_381, %eq3A_382 : i32
      %jit3A_384 = arith.constant 1 : i32
      %select_n3A_385 = arith.select %eq3A_383, %jit3A_384, %jit3A_381 : i32
      %rem3A_386 = arith.remsi %add3A_332, %select_n3A_385 : i32
      %ne3A_387 = arith.constant 0 : i32
      %ne3A_388 = arith.cmpi ne, %rem3A_386, %ne3A_387 : i32
      %lt3A_389 = arith.constant 0 : i32
      %lt3A_390 = arith.cmpi slt, %rem3A_386, %lt3A_389 : i32
      %lt3A_391 = arith.constant 0 : i32
      %lt3A_392 = arith.cmpi slt, %select_n3A_385, %lt3A_391 : i32
      %ne3A_393 = arith.xori %lt3A_390, %lt3A_392 : i1
      %and3A_394 = arith.andi %ne3A_393, %ne3A_388 : i1
      %add3A_395 = arith.addi %rem3A_386, %select_n3A_385 : i32
      %select_n3A_396 = arith.select %and3A_394, %add3A_395, %rem3A_386 : i32
      %mul3A_397 = arith.constant 128 : i32
      %mul3A_398 = arith.muli %select_n3A_380, %mul3A_397 : i32
      %mul3A_399 = arith.constant 4 : i32
      %mul3A_400 = arith.muli %select_n3A_396, %mul3A_399 : i32
      %add3A_401 = arith.addi %mul3A_398, %mul3A_400 : i32
      %mul3A_402 = arith.constant 1024 : i32
      %mul3A_403 = arith.muli %add3A_401, %mul3A_402 : i32
      %add3A_404 = arith.constant 0 : i32
      %add3A_405 = arith.addi %mul3A_403, %add3A_404 : i32
      %dma_start3A_406 = arith.constant 0 : i32
      %dma_start3A_407 = tpu.memref_slice %arg10[%dma_start3A_406] : memref<16384xf32, #tpu.memory_space<vmem>> -> memref<4096xf32, #tpu.memory_space<vmem>>
      %dma_start3A_408 = tpu.memref_slice %arg4[%add3A_405] : memref<26214400xf32, #tpu.memory_space<hbm>> -> memref<4096xf32, #tpu.memory_space<hbm>>
      %dma_start3A_409 = tpu.memref_slice %arg4[%add3A_405] : memref<26214400xf32, #tpu.memory_space<hbm>> -> memref<4096xf32, #tpu.memory_space<hbm>>
      %dma_start3A_410 = arith.constant 0 : i32
      %dma_start3A_411 = tpu.memref_slice %arg10[%dma_start3A_410] : memref<16384xf32, #tpu.memory_space<vmem>> -> memref<4096xf32, #tpu.memory_space<vmem>>
      tpu.enqueue_dma source(%dma_start3A_411 : memref<4096xf32, #tpu.memory_space<vmem>>) target(%dma_start3A_409 : memref<4096xf32, #tpu.memory_space<hbm>>) target_semaphore(%arg14 : memref<!tpu.dma_semaphore, #tpu.memory_space<semaphore_mem>>)
      %add3A_412 = arith.constant 32768 : i32
      %add3A_413 = arith.addi %mul3A_403, %add3A_412 : i32
      %dma_start3A_414 = arith.constant 4096 : i32
      %dma_start3A_415 = tpu.memref_slice %arg10[%dma_start3A_414] : memref<16384xf32, #tpu.memory_space<vmem>> -> memref<4096xf32, #tpu.memory_space<vmem>>
      %dma_start3A_416 = tpu.memref_slice %arg4[%add3A_413] : memref<26214400xf32, #tpu.memory_space<hbm>> -> memref<4096xf32, #tpu.memory_space<hbm>>
      %dma_start3A_417 = tpu.memref_slice %arg4[%add3A_413] : memref<26214400xf32, #tpu.memory_space<hbm>> -> memref<4096xf32, #tpu.memory_space<hbm>>
      %dma_start3A_418 = arith.constant 4096 : i32
      %dma_start3A_419 = tpu.memref_slice %arg10[%dma_start3A_418] : memref<16384xf32, #tpu.memory_space<vmem>> -> memref<4096xf32, #tpu.memory_space<vmem>>
      tpu.enqueue_dma source(%dma_start3A_419 : memref<4096xf32, #tpu.memory_space<vmem>>) target(%dma_start3A_417 : memref<4096xf32, #tpu.memory_space<hbm>>) target_semaphore(%arg14 : memref<!tpu.dma_semaphore, #tpu.memory_space<semaphore_mem>>)
      %add3A_420 = arith.constant 65536 : i32
      %add3A_421 = arith.addi %mul3A_403, %add3A_420 : i32
      %dma_start3A_422 = arith.constant 8192 : i32
      %dma_start3A_423 = tpu.memref_slice %arg10[%dma_start3A_422] : memref<16384xf32, #tpu.memory_space<vmem>> -> memref<4096xf32, #tpu.memory_space<vmem>>
      %dma_start3A_424 = tpu.memref_slice %arg4[%add3A_421] : memref<26214400xf32, #tpu.memory_space<hbm>> -> memref<4096xf32, #tpu.memory_space<hbm>>
      %dma_start3A_425 = tpu.memref_slice %arg4[%add3A_421] : memref<26214400xf32, #tpu.memory_space<hbm>> -> memref<4096xf32, #tpu.memory_space<hbm>>
      %dma_start3A_426 = arith.constant 8192 : i32
      %dma_start3A_427 = tpu.memref_slice %arg10[%dma_start3A_426] : memref<16384xf32, #tpu.memory_space<vmem>> -> memref<4096xf32, #tpu.memory_space<vmem>>
      tpu.enqueue_dma source(%dma_start3A_427 : memref<4096xf32, #tpu.memory_space<vmem>>) target(%dma_start3A_425 : memref<4096xf32, #tpu.memory_space<hbm>>) target_semaphore(%arg14 : memref<!tpu.dma_semaphore, #tpu.memory_space<semaphore_mem>>)
      %add3A_428 = arith.constant 98304 : i32
      %add3A_429 = arith.addi %mul3A_403, %add3A_428 : i32
      %dma_start3A_430 = arith.constant 12288 : i32
      %dma_start3A_431 = tpu.memref_slice %arg10[%dma_start3A_430] : memref<16384xf32, #tpu.memory_space<vmem>> -> memref<4096xf32, #tpu.memory_space<vmem>>
      %dma_start3A_432 = tpu.memref_slice %arg4[%add3A_429] : memref<26214400xf32, #tpu.memory_space<hbm>> -> memref<4096xf32, #tpu.memory_space<hbm>>
      %dma_start3A_433 = tpu.memref_slice %arg4[%add3A_429] : memref<26214400xf32, #tpu.memory_space<hbm>> -> memref<4096xf32, #tpu.memory_space<hbm>>
      %dma_start3A_434 = arith.constant 12288 : i32
      %dma_start3A_435 = tpu.memref_slice %arg10[%dma_start3A_434] : memref<16384xf32, #tpu.memory_space<vmem>> -> memref<4096xf32, #tpu.memory_space<vmem>>
      tpu.enqueue_dma source(%dma_start3A_435 : memref<4096xf32, #tpu.memory_space<vmem>>) target(%dma_start3A_433 : memref<4096xf32, #tpu.memory_space<hbm>>) target_semaphore(%arg14 : memref<!tpu.dma_semaphore, #tpu.memory_space<semaphore_mem>>)
      %lt3A_436 = arith.cmpi slt, %add3A_334, %add3A_336 : i32
      %convert_element_type3A_437 = arith.extui %lt3A_436 : i1 to i32
      %cond3A_438 = arith.constant 0 : i32
      %cond3A_439 = arith.cmpi ne, %convert_element_type3A_437, %cond3A_438 : i32
      scf.if %cond3A_439 {
        %mul3A_441 = arith.constant 512 : i32
        %mul3A_442 = arith.muli %add3A_334, %mul3A_441 : i32
        %dma_wait3A_443 = tpu.memref_slice %arg3[%mul3A_442] : memref<819200xi32, #tpu.memory_space<hbm>> -> memref<512xi32, #tpu.memory_space<hbm>>
        %dma_wait3A_444 = tpu.memref_slice %arg3[%mul3A_442] : memref<819200xi32, #tpu.memory_space<hbm>> -> memref<512xi32, #tpu.memory_space<hbm>>
        tpu.wait_dma2 semaphore(%arg16 : memref<!tpu.dma_semaphore, #tpu.memory_space<semaphore_mem>>) src(%dma_wait3A_444 : memref<512xi32, #tpu.memory_space<hbm>>) dst(%arg6 : memref<512xi32, #tpu.memory_space<vmem>>)
        %dma_start3A_445 = arith.constant 0 : i32
        %dma_start3A_446 = arith.constant 0 : i32
        %dma_start3A_447 = tpu.memref_slice %arg2[%dma_start3A_445, %dma_start3A_446] : memref<1000000x32xf32, #tpu.memory_space<hbm>> -> memref<1000000x32xf32, #tpu.memory_space<hbm>>
        tpu.enqueue_indirect_dma source(%dma_start3A_447 : memref<1000000x32xf32, #tpu.memory_space<hbm>>) target(%arg8 : memref<512x32xf32, #tpu.memory_space<vmem>>) offsets(%arg6 : memref<512xi32, #tpu.memory_space<vmem>>) semaphore(%arg12 : memref<!tpu.dma_semaphore, #tpu.memory_space<semaphore_mem>>)
      } else {
      }
      %scan3A_440 = arith.constant 0 : i32
      scf.yield %scan3A_440 : i32
    }
    %scan3A_55 = arith.constant 25 : i32
    %add3A_56 = arith.constant 50 : i32
    %add3A_57 = arith.addi %mul3A_2, %add3A_56 : i32
    %sub3A = arith.constant 2 : i32
    %sub3A_58 = arith.subi %add3A_57, %sub3A : i32
    %add3A_59 = arith.constant 0 : i32
    %add3A_60 = arith.addi %sub3A_58, %add3A_59 : i32
    %jit3A = arith.constant 8 : i32
    %div3A = arith.divsi %add3A_60, %jit3A : i32
    %sign3A = arith.constant 0 : i32
    %sign3A_61 = arith.cmpi sgt, %add3A_60, %sign3A : i32
    %sign3A_62 = arith.extui %sign3A_61 : i1 to i32
    %sign3A_63 = arith.constant 0 : i32
    %sign3A_64 = arith.cmpi slt, %add3A_60, %sign3A_63 : i32
    %sign3A_65 = arith.extui %sign3A_64 : i1 to i32
    %sign3A_66 = arith.subi %sign3A_62, %sign3A_65 : i32
    %sign3A_67 = arith.constant 0 : i32
    %sign3A_68 = arith.cmpi sgt, %jit3A, %sign3A_67 : i32
    %sign3A_69 = arith.extui %sign3A_68 : i1 to i32
    %sign3A_70 = arith.constant 0 : i32
    %sign3A_71 = arith.cmpi slt, %jit3A, %sign3A_70 : i32
    %sign3A_72 = arith.extui %sign3A_71 : i1 to i32
    %sign3A_73 = arith.subi %sign3A_69, %sign3A_72 : i32
    %ne3A = arith.cmpi ne, %sign3A_66, %sign3A_73 : i32
    %rem3A = arith.remsi %add3A_60, %jit3A : i32
    %ne3A_74 = arith.constant 0 : i32
    %ne3A_75 = arith.cmpi ne, %rem3A, %ne3A_74 : i32
    %and3A_76 = arith.andi %ne3A, %ne3A_75 : i1
    %sub3A_77 = arith.constant 1 : i32
    %sub3A_78 = arith.subi %div3A, %sub3A_77 : i32
    %select_n3A = arith.select %and3A_76, %sub3A_78, %div3A : i32
    %jit3A_79 = arith.constant 8 : i32
    %eq3A_80 = arith.constant 0 : i32
    %eq3A_81 = arith.cmpi eq, %jit3A_79, %eq3A_80 : i32
    %jit3A_82 = arith.constant 1 : i32
    %select_n3A_83 = arith.select %eq3A_81, %jit3A_82, %jit3A_79 : i32
    %rem3A_84 = arith.remsi %add3A_60, %select_n3A_83 : i32
    %ne3A_85 = arith.constant 0 : i32
    %ne3A_86 = arith.cmpi ne, %rem3A_84, %ne3A_85 : i32
    %lt3A = arith.constant 0 : i32
    %lt3A_87 = arith.cmpi slt, %rem3A_84, %lt3A : i32
    %lt3A_88 = arith.constant 0 : i32
    %lt3A_89 = arith.cmpi slt, %select_n3A_83, %lt3A_88 : i32
    %ne3A_90 = arith.xori %lt3A_87, %lt3A_89 : i1
    %and3A_91 = arith.andi %ne3A_90, %ne3A_86 : i1
    %add3A_92 = arith.addi %rem3A_84, %select_n3A_83 : i32
    %select_n3A_93 = arith.select %and3A_91, %add3A_92, %rem3A_84 : i32
    %mul3A_94 = arith.constant 128 : i32
    %mul3A_95 = arith.muli %select_n3A, %mul3A_94 : i32
    %mul3A_96 = arith.constant 4 : i32
    %mul3A_97 = arith.muli %select_n3A_93, %mul3A_96 : i32
    %add3A_98 = arith.addi %mul3A_95, %mul3A_97 : i32
    %mul3A_99 = arith.constant 1024 : i32
    %mul3A_100 = arith.muli %add3A_98, %mul3A_99 : i32
    %add3A_101 = arith.constant 0 : i32
    %add3A_102 = arith.addi %mul3A_100, %add3A_101 : i32
    %dma_wait3A = arith.constant 0 : i32
    %dma_wait3A_103 = tpu.memref_slice %arg9[%dma_wait3A] : memref<16384xf32, #tpu.memory_space<vmem>> -> memref<4096xf32, #tpu.memory_space<vmem>>
    %dma_wait3A_104 = tpu.memref_slice %arg4[%add3A_102] : memref<26214400xf32, #tpu.memory_space<hbm>> -> memref<4096xf32, #tpu.memory_space<hbm>>
    %dma_wait3A_105 = tpu.memref_slice %arg4[%add3A_102] : memref<26214400xf32, #tpu.memory_space<hbm>> -> memref<4096xf32, #tpu.memory_space<hbm>>
    %dma_wait3A_106 = arith.constant 0 : i32
    %dma_wait3A_107 = tpu.memref_slice %arg9[%dma_wait3A_106] : memref<16384xf32, #tpu.memory_space<vmem>> -> memref<4096xf32, #tpu.memory_space<vmem>>
    tpu.wait_dma2 semaphore(%arg13 : memref<!tpu.dma_semaphore, #tpu.memory_space<semaphore_mem>>) src(%dma_wait3A_107 : memref<4096xf32, #tpu.memory_space<vmem>>) dst(%dma_wait3A_105 : memref<4096xf32, #tpu.memory_space<hbm>>)
    %add3A_108 = arith.constant 32768 : i32
    %add3A_109 = arith.addi %mul3A_100, %add3A_108 : i32
    %dma_wait3A_110 = arith.constant 4096 : i32
    %dma_wait3A_111 = tpu.memref_slice %arg9[%dma_wait3A_110] : memref<16384xf32, #tpu.memory_space<vmem>> -> memref<4096xf32, #tpu.memory_space<vmem>>
    %dma_wait3A_112 = tpu.memref_slice %arg4[%add3A_109] : memref<26214400xf32, #tpu.memory_space<hbm>> -> memref<4096xf32, #tpu.memory_space<hbm>>
    %dma_wait3A_113 = tpu.memref_slice %arg4[%add3A_109] : memref<26214400xf32, #tpu.memory_space<hbm>> -> memref<4096xf32, #tpu.memory_space<hbm>>
    %dma_wait3A_114 = arith.constant 4096 : i32
    %dma_wait3A_115 = tpu.memref_slice %arg9[%dma_wait3A_114] : memref<16384xf32, #tpu.memory_space<vmem>> -> memref<4096xf32, #tpu.memory_space<vmem>>
    tpu.wait_dma2 semaphore(%arg13 : memref<!tpu.dma_semaphore, #tpu.memory_space<semaphore_mem>>) src(%dma_wait3A_115 : memref<4096xf32, #tpu.memory_space<vmem>>) dst(%dma_wait3A_113 : memref<4096xf32, #tpu.memory_space<hbm>>)
    %add3A_116 = arith.constant 65536 : i32
    %add3A_117 = arith.addi %mul3A_100, %add3A_116 : i32
    %dma_wait3A_118 = arith.constant 8192 : i32
    %dma_wait3A_119 = tpu.memref_slice %arg9[%dma_wait3A_118] : memref<16384xf32, #tpu.memory_space<vmem>> -> memref<4096xf32, #tpu.memory_space<vmem>>
    %dma_wait3A_120 = tpu.memref_slice %arg4[%add3A_117] : memref<26214400xf32, #tpu.memory_space<hbm>> -> memref<4096xf32, #tpu.memory_space<hbm>>
    %dma_wait3A_121 = tpu.memref_slice %arg4[%add3A_117] : memref<26214400xf32, #tpu.memory_space<hbm>> -> memref<4096xf32, #tpu.memory_space<hbm>>
    %dma_wait3A_122 = arith.constant 8192 : i32
    %dma_wait3A_123 = tpu.memref_slice %arg9[%dma_wait3A_122] : memref<16384xf32, #tpu.memory_space<vmem>> -> memref<4096xf32, #tpu.memory_space<vmem>>
    tpu.wait_dma2 semaphore(%arg13 : memref<!tpu.dma_semaphore, #tpu.memory_space<semaphore_mem>>) src(%dma_wait3A_123 : memref<4096xf32, #tpu.memory_space<vmem>>) dst(%dma_wait3A_121 : memref<4096xf32, #tpu.memory_space<hbm>>)
    %add3A_124 = arith.constant 98304 : i32
    %add3A_125 = arith.addi %mul3A_100, %add3A_124 : i32
    %dma_wait3A_126 = arith.constant 12288 : i32
    %dma_wait3A_127 = tpu.memref_slice %arg9[%dma_wait3A_126] : memref<16384xf32, #tpu.memory_space<vmem>> -> memref<4096xf32, #tpu.memory_space<vmem>>
    %dma_wait3A_128 = tpu.memref_slice %arg4[%add3A_125] : memref<26214400xf32, #tpu.memory_space<hbm>> -> memref<4096xf32, #tpu.memory_space<hbm>>
    %dma_wait3A_129 = tpu.memref_slice %arg4[%add3A_125] : memref<26214400xf32, #tpu.memory_space<hbm>> -> memref<4096xf32, #tpu.memory_space<hbm>>
    %dma_wait3A_130 = arith.constant 12288 : i32
    %dma_wait3A_131 = tpu.memref_slice %arg9[%dma_wait3A_130] : memref<16384xf32, #tpu.memory_space<vmem>> -> memref<4096xf32, #tpu.memory_space<vmem>>
    tpu.wait_dma2 semaphore(%arg13 : memref<!tpu.dma_semaphore, #tpu.memory_space<semaphore_mem>>) src(%dma_wait3A_131 : memref<4096xf32, #tpu.memory_space<vmem>>) dst(%dma_wait3A_129 : memref<4096xf32, #tpu.memory_space<hbm>>)
    %add3A_132 = arith.constant 50 : i32
    %add3A_133 = arith.addi %mul3A_2, %add3A_132 : i32
    %sub3A_134 = arith.constant 2 : i32
    %sub3A_135 = arith.subi %add3A_133, %sub3A_134 : i32
    %add3A_136 = arith.constant 1 : i32
    %add3A_137 = arith.addi %sub3A_135, %add3A_136 : i32
    %jit3A_138 = arith.constant 8 : i32
    %div3A_139 = arith.divsi %add3A_137, %jit3A_138 : i32
    %sign3A_140 = arith.constant 0 : i32
    %sign3A_141 = arith.cmpi sgt, %add3A_137, %sign3A_140 : i32
    %sign3A_142 = arith.extui %sign3A_141 : i1 to i32
    %sign3A_143 = arith.constant 0 : i32
    %sign3A_144 = arith.cmpi slt, %add3A_137, %sign3A_143 : i32
    %sign3A_145 = arith.extui %sign3A_144 : i1 to i32
    %sign3A_146 = arith.subi %sign3A_142, %sign3A_145 : i32
    %sign3A_147 = arith.constant 0 : i32
    %sign3A_148 = arith.cmpi sgt, %jit3A_138, %sign3A_147 : i32
    %sign3A_149 = arith.extui %sign3A_148 : i1 to i32
    %sign3A_150 = arith.constant 0 : i32
    %sign3A_151 = arith.cmpi slt, %jit3A_138, %sign3A_150 : i32
    %sign3A_152 = arith.extui %sign3A_151 : i1 to i32
    %sign3A_153 = arith.subi %sign3A_149, %sign3A_152 : i32
    %ne3A_154 = arith.cmpi ne, %sign3A_146, %sign3A_153 : i32
    %rem3A_155 = arith.remsi %add3A_137, %jit3A_138 : i32
    %ne3A_156 = arith.constant 0 : i32
    %ne3A_157 = arith.cmpi ne, %rem3A_155, %ne3A_156 : i32
    %and3A_158 = arith.andi %ne3A_154, %ne3A_157 : i1
    %sub3A_159 = arith.constant 1 : i32
    %sub3A_160 = arith.subi %div3A_139, %sub3A_159 : i32
    %select_n3A_161 = arith.select %and3A_158, %sub3A_160, %div3A_139 : i32
    %jit3A_162 = arith.constant 8 : i32
    %eq3A_163 = arith.constant 0 : i32
    %eq3A_164 = arith.cmpi eq, %jit3A_162, %eq3A_163 : i32
    %jit3A_165 = arith.constant 1 : i32
    %select_n3A_166 = arith.select %eq3A_164, %jit3A_165, %jit3A_162 : i32
    %rem3A_167 = arith.remsi %add3A_137, %select_n3A_166 : i32
    %ne3A_168 = arith.constant 0 : i32
    %ne3A_169 = arith.cmpi ne, %rem3A_167, %ne3A_168 : i32
    %lt3A_170 = arith.constant 0 : i32
    %lt3A_171 = arith.cmpi slt, %rem3A_167, %lt3A_170 : i32
    %lt3A_172 = arith.constant 0 : i32
    %lt3A_173 = arith.cmpi slt, %select_n3A_166, %lt3A_172 : i32
    %ne3A_174 = arith.xori %lt3A_171, %lt3A_173 : i1
    %and3A_175 = arith.andi %ne3A_174, %ne3A_169 : i1
    %add3A_176 = arith.addi %rem3A_167, %select_n3A_166 : i32
    %select_n3A_177 = arith.select %and3A_175, %add3A_176, %rem3A_167 : i32
    %mul3A_178 = arith.constant 128 : i32
    %mul3A_179 = arith.muli %select_n3A_161, %mul3A_178 : i32
    %mul3A_180 = arith.constant 4 : i32
    %mul3A_181 = arith.muli %select_n3A_177, %mul3A_180 : i32
    %add3A_182 = arith.addi %mul3A_179, %mul3A_181 : i32
    %mul3A_183 = arith.constant 1024 : i32
    %mul3A_184 = arith.muli %add3A_182, %mul3A_183 : i32
    %add3A_185 = arith.constant 0 : i32
    %add3A_186 = arith.addi %mul3A_184, %add3A_185 : i32
    %dma_wait3A_187 = arith.constant 0 : i32
    %dma_wait3A_188 = tpu.memref_slice %arg10[%dma_wait3A_187] : memref<16384xf32, #tpu.memory_space<vmem>> -> memref<4096xf32, #tpu.memory_space<vmem>>
    %dma_wait3A_189 = tpu.memref_slice %arg4[%add3A_186] : memref<26214400xf32, #tpu.memory_space<hbm>> -> memref<4096xf32, #tpu.memory_space<hbm>>
    %dma_wait3A_190 = tpu.memref_slice %arg4[%add3A_186] : memref<26214400xf32, #tpu.memory_space<hbm>> -> memref<4096xf32, #tpu.memory_space<hbm>>
    %dma_wait3A_191 = arith.constant 0 : i32
    %dma_wait3A_192 = tpu.memref_slice %arg10[%dma_wait3A_191] : memref<16384xf32, #tpu.memory_space<vmem>> -> memref<4096xf32, #tpu.memory_space<vmem>>
    tpu.wait_dma2 semaphore(%arg14 : memref<!tpu.dma_semaphore, #tpu.memory_space<semaphore_mem>>) src(%dma_wait3A_192 : memref<4096xf32, #tpu.memory_space<vmem>>) dst(%dma_wait3A_190 : memref<4096xf32, #tpu.memory_space<hbm>>)
    %add3A_193 = arith.constant 32768 : i32
    %add3A_194 = arith.addi %mul3A_184, %add3A_193 : i32
    %dma_wait3A_195 = arith.constant 4096 : i32
    %dma_wait3A_196 = tpu.memref_slice %arg10[%dma_wait3A_195] : memref<16384xf32, #tpu.memory_space<vmem>> -> memref<4096xf32, #tpu.memory_space<vmem>>
    %dma_wait3A_197 = tpu.memref_slice %arg4[%add3A_194] : memref<26214400xf32, #tpu.memory_space<hbm>> -> memref<4096xf32, #tpu.memory_space<hbm>>
    %dma_wait3A_198 = tpu.memref_slice %arg4[%add3A_194] : memref<26214400xf32, #tpu.memory_space<hbm>> -> memref<4096xf32, #tpu.memory_space<hbm>>
    %dma_wait3A_199 = arith.constant 4096 : i32
    %dma_wait3A_200 = tpu.memref_slice %arg10[%dma_wait3A_199] : memref<16384xf32, #tpu.memory_space<vmem>> -> memref<4096xf32, #tpu.memory_space<vmem>>
    tpu.wait_dma2 semaphore(%arg14 : memref<!tpu.dma_semaphore, #tpu.memory_space<semaphore_mem>>) src(%dma_wait3A_200 : memref<4096xf32, #tpu.memory_space<vmem>>) dst(%dma_wait3A_198 : memref<4096xf32, #tpu.memory_space<hbm>>)
    %add3A_201 = arith.constant 65536 : i32
    %add3A_202 = arith.addi %mul3A_184, %add3A_201 : i32
    %dma_wait3A_203 = arith.constant 8192 : i32
    %dma_wait3A_204 = tpu.memref_slice %arg10[%dma_wait3A_203] : memref<16384xf32, #tpu.memory_space<vmem>> -> memref<4096xf32, #tpu.memory_space<vmem>>
    %dma_wait3A_205 = tpu.memref_slice %arg4[%add3A_202] : memref<26214400xf32, #tpu.memory_space<hbm>> -> memref<4096xf32, #tpu.memory_space<hbm>>
    %dma_wait3A_206 = tpu.memref_slice %arg4[%add3A_202] : memref<26214400xf32, #tpu.memory_space<hbm>> -> memref<4096xf32, #tpu.memory_space<hbm>>
    %dma_wait3A_207 = arith.constant 8192 : i32
    %dma_wait3A_208 = tpu.memref_slice %arg10[%dma_wait3A_207] : memref<16384xf32, #tpu.memory_space<vmem>> -> memref<4096xf32, #tpu.memory_space<vmem>>
    tpu.wait_dma2 semaphore(%arg14 : memref<!tpu.dma_semaphore, #tpu.memory_space<semaphore_mem>>) src(%dma_wait3A_208 : memref<4096xf32, #tpu.memory_space<vmem>>) dst(%dma_wait3A_206 : memref<4096xf32, #tpu.memory_space<hbm>>)
    %add3A_209 = arith.constant 98304 : i32
    %add3A_210 = arith.addi %mul3A_184, %add3A_209 : i32
    %dma_wait3A_211 = arith.constant 12288 : i32
    %dma_wait3A_212 = tpu.memref_slice %arg10[%dma_wait3A_211] : memref<16384xf32, #tpu.memory_space<vmem>> -> memref<4096xf32, #tpu.memory_space<vmem>>
    %dma_wait3A_213 = tpu.memref_slice %arg4[%add3A_210] : memref<26214400xf32, #tpu.memory_space<hbm>> -> memref<4096xf32, #tpu.memory_space<hbm>>
    %dma_wait3A_214 = tpu.memref_slice %arg4[%add3A_210] : memref<26214400xf32, #tpu.memory_space<hbm>> -> memref<4096xf32, #tpu.memory_space<hbm>>
    %dma_wait3A_215 = arith.constant 12288 : i32
    %dma_wait3A_216 = tpu.memref_slice %arg10[%dma_wait3A_215] : memref<16384xf32, #tpu.memory_space<vmem>> -> memref<4096xf32, #tpu.memory_space<vmem>>
    tpu.wait_dma2 semaphore(%arg14 : memref<!tpu.dma_semaphore, #tpu.memory_space<semaphore_mem>>) src(%dma_wait3A_216 : memref<4096xf32, #tpu.memory_space<vmem>>) dst(%dma_wait3A_214 : memref<4096xf32, #tpu.memory_space<hbm>>)
    return
  }
}

</mosaic_0001>

<sc_bundles>
// kernel: kernel.3.cloned.1.call-start
scs
__scs_entry_jumppad:
0x0: {  	(pc) =	sbr.rel $0x88, $3  }
0x1: {  	(tag) =	ssettag $0x0;
	lr =	simm.s32 $0x1  }
0x2: {  	[smem:$0x3F9F] =	sst lr;
	_ =	strace $0xD0000000  }
0x3: {  	_ = 	snop  }
0x4: {  	_ = 	snop  }
0x5: {  	_ = 	snop  }
0x6: {  	_ = 	snop  }
0x7: {  	_ = 	snop  }
__scs_overlays_trampoline_lowered:
0x8: {  	[smem:$0x3FAE] =	sst s0  }
0x9: {  	[smem:$0x3FAF] =	sst s1  }
0xa: {  	[smem:$0x3FB0] =	sst s2  }
0xb: {  	[smem:$0x3FB1] =	sst s3  }
0xc: {  	[smem:$0x3FB2] =	sst s4  }
0xd: {  	[smem:$0x3FB3] =	sst s5  }
0xe: {  	[smem:$0x3FB4] =	sst s6  }
0xf: {  	[smem:$0x3FB5] =	sst s7  }
0x10: {  	[smem:$0x3FB6] =	sst s8  }
0x11: {  	[smem:$0x3FB7] =	sst s9;
	s0 =	simm.s32 @!p0 $0x0  }
0x12: {  	s1 =	sld [smem:$0x3F9D];
	s0 =	simm.s32 @p0 $0x1  }
0x13: {  	[smem:$0x3FB8] =	sst s0;
	s0 =	simm.s32 @!p1 $0x0  }
0x14: {  	s2 =	sld [smem:$0x3F9C];
	s0 =	simm.s32 @p1 $0x1  }
0x15: {  	[smem:$0x3FB9] =	sst s0;
	s0 =	simm.s32 @!p2 $0x0  }
0x16: {  	s3 =	sld [smem:$0x3FDB];
	s0 =	simm.s32 @p2 $0x1  }
0x17: {  	s4 =	simm.s32 $0x1BF5;
	[smem:$0x3FBB] =	sst s0  }
0x18: {  	s0 =	sld [smem:$0x3F9E];
	_ =	swait.ge [sflag:s4], $0x0  }
0x19: {  	s7 =	sld [smem:$0x3F9F]  }
0x1a: {  	s8 =	sadd.s32 $0xFFFFE003, lr  }
0x1b: {  	s9 =	sadd.s32 $0xFFFFFEF7, lr;
	s5 =	simm.s32 $0xFFFFFFFF;
	p2 =	slt.u32 s8, $0xFFFFF086  }
0x1c: {  	p1 =	slt.u32 s9, $0xF7A;
	s5 =	simm.s32 @!p2 $0x0  }
0x1d: {  	s5 =	simm.s32 @p1 $0x1;
	p0 =	seq.s32 s7, s2  }
0x1e: {  	s7 =	smul.u32 @!p0 $0xF7A, s2;
	p2 =	seq.s32 @!p0 s5, $0x0  }
0x1f: {  	s9 =	smul.u32 $0xF7A, s1;
	s8 =	simm.s32 @!p0 $0x1BF5;
	p2 =	por !p2, p0  }
0x20: {  	[sflag:s8] =	ssyncset.s32 @!p0 $0xFFFFF086;
	s6 =	sadd.s32 @!p0 s3, s7;
	s7 =	simm.s32 @!p0 $0x108  }
0x21: {  	s3 =	sadd.s32 s3, s9;
	s6 =	sadd.s32 @!p0 $0x88, s6;
	s7 =	simm.s32 @p2 $0x1082  }
0x22: {  	[simem:s7], [sflag:s8] =	dma.local @!p0 [hbm:s6], $0xF7A  }
0x23: {  	s9 =	sor.u32 $0xD0000000, s2;
	s6 =	simm.s32 $0x108;
	_ =	swait.ge @!p0 [sflag:s8], $0x0  }
0x24: {  	s3 =	sadd.s32 $0x88, s3;
	s6 =	simm.s32 @!p1 $0x1082;
	[sflag:s4] =	ssyncset.s32 $0xFFFFF086  }
0x25: {  	[simem:s6], [sflag:s4] =	dma.local [hbm:s3], $0xF7A  }
0x26: {  	[smem:$0x3F9F] =	sst s1;
	(tag) =	ssettag s2;
	_ =	strace s9  }
0x27: {  	s1 =	sld [smem:$0x3FAF]  }
0x28: {  	s2 =	sld [smem:$0x3FB0]  }
0x29: {  	s4 =	sld [smem:$0x3FB2]  }
0x2a: {  	p0 =	seq.s32 s5, $0x0;
	s5 =	sld [smem:$0x3FB3]  }
0x2b: {  	s6 =	sld [smem:$0x3FB4]  }
0x2c: {  	s7 =	sld [smem:$0x3FB5]  }
0x2d: {  	s3 =	simm.s32 $0x108;
	s8 =	sld [smem:$0x3FB6]  }
0x2e: {  	s3 =	simm.s32 @!p0 $0x1082;
	s9 =	sld [smem:$0x3FB7]  }
0x2f: {  	lr =	sadd.s32 s0, s3;
	s0 =	sld [smem:$0x3FAE]  }
0x30: {  	s3 =	sld [smem:$0x3FB1]  }
0x31: {  	[smem:$0x3FBA] =	sst s10  }
0x32: {  	s10 =	sld [smem:$0x3FB8];
	_ =	sdelay $0x3  }
0x33: {  	p0 =	seq.s32 s10, $0x1;
	s10 =	sld [smem:$0x3FBA];
	_ =	sdelay $0x3  }
0x34: {  	[smem:$0x3FBA] =	sst s10  }
0x35: {  	s10 =	sld [smem:$0x3FB9];
	_ =	sdelay $0x3  }
0x36: {  	p1 =	seq.s32 s10, $0x1;
	s10 =	sld [smem:$0x3FBA];
	_ =	sdelay $0x3  }
0x37: {  	[smem:$0x3FBA] =	sst s10  }
0x38: {  	s10 =	sld [smem:$0x3FBB]  }
0x39: {  	_ = 	snop;
	(pc) =	sbr.ind lr, $3  }
0x3a: {  	_ = 	snop  }
0x3b: {  	_ = 	snop  }
0x3c: {  	p2 =	seq.s32 s10, $0x1;
	s10 =	sld [smem:$0x3FBA]  }
0x3d: {  	_ =	shalt  }
0x3e: {  	_ =	shalt  }
0x3f: {  	_ =	shalt  }
0x40: {  	_ =	shalt  }
0x41: {  	_ =	shalt  }
0x42: {  	_ =	shalt  }
0x43: {  	_ =	shalt  }
0x44: {  	_ =	shalt  }
0x45: {  	_ =	shalt  }
0x46: {  	_ =	shalt  }
0x47: {  	_ =	shalt  }
0x48: {  	_ =	shalt  }
0x49: {  	_ =	shalt  }
0x4a: {  	_ =	shalt  }
0x4b: {  	_ =	shalt  }
0x4c: {  	_ =	shalt  }
0x4d: {  	_ =	shalt  }
0x4e: {  	_ =	shalt  }
0x4f: {  	_ =	shalt  }
0x50: {  	_ =	shalt  }
0x51: {  	_ =	shalt  }
0x52: {  	_ =	shalt  }
0x53: {  	_ =	shalt  }
0x54: {  	_ =	shalt  }
0x55: {  	_ =	shalt  }
0x56: {  	_ =	shalt  }
0x57: {  	_ =	shalt  }
0x58: {  	_ =	shalt  }
0x59: {  	_ =	shalt  }
0x5a: {  	_ =	shalt  }
0x5b: {  	_ =	shalt  }
0x5c: {  	_ =	shalt  }
0x5d: {  	_ =	shalt  }
0x5e: {  	_ =	shalt  }
0x5f: {  	_ =	shalt  }
0x60: {  	_ =	shalt  }
0x61: {  	_ =	shalt  }
0x62: {  	_ =	shalt  }
0x63: {  	_ =	shalt  }
0x64: {  	_ =	shalt  }
0x65: {  	_ =	shalt  }
0x66: {  	_ =	shalt  }
0x67: {  	_ =	shalt  }
0x68: {  	_ =	shalt  }
0x69: {  	_ =	shalt  }
0x6a: {  	_ =	shalt  }
0x6b: {  	_ =	shalt  }
0x6c: {  	_ =	shalt  }
0x6d: {  	_ =	shalt  }
0x6e: {  	_ =	shalt  }
0x6f: {  	_ =	shalt  }
0x70: {  	_ =	shalt  }
0x71: {  	_ =	shalt  }
0x72: {  	_ =	shalt  }
0x73: {  	_ =	shalt  }
0x74: {  	_ =	shalt  }
0x75: {  	_ =	shalt  }
0x76: {  	_ =	shalt  }
0x77: {  	_ =	shalt  }
0x78: {  	_ =	shalt  }
0x79: {  	_ =	shalt  }
0x7a: {  	_ =	shalt  }
0x7b: {  	_ =	shalt  }
0x7c: {  	_ =	shalt  }
0x7d: {  	_ =	shalt  }
0x7e: {  	_ =	shalt  }
0x7f: {  	_ =	shalt  }
0x80: {  	_ =	shalt  }
0x81: {  	_ =	shalt  }
0x82: {  	_ =	shalt  }
0x83: {  	_ =	shalt  }
0x84: {  	_ =	shalt  }
0x85: {  	_ =	shalt  }
0x86: {  	_ =	shalt  }
0x87: {  	_ =	shalt  }
.Lfunc_end0:
.L_simem_size_0:
called_computation_lowered:
.L_overlay_start_0:
0x88: {  	s2 =	sld [smem:$0x3FD9]  }
0x89: {  	s3 =	sld [smem:$0x3FFE];
	_ =	sdelay $0x1  }
0x8a: {  	s1 =	srdreg.scid  }
0x8b: {  	s0 =	sand.u32 $0x1, s1  }
0x8c: {  	s17 =	sshll.u32 s0, $0xA;
	s2 =	sadd.s32 s3, s2  }
0x8d: {  	s2 =	sadd.s32 s2, s17  }
0x8e: {  	[smem:$0x3FC6] =	sst s2  }
0x8f: {  	_ = 	snop  }
0x90: {  	s2 =	sld [smem:$0x3FD0];
	(tm) =	ssettm $0x1  }
0x91: {  	s18 =	sld [smem:$0x3FFB];
	_ =	sdelay $0x3  }
0x92: {  	_ =	strace s18  }
0x93: {  	s3 =	sld [smem:$0x3FFC];
	_ =	sdelay $0x3  }
0x94: {  	_ =	strace s3  }
0x95: {  	s3 =	sld [smem:$0x3FFD];
	_ =	sdelay $0x3  }
0x96: {  	_ =	strace s3  }
0x97: {  	_ =	strace $0x8FFFFFFF  }
0x98: {  	s19 =	sld [smem:$0x3FDB];
	_ =	sdelay $0x1  }
0x99: {  	s4 =	simm.s32 $_scs_section_size  }
0x9a: {  	s5 =	simm.s32 $_size__tile_overlayer_lowered;
	s6 =	simm.s32 $_tile_overlayer_lowered  }
0x9b: {  	s22 =	simm.s32 $0x1BFF;
	s21 =	sshll.u32 s6, $0x1;
	s3 =	sadd.s32 s4, s19  }
0x9c: {  	s7 =	simm.s32 $0x0;
	s20 =	sshll.u32 s5, $0x1;
	s5 =	sadd.s32 s21, s3  }
0x9d: {  	[timem:s7], [sflag:s22] =	dma.local [hbm:s5], s20  }
0x9e: {  	_ =	swait.ge [sflag:s22], s20  }
0x9f: {  	s4 =	ssub.s32 $0x0, s20;
	[sflag:s22] =	ssyncset.done $0x0  }
0xa0: {  	[sflag:s22] =	ssyncadd.s32 s4;
	_ =	sdelay $0x1  }
0xa1: {  	s23 =	simm.s32 $0x1B8B  }
0xa2: {  	_ =	swait.ge [sflag:s23], $0x1  }
0xa3: {  	[sflag:s23] =	ssyncset.done $0x0  }
0xa4: {  	s25 =	simm.s32 $0x1B8E;
	s24 =	sld [smem:$0x3FFE];
	[sflag:s23] =	ssyncadd.s32 $0xFFFFFFFF  }
0xa5: {  	s26 =	simm.s32 $execute0_lowered;
	[smem:$0x3FD2] =	sst s25  }
0xa6: {  	s5 =	sshll.u32 s26, $0x1;
	_ =	strace $0x80000046;
	[dreg:$0x1] =	wrdreg $0xFFFFFFFF  }
0xa7: {  	s28 =	simm.s32 $_size_execute0_lowered;
	s3 =	sadd.s32 s3, s5;
	[dreg:$0x0] =	wrdreg $0x0  }
0xa8: {  	s5 =	sshll.u32 s28, $0x1;
	[dreg:$0x2] =	wrdreg s3  }
0xa9: {  	[dreg:$0x3] =	wrdreg s5  }
0xaa: {  	[dreg:$0x4] =	wrdreg $0xC0  }
0xab: {  	_ =	task [dreg:s7], $0x5FFFF  }
0xac: {  	[dreg:$0x1] =	wrdreg $0xFFFFFFFF  }
0xad: {  	[dreg:$0x0] =	wrdreg $0x60  }
0xae: {  	[dreg:$0x2] =	wrdreg s24  }
0xaf: {  	[dreg:$0x3] =	wrdreg s2  }
0xb0: {  	[dreg:$0x4] =	wrdreg $0x9  }
0xb1: {  	_ =	task.clear_ibuf [dreg:s7], $0x5FFFF;
	_ =	strace $0x90000046  }
0xb2: {  	s29 =	simm.s32 $0x9;
	_ =	strace $0x80000048  }
0xb3: {  	_ =	swait.ge [sflag:s29], $0x1  }
0xb4: {  	[sflag:s29] =	ssyncadd.s32 $0xFFFFFFFF  }
0xb5: {  	_ =	strace $0x90000048  }
0xb6: {  	_ =	sfence  }
0xb7: {  	s30 =	sld [smem:$0x0];
	_ =	sdelay $0x2  }
0xb8: {  	s31 =	sshll.u32 s1, $0xD;
	s1 =	sshrl.u32 s1, $0x2  }
0xb9: {  	s3 =	sand.u32 $0x4000, s31;
	s1 =	sadd.s32 s1, s30  }
0xba: {  	s0 =	sor.u32 s3, s0;
	s1 =	sshll.u32 s1, $0x11  }
0xbb: {  	s0 =	sor.u32 s1, s0  }
0xbc: {  	s0 =	sadd.s32 $0x8F2B, s0  }
0xbd: {  	[sflag:s0] =	ssyncadd.remote.s32 $0x1  }
0xbe: {  	_ =	sfence.sel $0xFFFF  }
0xbf: {  	[dreg:$0x0] =	wrdreg $0xFFFFFFFF;
	(pc) =	sbr.abs _section_cstart, $3  }
0xc0: {  	[dreg:$0x1] =	wrdreg $0xFFFFFFFF  }
0xc1: {  	_ =	task.clear_ibuf [dreg:s7], $0x2FFFF;
	_ =	strace $0x9FFFFFFF  }
0xc2: {  	(tm) =	ssettm $0x7FFFFFFF  }
0xc3: {  	_ =	shalt  }
tec
execute0_lowered:
.L_overlay_start_1:
0x0: {  	(tag) =	ssettag $0x1  }
0x1: {  	v0 =	vimm.s32 $0xEFCDAB89  }
0x2: {  	vm0 =	vcmask $0xB08;
	vm1 =	vcmask $0x300;
	v1 =	vimm.s32 $0x67452301  }
0x3: {  	v2 =	vimm.s32 $0xDCFE98BA;
	v3 =	vimm.s32 $0x54761032;
	vm2 =	vcmask $0x700  }
0x4: {  	vm3 =	vcmask $0x3B38;
	v4 =	vimm.s32 $0xFEDCBA98;
	v5 =	vimm.s32 $0x76543210  }
0x5: {  	v0 =	vunpack.c.l.s4.s8 v0;
	vm0 =	vmor vm1, vm0;
	vm1 =	vcmask $0x1310  }
0x6: {  	s0 =	rddreg [dreg:$0x0];
	v1 =	vunpack.c.l.s4.s8 v1;
	v2 =	vunpack.c.l.s4.s8 v2;
	v3 =	vunpack.c.l.s4.s8 v3  }
0x7: {  	s1 =	rddreg [dreg:$0x1];
	s2 =	srdreg.scid;
	v4 =	vunpack.c.l.s4.s8 v4;
	vm0 =	vmor vm0, vm1;
	vm1 =	vcmask $0x1B18  }
0x8: {  	s4 =	stileid.u32;
	s3 =	simm.s32 $0x0;
	s14 =	simm.s32 $0x7;
	v0 =	vunpack.c.0.s8.s32 v0;
	vm0 =	vmor vm0, vm1;
	vm1 =	vcmask $0x2320  }
0x9: {  	s15 =	simm.s32 $0x200;
	s18 =	simm.s32 $0x1;
	s19 =	simm.s32 $0x8400;
	v1 =	vunpack.c.0.s8.s32 v1;
	vm0 =	vmor vm0, vm1;
	vm1 =	vcmask $0x2B28  }
0xa: {  	s20 =	simm.s32 $0x9400;
	s21 =	simm.s32 $0xA400;
	s22 =	simm.s32 $0xB400;
	v4 =	vunpack.c.0.s8.s32 v4;
	vm0 =	vmor vm0, vm1;
	vm1 =	vcmask $0x3330  }
0xb: {  	s23 =	simm.s32 $0x2;
	s24 =	simm.s32 $0xC400;
	s28 =	simm.s32 $0xF400;
	v0 =	vcombine.low v1, v0;
	v1 =	vunpack.c.0.s8.s32 v2;
	v2 =	vunpack.c.0.s8.s32 v3  }
0xc: {  	s29 =	simm.s32 $0x3;
	s30 =	simm.s32 $0x4;
	s31 =	simm.s32 $0x0;
	v3 =	vimm.s32 $0x32107654;
	vm0 =	vmor vm0, vm1;
	vm1 =	vcmask $0x1710  }
0xd: {  	s2 =	sand.u32 $0x1, s2;
	s4 =	sshll.u32 s4, $0x1;
	[smem:$0x7FF] =	sst s3;
	v3 =	vunpack.c.l.s4.s8 v3;
	v1 =	vcombine.low v2, v1;
	v2 =	vimm.s32 $0xBA98FEDC  }
0xe: {  	s6 =	sadd.s32 $0xF42A00, s0;
	s10 =	sadd.s32 $0x1000, s1;
	s5 =	sor.u32 s2, s4;
	vm1 =	vmor vm2, vm1;
	vm2 =	vcmask $0x2720;
	v2 =	vunpack.c.l.s4.s8 v2  }
0xf: {  	s11 =	sadd.s32 $0x2000, s1;
	v5 =	vunpack.c.l.s4.s8 v5;
	s2 =	ssub.s32 $0x2, s2;
	s7 =	smul.u32 $0xC80, s5;
	v4 =	vand.u32 $0xF, v4;
	vm1 =	vmor vm1, vm2  }
0x10: {  	s12 =	sadd.s32 $0x3000, s1;
	s4 =	sadd.s32 $0x600, s0;
	s25 =	sshrl.u32 s2, $0x1;
	vm2 =	vcmask $0x3730;
	v3 =	vunpack.c.0.s8.s32 v3;
	v2 =	vunpack.c.0.s8.s32 v2  }
0x11: {  	_ =	strace $0x80000047;
	s0 =	ssub.s32 s2, s25;
	s7 =	sadd.s32 s4, s7;
	vm0 =	vmor vm0, vm3;
	vm3 =	vcmask $0xF00;
	vm1 =	vmor vm1, vm2  }
0x12: {  	s5 =	smul.u32 $0x32, s5;
	s0 =	smax.u32 s0, $0x1;
	[dreg:$0x3] =	wrdreg s7;
	vm2 =	vcmask $0x2F20;
	v2 =	vcombine.low v3, v2;
	v3 =	vunpack.c.0.s8.s32 v5  }
0x13: {  	s25 =	simm.s32 $0xD400;
	s26 =	sadd.s32 $0x40, s7;
	[dreg:$0x5] =	wrdreg s0;
	v0 =	vand.u32 $0xF, v0;
	v1 =	vand.u32 $0xF, v1;
	vm2 =	vmor vm3, vm2  }
0x14: {  	s9 =	sadd.s32 $0x32, s5;
	[dreg:$0x4] =	wrdreg s26;
	s26 =	simm.s32 $0xE400;
	vm3 =	vmmov $0xff;
	v2 =	vand.u32 $0xF, v2;
	v3 =	vcombine.low v4, v3  }
.LBB2_1:
0x15: {  	s0 =	rddreg [dreg:$0x3]  }
0x16: {  	[tilespmem:s3], [sflag:$0x7] =	stream.linear.gather [hbm4b:s0+s3], $0x200, $0x38;
	[tilespmem:$0x10400] =	vst v63  }
0x17: {  	_ =	swait.ge [sflag:s14], $0x200  }
0x18: {  	[sflag:s14] =	ssyncset.done $0x0  }
0x19: {  	s13 =	simm.s32 $0x400;
	[sflag:s14] =	ssyncadd.s32 $0xFFFFFE00  }
0x1a: {  	[tilespmem:s13], [sflag:$0x1] =	stream.indirect.gather [hbm4b:s6+s15], $0x20, s3, s15, $0xb8;
	[tilespmem:$0x10400] =	vst v63  }
0x1b: {  	s16 =	rddreg [dreg:$0x4]  }
0x1c: {  	[tilespmem:s15], [sflag:$0x7] =	stream.linear.gather [hbm4b:s16+s3], $0x200, $0x38;
	[tilespmem:$0x10400] =	vst v63  }
0x1d: {  	_ =	swait.ge [sflag:s14], $0x200  }
0x1e: {  	[sflag:s14] =	ssyncset.done $0x0  }
0x1f: {  	s17 =	simm.s32 $0x4400;
	s0 =	simm.s32 $0x0;
	[sflag:s14] =	ssyncadd.s32 $0xFFFFFE00  }
0x20: {  	[tilespmem:s17], [sflag:$0x2] =	stream.indirect.gather [hbm4b:s6+s15], $0x20, s15, s15, $0xb8;
	[tilespmem:$0x10400] =	vst v63  }
.LBB2_2:
0x21: {  	s2 =	sshll.u32 s0, $0x1  }
0x22: {  	s2 =	sadd.s32 s5, s2  }
0x23: {  	s8 =	sadd.s32 $0x2, s2  }
0x24: {  	p1 =	sge.u32 s8, s9  }
0x25: {  	_ =	swait.ge [sflag:s18], $0x4000;
	s8 =	sshll.u32 @!p1 s8, $0x6  }
0x26: {  	p0 =	seq.s32 s0, $0x0;
	[sflag:s18] =	ssyncset.done $0x0;
	s8 =	sand.u32 @!p1 $0x1FFFFF80, s8  }
0x27: {  	[sflag:s18] =	ssyncadd.s32 $0xFFFFC000;
	s13 =	simm.s32 @!p1 $0x0;
	s8 =	sadd.s32 @!p1 s4, s8  }
0x28: {  	[tilespmem:s13], [sflag:$0x5] =	stream.linear.gather @!p1 [hbm4b:s8+s13], $0x200, $0x38;
	[tilespmem:$0x10400] =	vst v63  }
0x29: {  	s8 =	simm.s32 @!p0 $0x3  }
0x2a: {  	_ =	swait.ge @!p0 [sflag:s8], $0x1000  }
0x2b: {  	[sflag:s8] =	ssyncset.done @!p0 $0x0  }
0x2c: {  	[sflag:s8] =	ssyncadd.s32 @!p0 $0xFFFFF000  }
0x2d: {  	_ =	swait.ge @!p0 [sflag:s8], $0x1000  }
0x2e: {  	[sflag:s8] =	ssyncset.done @!p0 $0x0  }
0x2f: {  	[sflag:s8] =	ssyncadd.s32 @!p0 $0xFFFFF000  }
0x30: {  	_ =	swait.ge @!p0 [sflag:s8], $0x1000  }
0x31: {  	[sflag:s8] =	ssyncset.done @!p0 $0x0  }
0x32: {  	[sflag:s8] =	ssyncadd.s32 @!p0 $0xFFFFF000  }
0x33: {  	_ =	swait.ge @!p0 [sflag:s8], $0x1000  }
0x34: {  	[sflag:s8] =	ssyncset.done @!p0 $0x0  }
0x35: {  	s16 =	simm.s32 $0x0;
	s17 =	simm.s32 $0x0;
	[sflag:s8] =	ssyncadd.s32 @!p0 $0xFFFFF000  }
.LBB2_3:
0x36: {  	s8 =	sand.u32 $0x70, s16;
	s13 =	sshll.u32 s17, $0x9  }
0x37: {  	s13 =	sand.u32 $0x3FFFF000, s13;
	s7 =	sshll.u32 s8, $0x5  }
0x38: {  	s13 =	sor.u32 s7, s13  }
0x39: {  	v4 =	vld [tilespmem:s13+$0x400]  }
0x3a: {  	v5 =	vld [tilespmem:s13+$0x420]  }
0x3b: {  	v6 =	vld [tilespmem:s13+$0x440]  }
0x3c: {  	v7 =	vld [tilespmem:s13+$0x460]  }
0x3d: {  	v8 =	vld [tilespmem:s13+$0x480]  }
0x3e: {  	v9 =	vld [tilespmem:s13+$0x4A0]  }
0x3f: {  	v10 =	vld [tilespmem:s13+$0x4C0]  }
0x40: {  	v11 =	vld [tilespmem:s13+$0x4E0]  }
0x41: {  	v12 =	vld [tilespmem:s13+$0x500]  }
0x42: {  	v13 =	vld [tilespmem:s13+$0x520]  }
0x43: {  	v15 =	vld [tilespmem:s13+$0x540]  }
0x44: {  	v17 =	vld [tilespmem:s13+$0x560]  }
0x45: {  	v18 =	vld [tilespmem:s13+$0x5A0]  }
0x46: {  	v20 =	vld [tilespmem:s13+$0x580];
	v14 =	vperm.xlane v5, v0;
	v16 =	vperm.xlane v4, v0  }
0x47: {  	v22 =	vld [tilespmem:s13+$0x5E0];
	v51 =	vperm.xlane v7, v0;
	v52 =	vperm.xlane v6, v0  }
0x48: {  	v55 =	vld [tilespmem:s13+$0x5C0];
	v19 =	vperm.xlane v9, v0;
	v53 =	vperm.xlane v8, v0  }
0x49: {  	v21 =	vperm.xlane v11, v0;
	v54 =	vperm.xlane v10, v0  }
0x4a: {  	v56 =	vperm.xlane v13, v0;
	v57 =	vperm.xlane v12, v0  }
0x4b: {  	v58 =	vperm.xlane v17, v0;
	v59 =	vperm.xlane v15, v0  }
0x4c: {  	v23 =	vperm.xlane v18, v0;
	v60 =	vperm.xlane v20, v0  }
0x4d: {  	v62 =	vperm.xlane v22, v0;
	v63 =	vperm.xlane v55, v0  }
0x4e: {  	v4 =	vsel vm0, v4, v14;
	v5 =	vsel vm0, v16, v5;
	v6 =	vsel vm0, v6, v51  }
0x4f: {  	v7 =	vsel vm0, v52, v7;
	v8 =	vsel vm0, v8, v19;
	v9 =	vsel vm0, v53, v9  }
0x50: {  	v10 =	vsel vm0, v10, v21;
	v11 =	vsel vm0, v54, v11;
	v12 =	vsel vm0, v12, v56  }
0x51: {  	v13 =	vsel vm0, v57, v13;
	v24 =	vperm.xlane v6, v1;
	v25 =	vperm.xlane v4, v1  }
0x52: {  	v15 =	vsel vm0, v15, v58;
	v26 =	vperm.xlane v7, v1;
	v27 =	vperm.xlane v5, v1  }
0x53: {  	v14 =	vsel vm0, v59, v17;
	v28 =	vperm.xlane v10, v1;
	v29 =	vperm.xlane v8, v1  }
0x54: {  	v61 =	vsel vm0, v20, v23;
	v30 =	vperm.xlane v11, v1;
	v31 =	vperm.xlane v9, v1  }
0x55: {  	v16 =	vsel vm0, v60, v18;
	v32 =	vperm.xlane v15, v1;
	v33 =	vperm.xlane v12, v1  }
0x56: {  	v19 =	vsel vm0, v55, v62;
	v34 =	vperm.xlane v14, v1;
	v35 =	vperm.xlane v13, v1  }
0x57: {  	v18 =	vsel vm0, v63, v22;
	v36 =	vperm.xlane v19, v1;
	v37 =	vperm.xlane v61, v1  }
0x58: {  	v38 =	vperm.xlane v18, v1;
	v39 =	vperm.xlane v16, v1;
	v4 =	vsel vm1, v4, v24  }
0x59: {  	v6 =	vsel vm1, v25, v6;
	v5 =	vsel vm1, v5, v26;
	v7 =	vsel vm1, v27, v7  }
0x5a: {  	v8 =	vsel vm1, v8, v28;
	v10 =	vsel vm1, v29, v10;
	v9 =	vsel vm1, v9, v30  }
0x5b: {  	v11 =	vsel vm1, v31, v11;
	v12 =	vsel vm1, v12, v32;
	v40 =	vperm.xlane v8, v2  }
0x5c: {  	v15 =	vsel vm1, v33, v15;
	v41 =	vperm.xlane v4, v2;
	v42 =	vperm.xlane v9, v2  }
0x5d: {  	v13 =	vsel vm1, v13, v34;
	v43 =	vperm.xlane v5, v2;
	v44 =	vperm.xlane v10, v2  }
0x5e: {  	v17 =	vsel vm1, v61, v36;
	v45 =	vperm.xlane v6, v2;
	v46 =	vperm.xlane v11, v2  }
0x5f: {  	v16 =	vsel vm1, v16, v38;
	v47 =	vperm.xlane v7, v2;
	v48 =	vperm.xlane v17, v2  }
0x60: {  	v19 =	vsel vm1, v37, v19;
	v49 =	vperm.xlane v12, v2;
	v50 =	vperm.xlane v16, v2  }
0x61: {  	v18 =	vsel vm1, v39, v18;
	v51 =	vperm.xlane v13, v2;
	v52 =	vperm.xlane v19, v2  }
0x62: {  	v14 =	vsel vm1, v35, v14;
	v53 =	vperm.xlane v15, v2;
	v54 =	vperm.xlane v18, v2  }
0x63: {  	v55 =	vperm.xlane v14, v2;
	v4 =	vsel vm2, v4, v40;
	v8 =	vsel vm2, v41, v8  }
0x64: {  	v5 =	vsel vm2, v5, v42;
	v9 =	vsel vm2, v43, v9;
	v6 =	vsel vm2, v6, v44  }
0x65: {  	v10 =	vsel vm2, v45, v10;
	v7 =	vsel vm2, v7, v46;
	v11 =	vsel vm2, v47, v11  }
0x66: {  	v12 =	vsel vm2, v12, v48;
	v17 =	vsel vm2, v49, v17;
	v13 =	vsel vm2, v13, v50  }
0x67: {  	v16 =	vsel vm2, v51, v16;
	v15 =	vsel vm2, v15, v52;
	v56 =	vperm.xlane v12, v3  }
0x68: {  	v19 =	vsel vm2, v53, v19;
	v14 =	vsel vm2, v14, v54;
	v57 =	vperm.xlane v13, v3  }
0x69: {  	s7 =	sshll.u32 s17, $0x7;
	v18 =	vsel vm2, v55, v18;
	v59 =	vperm.xlane v15, v3;
	v58 =	vsel vm3, v4, v56  }
0x6a: {  	s7 =	sand.u32 $0x3FFFFC00, s7;
	v60 =	vperm.xlane v14, v3;
	v21 =	vsel vm3, v5, v57;
	v20 =	vmul.f32 $5.656854150e+00, v58  }
0x6b: {  	s8 =	sor.u32 s8, s7;
	v24 =	vperm.xlane v17, v3;
	v22 =	vsel vm3, v6, v59;
	v21 =	vmul.f32 $5.656854150e+00, v21  }
0x6c: {  	v23 =	vsel vm3, v7, v60;
	v4 =	vperm.xlane v4, v3;
	v22 =	vmul.f32 $5.656854150e+00, v22;
	[tilespmem:s8+$0x8400] =	vst v20  }
0x6d: {  	v24 =	vsel vm3, v8, v24;
	v5 =	vperm.xlane v5, v3;
	v23 =	vmul.f32 $5.656854150e+00, v23;
	[tilespmem:s8+$0x8480] =	vst v21  }
0x6e: {  	v61 =	vperm.xlane v16, v3;
	v24 =	vmul.f32 $5.656854150e+00, v24;
	v4 =	vsel vm3, v4, v12;
	[tilespmem:s8+$0x8500] =	vst v22  }
0x6f: {  	v62 =	vperm.xlane v19, v3;
	v5 =	vsel vm3, v5, v13;
	[tilespmem:s8+$0x8580] =	vst v23;
	v4 =	vmul.f32 $5.656854150e+00, v4  }
0x70: {  	v6 =	vperm.xlane v6, v3;
	v20 =	vsel vm3, v9, v61;
	[tilespmem:s8+$0x8600] =	vst v24;
	v5 =	vmul.f32 $5.656854150e+00, v5  }
0x71: {  	v7 =	vperm.xlane v7, v3;
	v21 =	vsel vm3, v10, v62;
	v20 =	vmul.f32 $5.656854150e+00, v20;
	[tilespmem:s8+$0x9400] =	vst v4  }
0x72: {  	v63 =	vperm.xlane v18, v3;
	v6 =	vsel vm3, v6, v15;
	v21 =	vmul.f32 $5.656854150e+00, v21;
	[tilespmem:s8+$0x9480] =	vst v5  }
0x73: {  	v8 =	vperm.xlane v8, v3;
	v7 =	vsel vm3, v7, v14;
	v4 =	vmul.f32 $5.656854150e+00, v6;
	[tilespmem:s8+$0x8680] =	vst v20  }
0x74: {  	v22 =	vsel vm3, v11, v63;
	v9 =	vperm.xlane v9, v3;
	v5 =	vmul.f32 $5.656854150e+00, v7;
	[tilespmem:s8+$0x8700] =	vst v21  }
0x75: {  	v20 =	vmul.f32 $5.656854150e+00, v22;
	v21 =	vsel vm3, v8, v17;
	v22 =	vperm.xlane v10, v3;
	[tilespmem:s8+$0x9500] =	vst v4  }
0x76: {  	v24 =	vperm.xlane v11, v3;
	v23 =	vsel vm3, v9, v16;
	v4 =	vmul.f32 $5.656854150e+00, v21;
	[tilespmem:s8+$0x9580] =	vst v5  }
0x77: {  	v5 =	vmul.f32 $5.656854150e+00, v23;
	[tilespmem:s8+$0x8780] =	vst v20;
	v25 =	vsel vm3, v22, v19  }
0x78: {  	v26 =	vsel vm3, v24, v18;
	[tilespmem:s8+$0x9600] =	vst v4;
	v4 =	vmul.f32 $5.656854150e+00, v25  }
0x79: {  	[tilespmem:s8+$0x9680] =	vst v5;
	v5 =	vmul.f32 $5.656854150e+00, v26  }
0x7a: {  	[tilespmem:s8+$0x9700] =	vst v4  }
0x7b: {  	[tilespmem:s8+$0x9780] =	vst v5  }
0x7c: {  	v4 =	vld [tilespmem:s13+$0x410]  }
0x7d: {  	v5 =	vld [tilespmem:s13+$0x430]  }
0x7e: {  	v27 =	vld [tilespmem:s13+$0x450]  }
0x7f: {  	v28 =	vld [tilespmem:s13+$0x470]  }
0x80: {  	v29 =	vld [tilespmem:s13+$0x490]  }
0x81: {  	v30 =	vld [tilespmem:s13+$0x4B0]  }
0x82: {  	v31 =	vld [tilespmem:s13+$0x4D0]  }
0x83: {  	v32 =	vld [tilespmem:s13+$0x4F0]  }
0x84: {  	v12 =	vld [tilespmem:s13+$0x510]  }
0x85: {  	v33 =	vld [tilespmem:s13+$0x530]  }
0x86: {  	v35 =	vld [tilespmem:s13+$0x550]  }
0x87: {  	v37 =	vld [tilespmem:s13+$0x570]  }
0x88: {  	v39 =	vld [tilespmem:s13+$0x5B0]  }
0x89: {  	v20 =	vld [tilespmem:s13+$0x590];
	v34 =	vperm.xlane v5, v0;
	v36 =	vperm.xlane v4, v0  }
0x8a: {  	v44 =	vld [tilespmem:s13+$0x5F0];
	v38 =	vperm.xlane v28, v0;
	v40 =	vperm.xlane v27, v0  }
0x8b: {  	v46 =	vld [tilespmem:s13+$0x5D0];
	v41 =	vperm.xlane v30, v0;
	v42 =	vperm.xlane v29, v0  }
0x8c: {  	v43 =	vperm.xlane v32, v0;
	v45 =	vperm.xlane v31, v0  }
0x8d: {  	v47 =	vperm.xlane v33, v0;
	v48 =	vperm.xlane v12, v0  }
0x8e: {  	v49 =	vperm.xlane v37, v0;
	v50 =	vperm.xlane v35, v0  }
0x8f: {  	v51 =	vperm.xlane v39, v0;
	v52 =	vperm.xlane v20, v0  }
0x90: {  	v54 =	vperm.xlane v44, v0;
	v55 =	vperm.xlane v46, v0  }
0x91: {  	v4 =	vsel vm0, v4, v34;
	v5 =	vsel vm0, v36, v5;
	v6 =	vsel vm0, v27, v38  }
0x92: {  	v7 =	vsel vm0, v40, v28;
	v8 =	vsel vm0, v29, v41;
	v9 =	vsel vm0, v42, v30  }
0x93: {  	v10 =	vsel vm0, v31, v43;
	v11 =	vsel vm0, v45, v32;
	v12 =	vsel vm0, v12, v47  }
0x94: {  	v13 =	vsel vm0, v48, v33;
	v56 =	vperm.xlane v6, v1;
	v57 =	vperm.xlane v4, v1  }
0x95: {  	v15 =	vsel vm0, v35, v49;
	v58 =	vperm.xlane v7, v1;
	v59 =	vperm.xlane v5, v1  }
0x96: {  	v14 =	vsel vm0, v50, v37;
	v60 =	vperm.xlane v10, v1;
	v61 =	vperm.xlane v8, v1  }
0x97: {  	v53 =	vsel vm0, v20, v51;
	v62 =	vperm.xlane v11, v1;
	v63 =	vperm.xlane v9, v1  }
0x98: {  	v16 =	vsel vm0, v52, v39;
	v24 =	vperm.xlane v15, v1;
	v25 =	vperm.xlane v12, v1  }
0x99: {  	v19 =	vsel vm0, v46, v54;
	v26 =	vperm.xlane v14, v1;
	v27 =	vperm.xlane v13, v1  }
0x9a: {  	v18 =	vsel vm0, v55, v44;
	v28 =	vperm.xlane v19, v1;
	v29 =	vperm.xlane v53, v1  }
0x9b: {  	v30 =	vperm.xlane v18, v1;
	v31 =	vperm.xlane v16, v1;
	v4 =	vsel vm1, v4, v56  }
0x9c: {  	v6 =	vsel vm1, v57, v6;
	v5 =	vsel vm1, v5, v58;
	v7 =	vsel vm1, v59, v7  }
0x9d: {  	v8 =	vsel vm1, v8, v60;
	v10 =	vsel vm1, v61, v10;
	v9 =	vsel vm1, v9, v62  }
0x9e: {  	v11 =	vsel vm1, v63, v11;
	v12 =	vsel vm1, v12, v24;
	v32 =	vperm.xlane v8, v2  }
0x9f: {  	v15 =	vsel vm1, v25, v15;
	v33 =	vperm.xlane v4, v2;
	v34 =	vperm.xlane v9, v2  }
0xa0: {  	v13 =	vsel vm1, v13, v26;
	v35 =	vperm.xlane v5, v2;
	v36 =	vperm.xlane v10, v2  }
0xa1: {  	v17 =	vsel vm1, v53, v28;
	v37 =	vperm.xlane v6, v2;
	v38 =	vperm.xlane v11, v2  }
0xa2: {  	v16 =	vsel vm1, v16, v30;
	v39 =	vperm.xlane v7, v2;
	v40 =	vperm.xlane v17, v2  }
0xa3: {  	v19 =	vsel vm1, v29, v19;
	v41 =	vperm.xlane v12, v2;
	v42 =	vperm.xlane v16, v2  }
0xa4: {  	v18 =	vsel vm1, v31, v18;
	v43 =	vperm.xlane v13, v2;
	v44 =	vperm.xlane v19, v2  }
0xa5: {  	v14 =	vsel vm1, v27, v14;
	v45 =	vperm.xlane v15, v2;
	v46 =	vperm.xlane v18, v2  }
0xa6: {  	v47 =	vperm.xlane v14, v2;
	v4 =	vsel vm2, v4, v32;
	v8 =	vsel vm2, v33, v8  }
0xa7: {  	v5 =	vsel vm2, v5, v34;
	v9 =	vsel vm2, v35, v9;
	v6 =	vsel vm2, v6, v36  }
0xa8: {  	v10 =	vsel vm2, v37, v10;
	v7 =	vsel vm2, v7, v38;
	v11 =	vsel vm2, v39, v11  }
0xa9: {  	v12 =	vsel vm2, v12, v40;
	v17 =	vsel vm2, v41, v17;
	v13 =	vsel vm2, v13, v42  }
0xaa: {  	v16 =	vsel vm2, v43, v16;
	v15 =	vsel vm2, v15, v44;
	v48 =	vperm.xlane v12, v3  }
0xab: {  	v19 =	vsel vm2, v45, v19;
	v14 =	vsel vm2, v14, v46;
	v49 =	vperm.xlane v13, v3  }
0xac: {  	v18 =	vsel vm2, v47, v18;
	v51 =	vperm.xlane v15, v3;
	v50 =	vsel vm3, v4, v48  }
0xad: {  	v52 =	vperm.xlane v14, v3;
	v21 =	vsel vm3, v5, v49;
	v20 =	vmul.f32 $5.656854150e+00, v50  }
0xae: {  	v53 =	vperm.xlane v17, v3;
	v22 =	vsel vm3, v6, v51;
	v21 =	vmul.f32 $5.656854150e+00, v21  }
0xaf: {  	v23 =	vsel vm3, v7, v52;
	v4 =	vperm.xlane v4, v3;
	v22 =	vmul.f32 $5.656854150e+00, v22;
	[tilespmem:s8+$0xA400] =	vst v20  }
0xb0: {  	v24 =	vsel vm3, v8, v53;
	v5 =	vperm.xlane v5, v3;
	v23 =	vmul.f32 $5.656854150e+00, v23;
	[tilespmem:s8+$0xA480] =	vst v21  }
0xb1: {  	v54 =	vperm.xlane v16, v3;
	v24 =	vmul.f32 $5.656854150e+00, v24;
	v4 =	vsel vm3, v4, v12;
	[tilespmem:s8+$0xA500] =	vst v22  }
0xb2: {  	v55 =	vperm.xlane v19, v3;
	v5 =	vsel vm3, v5, v13;
	[tilespmem:s8+$0xA580] =	vst v23;
	v4 =	vmul.f32 $5.656854150e+00, v4  }
0xb3: {  	v56 =	vperm.xlane v18, v3;
	v20 =	vsel vm3, v9, v54;
	[tilespmem:s8+$0xA600] =	vst v24;
	v5 =	vmul.f32 $5.656854150e+00, v5  }
0xb4: {  	v6 =	vperm.xlane v6, v3;
	v21 =	vsel vm3, v10, v55;
	v20 =	vmul.f32 $5.656854150e+00, v20;
	[tilespmem:s8+$0xB400] =	vst v4  }
0xb5: {  	v7 =	vperm.xlane v7, v3;
	v22 =	vsel vm3, v11, v56;
	v21 =	vmul.f32 $5.656854150e+00, v21;
	[tilespmem:s8+$0xB480] =	vst v5  }
0xb6: {  	v8 =	vperm.xlane v8, v3;
	v6 =	vsel vm3, v6, v15;
	v57 =	vmul.f32 $5.656854150e+00, v22;
	[tilespmem:s8+$0xA680] =	vst v20  }
0xb7: {  	v7 =	vsel vm3, v7, v14;
	v9 =	vperm.xlane v9, v3;
	v4 =	vmul.f32 $5.656854150e+00, v6;
	[tilespmem:s8+$0xA700] =	vst v21  }
0xb8: {  	v59 =	vperm.xlane v10, v3;
	v58 =	vsel vm3, v8, v17;
	v5 =	vmul.f32 $5.656854150e+00, v7;
	[tilespmem:s8+$0xA780] =	vst v57  }
0xb9: {  	p2 =	sne.s32 s17, $0x1F;
	v61 =	vperm.xlane v11, v3;
	v60 =	vsel vm3, v9, v16;
	[tilespmem:s8+$0xB500] =	vst v4;
	v4 =	vmul.f32 $5.656854150e+00, v58  }
.Ltmp0:
0xba: {  	v62 =	vsel vm3, v59, v19;
	[tilespmem:s8+$0xB580] =	vst v5;
	v5 =	vmul.f32 $5.656854150e+00, v60;
	(pc) =	sbr.rel @p2 .LBB2_3-.Ltmp0, $4  }
0xbb: {  	v63 =	vsel vm3, v61, v18;
	[tilespmem:s8+$0xB600] =	vst v4;
	v4 =	vmul.f32 $5.656854150e+00, v62  }
0xbc: {  	[tilespmem:s8+$0xB680] =	vst v5;
	v5 =	vmul.f32 $5.656854150e+00, v63  }
0xbd: {  	[tilespmem:s8+$0xB700] =	vst v4  }
0xbe: {  	s16 =	sadd.s32 $0x10, s16;
	s17 =	sadd.s32 $0x1, s17;
	[tilespmem:s8+$0xB780] =	vst v5  }
0xbf: {  	s7 =	sshll.u32 s2, $0xE;
	s8 =	sshll.u32 s2, $0xC  }
0xc0: {  	s7 =	sand.u32 $0x7FFE0000, s7;
	s8 =	sand.u32 $0x6000, s8  }
0xc1: {  	s7 =	sor.u32 s8, s7  }
0xc2: {  	s16 =	sshrl.u32 s7, $0x3  }
0xc3: {  	s7 =	sadd.s32 s1, s16  }
0xc4: {  	[hbm4b:s7+s3] =	stream.linear.scatter [tilespmem:s19], [sflag:$0x3], $0x1000, $0x38;
	[tilespmem:$0x10400] =	vst v63  }
0xc5: {  	s8 =	sadd.s32 s16, s10  }
0xc6: {  	[hbm4b:s8+s3] =	stream.linear.scatter [tilespmem:s20], [sflag:$0x3], $0x1000, $0x38;
	[tilespmem:$0x10400] =	vst v63  }
0xc7: {  	s13 =	sadd.s32 s16, s11  }
0xc8: {  	[hbm4b:s13+s3] =	stream.linear.scatter [tilespmem:s21], [sflag:$0x3], $0x1000, $0x38;
	[tilespmem:$0x10400] =	vst v63  }
0xc9: {  	s17 =	sadd.s32 s16, s12;
	s7 =	simm.s32 @!p1 $0x5  }
0xca: {  	[hbm4b:s17+s3] =	stream.linear.scatter [tilespmem:s22], [sflag:$0x3], $0x1000, $0x38;
	[tilespmem:$0x10400] =	vst v63  }
0xcb: {  	_ =	swait.ge @!p1 [sflag:s7], $0x200  }
0xcc: {  	s2 =	sadd.s32 $0x3, s2;
	s8 =	simm.s32 @!p1 $0x0;
	[sflag:s7] =	ssyncset.done @!p1 $0x0  }
0xcd: {  	s13 =	simm.s32 @!p1 $0x400;
	[sflag:s7] =	ssyncadd.s32 @!p1 $0xFFFFFE00;
	s7 =	simm.s32 @!p1 $0x200  }
0xce: {  	[tilespmem:s13], [sflag:$0x1] =	stream.indirect.gather @!p1 [hbm4b:s6+s7], $0x20, s8, s7, $0xb8;
	[tilespmem:$0x10400] =	vst v63  }
0xcf: {  	p1 =	sge.u32 s2, s9  }
0xd0: {  	_ =	swait.ge [sflag:s23], $0x4000;
	s2 =	sshll.u32 @!p1 s2, $0x6  }
0xd1: {  	s7 =	simm.s32 @!p1 $0x0;
	[sflag:s23] =	ssyncset.done $0x0;
	s2 =	sand.u32 @!p1 $0x1FFFFFC0, s2  }
0xd2: {  	s8 =	simm.s32 @!p1 $0x200;
	[sflag:s23] =	ssyncadd.s32 $0xFFFFC000;
	s2 =	sadd.s32 @!p1 s4, s2  }
0xd3: {  	[tilespmem:s8], [sflag:$0x6] =	stream.linear.gather @!p1 [hbm4b:s2+s7], $0x200, $0x38;
	[tilespmem:$0x10400] =	vst v63  }
0xd4: {  	s2 =	simm.s32 @!p0 $0x4  }
0xd5: {  	_ =	swait.ge @!p0 [sflag:s2], $0x1000  }
0xd6: {  	[sflag:s2] =	ssyncset.done @!p0 $0x0  }
0xd7: {  	[sflag:s2] =	ssyncadd.s32 @!p0 $0xFFFFF000  }
0xd8: {  	_ =	swait.ge @!p0 [sflag:s2], $0x1000  }
0xd9: {  	[sflag:s2] =	ssyncset.done @!p0 $0x0  }
0xda: {  	[sflag:s2] =	ssyncadd.s32 @!p0 $0xFFFFF000  }
0xdb: {  	_ =	swait.ge @!p0 [sflag:s2], $0x1000  }
0xdc: {  	[sflag:s2] =	ssyncset.done @!p0 $0x0  }
0xdd: {  	[sflag:s2] =	ssyncadd.s32 @!p0 $0xFFFFF000  }
0xde: {  	_ =	swait.ge @!p0 [sflag:s2], $0x1000  }
0xdf: {  	[sflag:s2] =	ssyncset.done @!p0 $0x0  }
0xe0: {  	s17 =	simm.s32 $0x0;
	[sflag:s2] =	ssyncadd.s32 @!p0 $0xFFFFF000;
	s2 =	simm.s32 $0x0  }
.LBB2_5:
0xe1: {  	s8 =	sand.u32 $0x70, s2;
	s7 =	sshll.u32 s17, $0x9  }
0xe2: {  	s7 =	sand.u32 $0x3FFFF000, s7;
	s13 =	sshll.u32 s8, $0x5  }
0xe3: {  	s13 =	sor.u32 s13, s7  }
0xe4: {  	v4 =	vld [tilespmem:s13+$0x4400]  }
0xe5: {  	v5 =	vld [tilespmem:s13+$0x4420]  }
0xe6: {  	v6 =	vld [tilespmem:s13+$0x4440]  }
0xe7: {  	v7 =	vld [tilespmem:s13+$0x4460]  }
0xe8: {  	v8 =	vld [tilespmem:s13+$0x4480]  }
0xe9: {  	v9 =	vld [tilespmem:s13+$0x44A0]  }
0xea: {  	v10 =	vld [tilespmem:s13+$0x44C0]  }
0xeb: {  	v11 =	vld [tilespmem:s13+$0x44E0]  }
0xec: {  	v12 =	vld [tilespmem:s13+$0x4500]  }
0xed: {  	v13 =	vld [tilespmem:s13+$0x4520]  }
0xee: {  	v15 =	vld [tilespmem:s13+$0x4540]  }
0xef: {  	v17 =	vld [tilespmem:s13+$0x4560]  }
0xf0: {  	v18 =	vld [tilespmem:s13+$0x45A0]  }
0xf1: {  	v20 =	vld [tilespmem:s13+$0x4580];
	v14 =	vperm.xlane v5, v0;
	v16 =	vperm.xlane v4, v0  }
0xf2: {  	v22 =	vld [tilespmem:s13+$0x45E0];
	v51 =	vperm.xlane v7, v0;
	v52 =	vperm.xlane v6, v0  }
0xf3: {  	v55 =	vld [tilespmem:s13+$0x45C0];
	v19 =	vperm.xlane v9, v0;
	v53 =	vperm.xlane v8, v0  }
0xf4: {  	v21 =	vperm.xlane v11, v0;
	v54 =	vperm.xlane v10, v0  }
0xf5: {  	v56 =	vperm.xlane v13, v0;
	v57 =	vperm.xlane v12, v0  }
0xf6: {  	v58 =	vperm.xlane v17, v0;
	v59 =	vperm.xlane v15, v0  }
0xf7: {  	v23 =	vperm.xlane v18, v0;
	v60 =	vperm.xlane v20, v0  }
0xf8: {  	v62 =	vperm.xlane v22, v0;
	v63 =	vperm.xlane v55, v0  }
0xf9: {  	v4 =	vsel vm0, v4, v14;
	v5 =	vsel vm0, v16, v5;
	v6 =	vsel vm0, v6, v51  }
0xfa: {  	v7 =	vsel vm0, v52, v7;
	v8 =	vsel vm0, v8, v19;
	v9 =	vsel vm0, v53, v9  }
0xfb: {  	v10 =	vsel vm0, v10, v21;
	v11 =	vsel vm0, v54, v11;
	v12 =	vsel vm0, v12, v56  }
0xfc: {  	v13 =	vsel vm0, v57, v13;
	v24 =	vperm.xlane v6, v1;
	v25 =	vperm.xlane v4, v1  }
0xfd: {  	v15 =	vsel vm0, v15, v58;
	v26 =	vperm.xlane v7, v1;
	v27 =	vperm.xlane v5, v1  }
0xfe: {  	v14 =	vsel vm0, v59, v17;
	v28 =	vperm.xlane v10, v1;
	v29 =	vperm.xlane v8, v1  }
0xff: {  	v61 =	vsel vm0, v20, v23;
	v30 =	vperm.xlane v11, v1;
	v31 =	vperm.xlane v9, v1  }
0x100: {  	v16 =	vsel vm0, v60, v18;
	v32 =	vperm.xlane v15, v1;
	v33 =	vperm.xlane v12, v1  }
0x101: {  	v19 =	vsel vm0, v55, v62;
	v34 =	vperm.xlane v14, v1;
	v35 =	vperm.xlane v13, v1  }
0x102: {  	v18 =	vsel vm0, v63, v22;
	v36 =	vperm.xlane v19, v1;
	v37 =	vperm.xlane v61, v1  }
0x103: {  	v38 =	vperm.xlane v18, v1;
	v39 =	vperm.xlane v16, v1;
	v4 =	vsel vm1, v4, v24  }
0x104: {  	v6 =	vsel vm1, v25, v6;
	v5 =	vsel vm1, v5, v26;
	v7 =	vsel vm1, v27, v7  }
0x105: {  	v8 =	vsel vm1, v8, v28;
	v10 =	vsel vm1, v29, v10;
	v9 =	vsel vm1, v9, v30  }
0x106: {  	v11 =	vsel vm1, v31, v11;
	v12 =	vsel vm1, v12, v32;
	v40 =	vperm.xlane v8, v2  }
0x107: {  	v15 =	vsel vm1, v33, v15;
	v41 =	vperm.xlane v4, v2;
	v42 =	vperm.xlane v9, v2  }
0x108: {  	v13 =	vsel vm1, v13, v34;
	v43 =	vperm.xlane v5, v2;
	v44 =	vperm.xlane v10, v2  }
0x109: {  	v17 =	vsel vm1, v61, v36;
	v45 =	vperm.xlane v6, v2;
	v46 =	vperm.xlane v11, v2  }
0x10a: {  	v16 =	vsel vm1, v16, v38;
	v47 =	vperm.xlane v7, v2;
	v48 =	vperm.xlane v17, v2  }
0x10b: {  	v19 =	vsel vm1, v37, v19;
	v49 =	vperm.xlane v12, v2;
	v50 =	vperm.xlane v16, v2  }
0x10c: {  	v18 =	vsel vm1, v39, v18;
	v51 =	vperm.xlane v13, v2;
	v52 =	vperm.xlane v19, v2  }
0x10d: {  	v14 =	vsel vm1, v35, v14;
	v53 =	vperm.xlane v15, v2;
	v54 =	vperm.xlane v18, v2  }
0x10e: {  	v55 =	vperm.xlane v14, v2;
	v4 =	vsel vm2, v4, v40;
	v8 =	vsel vm2, v41, v8  }
0x10f: {  	v5 =	vsel vm2, v5, v42;
	v9 =	vsel vm2, v43, v9;
	v6 =	vsel vm2, v6, v44  }
0x110: {  	v10 =	vsel vm2, v45, v10;
	v7 =	vsel vm2, v7, v46;
	v11 =	vsel vm2, v47, v11  }
0x111: {  	v12 =	vsel vm2, v12, v48;
	v17 =	vsel vm2, v49, v17;
	v13 =	vsel vm2, v13, v50  }
0x112: {  	v16 =	vsel vm2, v51, v16;
	v15 =	vsel vm2, v15, v52;
	v56 =	vperm.xlane v12, v3  }
0x113: {  	v19 =	vsel vm2, v53, v19;
	v14 =	vsel vm2, v14, v54;
	v57 =	vperm.xlane v13, v3  }
0x114: {  	s7 =	sshll.u32 s17, $0x7;
	v18 =	vsel vm2, v55, v18;
	v59 =	vperm.xlane v15, v3;
	v58 =	vsel vm3, v4, v56  }
0x115: {  	s7 =	sand.u32 $0x3FFFFC00, s7;
	v60 =	vperm.xlane v14, v3;
	v21 =	vsel vm3, v5, v57;
	v20 =	vmul.f32 $5.656854150e+00, v58  }
0x116: {  	s8 =	sor.u32 s8, s7;
	v24 =	vperm.xlane v17, v3;
	v22 =	vsel vm3, v6, v59;
	v21 =	vmul.f32 $5.656854150e+00, v21  }
0x117: {  	v23 =	vsel vm3, v7, v60;
	v4 =	vperm.xlane v4, v3;
	v22 =	vmul.f32 $5.656854150e+00, v22;
	[tilespmem:s8+$0xC400] =	vst v20  }
0x118: {  	v24 =	vsel vm3, v8, v24;
	v5 =	vperm.xlane v5, v3;
	v23 =	vmul.f32 $5.656854150e+00, v23;
	[tilespmem:s8+$0xC480] =	vst v21  }
0x119: {  	v61 =	vperm.xlane v16, v3;
	v24 =	vmul.f32 $5.656854150e+00, v24;
	v4 =	vsel vm3, v4, v12;
	[tilespmem:s8+$0xC500] =	vst v22  }
0x11a: {  	v62 =	vperm.xlane v19, v3;
	v5 =	vsel vm3, v5, v13;
	[tilespmem:s8+$0xC580] =	vst v23;
	v4 =	vmul.f32 $5.656854150e+00, v4  }
0x11b: {  	v6 =	vperm.xlane v6, v3;
	v20 =	vsel vm3, v9, v61;
	[tilespmem:s8+$0xC600] =	vst v24;
	v5 =	vmul.f32 $5.656854150e+00, v5  }
0x11c: {  	v7 =	vperm.xlane v7, v3;
	v21 =	vsel vm3, v10, v62;
	v20 =	vmul.f32 $5.656854150e+00, v20;
	[tilespmem:s8+$0xD400] =	vst v4  }
0x11d: {  	v63 =	vperm.xlane v18, v3;
	v6 =	vsel vm3, v6, v15;
	v21 =	vmul.f32 $5.656854150e+00, v21;
	[tilespmem:s8+$0xD480] =	vst v5  }
0x11e: {  	v8 =	vperm.xlane v8, v3;
	v7 =	vsel vm3, v7, v14;
	v4 =	vmul.f32 $5.656854150e+00, v6;
	[tilespmem:s8+$0xC680] =	vst v20  }
0x11f: {  	v22 =	vsel vm3, v11, v63;
	v9 =	vperm.xlane v9, v3;
	v5 =	vmul.f32 $5.656854150e+00, v7;
	[tilespmem:s8+$0xC700] =	vst v21  }
0x120: {  	v20 =	vmul.f32 $5.656854150e+00, v22;
	v21 =	vsel vm3, v8, v17;
	v22 =	vperm.xlane v10, v3;
	[tilespmem:s8+$0xD500] =	vst v4  }
0x121: {  	v24 =	vperm.xlane v11, v3;
	v23 =	vsel vm3, v9, v16;
	v4 =	vmul.f32 $5.656854150e+00, v21;
	[tilespmem:s8+$0xD580] =	vst v5  }
0x122: {  	v5 =	vmul.f32 $5.656854150e+00, v23;
	[tilespmem:s8+$0xC780] =	vst v20;
	v25 =	vsel vm3, v22, v19  }
0x123: {  	v26 =	vsel vm3, v24, v18;
	[tilespmem:s8+$0xD600] =	vst v4;
	v4 =	vmul.f32 $5.656854150e+00, v25  }
0x124: {  	[tilespmem:s8+$0xD680] =	vst v5;
	v5 =	vmul.f32 $5.656854150e+00, v26  }
0x125: {  	[tilespmem:s8+$0xD700] =	vst v4  }
0x126: {  	[tilespmem:s8+$0xD780] =	vst v5  }
0x127: {  	v4 =	vld [tilespmem:s13+$0x4410]  }
0x128: {  	v5 =	vld [tilespmem:s13+$0x4430]  }
0x129: {  	v27 =	vld [tilespmem:s13+$0x4450]  }
0x12a: {  	v28 =	vld [tilespmem:s13+$0x4470]  }
0x12b: {  	v29 =	vld [tilespmem:s13+$0x4490]  }
0x12c: {  	v30 =	vld [tilespmem:s13+$0x44B0]  }
0x12d: {  	v31 =	vld [tilespmem:s13+$0x44D0]  }
0x12e: {  	v32 =	vld [tilespmem:s13+$0x44F0]  }
0x12f: {  	v12 =	vld [tilespmem:s13+$0x4510]  }
0x130: {  	v33 =	vld [tilespmem:s13+$0x4530]  }
0x131: {  	v35 =	vld [tilespmem:s13+$0x4550]  }
0x132: {  	v37 =	vld [tilespmem:s13+$0x4570]  }
0x133: {  	v39 =	vld [tilespmem:s13+$0x45B0]  }
0x134: {  	v20 =	vld [tilespmem:s13+$0x4590];
	v34 =	vperm.xlane v5, v0;
	v36 =	vperm.xlane v4, v0  }
0x135: {  	v44 =	vld [tilespmem:s13+$0x45F0];
	v38 =	vperm.xlane v28, v0;
	v40 =	vperm.xlane v27, v0  }
0x136: {  	v46 =	vld [tilespmem:s13+$0x45D0];
	v41 =	vperm.xlane v30, v0;
	v42 =	vperm.xlane v29, v0  }
0x137: {  	v43 =	vperm.xlane v32, v0;
	v45 =	vperm.xlane v31, v0  }
0x138: {  	v47 =	vperm.xlane v33, v0;
	v48 =	vperm.xlane v12, v0  }
0x139: {  	v49 =	vperm.xlane v37, v0;
	v50 =	vperm.xlane v35, v0  }
0x13a: {  	v51 =	vperm.xlane v39, v0;
	v52 =	vperm.xlane v20, v0  }
0x13b: {  	v54 =	vperm.xlane v44, v0;
	v55 =	vperm.xlane v46, v0  }
0x13c: {  	v4 =	vsel vm0, v4, v34;
	v5 =	vsel vm0, v36, v5;
	v6 =	vsel vm0, v27, v38  }
0x13d: {  	v7 =	vsel vm0, v40, v28;
	v8 =	vsel vm0, v29, v41;
	v9 =	vsel vm0, v42, v30  }
0x13e: {  	v10 =	vsel vm0, v31, v43;
	v11 =	vsel vm0, v45, v32;
	v12 =	vsel vm0, v12, v47  }
0x13f: {  	v13 =	vsel vm0, v48, v33;
	v56 =	vperm.xlane v6, v1;
	v57 =	vperm.xlane v4, v1  }
0x140: {  	v15 =	vsel vm0, v35, v49;
	v58 =	vperm.xlane v7, v1;
	v59 =	vperm.xlane v5, v1  }
0x141: {  	v14 =	vsel vm0, v50, v37;
	v60 =	vperm.xlane v10, v1;
	v61 =	vperm.xlane v8, v1  }
0x142: {  	v53 =	vsel vm0, v20, v51;
	v62 =	vperm.xlane v11, v1;
	v63 =	vperm.xlane v9, v1  }
0x143: {  	v16 =	vsel vm0, v52, v39;
	v24 =	vperm.xlane v15, v1;
	v25 =	vperm.xlane v12, v1  }
0x144: {  	v19 =	vsel vm0, v46, v54;
	v26 =	vperm.xlane v14, v1;
	v27 =	vperm.xlane v13, v1  }
0x145: {  	v18 =	vsel vm0, v55, v44;
	v28 =	vperm.xlane v19, v1;
	v29 =	vperm.xlane v53, v1  }
0x146: {  	v30 =	vperm.xlane v18, v1;
	v31 =	vperm.xlane v16, v1;
	v4 =	vsel vm1, v4, v56  }
0x147: {  	v6 =	vsel vm1, v57, v6;
	v5 =	vsel vm1, v5, v58;
	v7 =	vsel vm1, v59, v7  }
0x148: {  	v8 =	vsel vm1, v8, v60;
	v10 =	vsel vm1, v61, v10;
	v9 =	vsel vm1, v9, v62  }
0x149: {  	v11 =	vsel vm1, v63, v11;
	v12 =	vsel vm1, v12, v24;
	v32 =	vperm.xlane v8, v2  }
0x14a: {  	v15 =	vsel vm1, v25, v15;
	v33 =	vperm.xlane v4, v2;
	v34 =	vperm.xlane v9, v2  }
0x14b: {  	v13 =	vsel vm1, v13, v26;
	v35 =	vperm.xlane v5, v2;
	v36 =	vperm.xlane v10, v2  }
0x14c: {  	v17 =	vsel vm1, v53, v28;
	v37 =	vperm.xlane v6, v2;
	v38 =	vperm.xlane v11, v2  }
0x14d: {  	v16 =	vsel vm1, v16, v30;
	v39 =	vperm.xlane v7, v2;
	v40 =	vperm.xlane v17, v2  }
0x14e: {  	v19 =	vsel vm1, v29, v19;
	v41 =	vperm.xlane v12, v2;
	v42 =	vperm.xlane v16, v2  }
0x14f: {  	v18 =	vsel vm1, v31, v18;
	v43 =	vperm.xlane v13, v2;
	v44 =	vperm.xlane v19, v2  }
0x150: {  	v14 =	vsel vm1, v27, v14;
	v45 =	vperm.xlane v15, v2;
	v46 =	vperm.xlane v18, v2  }
0x151: {  	v47 =	vperm.xlane v14, v2;
	v4 =	vsel vm2, v4, v32;
	v8 =	vsel vm2, v33, v8  }
0x152: {  	v5 =	vsel vm2, v5, v34;
	v9 =	vsel vm2, v35, v9;
	v6 =	vsel vm2, v6, v36  }
0x153: {  	v10 =	vsel vm2, v37, v10;
	v7 =	vsel vm2, v7, v38;
	v11 =	vsel vm2, v39, v11  }
0x154: {  	v12 =	vsel vm2, v12, v40;
	v17 =	vsel vm2, v41, v17;
	v13 =	vsel vm2, v13, v42  }
0x155: {  	v16 =	vsel vm2, v43, v16;
	v15 =	vsel vm2, v15, v44;
	v48 =	vperm.xlane v12, v3  }
0x156: {  	v19 =	vsel vm2, v45, v19;
	v14 =	vsel vm2, v14, v46;
	v49 =	vperm.xlane v13, v3  }
0x157: {  	v18 =	vsel vm2, v47, v18;
	v51 =	vperm.xlane v15, v3;
	v50 =	vsel vm3, v4, v48  }
0x158: {  	v52 =	vperm.xlane v14, v3;
	v21 =	vsel vm3, v5, v49;
	v20 =	vmul.f32 $5.656854150e+00, v50  }
0x159: {  	v53 =	vperm.xlane v17, v3;
	v22 =	vsel vm3, v6, v51;
	v21 =	vmul.f32 $5.656854150e+00, v21  }
0x15a: {  	v23 =	vsel vm3, v7, v52;
	v4 =	vperm.xlane v4, v3;
	v22 =	vmul.f32 $5.656854150e+00, v22;
	[tilespmem:s8+$0xE400] =	vst v20  }
0x15b: {  	v24 =	vsel vm3, v8, v53;
	v5 =	vperm.xlane v5, v3;
	v23 =	vmul.f32 $5.656854150e+00, v23;
	[tilespmem:s8+$0xE480] =	vst v21  }
0x15c: {  	v54 =	vperm.xlane v16, v3;
	v24 =	vmul.f32 $5.656854150e+00, v24;
	v4 =	vsel vm3, v4, v12;
	[tilespmem:s8+$0xE500] =	vst v22  }
0x15d: {  	v55 =	vperm.xlane v19, v3;
	v5 =	vsel vm3, v5, v13;
	[tilespmem:s8+$0xE580] =	vst v23;
	v4 =	vmul.f32 $5.656854150e+00, v4  }
0x15e: {  	v56 =	vperm.xlane v18, v3;
	v20 =	vsel vm3, v9, v54;
	[tilespmem:s8+$0xE600] =	vst v24;
	v5 =	vmul.f32 $5.656854150e+00, v5  }
0x15f: {  	v6 =	vperm.xlane v6, v3;
	v21 =	vsel vm3, v10, v55;
	v20 =	vmul.f32 $5.656854150e+00, v20;
	[tilespmem:s8+$0xF400] =	vst v4  }
0x160: {  	v7 =	vperm.xlane v7, v3;
	v22 =	vsel vm3, v11, v56;
	v21 =	vmul.f32 $5.656854150e+00, v21;
	[tilespmem:s8+$0xF480] =	vst v5  }
0x161: {  	v8 =	vperm.xlane v8, v3;
	v6 =	vsel vm3, v6, v15;
	v57 =	vmul.f32 $5.656854150e+00, v22;
	[tilespmem:s8+$0xE680] =	vst v20  }
0x162: {  	v7 =	vsel vm3, v7, v14;
	v9 =	vperm.xlane v9, v3;
	v4 =	vmul.f32 $5.656854150e+00, v6;
	[tilespmem:s8+$0xE700] =	vst v21  }
0x163: {  	v59 =	vperm.xlane v10, v3;
	v58 =	vsel vm3, v8, v17;
	v5 =	vmul.f32 $5.656854150e+00, v7;
	[tilespmem:s8+$0xE780] =	vst v57  }
0x164: {  	p0 =	sne.s32 s17, $0x1F;
	v61 =	vperm.xlane v11, v3;
	v60 =	vsel vm3, v9, v16;
	[tilespmem:s8+$0xF500] =	vst v4;
	v4 =	vmul.f32 $5.656854150e+00, v58  }
.Ltmp1:
0x165: {  	v62 =	vsel vm3, v59, v19;
	[tilespmem:s8+$0xF580] =	vst v5;
	v5 =	vmul.f32 $5.656854150e+00, v60;
	(pc) =	sbr.rel @p0 .LBB2_5-.Ltmp1, $4  }
0x166: {  	v63 =	vsel vm3, v61, v18;
	[tilespmem:s8+$0xF600] =	vst v4;
	v4 =	vmul.f32 $5.656854150e+00, v62  }
0x167: {  	[tilespmem:s8+$0xF680] =	vst v5;
	v5 =	vmul.f32 $5.656854150e+00, v63  }
0x168: {  	[tilespmem:s8+$0xF700] =	vst v4  }
0x169: {  	s2 =	sadd.s32 $0x10, s2;
	s17 =	sadd.s32 $0x1, s17;
	[tilespmem:s8+$0xF780] =	vst v5  }
0x16a: {  	s2 =	sor.u32 $0x200, s16  }
0x16b: {  	s7 =	sadd.s32 s1, s2  }
0x16c: {  	[hbm4b:s7+s3] =	stream.linear.scatter [tilespmem:s24], [sflag:$0x4], $0x1000, $0x38;
	[tilespmem:$0x10400] =	vst v63  }
0x16d: {  	s16 =	sadd.s32 s2, s10  }
0x16e: {  	[hbm4b:s16+s3] =	stream.linear.scatter [tilespmem:s25], [sflag:$0x4], $0x1000, $0x38;
	[tilespmem:$0x10400] =	vst v63  }
0x16f: {  	s0 =	sadd.s32 $0x1, s0;
	s17 =	sadd.s32 s2, s11  }
0x170: {  	[hbm4b:s17+s3] =	stream.linear.scatter [tilespmem:s26], [sflag:$0x4], $0x1000, $0x38;
	[tilespmem:$0x10400] =	vst v63  }
0x171: {  	s2 =	sadd.s32 s2, s12;
	p0 =	sne.s32 s0, $0x19  }
0x172: {  	[hbm4b:s2+s3] =	stream.linear.scatter [tilespmem:s28], [sflag:$0x4], $0x1000, $0x38;
	[tilespmem:$0x10400] =	vst v63  }
.Ltmp2:
0x173: {  	s2 =	simm.s32 @!p1 $0x6;
	(pc) =	sbr.rel @p0 .LBB2_2-.Ltmp2, $4  }
0x174: {  	_ =	swait.ge @!p1 [sflag:s2], $0x200  }
0x175: {  	[sflag:s2] =	ssyncset.done @!p1 $0x0  }
0x176: {  	s7 =	simm.s32 @!p1 $0x4400;
	[sflag:s2] =	ssyncadd.s32 @!p1 $0xFFFFFE00;
	s2 =	simm.s32 @!p1 $0x200  }
0x177: {  	[tilespmem:s7], [sflag:$0x2] =	stream.indirect.gather @!p1 [hbm4b:s6+s2], $0x20, s2, s2, $0xb8;
	[tilespmem:$0x10400] =	vst v63  }
0x178: {  	_ =	swait.ge [sflag:s29], $0x1000  }
0x179: {  	[sflag:s29] =	ssyncset.done $0x0  }
0x17a: {  	[sflag:s29] =	ssyncadd.s32 $0xFFFFF000  }
0x17b: {  	_ =	swait.ge [sflag:s29], $0x1000  }
0x17c: {  	[sflag:s29] =	ssyncset.done $0x0  }
0x17d: {  	[sflag:s29] =	ssyncadd.s32 $0xFFFFF000  }
0x17e: {  	_ =	swait.ge [sflag:s29], $0x1000  }
0x17f: {  	[sflag:s29] =	ssyncset.done $0x0  }
0x180: {  	[sflag:s29] =	ssyncadd.s32 $0xFFFFF000  }
0x181: {  	_ =	swait.ge [sflag:s29], $0x1000  }
0x182: {  	[sflag:s29] =	ssyncset.done $0x0  }
0x183: {  	[sflag:s29] =	ssyncadd.s32 $0xFFFFF000  }
0x184: {  	_ =	swait.ge [sflag:s30], $0x1000  }
0x185: {  	[sflag:s30] =	ssyncset.done $0x0  }
0x186: {  	[sflag:s30] =	ssyncadd.s32 $0xFFFFF000  }
0x187: {  	_ =	swait.ge [sflag:s30], $0x1000  }
0x188: {  	[sflag:s30] =	ssyncset.done $0x0  }
0x189: {  	[sflag:s30] =	ssyncadd.s32 $0xFFFFF000  }
0x18a: {  	_ =	swait.ge [sflag:s30], $0x1000  }
0x18b: {  	[sflag:s30] =	ssyncset.done $0x0  }
0x18c: {  	[sflag:s30] =	ssyncadd.s32 $0xFFFFF000  }
0x18d: {  	_ =	swait.ge [sflag:s30], $0x1000  }
0x18e: {  	s31 =	sadd.s32 $0x1, s31;
	s0 =	rddreg [dreg:$0x5]  }
0x18f: {  	p0 =	sne.s32 s31, s0  }
.Ltmp3:
0x190: {  	_ = 	snop;
	(pc) =	sbr.rel @p0 .LBB2_1-.Ltmp3, $3  }
0x191: {  	_ =	sdelay $0x1  }
0x192: {  	[sflag:s30] =	ssyncset.done $0x0  }
0x193: {  	[sflag:s30] =	ssyncadd.s32 $0xFFFFF000  }
0x194: {  	_ =	sfence.sel $0x180000  }
0x195: {  	[bflag:$0x0] =	sbarrier.arrive $0xFFFF  }
0x196: {  	_ =	strace $0x90000047  }
0x197: {  	s0 =	stileid.u32;
	[bflag:$0x2] =	sbarrier.arrive $0xFFFF  }
0x198: {  	p0 =	sne.s32 s0, $0x0;
	s0 =	rddreg [dreg:$0x2]  }
0x199: {  	s0 =	sadd.s32 @!p0 $0x100000, s0  }
0x19a: {  	[sflag:s0] =	ssyncadd.tile.s32 @!p0 $0x1;
	_ =	shalt  }
.Lfunc_end2:
_tile_overlayer_lowered:
.L_overlay_start_2:
0x19b: {  	(tag) =	ssettag $0x2  }
0x19c: {  	s0 =	rddreg [dreg:$0x0];
	s2 =	stileid.u32  }
0x19d: {  	s1 =	rddreg [dreg:$0x1];
	p0 =	sne.s32 s2, $0x0  }
0x19e: {  	s3 =	rddreg [dreg:$0x2];
	[bflag:$0x3] =	sbarrier.arrive $0xFFFF;
	s2 =	simm.s32 @!p0 $0x1C07  }
0x19f: {  	[timem:s3], [sflag:s2] =	dma.local @!p0 [hbm:s0], s1  }
0x1a0: {  	s0 =	simm.s32 @!p0 $0x7  }
0x1a1: {  	_ =	swait.ge @!p0 [sflag:s0], s1  }
0x1a2: {  	s1 =	ssub.s32 @!p0 $0x0, s1;
	[sflag:s0] =	ssyncset.done @!p0 $0x0  }
0x1a3: {  	[sflag:s0] =	ssyncadd.s32 @!p0 s1  }
0x1a4: {  	[bflag:$0x3] =	sbarrier.arrive $0xFFFF  }
0x1a5: {  	_ =	shalt  }

</sc_bundles>
